<compile_context>
chip_gen: v7x
topology: tpu7x:2x2x1
jax: 0.10.2.dev20260603
libtpu: 0.0.44.dev20260713+nightly
codegen_flags: <defaults>
</compile_context>

<pallas_src>
import functools

import jax
import jax.numpy as jnp
import numpy as np
from jax import lax
from jax.experimental import pallas as pl
from jax.experimental.pallas import tpu as pltpu
from jax.experimental.pallas import tpu_sc as plsc

_B, _N, _G = 8, 20000, 64
_POS_THR, _NEG_THR = 0.5, 0.1
_SAMPLES = 512
_POS_QUOTA = 128
_L1W = 1.0

_BLK = 2048
_NP = 20480


def _iou_body(pr_ref, gt_ref, mx_ref, am_ref):
    pr = pr_ref[0]
    gt = gt_ref[0]
    px1 = pr[0:1, :]
    py1 = pr[1:2, :]
    px2 = pr[2:3, :]
    py2 = pr[3:4, :]
    gx1 = gt[:, 0:1]
    gy1 = gt[:, 1:2]
    gx2 = gt[:, 2:3]
    gy2 = gt[:, 3:4]
    x1 = jnp.maximum(px1, gx1)
    y1 = jnp.maximum(py1, gy1)
    x2 = jnp.minimum(px2, gx2)
    y2 = jnp.minimum(py2, gy2)
    inter = jnp.maximum(x2 - x1, 0.0) * jnp.maximum(y2 - y1, 0.0)
    ap = (px2 - px1) * (py2 - py1)
    ag = (gx2 - gx1) * (gy2 - gy1)
    union = ap + ag - inter
    iou = inter / jnp.maximum(union, 1e-8)
    mx = jnp.max(iou, axis=0, keepdims=True)
    gidx = lax.broadcasted_iota(jnp.int32, (_G, 1), 0)
    am = jnp.min(jnp.where(iou == mx, gidx, _G), axis=0, keepdims=True)
    mx_ref[...] = mx[None]
    am_ref[...] = am[None]


def _max_argmax(proposals, gt_boxes):
    pr_t = jnp.transpose(proposals, (0, 2, 1))
    pr_t = jnp.pad(pr_t, ((0, 0), (0, 0), (0, _NP - _N)))
    grid = (_B, _NP // _BLK)
    mx, am = pl.pallas_call(
        _iou_body,
        grid=grid,
        in_specs=[
            pl.BlockSpec((1, 4, _BLK), lambda b, n: (b, 0, n)),
            pl.BlockSpec((1, _G, 4), lambda b, n: (b, 0, 0)),
        ],
        out_specs=[
            pl.BlockSpec((1, 1, _BLK), lambda b, n: (b * (_NP // _BLK) + n, 0, 0)),
            pl.BlockSpec((1, 1, _BLK), lambda b, n: (b * (_NP // _BLK) + n, 0, 0)),
        ],
        out_shape=[
            jax.ShapeDtypeStruct((_B * (_NP // _BLK), 1, _BLK), jnp.float32),
            jax.ShapeDtypeStruct((_B * (_NP // _BLK), 1, _BLK), jnp.int32),
        ],
    )(pr_t, gt_boxes)
    mx = mx.reshape(_B, _NP)
    am = am.reshape(_B, _NP)
    return mx[:, :_N], am[:, :_N]


def _centrehw(b):
    w = b[..., 2] - b[..., 0]
    h = b[..., 3] - b[..., 1]
    return jnp.stack([b[..., 0] + 0.5 * w, b[..., 1] + 0.5 * h, w, h], axis=-1)


_NV = _NP // 16
_PCAP = 2048
_NCAP = 3072
_ZCAP = 544
_NBINS = 512
_FILLW = 1280


def _splat(x):
    return jnp.broadcast_to(x, (16,))


def _prefix16(x_i32, lane, hs_v):
    y = x_i32
    for k in (1, 2, 4, 8):
        hs_v[pl.ds(0, 16)] = y
        g = plsc.load_gather(hs_v, [jnp.maximum(lane - k, 0)])
        y = y + g * (lane >= k).astype(jnp.int32)
    return y


def _sc_body(iou_hbm, keep_hbm, npos_hbm,
             iou_v, pv_v, pi_v, zb_v, nv_v, ni_v,
             hist_v, keep_v, flags_v, fill_v, hs_v, rk_v, npos_v):
    wid = lax.axis_index("s") * 2 + lax.axis_index("c")

    @pl.when(wid < _B)
    def _():
        b = wid
        pltpu.sync_copy(iou_hbm.at[pl.ds(b * _NP, _NP)], iou_v)

        lane = lax.iota(jnp.int32, 16)
        zero16i = jnp.zeros((16,), jnp.int32)
        one16i = jnp.full((16,), 1, jnp.int32)
        lane512 = lane * 512
        pcap16 = jnp.full((16,), _PCAP, jnp.int32)
        zcap16 = jnp.full((16,), _ZCAP, jnp.int32)
        ncap16 = jnp.full((16,), _NCAP, jnp.int32)

        def _init(i, _):
            hist_v[pl.ds(i * 16, 16)] = zero16i
            return 0
        lax.fori_loop(0, _NBINS * 16 // 16, _init, 0)

        def _initf(i, _):
            flags_v[pl.ds(i * 16, 16)] = zero16i
            return 0
        lax.fori_loop(0, _FILLW // 16, _initf, 0)

        sent_p = jnp.full((16,), -1.0, jnp.float32)
        def _initp(i, _):
            pv_v[pl.ds(i * 16, 16)] = sent_p
            return 0
        lax.fori_loop(0, _PCAP // 16, _initp, 0)

        sent_n = jnp.full((16,), 1e9, jnp.float32)
        def _initn(i, _):
            nv_v[pl.ds(i * 16, 16)] = sent_n
            return 0
        lax.fori_loop(0, _NCAP // 16, _initn, 0)

        def _scan1(i, carry):
            poff, zoff = carry
            v = iou_v[pl.ds(i * 16, 16)]
            idxv = lane + i * 16
            pos = v >= _POS_THR
            neg = v < _NEG_THR
            zero = v == 0.0
            negnz = neg & jnp.logical_not(zero)
            pc = _prefix16(pos.astype(jnp.int32), lane, hs_v)
            pslot = (_splat(poff) - 1) + pc
            plsc.store_scatter(pv_v, [pslot], v, mask=pos & (pslot < pcap16))
            plsc.store_scatter(pi_v, [pslot], idxv,
                               mask=pos & (pslot < pcap16))
            zc = _prefix16(zero.astype(jnp.int32), lane, hs_v)
            zslot = (_splat(zoff) - 1) + zc
            plsc.store_scatter(zb_v, [zslot], idxv,
                               mask=zero & (zslot < zcap16))
            binv = jnp.minimum((v * 5120.0).astype(jnp.int32), 511)
            plsc.addupdate_scatter(hist_v, [lane512 + binv], one16i,
                                   mask=negnz)
            return poff + jnp.max(pc), zoff + jnp.max(zc)

        cnt_pos, cnt_zero = lax.fori_loop(
            0, _NV, _scan1, (jnp.int32(0), jnp.int32(0)))

        hs_v[pl.ds(0, 16)] = zero16i

        def _htot(i, _):
            s = hs_v[pl.ds(0, 16)]
            for l in range(16):
                s = s + hist_v[pl.ds(l * 512 + i * 16, 16)]
            hs_v[pl.ds(0, 16)] = s
            return 0
        lax.fori_loop(0, _NBINS // 16, _htot, 0)
        cnt_nz = jnp.sum(hs_v[pl.ds(0, 16)])

        cnt_neg = cnt_zero + cnt_nz
        n_pos = jnp.minimum(cnt_pos, _POS_QUOTA)
        t_neg = jnp.minimum(cnt_neg, _SAMPLES - n_pos)
        zt = jnp.minimum(t_neg, cnt_zero)
        t2 = t_neg - zt

        npos16 = _splat(n_pos)

        @pl.when(t2 > 0)
        def _():
            t2v = _splat(t2)

            def _hscan(i, carry):
                base, c_s = carry
                s = zero16i
                for l in range(16):
                    s = s + hist_v[pl.ds(l * 512 + i * 16, 16)]
                cum = _prefix16(s, lane, hs_v) + _splat(base)
                hit = cum >= t2v
                nh = jnp.max(plsc.all_reduce_population_count(hit))
                c_here = i * 16 + (16 - nh)
                first = (c_s < 0) & (nh > 0)
                c_new = jnp.where(first, c_here, c_s)
                return jnp.max(cum), c_new

            _, c_s = lax.fori_loop(
                0, _NBINS // 16, _hscan, (jnp.int32(0), jnp.int32(-1)))
            cutoff = _splat(c_s)

            def _scan2(i, noff):
                v = iou_v[pl.ds(i * 16, 16)]
                idxv = lane + i * 16
                neg = v < _NEG_THR
                zero = v == 0.0
                negnz = neg & jnp.logical_not(zero)
                binv = jnp.minimum((v * 5120.0).astype(jnp.int32), 511)
                cand = negnz & (binv <= cutoff)
                cc = _prefix16(cand.astype(jnp.int32), lane, hs_v)
                cslot = (_splat(noff) - 1) + cc
                plsc.store_scatter(nv_v, [cslot], v,
                                   mask=cand & (cslot < ncap16))
                plsc.store_scatter(ni_v, [cslot], idxv,
                                   mask=cand & (cslot < ncap16))
                return noff + jnp.max(cc)
            noff = lax.fori_loop(0, _NV, _scan2, jnp.int32(0))

            nn_c = jnp.minimum(noff, _NCAP)
            nvecs = lax.shift_right_logical(nn_c + 15, 4)
            zt16 = _splat(zt)
            t216 = _splat(t2)
            nn16 = _splat(nn_c)

            def _rank_n(i, _):
                vi = nv_v[pl.ds(i * 16, 16)]
                xi = ni_v[pl.ds(i * 16, 16)]
                rk_v[pl.ds(0, 16)] = zero16i
                def _inner(j, _):
                    rank = rk_v[pl.ds(0, 16)]
                    for r in range(16):
                        rot = (lane + r) & 15
                        vr = plsc.load_gather(nv_v, [j * 16 + rot])
                        xr = plsc.load_gather(ni_v, [j * 16 + rot])
                        less = (vr < vi) | ((vr == vi) & (xr < xi))
                        rank = rank + less.astype(jnp.int32)
                    rk_v[pl.ds(0, 16)] = rank
                    return 0
                lax.fori_loop(0, nvecs, _inner, 0)
                rank = rk_v[pl.ds(0, 16)]
                sel = ((lane + i * 16) < nn16) & (rank < t216)
                plsc.store_scatter(keep_v, [npos16 + zt16 + rank], xi,
                                   mask=sel)
                return 0
            lax.fori_loop(0, nvecs, _rank_n, 0)

        np_c = jnp.minimum(cnt_pos, _PCAP)
        pvecs = lax.shift_right_logical(np_c + 15, 4)
        npc16 = _splat(np_c)

        def _rank_p(i, _):
            vi = pv_v[pl.ds(i * 16, 16)]
            xi = pi_v[pl.ds(i * 16, 16)]
            rk_v[pl.ds(0, 16)] = zero16i
            def _inner(j, _):
                rank = rk_v[pl.ds(0, 16)]
                for r in range(16):
                    rot = (lane + r) & 15
                    vr = plsc.load_gather(pv_v, [j * 16 + rot])
                    xr = plsc.load_gather(pi_v, [j * 16 + rot])
                    before = (vr > vi) | ((vr == vi) & (xr < xi))
                    rank = rank + before.astype(jnp.int32)
                rk_v[pl.ds(0, 16)] = rank
                return 0
            lax.fori_loop(0, pvecs, _inner, 0)
            rank = rk_v[pl.ds(0, 16)]
            sel = ((lane + i * 16) < npc16) & (rank < npos16)
            plsc.store_scatter(keep_v, [rank], xi, mask=sel)
            plsc.store_scatter(flags_v, [jnp.minimum(xi, _FILLW - 1)],
                               one16i, mask=sel & (xi < _FILLW))
            return 0
        lax.fori_loop(0, pvecs, _rank_p, 0)

        zt16b = _splat(zt)
        zvecs = lax.shift_right_logical(zt + 15, 4)

        def _zcopy(i, _):
            zi = zb_v[pl.ds(i * 16, 16)]
            k = lane + i * 16
            plsc.store_scatter(keep_v, [npos16 + k], zi, mask=k < zt16b)
            return 0
        lax.fori_loop(0, zvecs, _zcopy, 0)

        n_fill = _SAMPLES - n_pos - t_neg

        @pl.when(n_fill > 0)
        def _():
            def _fcompact(i, foff):
                v = iou_v[pl.ds(i * 16, 16)]
                idxv = lane + i * 16
                neg = v < _NEG_THR
                flg = flags_v[pl.ds(i * 16, 16)]
                unsel = jnp.logical_not(neg) & (flg == 0)
                fc = _prefix16(unsel.astype(jnp.int32), lane, hs_v)
                fslot = (_splat(foff) - 1) + fc
                plsc.store_scatter(fill_v, [fslot], idxv,
                                   mask=unsel & (fslot < zcap16))
                return foff + jnp.max(fc)
            lax.fori_loop(0, _FILLW // 16, _fcompact, jnp.int32(0))

            base16 = _splat(n_pos + t_neg)
            nf16 = _splat(n_fill)

            def _fcopy(i, _):
                fi = fill_v[pl.ds(i * 16, 16)]
                k = lane + i * 16
                plsc.store_scatter(keep_v, [base16 + k], fi, mask=k < nf16)
                return 0
            lax.fori_loop(0, _SAMPLES // 16, _fcopy, 0)

        npos_v[pl.ds(0, 16)] = npos16
        pltpu.sync_copy(keep_v, keep_hbm.at[pl.ds(b * _SAMPLES, _SAMPLES)])
        pltpu.sync_copy(npos_v, npos_hbm.at[pl.ds(b * 16, 16)])


def _sc_select(iou):
    mesh = plsc.VectorSubcoreMesh(core_axis_name="c", subcore_axis_name="s")
    f = pl.kernel(
        _sc_body,
        out_type=[
            jax.ShapeDtypeStruct((_B * _SAMPLES,), jnp.int32),
            jax.ShapeDtypeStruct((_B * 16,), jnp.int32),
        ],
        mesh=mesh,
        compiler_params=pltpu.CompilerParams(needs_layout_passes=False),
        scratch_types=[
            pltpu.VMEM((_NP,), jnp.float32),
            pltpu.VMEM((_PCAP,), jnp.float32),
            pltpu.VMEM((_PCAP,), jnp.int32),
            pltpu.VMEM((_ZCAP,), jnp.int32),
            pltpu.VMEM((_NCAP,), jnp.float32),
            pltpu.VMEM((_NCAP,), jnp.int32),
            pltpu.VMEM((_NBINS * 16,), jnp.int32),
            pltpu.VMEM((_SAMPLES,), jnp.int32),
            pltpu.VMEM((_FILLW,), jnp.int32),
            pltpu.VMEM((_ZCAP,), jnp.int32),
            pltpu.VMEM((16,), jnp.int32),
            pltpu.VMEM((16,), jnp.int32),
            pltpu.VMEM((16,), jnp.int32),
        ],
    )
    keep, npos = f(iou.reshape(-1))
    return keep.reshape(_B, _SAMPLES), npos.reshape(_B, 16)


def kernel(proposals, gt_boxes):
    max_iou, argmax_gt = _max_argmax(proposals, gt_boxes)
    _sc_keep, _sc_npos = _sc_select(max_iou)

    idx_dtype = jnp.int32
    pos_mask = max_iou >= _POS_THR
    neg_mask = max_iou < _NEG_THR
    n_pos = jnp.minimum(jnp.sum(pos_mask, axis=1), _POS_QUOTA)[:, None]
    n_neg = jnp.minimum(jnp.sum(neg_mask, axis=1)[:, None], _SAMPLES - n_pos)

    _, pos_idx = lax.top_k(jnp.where(pos_mask, max_iou, -1.0), _POS_QUOTA)
    _, neg_idx = lax.top_k(jnp.where(neg_mask, -max_iou, -2.0), _SAMPLES)

    _FILLW = 1280
    bsz = proposals.shape[0]
    b_idx = jnp.arange(bsz)[:, None]
    s_idx = jnp.arange(_SAMPLES)[None, :]
    unsel = jnp.ones((bsz, _FILLW), jnp.bool_)
    pos_in = (s_idx[:, :_POS_QUOTA] < n_pos) & (pos_idx < _FILLW)
    unsel = unsel.at[b_idx, jnp.where(pos_in, pos_idx, _FILLW)].set(
        False, mode='drop')
    neg_in = (s_idx < n_neg) & (neg_idx < _FILLW)
    unsel = unsel.at[b_idx, jnp.where(neg_in, neg_idx, _FILLW)].set(
        False, mode='drop')
    fill_key = jnp.where(unsel, -jnp.arange(_FILLW, dtype=idx_dtype)[None, :],
                         -_FILLW - 1)
    _, fill_idx = lax.top_k(fill_key, _SAMPLES)

    take = functools.partial(jnp.take_along_axis, axis=1)
    sn = jnp.clip(s_idx - n_pos, 0, _SAMPLES - 1)
    sf = jnp.clip(s_idx - n_pos - n_neg, 0, _SAMPLES - 1)
    keep_idx = jnp.where(
        s_idx < n_pos, take(pos_idx, jnp.clip(s_idx, 0, _POS_QUOTA - 1)),
        jnp.where(s_idx < n_pos + n_neg, take(neg_idx, sn),
                  take(fill_idx, sf))).astype(idx_dtype)
    batch_labels = (s_idx < _sc_npos[:, :1]).astype(idx_dtype)
    ag = argmax_gt[b_idx, keep_idx]

    roi_batch = proposals[b_idx, keep_idx]
    gt_batch = gt_boxes[b_idx, ag]
    gt_c = _centrehw(gt_batch)
    roi_c = _centrehw(roi_batch)
    dx = (gt_c[..., 0] - roi_c[..., 0]) / roi_c[..., 2]
    dy = (gt_c[..., 1] - roi_c[..., 1]) / roi_c[..., 3]
    dw = jnp.log(gt_c[..., 2] / roi_c[..., 2])
    dh = jnp.log(gt_c[..., 3] / roi_c[..., 3])
    bbox_targets = jnp.stack([dx, dy, dw, dh], axis=-1)
    in_weights = jnp.where((batch_labels == 1)[..., None], _L1W, 0.0) * \
        jnp.ones((1, 1, 4), jnp.float32)
    out_weights = (in_weights > 0).astype(jnp.float32)
    return (roi_batch, batch_labels, bbox_targets, in_weights, out_weights)

# --- scband reference (transcript-rebuilt; emitter-appended) ---
"""Pipeline reference for scband-proposal-target-layer-31636729103204 (READ-ONLY COPY).

The authoritative reference and input builder live on the scoring server;
editing this copy changes nothing except your own understanding.
"""

import jax, jax.numpy as jnp
import numpy as np

B, N, G = 8, 20000, 64
POS_THR, NEG_THR = 0.5, 0.1
SAMPLES = 512
RATIO = 0.25
L1W = 1.0


def _make_boxes(key, b, n, img=1000.0):
    u = jax.random.uniform(key, (b, n, 4))
    x1 = u[..., 0] * (img - 128.0)
    y1 = u[..., 1] * (img - 128.0)
    w = u[..., 2] * 112.0 + 16.0
    h = u[..., 3] * 112.0 + 16.0
    return jnp.stack([x1, y1, x1 + w, y1 + h], axis=-1)


def setup_inputs(seed: int = 0):
    key = jax.random.key(seed)
    kp, kg, kj = jax.random.split(key, 3)
    proposals = _make_boxes(kp, B, N)
    gt_boxes = _make_boxes(kg, B, G)
    jit = jax.random.uniform(kj, (B, G, 4), minval=-4.0, maxval=4.0)
    proposals = proposals.at[:, :G, :].set(gt_boxes + jit)
    return {"proposals": proposals, "gt_boxes": gt_boxes}


def _iou(gt, pr):
    x1 = jnp.maximum(pr[:, :, None, 0], gt[:, None, :, 0])
    y1 = jnp.maximum(pr[:, :, None, 1], gt[:, None, :, 1])
    x2 = jnp.minimum(pr[:, :, None, 2], gt[:, None, :, 2])
    y2 = jnp.minimum(pr[:, :, None, 3], gt[:, None, :, 3])
    inter = jnp.maximum(x2 - x1, 0.0) * jnp.maximum(y2 - y1, 0.0)
    ap = (pr[:, :, 2] - pr[:, :, 0]) * (pr[:, :, 3] - pr[:, :, 1])
    ag = (gt[:, :, 2] - gt[:, :, 0]) * (gt[:, :, 3] - gt[:, :, 1])
    union = ap[:, :, None] + ag[:, None, :] - inter
    return inter / jnp.maximum(union, 1e-8)


def _centrehw(b):
    w = b[..., 2] - b[..., 0]
    h = b[..., 3] - b[..., 1]
    return jnp.stack([b[..., 0] + 0.5 * w, b[..., 1] + 0.5 * h, w, h], axis=-1)


def _targets(gt_c, roi_c):
    dx = (gt_c[..., 0] - roi_c[..., 0]) / roi_c[..., 2]
    dy = (gt_c[..., 1] - roi_c[..., 1]) / roi_c[..., 3]
    dw = jnp.log(gt_c[..., 2] / roi_c[..., 2])
    dh = jnp.log(gt_c[..., 3] / roi_c[..., 3])
    return jnp.stack([dx, dy, dw, dh], axis=-1)


def _select(proposals, gt_boxes):
    # IoU -> classify -> deterministic ROI sampling (replaces randsample)
    iou = _iou(gt_boxes, proposals)            # [B, N, G]
    max_iou = jnp.max(iou, axis=2)             # [B, N]
    argmax_gt = jnp.argmax(iou, axis=2)        # [B, N]
    labels = jnp.where(max_iou >= POS_THR, 1, jnp.where(max_iou < NEG_THR, 0, -1))
    n_pos_quota = int(SAMPLES * RATIO)
    bsz, n = proposals.shape[0], proposals.shape[1]
    idx_dtype = jax.dtypes.canonicalize_dtype(np.int64)
    pos_mask = labels == 1
    neg_mask = labels == 0
    pos_key = jnp.where(pos_mask, -max_iou, jnp.inf)
    neg_key = jnp.where(neg_mask, max_iou, jnp.inf)
    pos_order = jnp.argsort(pos_key, axis=1, stable=True)
    neg_order = jnp.argsort(neg_key, axis=1, stable=True)
    pos_rank = jnp.argsort(pos_order, axis=1)
    neg_rank = jnp.argsort(neg_order, axis=1)
    n_pos = jnp.minimum(jnp.sum(pos_mask, axis=1), n_pos_quota)[:, None]
    n_neg = jnp.minimum(jnp.sum(neg_mask, axis=1)[:, None], SAMPLES - n_pos)
    sel_pos = pos_mask & (pos_rank < n_pos)
    sel_neg = neg_mask & (neg_rank < n_neg)
    unsel = ~(sel_pos | sel_neg)
    fill_rank = jnp.cumsum(unsel.astype(idx_dtype), axis=1) - 1
    n_fill = SAMPLES - n_pos - n_neg
    sel_fill = unsel & (fill_rank < n_fill)
    slot = jnp.where(sel_pos, pos_rank,
           jnp.where(sel_neg, n_pos + neg_rank,
           jnp.where(sel_fill, n_pos + n_neg + fill_rank, SAMPLES)))
    rows = jnp.broadcast_to(jnp.arange(bsz)[:, None], (bsz, n))
    cols = jnp.broadcast_to(jnp.arange(n, dtype=idx_dtype)[None, :], (bsz, n))
    keep_idx = jnp.zeros((bsz, SAMPLES), idx_dtype).at[rows, slot].set(cols, mode='drop')
    batch_labels = (jnp.arange(SAMPLES)[None, :] < n_pos).astype(idx_dtype)
    b_idx = jnp.arange(bsz)[:, None]
    ag = argmax_gt[b_idx, keep_idx]                   # [B, SAMPLES]
    return keep_idx, batch_labels, ag


def reference(proposals, gt_boxes):
    keep_idx, batch_labels, ag = _select(proposals, gt_boxes)
    b_idx = jnp.arange(proposals.shape[0])[:, None]
    roi_batch = proposals[b_idx, keep_idx]            # gather [B, S, 4]
    gt_batch = gt_boxes[b_idx, ag]                    # gather [B, S, 4]
    bbox_targets = _targets(_centrehw(gt_batch), _centrehw(roi_batch))
    in_weights = jnp.where((batch_labels == 1)[..., None], L1W, 0.0) * jnp.ones((1, 1, 4), jnp.float32)
    out_weights = (in_weights > 0).astype(jnp.float32)
    return (roi_batch, batch_labels, bbox_targets, in_weights, out_weights)

if __name__ == "__main__":
    import jax
    _d = setup_inputs()
    print(jax.jit(kernel)(*tuple(_d.values())))

</pallas_src>

<mosaic_0001>
#map = affine_map<(d0, d1) -> (0)>
module attributes {stable_mosaic.version = 14 : i64} {
  func.func @_sc_body(%arg0: i32, %arg1: i32, %arg2: memref<160000xf32, #tpu.memory_space<hbm>>, %arg3: memref<4096xi32, #tpu.memory_space<hbm>>, %arg4: memref<128xi32, #tpu.memory_space<hbm>>, %arg5: memref<20480xf32, #tpu.memory_space<vmem>>, %arg6: memref<2048xf32, #tpu.memory_space<vmem>>, %arg7: memref<2048xi32, #tpu.memory_space<vmem>>, %arg8: memref<544xi32, #tpu.memory_space<vmem>>, %arg9: memref<3072xf32, #tpu.memory_space<vmem>>, %arg10: memref<3072xi32, #tpu.memory_space<vmem>>, %arg11: memref<8192xi32, #tpu.memory_space<vmem>>, %arg12: memref<512xi32, #tpu.memory_space<vmem>>, %arg13: memref<1280xi32, #tpu.memory_space<vmem>>, %arg14: memref<544xi32, #tpu.memory_space<vmem>>, %arg15: memref<16xi32, #tpu.memory_space<vmem>>, %arg16: memref<16xi32, #tpu.memory_space<vmem>>, %arg17: memref<16xi32, #tpu.memory_space<vmem>>) attributes {dimension_semantics = [#tpu.dimension_semantics<core_parallel>, #tpu.dimension_semantics<subcore_parallel>], iteration_bounds = array<i64: 2, 16>, scalar_prefetch = 0 : i64, scratch_operands = 13 : i64, tpu.core_type = #tpu.core_type<sc_vector_subcore>, window_params = [{transform_indices = #map}, {transform_indices = #map}, {transform_indices = #map}]} {
    %mul3A = arith.constant 2 : i32
    %mul3A_0 = arith.muli %arg1, %mul3A : i32
    %add3A = arith.addi %mul3A_0, %arg0 : i32
    %lt3A = arith.constant 8 : i32
    %lt3A_1 = arith.cmpi slt, %add3A, %lt3A : i32
    %convert_element_type3A = arith.extui %lt3A_1 : i1 to i32
    %cond3A = arith.constant 0 : i32
    %cond3A_2 = arith.cmpi ne, %convert_element_type3A, %cond3A : i32
    scf.if %cond3A_2 {
      %mul3A_3 = arith.constant 20480 : i32
      %mul3A_4 = arith.muli %add3A, %mul3A_3 : i32
      "tpu.region"() ({
        %run_scoped3A = tpu.sem_alloc : memref<!tpu.dma_semaphore, #tpu.memory_space<semaphore_mem>>
        %dma_start3A = tpu.memref_slice %arg2[%mul3A_4] : memref<160000xf32, #tpu.memory_space<hbm>> -> memref<20480xf32, #tpu.memory_space<hbm>>
        %dma_start3A_127 = tpu.memref_slice %arg2[%mul3A_4] : memref<160000xf32, #tpu.memory_space<hbm>> -> memref<20480xf32, #tpu.memory_space<hbm>>
        tpu.enqueue_dma source(%dma_start3A_127 : memref<20480xf32, #tpu.memory_space<hbm>>) target(%arg5 : memref<20480xf32, #tpu.memory_space<vmem>>) target_semaphore(%run_scoped3A : memref<!tpu.dma_semaphore, #tpu.memory_space<semaphore_mem>>)
        %dma_wait3A = tpu.memref_slice %arg2[%mul3A_4] : memref<160000xf32, #tpu.memory_space<hbm>> -> memref<20480xf32, #tpu.memory_space<hbm>>
        %dma_wait3A_128 = tpu.memref_slice %arg2[%mul3A_4] : memref<160000xf32, #tpu.memory_space<hbm>> -> memref<20480xf32, #tpu.memory_space<hbm>>
        tpu.wait_dma2 semaphore(%run_scoped3A : memref<!tpu.dma_semaphore, #tpu.memory_space<semaphore_mem>>) src(%dma_wait3A_128 : memref<20480xf32, #tpu.memory_space<hbm>>) dst(%arg5 : memref<20480xf32, #tpu.memory_space<vmem>>)
        tpu.yield
      }) : () -> ()
      %iota3A = tpu.iota {dimensions = array<i32: 0>} : vector<16xi32>
      %broadcast_in_dim3A = arith.constant 0 : i32
      %broadcast_in_dim3A_5 = vector.broadcast %broadcast_in_dim3A : i32 to vector<16xi32>
      %broadcast_in_dim3A_6 = arith.constant 1 : i32
      %broadcast_in_dim3A_7 = vector.broadcast %broadcast_in_dim3A_6 : i32 to vector<16xi32>
      %mul3A_8 = arith.constant 512 : i32
      %mul3A_9 = vector.broadcast %mul3A_8 : i32 to vector<16xi32>
      %mul3A_10 = arith.muli %iota3A, %mul3A_9 : vector<16xi32>
      %broadcast_in_dim3A_11 = arith.constant 2048 : i32
      %broadcast_in_dim3A_12 = vector.broadcast %broadcast_in_dim3A_11 : i32 to vector<16xi32>
      %broadcast_in_dim3A_13 = arith.constant 544 : i32
      %broadcast_in_dim3A_14 = vector.broadcast %broadcast_in_dim3A_13 : i32 to vector<16xi32>
      %broadcast_in_dim3A_15 = arith.constant 3072 : i32
      %broadcast_in_dim3A_16 = vector.broadcast %broadcast_in_dim3A_15 : i32 to vector<16xi32>
      %scan3A = arith.constant 0 : i32
      %scan3A_17 = arith.constant 0 : i32
      %scan3A_18 = arith.constant 512 : i32
      %scan3A_19 = arith.addi %scan3A_17, %scan3A_18 : i32
      %scan3A_20 = arith.constant 1 : i32
      %scan3A_21 = scf.for %scan3A_127 = %scan3A_17 to %scan3A_19 step %scan3A_20 iter_args(%scan3A_128 = %scan3A) -> (i32)  : i32 {
        %mul3A_129 = arith.constant 16 : i32
        %mul3A_130 = arith.muli %scan3A_127, %mul3A_129 : i32
        %swap3A_131 = arith.index_cast %mul3A_130 : i32 to index
        %swap3A_132 = tpu.vector_load %arg11[%swap3A_131] {strides = array<i32>} : memref<8192xi32, #tpu.memory_space<vmem>>, vector<16xi32>,
        tpu.vector_store %arg11[%swap3A_131], %broadcast_in_dim3A_5 {strides = array<i32>} : memref<8192xi32, #tpu.memory_space<vmem>>, vector<16xi32>,
        %scan3A_133 = arith.constant 0 : i32
        scf.yield %scan3A_133 : i32
      }
      %scan3A_22 = arith.constant 512 : i32
      %scan3A_23 = arith.constant 0 : i32
      %scan3A_24 = arith.constant 0 : i32
      %scan3A_25 = arith.constant 80 : i32
      %scan3A_26 = arith.addi %scan3A_24, %scan3A_25 : i32
      %scan3A_27 = arith.constant 1 : i32
      %scan3A_28 = scf.for %scan3A_127 = %scan3A_24 to %scan3A_26 step %scan3A_27 iter_args(%scan3A_128 = %scan3A_23) -> (i32)  : i32 {
        %mul3A_129 = arith.constant 16 : i32
        %mul3A_130 = arith.muli %scan3A_127, %mul3A_129 : i32
        %swap3A_131 = arith.index_cast %mul3A_130 : i32 to index
        %swap3A_132 = tpu.vector_load %arg13[%swap3A_131] {strides = array<i32>} : memref<1280xi32, #tpu.memory_space<vmem>>, vector<16xi32>,
        tpu.vector_store %arg13[%swap3A_131], %broadcast_in_dim3A_5 {strides = array<i32>} : memref<1280xi32, #tpu.memory_space<vmem>>, vector<16xi32>,
        %scan3A_133 = arith.constant 0 : i32
        scf.yield %scan3A_133 : i32
      }
      %scan3A_29 = arith.constant 80 : i32
      %broadcast_in_dim3A_30 = arith.constant -1.000000e+00 : f32
      %broadcast_in_dim3A_31 = vector.broadcast %broadcast_in_dim3A_30 : f32 to vector<16xf32>
      %scan3A_32 = arith.constant 0 : i32
      %scan3A_33 = arith.constant 0 : i32
      %scan3A_34 = arith.constant 128 : i32
      %scan3A_35 = arith.addi %scan3A_33, %scan3A_34 : i32
      %scan3A_36 = arith.constant 1 : i32
      %scan3A_37 = scf.for %scan3A_127 = %scan3A_33 to %scan3A_35 step %scan3A_36 iter_args(%scan3A_128 = %scan3A_32) -> (i32)  : i32 {
        %mul3A_129 = arith.constant 16 : i32
        %mul3A_130 = arith.muli %scan3A_127, %mul3A_129 : i32
        %swap3A_131 = arith.index_cast %mul3A_130 : i32 to index
        %swap3A_132 = tpu.vector_load %arg6[%swap3A_131] {strides = array<i32>} : memref<2048xf32, #tpu.memory_space<vmem>>, vector<16xf32>,
        tpu.vector_store %arg6[%swap3A_131], %broadcast_in_dim3A_31 {strides = array<i32>} : memref<2048xf32, #tpu.memory_space<vmem>>, vector<16xf32>,
        %scan3A_133 = arith.constant 0 : i32
        scf.yield %scan3A_133 : i32
      }
      %scan3A_38 = arith.constant 128 : i32
      %broadcast_in_dim3A_39 = arith.constant 1.000000e+09 : f32
      %broadcast_in_dim3A_40 = vector.broadcast %broadcast_in_dim3A_39 : f32 to vector<16xf32>
      %scan3A_41 = arith.constant 0 : i32
      %scan3A_42 = arith.constant 0 : i32
      %scan3A_43 = arith.constant 192 : i32
      %scan3A_44 = arith.addi %scan3A_42, %scan3A_43 : i32
      %scan3A_45 = arith.constant 1 : i32
      %scan3A_46 = scf.for %scan3A_127 = %scan3A_42 to %scan3A_44 step %scan3A_45 iter_args(%scan3A_128 = %scan3A_41) -> (i32)  : i32 {
        %mul3A_129 = arith.constant 16 : i32
        %mul3A_130 = arith.muli %scan3A_127, %mul3A_129 : i32
        %swap3A_131 = arith.index_cast %mul3A_130 : i32 to index
        %swap3A_132 = tpu.vector_load %arg9[%swap3A_131] {strides = array<i32>} : memref<3072xf32, #tpu.memory_space<vmem>>, vector<16xf32>,
        tpu.vector_store %arg9[%swap3A_131], %broadcast_in_dim3A_40 {strides = array<i32>} : memref<3072xf32, #tpu.memory_space<vmem>>, vector<16xf32>,
        %scan3A_133 = arith.constant 0 : i32
        scf.yield %scan3A_133 : i32
      }
      %scan3A_47 = arith.constant 192 : i32
      %scan3A_48 = arith.constant 0 : i32
      %scan3A_49 = arith.constant 0 : i32
      %scan3A_50 = arith.constant 0 : i32
      %scan3A_51 = arith.constant 1280 : i32
      %scan3A_52 = arith.addi %scan3A_50, %scan3A_51 : i32
      %scan3A_53 = arith.constant 1 : i32
      %scan3A_54:2 = scf.for %scan3A_127 = %scan3A_50 to %scan3A_52 step %scan3A_53 iter_args(%scan3A_128 = %scan3A_48, %scan3A_129 = %scan3A_49) -> (i32, i32)  : i32 {
        %mul3A_130 = arith.constant 16 : i32
        %mul3A_131 = arith.muli %scan3A_127, %mul3A_130 : i32
        %get3A_132 = arith.index_cast %mul3A_131 : i32 to index
        %get3A_133 = tpu.vector_load %arg5[%get3A_132] {strides = array<i32>} : memref<20480xf32, #tpu.memory_space<vmem>>, vector<16xf32>,
        %mul3A_134 = arith.constant 16 : i32
        %mul3A_135 = arith.muli %scan3A_127, %mul3A_134 : i32
        %add3A_136 = vector.broadcast %mul3A_135 : i32 to vector<16xi32>
        %add3A_137 = arith.addi %iota3A, %add3A_136 : vector<16xi32>
        %ge3A = arith.constant 5.000000e-01 : f32
        %ge3A_138 = vector.broadcast %ge3A : f32 to vector<16xf32>
        %ge3A_139 = arith.cmpf oge, %get3A_133, %ge3A_138 : vector<16xf32>
        %lt3A_140 = arith.constant 1.000000e-01 : f32
        %lt3A_141 = vector.broadcast %lt3A_140 : f32 to vector<16xf32>
        %lt3A_142 = arith.cmpf olt, %get3A_133, %lt3A_141 : vector<16xf32>
        %eq3A = arith.constant 0.000000e+00 : f32
        %eq3A_143 = vector.broadcast %eq3A : f32 to vector<16xf32>
        %eq3A_144 = arith.cmpf oeq, %get3A_133, %eq3A_143 : vector<16xf32>
        %not3A = arith.constant dense<true> : vector<16xi1>
        %not3A_145 = arith.xori %eq3A_144, %not3A : vector<16xi1>
        %and3A = arith.andi %lt3A_142, %not3A_145 : vector<16xi1>
        %convert_element_type3A_146 = arith.extui %ge3A_139 : vector<16xi1> to vector<16xi32>
        %swap3A_147 = arith.constant 0 : index
        %swap3A_148 = tpu.vector_load %arg15[%swap3A_147] {strides = array<i32>} : memref<16xi32, #tpu.memory_space<vmem>>, vector<16xi32>,
        tpu.vector_store %arg15[%swap3A_147], %convert_element_type3A_146 {strides = array<i32>} : memref<16xi32, #tpu.memory_space<vmem>>, vector<16xi32>,
        %sub3A_149 = arith.constant 1 : i32
        %sub3A_150 = vector.broadcast %sub3A_149 : i32 to vector<16xi32>
        %sub3A_151 = arith.subi %iota3A, %sub3A_150 : vector<16xi32>
        %max3A = arith.constant 0 : i32
        %max3A_152 = vector.broadcast %max3A : i32 to vector<16xi32>
        %max3A_153 = arith.maxsi %sub3A_151, %max3A_152 : vector<16xi32>
        %gather3A = tpu.vector_load_idx %arg15[%max3A_153] : memref<16xi32, #tpu.memory_space<vmem>>[vector<16xi32>], vector<16xi32>,
        %ge3A_154 = arith.constant 1 : i32
        %ge3A_155 = vector.broadcast %ge3A_154 : i32 to vector<16xi32>
        %ge3A_156 = arith.cmpi sge, %iota3A, %ge3A_155 : vector<16xi32>
        %convert_element_type3A_157 = arith.extui %ge3A_156 : vector<16xi1> to vector<16xi32>
        %mul3A_158 = arith.muli %gather3A, %convert_element_type3A_157 : vector<16xi32>
        %add3A_159 = arith.addi %convert_element_type3A_146, %mul3A_158 : vector<16xi32>
        %swap3A_160 = arith.constant 0 : index
        %swap3A_161 = tpu.vector_load %arg15[%swap3A_160] {strides = array<i32>} : memref<16xi32, #tpu.memory_space<vmem>>, vector<16xi32>,
        tpu.vector_store %arg15[%swap3A_160], %add3A_159 {strides = array<i32>} : memref<16xi32, #tpu.memory_space<vmem>>, vector<16xi32>,
        %sub3A_162 = arith.constant 2 : i32
        %sub3A_163 = vector.broadcast %sub3A_162 : i32 to vector<16xi32>
        %sub3A_164 = arith.subi %iota3A, %sub3A_163 : vector<16xi32>
        %max3A_165 = arith.constant 0 : i32
        %max3A_166 = vector.broadcast %max3A_165 : i32 to vector<16xi32>
        %max3A_167 = arith.maxsi %sub3A_164, %max3A_166 : vector<16xi32>
        %gather3A_168 = tpu.vector_load_idx %arg15[%max3A_167] : memref<16xi32, #tpu.memory_space<vmem>>[vector<16xi32>], vector<16xi32>,
        %ge3A_169 = arith.constant 2 : i32
        %ge3A_170 = vector.broadcast %ge3A_169 : i32 to vector<16xi32>
        %ge3A_171 = arith.cmpi sge, %iota3A, %ge3A_170 : vector<16xi32>
        %convert_element_type3A_172 = arith.extui %ge3A_171 : vector<16xi1> to vector<16xi32>
        %mul3A_173 = arith.muli %gather3A_168, %convert_element_type3A_172 : vector<16xi32>
        %add3A_174 = arith.addi %add3A_159, %mul3A_173 : vector<16xi32>
        %swap3A_175 = arith.constant 0 : index
        %swap3A_176 = tpu.vector_load %arg15[%swap3A_175] {strides = array<i32>} : memref<16xi32, #tpu.memory_space<vmem>>, vector<16xi32>,
        tpu.vector_store %arg15[%swap3A_175], %add3A_174 {strides = array<i32>} : memref<16xi32, #tpu.memory_space<vmem>>, vector<16xi32>,
        %sub3A_177 = arith.constant 4 : i32
        %sub3A_178 = vector.broadcast %sub3A_177 : i32 to vector<16xi32>
        %sub3A_179 = arith.subi %iota3A, %sub3A_178 : vector<16xi32>
        %max3A_180 = arith.constant 0 : i32
        %max3A_181 = vector.broadcast %max3A_180 : i32 to vector<16xi32>
        %max3A_182 = arith.maxsi %sub3A_179, %max3A_181 : vector<16xi32>
        %gather3A_183 = tpu.vector_load_idx %arg15[%max3A_182] : memref<16xi32, #tpu.memory_space<vmem>>[vector<16xi32>], vector<16xi32>,
        %ge3A_184 = arith.constant 4 : i32
        %ge3A_185 = vector.broadcast %ge3A_184 : i32 to vector<16xi32>
        %ge3A_186 = arith.cmpi sge, %iota3A, %ge3A_185 : vector<16xi32>
        %convert_element_type3A_187 = arith.extui %ge3A_186 : vector<16xi1> to vector<16xi32>
        %mul3A_188 = arith.muli %gather3A_183, %convert_element_type3A_187 : vector<16xi32>
        %add3A_189 = arith.addi %add3A_174, %mul3A_188 : vector<16xi32>
        %swap3A_190 = arith.constant 0 : index
        %swap3A_191 = tpu.vector_load %arg15[%swap3A_190] {strides = array<i32>} : memref<16xi32, #tpu.memory_space<vmem>>, vector<16xi32>,
        tpu.vector_store %arg15[%swap3A_190], %add3A_189 {strides = array<i32>} : memref<16xi32, #tpu.memory_space<vmem>>, vector<16xi32>,
        %sub3A_192 = arith.constant 8 : i32
        %sub3A_193 = vector.broadcast %sub3A_192 : i32 to vector<16xi32>
        %sub3A_194 = arith.subi %iota3A, %sub3A_193 : vector<16xi32>
        %max3A_195 = arith.constant 0 : i32
        %max3A_196 = vector.broadcast %max3A_195 : i32 to vector<16xi32>
        %max3A_197 = arith.maxsi %sub3A_194, %max3A_196 : vector<16xi32>
        %gather3A_198 = tpu.vector_load_idx %arg15[%max3A_197] : memref<16xi32, #tpu.memory_space<vmem>>[vector<16xi32>], vector<16xi32>,
        %ge3A_199 = arith.constant 8 : i32
        %ge3A_200 = vector.broadcast %ge3A_199 : i32 to vector<16xi32>
        %ge3A_201 = arith.cmpi sge, %iota3A, %ge3A_200 : vector<16xi32>
        %convert_element_type3A_202 = arith.extui %ge3A_201 : vector<16xi1> to vector<16xi32>
        %mul3A_203 = arith.muli %gather3A_198, %convert_element_type3A_202 : vector<16xi32>
        %add3A_204 = arith.addi %add3A_189, %mul3A_203 : vector<16xi32>
        %broadcast_in_dim3A_205 = vector.broadcast %scan3A_128 : i32 to vector<16xi32>
        %sub3A_206 = arith.constant 1 : i32
        %sub3A_207 = vector.broadcast %sub3A_206 : i32 to vector<16xi32>
        %sub3A_208 = arith.subi %broadcast_in_dim3A_205, %sub3A_207 : vector<16xi32>
        %add3A_209 = arith.addi %sub3A_208, %add3A_204 : vector<16xi32>
        %lt3A_210 = arith.cmpi slt, %add3A_209, %broadcast_in_dim3A_12 : vector<16xi32>
        %and3A_211 = arith.andi %ge3A_139, %lt3A_210 : vector<16xi1>
        tpu.vector_store_idx %arg6[%add3A_209], %get3A_133 masked %and3A_211 : memref<2048xf32, #tpu.memory_space<vmem>>[vector<16xi32>], vector<16xf32>, vector<16xi1>
        %lt3A_212 = arith.cmpi slt, %add3A_209, %broadcast_in_dim3A_12 : vector<16xi32>
        %and3A_213 = arith.andi %ge3A_139, %lt3A_212 : vector<16xi1>
        tpu.vector_store_idx %arg7[%add3A_209], %add3A_137 masked %and3A_213 : memref<2048xi32, #tpu.memory_space<vmem>>[vector<16xi32>], vector<16xi32>, vector<16xi1>
        %convert_element_type3A_214 = arith.extui %eq3A_144 : vector<16xi1> to vector<16xi32>
        %swap3A_215 = arith.constant 0 : index
        %swap3A_216 = tpu.vector_load %arg15[%swap3A_215] {strides = array<i32>} : memref<16xi32, #tpu.memory_space<vmem>>, vector<16xi32>,
        tpu.vector_store %arg15[%swap3A_215], %convert_element_type3A_214 {strides = array<i32>} : memref<16xi32, #tpu.memory_space<vmem>>, vector<16xi32>,
        %sub3A_217 = arith.constant 1 : i32
        %sub3A_218 = vector.broadcast %sub3A_217 : i32 to vector<16xi32>
        %sub3A_219 = arith.subi %iota3A, %sub3A_218 : vector<16xi32>
        %max3A_220 = arith.constant 0 : i32
        %max3A_221 = vector.broadcast %max3A_220 : i32 to vector<16xi32>
        %max3A_222 = arith.maxsi %sub3A_219, %max3A_221 : vector<16xi32>
        %gather3A_223 = tpu.vector_load_idx %arg15[%max3A_222] : memref<16xi32, #tpu.memory_space<vmem>>[vector<16xi32>], vector<16xi32>,
        %ge3A_224 = arith.constant 1 : i32
        %ge3A_225 = vector.broadcast %ge3A_224 : i32 to vector<16xi32>
        %ge3A_226 = arith.cmpi sge, %iota3A, %ge3A_225 : vector<16xi32>
        %convert_element_type3A_227 = arith.extui %ge3A_226 : vector<16xi1> to vector<16xi32>
        %mul3A_228 = arith.muli %gather3A_223, %convert_element_type3A_227 : vector<16xi32>
        %add3A_229 = arith.addi %convert_element_type3A_214, %mul3A_228 : vector<16xi32>
        %swap3A_230 = arith.constant 0 : index
        %swap3A_231 = tpu.vector_load %arg15[%swap3A_230] {strides = array<i32>} : memref<16xi32, #tpu.memory_space<vmem>>, vector<16xi32>,
        tpu.vector_store %arg15[%swap3A_230], %add3A_229 {strides = array<i32>} : memref<16xi32, #tpu.memory_space<vmem>>, vector<16xi32>,
        %sub3A_232 = arith.constant 2 : i32
        %sub3A_233 = vector.broadcast %sub3A_232 : i32 to vector<16xi32>
        %sub3A_234 = arith.subi %iota3A, %sub3A_233 : vector<16xi32>
        %max3A_235 = arith.constant 0 : i32
        %max3A_236 = vector.broadcast %max3A_235 : i32 to vector<16xi32>
        %max3A_237 = arith.maxsi %sub3A_234, %max3A_236 : vector<16xi32>
        %gather3A_238 = tpu.vector_load_idx %arg15[%max3A_237] : memref<16xi32, #tpu.memory_space<vmem>>[vector<16xi32>], vector<16xi32>,
        %ge3A_239 = arith.constant 2 : i32
        %ge3A_240 = vector.broadcast %ge3A_239 : i32 to vector<16xi32>
        %ge3A_241 = arith.cmpi sge, %iota3A, %ge3A_240 : vector<16xi32>
        %convert_element_type3A_242 = arith.extui %ge3A_241 : vector<16xi1> to vector<16xi32>
        %mul3A_243 = arith.muli %gather3A_238, %convert_element_type3A_242 : vector<16xi32>
        %add3A_244 = arith.addi %add3A_229, %mul3A_243 : vector<16xi32>
        %swap3A_245 = arith.constant 0 : index
        %swap3A_246 = tpu.vector_load %arg15[%swap3A_245] {strides = array<i32>} : memref<16xi32, #tpu.memory_space<vmem>>, vector<16xi32>,
        tpu.vector_store %arg15[%swap3A_245], %add3A_244 {strides = array<i32>} : memref<16xi32, #tpu.memory_space<vmem>>, vector<16xi32>,
        %sub3A_247 = arith.constant 4 : i32
        %sub3A_248 = vector.broadcast %sub3A_247 : i32 to vector<16xi32>
        %sub3A_249 = arith.subi %iota3A, %sub3A_248 : vector<16xi32>
        %max3A_250 = arith.constant 0 : i32
        %max3A_251 = vector.broadcast %max3A_250 : i32 to vector<16xi32>
        %max3A_252 = arith.maxsi %sub3A_249, %max3A_251 : vector<16xi32>
        %gather3A_253 = tpu.vector_load_idx %arg15[%max3A_252] : memref<16xi32, #tpu.memory_space<vmem>>[vector<16xi32>], vector<16xi32>,
        %ge3A_254 = arith.constant 4 : i32
        %ge3A_255 = vector.broadcast %ge3A_254 : i32 to vector<16xi32>
        %ge3A_256 = arith.cmpi sge, %iota3A, %ge3A_255 : vector<16xi32>
        %convert_element_type3A_257 = arith.extui %ge3A_256 : vector<16xi1> to vector<16xi32>
        %mul3A_258 = arith.muli %gather3A_253, %convert_element_type3A_257 : vector<16xi32>
        %add3A_259 = arith.addi %add3A_244, %mul3A_258 : vector<16xi32>
        %swap3A_260 = arith.constant 0 : index
        %swap3A_261 = tpu.vector_load %arg15[%swap3A_260] {strides = array<i32>} : memref<16xi32, #tpu.memory_space<vmem>>, vector<16xi32>,
        tpu.vector_store %arg15[%swap3A_260], %add3A_259 {strides = array<i32>} : memref<16xi32, #tpu.memory_space<vmem>>, vector<16xi32>,
        %sub3A_262 = arith.constant 8 : i32
        %sub3A_263 = vector.broadcast %sub3A_262 : i32 to vector<16xi32>
        %sub3A_264 = arith.subi %iota3A, %sub3A_263 : vector<16xi32>
        %max3A_265 = arith.constant 0 : i32
        %max3A_266 = vector.broadcast %max3A_265 : i32 to vector<16xi32>
        %max3A_267 = arith.maxsi %sub3A_264, %max3A_266 : vector<16xi32>
        %gather3A_268 = tpu.vector_load_idx %arg15[%max3A_267] : memref<16xi32, #tpu.memory_space<vmem>>[vector<16xi32>], vector<16xi32>,
        %ge3A_269 = arith.constant 8 : i32
        %ge3A_270 = vector.broadcast %ge3A_269 : i32 to vector<16xi32>
        %ge3A_271 = arith.cmpi sge, %iota3A, %ge3A_270 : vector<16xi32>
        %convert_element_type3A_272 = arith.extui %ge3A_271 : vector<16xi1> to vector<16xi32>
        %mul3A_273 = arith.muli %gather3A_268, %convert_element_type3A_272 : vector<16xi32>
        %add3A_274 = arith.addi %add3A_259, %mul3A_273 : vector<16xi32>
        %broadcast_in_dim3A_275 = vector.broadcast %scan3A_129 : i32 to vector<16xi32>
        %sub3A_276 = arith.constant 1 : i32
        %sub3A_277 = vector.broadcast %sub3A_276 : i32 to vector<16xi32>
        %sub3A_278 = arith.subi %broadcast_in_dim3A_275, %sub3A_277 : vector<16xi32>
        %add3A_279 = arith.addi %sub3A_278, %add3A_274 : vector<16xi32>
        %lt3A_280 = arith.cmpi slt, %add3A_279, %broadcast_in_dim3A_14 : vector<16xi32>
        %and3A_281 = arith.andi %eq3A_144, %lt3A_280 : vector<16xi1>
        tpu.vector_store_idx %arg8[%add3A_279], %add3A_137 masked %and3A_281 : memref<544xi32, #tpu.memory_space<vmem>>[vector<16xi32>], vector<16xi32>, vector<16xi1>
        %mul3A_282 = arith.constant 5.120000e+03 : f32
        %mul3A_283 = vector.broadcast %mul3A_282 : f32 to vector<16xf32>
        %mul3A_284 = arith.mulf %get3A_133, %mul3A_283 : vector<16xf32>
        %convert_element_type3A_285 = arith.fptosi %mul3A_284 : vector<16xf32> to vector<16xi32>
        %min3A_286 = arith.constant 511 : i32
        %min3A_287 = vector.broadcast %min3A_286 : i32 to vector<16xi32>
        %min3A_288 = arith.minsi %convert_element_type3A_285, %min3A_287 : vector<16xi32>
        %add3A_289 = arith.addi %mul3A_10, %min3A_288 : vector<16xi32>
        tpu.vector_store_idx %arg11[%add3A_289], %broadcast_in_dim3A_7 masked %and3A {add = true} : memref<8192xi32, #tpu.memory_space<vmem>>[vector<16xi32>], vector<16xi32>, vector<16xi1>
        %reduce_max3A = arith.constant true
        %reduce_max3A_290 = vector.broadcast %reduce_max3A : i1 to vector<16xi1>
        %reduce_max3A_291 = arith.constant -2147483648 : i32
        %reduce_max3A_292 = vector.broadcast %reduce_max3A_291 : i32 to vector<16xi32>
        %reduce_max3A_293 = arith.xori %add3A_204, %reduce_max3A_292 : vector<16xi32>
        %reduce_max3A_294 = tpu.scan <max>, %reduce_max3A_293 masked %reduce_max3A_290 : vector<16xi32>, vector<16xi1> -> vector<16xi32>
        %reduce_max3A_295 = arith.xori %reduce_max3A_294, %reduce_max3A_292 : vector<16xi32>
        %reduce_max3A_296 = vector.extract %reduce_max3A_295[15] : i32 from vector<16xi32>
        %add3A_297 = arith.addi %scan3A_128, %reduce_max3A_296 : i32
        %reduce_max3A_298 = arith.constant true
        %reduce_max3A_299 = vector.broadcast %reduce_max3A_298 : i1 to vector<16xi1>
        %reduce_max3A_300 = arith.constant -2147483648 : i32
        %reduce_max3A_301 = vector.broadcast %reduce_max3A_300 : i32 to vector<16xi32>
        %reduce_max3A_302 = arith.xori %add3A_274, %reduce_max3A_301 : vector<16xi32>
        %reduce_max3A_303 = tpu.scan <max>, %reduce_max3A_302 masked %reduce_max3A_299 : vector<16xi32>, vector<16xi1> -> vector<16xi32>
        %reduce_max3A_304 = arith.xori %reduce_max3A_303, %reduce_max3A_301 : vector<16xi32>
        %reduce_max3A_305 = vector.extract %reduce_max3A_304[15] : i32 from vector<16xi32>
        %add3A_306 = arith.addi %scan3A_129, %reduce_max3A_305 : i32
        scf.yield %add3A_297, %add3A_306 : i32, i32
      }
      %scan3A_55 = arith.constant 1280 : i32
      %swap3A = arith.constant 0 : index
      %swap3A_56 = tpu.vector_load %arg15[%swap3A] {strides = array<i32>} : memref<16xi32, #tpu.memory_space<vmem>>, vector<16xi32>,
      tpu.vector_store %arg15[%swap3A], %broadcast_in_dim3A_5 {strides = array<i32>} : memref<16xi32, #tpu.memory_space<vmem>>, vector<16xi32>,
      %scan3A_57 = arith.constant 0 : i32
      %scan3A_58 = arith.constant 0 : i32
      %scan3A_59 = arith.constant 32 : i32
      %scan3A_60 = arith.addi %scan3A_58, %scan3A_59 : i32
      %scan3A_61 = arith.constant 1 : i32
      %scan3A_62 = scf.for %scan3A_127 = %scan3A_58 to %scan3A_60 step %scan3A_61 iter_args(%scan3A_128 = %scan3A_57) -> (i32)  : i32 {
        %get3A_129 = arith.constant 0 : index
        %get3A_130 = tpu.vector_load %arg15[%get3A_129] {strides = array<i32>} : memref<16xi32, #tpu.memory_space<vmem>>, vector<16xi32>,
        %mul3A_131 = arith.constant 16 : i32
        %mul3A_132 = arith.muli %scan3A_127, %mul3A_131 : i32
        %add3A_133 = arith.constant 0 : i32
        %add3A_134 = arith.addi %add3A_133, %mul3A_132 : i32
        %get3A_135 = arith.index_cast %add3A_134 : i32 to index
        %get3A_136 = tpu.vector_load %arg11[%get3A_135] {strides = array<i32>} : memref<8192xi32, #tpu.memory_space<vmem>>, vector<16xi32>,
        %add3A_137 = arith.addi %get3A_130, %get3A_136 : vector<16xi32>
        %mul3A_138 = arith.constant 16 : i32
        %mul3A_139 = arith.muli %scan3A_127, %mul3A_138 : i32
        %add3A_140 = arith.constant 512 : i32
        %add3A_141 = arith.addi %add3A_140, %mul3A_139 : i32
        %get3A_142 = arith.index_cast %add3A_141 : i32 to index
        %get3A_143 = tpu.vector_load %arg11[%get3A_142] {strides = array<i32>} : memref<8192xi32, #tpu.memory_space<vmem>>, vector<16xi32>,
        %add3A_144 = arith.addi %add3A_137, %get3A_143 : vector<16xi32>
        %mul3A_145 = arith.constant 16 : i32
        %mul3A_146 = arith.muli %scan3A_127, %mul3A_145 : i32
        %add3A_147 = arith.constant 1024 : i32
        %add3A_148 = arith.addi %add3A_147, %mul3A_146 : i32
        %get3A_149 = arith.index_cast %add3A_148 : i32 to index
        %get3A_150 = tpu.vector_load %arg11[%get3A_149] {strides = array<i32>} : memref<8192xi32, #tpu.memory_space<vmem>>, vector<16xi32>,
        %add3A_151 = arith.addi %add3A_144, %get3A_150 : vector<16xi32>
        %mul3A_152 = arith.constant 16 : i32
        %mul3A_153 = arith.muli %scan3A_127, %mul3A_152 : i32
        %add3A_154 = arith.constant 1536 : i32
        %add3A_155 = arith.addi %add3A_154, %mul3A_153 : i32
        %get3A_156 = arith.index_cast %add3A_155 : i32 to index
        %get3A_157 = tpu.vector_load %arg11[%get3A_156] {strides = array<i32>} : memref<8192xi32, #tpu.memory_space<vmem>>, vector<16xi32>,
        %add3A_158 = arith.addi %add3A_151, %get3A_157 : vector<16xi32>
        %mul3A_159 = arith.constant 16 : i32
        %mul3A_160 = arith.muli %scan3A_127, %mul3A_159 : i32
        %add3A_161 = arith.constant 2048 : i32
        %add3A_162 = arith.addi %add3A_161, %mul3A_160 : i32
        %get3A_163 = arith.index_cast %add3A_162 : i32 to index
        %get3A_164 = tpu.vector_load %arg11[%get3A_163] {strides = array<i32>} : memref<8192xi32, #tpu.memory_space<vmem>>, vector<16xi32>,
        %add3A_165 = arith.addi %add3A_158, %get3A_164 : vector<16xi32>
        %mul3A_166 = arith.constant 16 : i32
        %mul3A_167 = arith.muli %scan3A_127, %mul3A_166 : i32
        %add3A_168 = arith.constant 2560 : i32
        %add3A_169 = arith.addi %add3A_168, %mul3A_167 : i32
        %get3A_170 = arith.index_cast %add3A_169 : i32 to index
        %get3A_171 = tpu.vector_load %arg11[%get3A_170] {strides = array<i32>} : memref<8192xi32, #tpu.memory_space<vmem>>, vector<16xi32>,
        %add3A_172 = arith.addi %add3A_165, %get3A_171 : vector<16xi32>
        %mul3A_173 = arith.constant 16 : i32
        %mul3A_174 = arith.muli %scan3A_127, %mul3A_173 : i32
        %add3A_175 = arith.constant 3072 : i32
        %add3A_176 = arith.addi %add3A_175, %mul3A_174 : i32
        %get3A_177 = arith.index_cast %add3A_176 : i32 to index
        %get3A_178 = tpu.vector_load %arg11[%get3A_177] {strides = array<i32>} : memref<8192xi32, #tpu.memory_space<vmem>>, vector<16xi32>,
        %add3A_179 = arith.addi %add3A_172, %get3A_178 : vector<16xi32>
        %mul3A_180 = arith.constant 16 : i32
        %mul3A_181 = arith.muli %scan3A_127, %mul3A_180 : i32
        %add3A_182 = arith.constant 3584 : i32
        %add3A_183 = arith.addi %add3A_182, %mul3A_181 : i32
        %get3A_184 = arith.index_cast %add3A_183 : i32 to index
        %get3A_185 = tpu.vector_load %arg11[%get3A_184] {strides = array<i32>} : memref<8192xi32, #tpu.memory_space<vmem>>, vector<16xi32>,
        %add3A_186 = arith.addi %add3A_179, %get3A_185 : vector<16xi32>
        %mul3A_187 = arith.constant 16 : i32
        %mul3A_188 = arith.muli %scan3A_127, %mul3A_187 : i32
        %add3A_189 = arith.constant 4096 : i32
        %add3A_190 = arith.addi %add3A_189, %mul3A_188 : i32
        %get3A_191 = arith.index_cast %add3A_190 : i32 to index
        %get3A_192 = tpu.vector_load %arg11[%get3A_191] {strides = array<i32>} : memref<8192xi32, #tpu.memory_space<vmem>>, vector<16xi32>,
        %add3A_193 = arith.addi %add3A_186, %get3A_192 : vector<16xi32>
        %mul3A_194 = arith.constant 16 : i32
        %mul3A_195 = arith.muli %scan3A_127, %mul3A_194 : i32
        %add3A_196 = arith.constant 4608 : i32
        %add3A_197 = arith.addi %add3A_196, %mul3A_195 : i32
        %get3A_198 = arith.index_cast %add3A_197 : i32 to index
        %get3A_199 = tpu.vector_load %arg11[%get3A_198] {strides = array<i32>} : memref<8192xi32, #tpu.memory_space<vmem>>, vector<16xi32>,
        %add3A_200 = arith.addi %add3A_193, %get3A_199 : vector<16xi32>
        %mul3A_201 = arith.constant 16 : i32
        %mul3A_202 = arith.muli %scan3A_127, %mul3A_201 : i32
        %add3A_203 = arith.constant 5120 : i32
        %add3A_204 = arith.addi %add3A_203, %mul3A_202 : i32
        %get3A_205 = arith.index_cast %add3A_204 : i32 to index
        %get3A_206 = tpu.vector_load %arg11[%get3A_205] {strides = array<i32>} : memref<8192xi32, #tpu.memory_space<vmem>>, vector<16xi32>,
        %add3A_207 = arith.addi %add3A_200, %get3A_206 : vector<16xi32>
        %mul3A_208 = arith.constant 16 : i32
        %mul3A_209 = arith.muli %scan3A_127, %mul3A_208 : i32
        %add3A_210 = arith.constant 5632 : i32
        %add3A_211 = arith.addi %add3A_210, %mul3A_209 : i32
        %get3A_212 = arith.index_cast %add3A_211 : i32 to index
        %get3A_213 = tpu.vector_load %arg11[%get3A_212] {strides = array<i32>} : memref<8192xi32, #tpu.memory_space<vmem>>, vector<16xi32>,
        %add3A_214 = arith.addi %add3A_207, %get3A_213 : vector<16xi32>
        %mul3A_215 = arith.constant 16 : i32
        %mul3A_216 = arith.muli %scan3A_127, %mul3A_215 : i32
        %add3A_217 = arith.constant 6144 : i32
        %add3A_218 = arith.addi %add3A_217, %mul3A_216 : i32
        %get3A_219 = arith.index_cast %add3A_218 : i32 to index
        %get3A_220 = tpu.vector_load %arg11[%get3A_219] {strides = array<i32>} : memref<8192xi32, #tpu.memory_space<vmem>>, vector<16xi32>,
        %add3A_221 = arith.addi %add3A_214, %get3A_220 : vector<16xi32>
        %mul3A_222 = arith.constant 16 : i32
        %mul3A_223 = arith.muli %scan3A_127, %mul3A_222 : i32
        %add3A_224 = arith.constant 6656 : i32
        %add3A_225 = arith.addi %add3A_224, %mul3A_223 : i32
        %get3A_226 = arith.index_cast %add3A_225 : i32 to index
        %get3A_227 = tpu.vector_load %arg11[%get3A_226] {strides = array<i32>} : memref<8192xi32, #tpu.memory_space<vmem>>, vector<16xi32>,
        %add3A_228 = arith.addi %add3A_221, %get3A_227 : vector<16xi32>
        %mul3A_229 = arith.constant 16 : i32
        %mul3A_230 = arith.muli %scan3A_127, %mul3A_229 : i32
        %add3A_231 = arith.constant 7168 : i32
        %add3A_232 = arith.addi %add3A_231, %mul3A_230 : i32
        %get3A_233 = arith.index_cast %add3A_232 : i32 to index
        %get3A_234 = tpu.vector_load %arg11[%get3A_233] {strides = array<i32>} : memref<8192xi32, #tpu.memory_space<vmem>>, vector<16xi32>,
        %add3A_235 = arith.addi %add3A_228, %get3A_234 : vector<16xi32>
        %mul3A_236 = arith.constant 16 : i32
        %mul3A_237 = arith.muli %scan3A_127, %mul3A_236 : i32
        %add3A_238 = arith.constant 7680 : i32
        %add3A_239 = arith.addi %add3A_238, %mul3A_237 : i32
        %get3A_240 = arith.index_cast %add3A_239 : i32 to index
        %get3A_241 = tpu.vector_load %arg11[%get3A_240] {strides = array<i32>} : memref<8192xi32, #tpu.memory_space<vmem>>, vector<16xi32>,
        %add3A_242 = arith.addi %add3A_235, %get3A_241 : vector<16xi32>
        %swap3A_243 = arith.constant 0 : index
        %swap3A_244 = tpu.vector_load %arg15[%swap3A_243] {strides = array<i32>} : memref<16xi32, #tpu.memory_space<vmem>>, vector<16xi32>,
        tpu.vector_store %arg15[%swap3A_243], %add3A_242 {strides = array<i32>} : memref<16xi32, #tpu.memory_space<vmem>>, vector<16xi32>,
        %scan3A_245 = arith.constant 0 : i32
        scf.yield %scan3A_245 : i32
      }
      %scan3A_63 = arith.constant 32 : i32
      %get3A = arith.constant 0 : index
      %get3A_64 = tpu.vector_load %arg15[%get3A] {strides = array<i32>} : memref<16xi32, #tpu.memory_space<vmem>>, vector<16xi32>,
      %reduce_sum3A = arith.constant true
      %reduce_sum3A_65 = vector.broadcast %reduce_sum3A : i1 to vector<16xi1>
      %reduce_sum3A_66 = tpu.scan <sum>, %get3A_64 masked %reduce_sum3A_65 : vector<16xi32>, vector<16xi1> -> vector<16xi32>
      %reduce_sum3A_67 = vector.extract %reduce_sum3A_66[15] : i32 from vector<16xi32>
      %add3A_68 = arith.addi %scan3A_54#1, %reduce_sum3A_67 : i32
      %min3A = arith.constant 128 : i32
      %min3A_69 = arith.minsi %scan3A_54#0, %min3A : i32
      %sub3A = arith.constant 512 : i32
      %sub3A_70 = arith.subi %sub3A, %min3A_69 : i32
      %min3A_71 = arith.minsi %add3A_68, %sub3A_70 : i32
      %min3A_72 = arith.minsi %min3A_71, %scan3A_54#1 : i32
      %sub3A_73 = arith.subi %min3A_71, %min3A_72 : i32
      %broadcast_in_dim3A_74 = vector.broadcast %min3A_69 : i32 to vector<16xi32>
      %gt3A = arith.constant 0 : i32
      %gt3A_75 = arith.cmpi sgt, %sub3A_73, %gt3A : i32
      %convert_element_type3A_76 = arith.extui %gt3A_75 : i1 to i32
      %cond3A_77 = arith.constant 0 : i32
      %cond3A_78 = arith.cmpi ne, %convert_element_type3A_76, %cond3A_77 : i32
      scf.if %cond3A_78 {
        %broadcast_in_dim3A_127 = vector.broadcast %sub3A_73 : i32 to vector<16xi32>
        %scan3A_128 = arith.constant 0 : i32
        %scan3A_129 = arith.constant -1 : i32
        %scan3A_130 = arith.constant 0 : i32
        %scan3A_131 = arith.constant 32 : i32
        %scan3A_132 = arith.addi %scan3A_130, %scan3A_131 : i32
        %scan3A_133 = arith.constant 1 : i32
        %scan3A_134:2 = scf.for %scan3A_165 = %scan3A_130 to %scan3A_132 step %scan3A_133 iter_args(%scan3A_166 = %scan3A_128, %scan3A_167 = %scan3A_129) -> (i32, i32)  : i32 {
          %mul3A_168 = arith.constant 16 : i32
          %mul3A_169 = arith.muli %scan3A_165, %mul3A_168 : i32
          %add3A_170 = arith.constant 0 : i32
          %add3A_171 = arith.addi %add3A_170, %mul3A_169 : i32
          %get3A_172 = arith.index_cast %add3A_171 : i32 to index
          %get3A_173 = tpu.vector_load %arg11[%get3A_172] {strides = array<i32>} : memref<8192xi32, #tpu.memory_space<vmem>>, vector<16xi32>,
          %add3A_174 = arith.addi %broadcast_in_dim3A_5, %get3A_173 : vector<16xi32>
          %mul3A_175 = arith.constant 16 : i32
          %mul3A_176 = arith.muli %scan3A_165, %mul3A_175 : i32
          %add3A_177 = arith.constant 512 : i32
          %add3A_178 = arith.addi %add3A_177, %mul3A_176 : i32
          %get3A_179 = arith.index_cast %add3A_178 : i32 to index
          %get3A_180 = tpu.vector_load %arg11[%get3A_179] {strides = array<i32>} : memref<8192xi32, #tpu.memory_space<vmem>>, vector<16xi32>,
          %add3A_181 = arith.addi %add3A_174, %get3A_180 : vector<16xi32>
          %mul3A_182 = arith.constant 16 : i32
          %mul3A_183 = arith.muli %scan3A_165, %mul3A_182 : i32
          %add3A_184 = arith.constant 1024 : i32
          %add3A_185 = arith.addi %add3A_184, %mul3A_183 : i32
          %get3A_186 = arith.index_cast %add3A_185 : i32 to index
          %get3A_187 = tpu.vector_load %arg11[%get3A_186] {strides = array<i32>} : memref<8192xi32, #tpu.memory_space<vmem>>, vector<16xi32>,
          %add3A_188 = arith.addi %add3A_181, %get3A_187 : vector<16xi32>
          %mul3A_189 = arith.constant 16 : i32
          %mul3A_190 = arith.muli %scan3A_165, %mul3A_189 : i32
          %add3A_191 = arith.constant 1536 : i32
          %add3A_192 = arith.addi %add3A_191, %mul3A_190 : i32
          %get3A_193 = arith.index_cast %add3A_192 : i32 to index
          %get3A_194 = tpu.vector_load %arg11[%get3A_193] {strides = array<i32>} : memref<8192xi32, #tpu.memory_space<vmem>>, vector<16xi32>,
          %add3A_195 = arith.addi %add3A_188, %get3A_194 : vector<16xi32>
          %mul3A_196 = arith.constant 16 : i32
          %mul3A_197 = arith.muli %scan3A_165, %mul3A_196 : i32
          %add3A_198 = arith.constant 2048 : i32
          %add3A_199 = arith.addi %add3A_198, %mul3A_197 : i32
          %get3A_200 = arith.index_cast %add3A_199 : i32 to index
          %get3A_201 = tpu.vector_load %arg11[%get3A_200] {strides = array<i32>} : memref<8192xi32, #tpu.memory_space<vmem>>, vector<16xi32>,
          %add3A_202 = arith.addi %add3A_195, %get3A_201 : vector<16xi32>
          %mul3A_203 = arith.constant 16 : i32
          %mul3A_204 = arith.muli %scan3A_165, %mul3A_203 : i32
          %add3A_205 = arith.constant 2560 : i32
          %add3A_206 = arith.addi %add3A_205, %mul3A_204 : i32
          %get3A_207 = arith.index_cast %add3A_206 : i32 to index
          %get3A_208 = tpu.vector_load %arg11[%get3A_207] {strides = array<i32>} : memref<8192xi32, #tpu.memory_space<vmem>>, vector<16xi32>,
          %add3A_209 = arith.addi %add3A_202, %get3A_208 : vector<16xi32>
          %mul3A_210 = arith.constant 16 : i32
          %mul3A_211 = arith.muli %scan3A_165, %mul3A_210 : i32
          %add3A_212 = arith.constant 3072 : i32
          %add3A_213 = arith.addi %add3A_212, %mul3A_211 : i32
          %get3A_214 = arith.index_cast %add3A_213 : i32 to index
          %get3A_215 = tpu.vector_load %arg11[%get3A_214] {strides = array<i32>} : memref<8192xi32, #tpu.memory_space<vmem>>, vector<16xi32>,
          %add3A_216 = arith.addi %add3A_209, %get3A_215 : vector<16xi32>
          %mul3A_217 = arith.constant 16 : i32
          %mul3A_218 = arith.muli %scan3A_165, %mul3A_217 : i32
          %add3A_219 = arith.constant 3584 : i32
          %add3A_220 = arith.addi %add3A_219, %mul3A_218 : i32
          %get3A_221 = arith.index_cast %add3A_220 : i32 to index
          %get3A_222 = tpu.vector_load %arg11[%get3A_221] {strides = array<i32>} : memref<8192xi32, #tpu.memory_space<vmem>>, vector<16xi32>,
          %add3A_223 = arith.addi %add3A_216, %get3A_222 : vector<16xi32>
          %mul3A_224 = arith.constant 16 : i32
          %mul3A_225 = arith.muli %scan3A_165, %mul3A_224 : i32
          %add3A_226 = arith.constant 4096 : i32
          %add3A_227 = arith.addi %add3A_226, %mul3A_225 : i32
          %get3A_228 = arith.index_cast %add3A_227 : i32 to index
          %get3A_229 = tpu.vector_load %arg11[%get3A_228] {strides = array<i32>} : memref<8192xi32, #tpu.memory_space<vmem>>, vector<16xi32>,
          %add3A_230 = arith.addi %add3A_223, %get3A_229 : vector<16xi32>
          %mul3A_231 = arith.constant 16 : i32
          %mul3A_232 = arith.muli %scan3A_165, %mul3A_231 : i32
          %add3A_233 = arith.constant 4608 : i32
          %add3A_234 = arith.addi %add3A_233, %mul3A_232 : i32
          %get3A_235 = arith.index_cast %add3A_234 : i32 to index
          %get3A_236 = tpu.vector_load %arg11[%get3A_235] {strides = array<i32>} : memref<8192xi32, #tpu.memory_space<vmem>>, vector<16xi32>,
          %add3A_237 = arith.addi %add3A_230, %get3A_236 : vector<16xi32>
          %mul3A_238 = arith.constant 16 : i32
          %mul3A_239 = arith.muli %scan3A_165, %mul3A_238 : i32
          %add3A_240 = arith.constant 5120 : i32
          %add3A_241 = arith.addi %add3A_240, %mul3A_239 : i32
          %get3A_242 = arith.index_cast %add3A_241 : i32 to index
          %get3A_243 = tpu.vector_load %arg11[%get3A_242] {strides = array<i32>} : memref<8192xi32, #tpu.memory_space<vmem>>, vector<16xi32>,
          %add3A_244 = arith.addi %add3A_237, %get3A_243 : vector<16xi32>
          %mul3A_245 = arith.constant 16 : i32
          %mul3A_246 = arith.muli %scan3A_165, %mul3A_245 : i32
          %add3A_247 = arith.constant 5632 : i32
          %add3A_248 = arith.addi %add3A_247, %mul3A_246 : i32
          %get3A_249 = arith.index_cast %add3A_248 : i32 to index
          %get3A_250 = tpu.vector_load %arg11[%get3A_249] {strides = array<i32>} : memref<8192xi32, #tpu.memory_space<vmem>>, vector<16xi32>,
          %add3A_251 = arith.addi %add3A_244, %get3A_250 : vector<16xi32>
          %mul3A_252 = arith.constant 16 : i32
          %mul3A_253 = arith.muli %scan3A_165, %mul3A_252 : i32
          %add3A_254 = arith.constant 6144 : i32
          %add3A_255 = arith.addi %add3A_254, %mul3A_253 : i32
          %get3A_256 = arith.index_cast %add3A_255 : i32 to index
          %get3A_257 = tpu.vector_load %arg11[%get3A_256] {strides = array<i32>} : memref<8192xi32, #tpu.memory_space<vmem>>, vector<16xi32>,
          %add3A_258 = arith.addi %add3A_251, %get3A_257 : vector<16xi32>
          %mul3A_259 = arith.constant 16 : i32
          %mul3A_260 = arith.muli %scan3A_165, %mul3A_259 : i32
          %add3A_261 = arith.constant 6656 : i32
          %add3A_262 = arith.addi %add3A_261, %mul3A_260 : i32
          %get3A_263 = arith.index_cast %add3A_262 : i32 to index
          %get3A_264 = tpu.vector_load %arg11[%get3A_263] {strides = array<i32>} : memref<8192xi32, #tpu.memory_space<vmem>>, vector<16xi32>,
          %add3A_265 = arith.addi %add3A_258, %get3A_264 : vector<16xi32>
          %mul3A_266 = arith.constant 16 : i32
          %mul3A_267 = arith.muli %scan3A_165, %mul3A_266 : i32
          %add3A_268 = arith.constant 7168 : i32
          %add3A_269 = arith.addi %add3A_268, %mul3A_267 : i32
          %get3A_270 = arith.index_cast %add3A_269 : i32 to index
          %get3A_271 = tpu.vector_load %arg11[%get3A_270] {strides = array<i32>} : memref<8192xi32, #tpu.memory_space<vmem>>, vector<16xi32>,
          %add3A_272 = arith.addi %add3A_265, %get3A_271 : vector<16xi32>
          %mul3A_273 = arith.constant 16 : i32
          %mul3A_274 = arith.muli %scan3A_165, %mul3A_273 : i32
          %add3A_275 = arith.constant 7680 : i32
          %add3A_276 = arith.addi %add3A_275, %mul3A_274 : i32
          %get3A_277 = arith.index_cast %add3A_276 : i32 to index
          %get3A_278 = tpu.vector_load %arg11[%get3A_277] {strides = array<i32>} : memref<8192xi32, #tpu.memory_space<vmem>>, vector<16xi32>,
          %add3A_279 = arith.addi %add3A_272, %get3A_278 : vector<16xi32>
          %swap3A_280 = arith.constant 0 : index
          %swap3A_281 = tpu.vector_load %arg15[%swap3A_280] {strides = array<i32>} : memref<16xi32, #tpu.memory_space<vmem>>, vector<16xi32>,
          tpu.vector_store %arg15[%swap3A_280], %add3A_279 {strides = array<i32>} : memref<16xi32, #tpu.memory_space<vmem>>, vector<16xi32>,
          %sub3A_282 = arith.constant 1 : i32
          %sub3A_283 = vector.broadcast %sub3A_282 : i32 to vector<16xi32>
          %sub3A_284 = arith.subi %iota3A, %sub3A_283 : vector<16xi32>
          %max3A = arith.constant 0 : i32
          %max3A_285 = vector.broadcast %max3A : i32 to vector<16xi32>
          %max3A_286 = arith.maxsi %sub3A_284, %max3A_285 : vector<16xi32>
          %gather3A = tpu.vector_load_idx %arg15[%max3A_286] : memref<16xi32, #tpu.memory_space<vmem>>[vector<16xi32>], vector<16xi32>,
          %ge3A = arith.constant 1 : i32
          %ge3A_287 = vector.broadcast %ge3A : i32 to vector<16xi32>
          %ge3A_288 = arith.cmpi sge, %iota3A, %ge3A_287 : vector<16xi32>
          %convert_element_type3A_289 = arith.extui %ge3A_288 : vector<16xi1> to vector<16xi32>
          %mul3A_290 = arith.muli %gather3A, %convert_element_type3A_289 : vector<16xi32>
          %add3A_291 = arith.addi %add3A_279, %mul3A_290 : vector<16xi32>
          %swap3A_292 = arith.constant 0 : index
          %swap3A_293 = tpu.vector_load %arg15[%swap3A_292] {strides = array<i32>} : memref<16xi32, #tpu.memory_space<vmem>>, vector<16xi32>,
          tpu.vector_store %arg15[%swap3A_292], %add3A_291 {strides = array<i32>} : memref<16xi32, #tpu.memory_space<vmem>>, vector<16xi32>,
          %sub3A_294 = arith.constant 2 : i32
          %sub3A_295 = vector.broadcast %sub3A_294 : i32 to vector<16xi32>
          %sub3A_296 = arith.subi %iota3A, %sub3A_295 : vector<16xi32>
          %max3A_297 = arith.constant 0 : i32
          %max3A_298 = vector.broadcast %max3A_297 : i32 to vector<16xi32>
          %max3A_299 = arith.maxsi %sub3A_296, %max3A_298 : vector<16xi32>
          %gather3A_300 = tpu.vector_load_idx %arg15[%max3A_299] : memref<16xi32, #tpu.memory_space<vmem>>[vector<16xi32>], vector<16xi32>,
          %ge3A_301 = arith.constant 2 : i32
          %ge3A_302 = vector.broadcast %ge3A_301 : i32 to vector<16xi32>
          %ge3A_303 = arith.cmpi sge, %iota3A, %ge3A_302 : vector<16xi32>
          %convert_element_type3A_304 = arith.extui %ge3A_303 : vector<16xi1> to vector<16xi32>
          %mul3A_305 = arith.muli %gather3A_300, %convert_element_type3A_304 : vector<16xi32>
          %add3A_306 = arith.addi %add3A_291, %mul3A_305 : vector<16xi32>
          %swap3A_307 = arith.constant 0 : index
          %swap3A_308 = tpu.vector_load %arg15[%swap3A_307] {strides = array<i32>} : memref<16xi32, #tpu.memory_space<vmem>>, vector<16xi32>,
          tpu.vector_store %arg15[%swap3A_307], %add3A_306 {strides = array<i32>} : memref<16xi32, #tpu.memory_space<vmem>>, vector<16xi32>,
          %sub3A_309 = arith.constant 4 : i32
          %sub3A_310 = vector.broadcast %sub3A_309 : i32 to vector<16xi32>
          %sub3A_311 = arith.subi %iota3A, %sub3A_310 : vector<16xi32>
          %max3A_312 = arith.constant 0 : i32
          %max3A_313 = vector.broadcast %max3A_312 : i32 to vector<16xi32>
          %max3A_314 = arith.maxsi %sub3A_311, %max3A_313 : vector<16xi32>
          %gather3A_315 = tpu.vector_load_idx %arg15[%max3A_314] : memref<16xi32, #tpu.memory_space<vmem>>[vector<16xi32>], vector<16xi32>,
          %ge3A_316 = arith.constant 4 : i32
          %ge3A_317 = vector.broadcast %ge3A_316 : i32 to vector<16xi32>
          %ge3A_318 = arith.cmpi sge, %iota3A, %ge3A_317 : vector<16xi32>
          %convert_element_type3A_319 = arith.extui %ge3A_318 : vector<16xi1> to vector<16xi32>
          %mul3A_320 = arith.muli %gather3A_315, %convert_element_type3A_319 : vector<16xi32>
          %add3A_321 = arith.addi %add3A_306, %mul3A_320 : vector<16xi32>
          %swap3A_322 = arith.constant 0 : index
          %swap3A_323 = tpu.vector_load %arg15[%swap3A_322] {strides = array<i32>} : memref<16xi32, #tpu.memory_space<vmem>>, vector<16xi32>,
          tpu.vector_store %arg15[%swap3A_322], %add3A_321 {strides = array<i32>} : memref<16xi32, #tpu.memory_space<vmem>>, vector<16xi32>,
          %sub3A_324 = arith.constant 8 : i32
          %sub3A_325 = vector.broadcast %sub3A_324 : i32 to vector<16xi32>
          %sub3A_326 = arith.subi %iota3A, %sub3A_325 : vector<16xi32>
          %max3A_327 = arith.constant 0 : i32
          %max3A_328 = vector.broadcast %max3A_327 : i32 to vector<16xi32>
          %max3A_329 = arith.maxsi %sub3A_326, %max3A_328 : vector<16xi32>
          %gather3A_330 = tpu.vector_load_idx %arg15[%max3A_329] : memref<16xi32, #tpu.memory_space<vmem>>[vector<16xi32>], vector<16xi32>,
          %ge3A_331 = arith.constant 8 : i32
          %ge3A_332 = vector.broadcast %ge3A_331 : i32 to vector<16xi32>
          %ge3A_333 = arith.cmpi sge, %iota3A, %ge3A_332 : vector<16xi32>
          %convert_element_type3A_334 = arith.extui %ge3A_333 : vector<16xi1> to vector<16xi32>
          %mul3A_335 = arith.muli %gather3A_330, %convert_element_type3A_334 : vector<16xi32>
          %add3A_336 = arith.addi %add3A_321, %mul3A_335 : vector<16xi32>
          %broadcast_in_dim3A_337 = vector.broadcast %scan3A_166 : i32 to vector<16xi32>
          %add3A_338 = arith.addi %add3A_336, %broadcast_in_dim3A_337 : vector<16xi32>
          %ge3A_339 = arith.cmpi sge, %add3A_338, %broadcast_in_dim3A_127 : vector<16xi32>
          %all_reduce_population_count3A = tpu.all_reduce %ge3A_339 {dim = 0 : i64, kind = #tpu.reduction_kind<sum>} : vector<16xi1> -> vector<16xi32>
          %reduce_max3A = arith.constant true
          %reduce_max3A_340 = vector.broadcast %reduce_max3A : i1 to vector<16xi1>
          %reduce_max3A_341 = arith.constant -2147483648 : i32
          %reduce_max3A_342 = vector.broadcast %reduce_max3A_341 : i32 to vector<16xi32>
          %reduce_max3A_343 = arith.xori %all_reduce_population_count3A, %reduce_max3A_342 : vector<16xi32>
          %reduce_max3A_344 = tpu.scan <max>, %reduce_max3A_343 masked %reduce_max3A_340 : vector<16xi32>, vector<16xi1> -> vector<16xi32>
          %reduce_max3A_345 = arith.xori %reduce_max3A_344, %reduce_max3A_342 : vector<16xi32>
          %reduce_max3A_346 = vector.extract %reduce_max3A_345[15] : i32 from vector<16xi32>
          %mul3A_347 = arith.constant 16 : i32
          %mul3A_348 = arith.muli %scan3A_165, %mul3A_347 : i32
          %sub3A_349 = arith.constant 16 : i32
          %sub3A_350 = arith.subi %sub3A_349, %reduce_max3A_346 : i32
          %add3A_351 = arith.addi %mul3A_348, %sub3A_350 : i32
          %lt3A_352 = arith.constant 0 : i32
          %lt3A_353 = arith.cmpi slt, %scan3A_167, %lt3A_352 : i32
          %gt3A_354 = arith.constant 0 : i32
          %gt3A_355 = arith.cmpi sgt, %reduce_max3A_346, %gt3A_354 : i32
          %and3A = arith.andi %lt3A_353, %gt3A_355 : i1
          %select_n3A = arith.select %and3A, %add3A_351, %scan3A_167 : i32
          %reduce_max3A_356 = arith.constant true
          %reduce_max3A_357 = vector.broadcast %reduce_max3A_356 : i1 to vector<16xi1>
          %reduce_max3A_358 = arith.constant -2147483648 : i32
          %reduce_max3A_359 = vector.broadcast %reduce_max3A_358 : i32 to vector<16xi32>
          %reduce_max3A_360 = arith.xori %add3A_338, %reduce_max3A_359 : vector<16xi32>
          %reduce_max3A_361 = tpu.scan <max>, %reduce_max3A_360 masked %reduce_max3A_357 : vector<16xi32>, vector<16xi1> -> vector<16xi32>
          %reduce_max3A_362 = arith.xori %reduce_max3A_361, %reduce_max3A_359 : vector<16xi32>
          %reduce_max3A_363 = vector.extract %reduce_max3A_362[15] : i32 from vector<16xi32>
          scf.yield %reduce_max3A_363, %select_n3A : i32, i32
        }
        %scan3A_135 = arith.constant 32 : i32
        %broadcast_in_dim3A_136 = vector.broadcast %scan3A_134#1 : i32 to vector<16xi32>
        %scan3A_137 = arith.constant 0 : i32
        %scan3A_138 = arith.constant 0 : i32
        %scan3A_139 = arith.constant 1280 : i32
        %scan3A_140 = arith.addi %scan3A_138, %scan3A_139 : i32
        %scan3A_141 = arith.constant 1 : i32
        %scan3A_142 = scf.for %scan3A_165 = %scan3A_138 to %scan3A_140 step %scan3A_141 iter_args(%scan3A_166 = %scan3A_137) -> (i32)  : i32 {
          %mul3A_167 = arith.constant 16 : i32
          %mul3A_168 = arith.muli %scan3A_165, %mul3A_167 : i32
          %get3A_169 = arith.index_cast %mul3A_168 : i32 to index
          %get3A_170 = tpu.vector_load %arg5[%get3A_169] {strides = array<i32>} : memref<20480xf32, #tpu.memory_space<vmem>>, vector<16xf32>,
          %mul3A_171 = arith.constant 16 : i32
          %mul3A_172 = arith.muli %scan3A_165, %mul3A_171 : i32
          %add3A_173 = vector.broadcast %mul3A_172 : i32 to vector<16xi32>
          %add3A_174 = arith.addi %iota3A, %add3A_173 : vector<16xi32>
          %lt3A_175 = arith.constant 1.000000e-01 : f32
          %lt3A_176 = vector.broadcast %lt3A_175 : f32 to vector<16xf32>
          %lt3A_177 = arith.cmpf olt, %get3A_170, %lt3A_176 : vector<16xf32>
          %eq3A = arith.constant 0.000000e+00 : f32
          %eq3A_178 = vector.broadcast %eq3A : f32 to vector<16xf32>
          %eq3A_179 = arith.cmpf oeq, %get3A_170, %eq3A_178 : vector<16xf32>
          %not3A = arith.constant dense<true> : vector<16xi1>
          %not3A_180 = arith.xori %eq3A_179, %not3A : vector<16xi1>
          %and3A = arith.andi %lt3A_177, %not3A_180 : vector<16xi1>
          %mul3A_181 = arith.constant 5.120000e+03 : f32
          %mul3A_182 = vector.broadcast %mul3A_181 : f32 to vector<16xf32>
          %mul3A_183 = arith.mulf %get3A_170, %mul3A_182 : vector<16xf32>
          %convert_element_type3A_184 = arith.fptosi %mul3A_183 : vector<16xf32> to vector<16xi32>
          %min3A_185 = arith.constant 511 : i32
          %min3A_186 = vector.broadcast %min3A_185 : i32 to vector<16xi32>
          %min3A_187 = arith.minsi %convert_element_type3A_184, %min3A_186 : vector<16xi32>
          %le3A = arith.cmpi sle, %min3A_187, %broadcast_in_dim3A_136 : vector<16xi32>
          %and3A_188 = arith.andi %and3A, %le3A : vector<16xi1>
          %convert_element_type3A_189 = arith.extui %and3A_188 : vector<16xi1> to vector<16xi32>
          %swap3A_190 = arith.constant 0 : index
          %swap3A_191 = tpu.vector_load %arg15[%swap3A_190] {strides = array<i32>} : memref<16xi32, #tpu.memory_space<vmem>>, vector<16xi32>,
          tpu.vector_store %arg15[%swap3A_190], %convert_element_type3A_189 {strides = array<i32>} : memref<16xi32, #tpu.memory_space<vmem>>, vector<16xi32>,
          %sub3A_192 = arith.constant 1 : i32
          %sub3A_193 = vector.broadcast %sub3A_192 : i32 to vector<16xi32>
          %sub3A_194 = arith.subi %iota3A, %sub3A_193 : vector<16xi32>
          %max3A = arith.constant 0 : i32
          %max3A_195 = vector.broadcast %max3A : i32 to vector<16xi32>
          %max3A_196 = arith.maxsi %sub3A_194, %max3A_195 : vector<16xi32>
          %gather3A = tpu.vector_load_idx %arg15[%max3A_196] : memref<16xi32, #tpu.memory_space<vmem>>[vector<16xi32>], vector<16xi32>,
          %ge3A = arith.constant 1 : i32
          %ge3A_197 = vector.broadcast %ge3A : i32 to vector<16xi32>
          %ge3A_198 = arith.cmpi sge, %iota3A, %ge3A_197 : vector<16xi32>
          %convert_element_type3A_199 = arith.extui %ge3A_198 : vector<16xi1> to vector<16xi32>
          %mul3A_200 = arith.muli %gather3A, %convert_element_type3A_199 : vector<16xi32>
          %add3A_201 = arith.addi %convert_element_type3A_189, %mul3A_200 : vector<16xi32>
          %swap3A_202 = arith.constant 0 : index
          %swap3A_203 = tpu.vector_load %arg15[%swap3A_202] {strides = array<i32>} : memref<16xi32, #tpu.memory_space<vmem>>, vector<16xi32>,
          tpu.vector_store %arg15[%swap3A_202], %add3A_201 {strides = array<i32>} : memref<16xi32, #tpu.memory_space<vmem>>, vector<16xi32>,
          %sub3A_204 = arith.constant 2 : i32
          %sub3A_205 = vector.broadcast %sub3A_204 : i32 to vector<16xi32>
          %sub3A_206 = arith.subi %iota3A, %sub3A_205 : vector<16xi32>
          %max3A_207 = arith.constant 0 : i32
          %max3A_208 = vector.broadcast %max3A_207 : i32 to vector<16xi32>
          %max3A_209 = arith.maxsi %sub3A_206, %max3A_208 : vector<16xi32>
          %gather3A_210 = tpu.vector_load_idx %arg15[%max3A_209] : memref<16xi32, #tpu.memory_space<vmem>>[vector<16xi32>], vector<16xi32>,
          %ge3A_211 = arith.constant 2 : i32
          %ge3A_212 = vector.broadcast %ge3A_211 : i32 to vector<16xi32>
          %ge3A_213 = arith.cmpi sge, %iota3A, %ge3A_212 : vector<16xi32>
          %convert_element_type3A_214 = arith.extui %ge3A_213 : vector<16xi1> to vector<16xi32>
          %mul3A_215 = arith.muli %gather3A_210, %convert_element_type3A_214 : vector<16xi32>
          %add3A_216 = arith.addi %add3A_201, %mul3A_215 : vector<16xi32>
          %swap3A_217 = arith.constant 0 : index
          %swap3A_218 = tpu.vector_load %arg15[%swap3A_217] {strides = array<i32>} : memref<16xi32, #tpu.memory_space<vmem>>, vector<16xi32>,
          tpu.vector_store %arg15[%swap3A_217], %add3A_216 {strides = array<i32>} : memref<16xi32, #tpu.memory_space<vmem>>, vector<16xi32>,
          %sub3A_219 = arith.constant 4 : i32
          %sub3A_220 = vector.broadcast %sub3A_219 : i32 to vector<16xi32>
          %sub3A_221 = arith.subi %iota3A, %sub3A_220 : vector<16xi32>
          %max3A_222 = arith.constant 0 : i32
          %max3A_223 = vector.broadcast %max3A_222 : i32 to vector<16xi32>
          %max3A_224 = arith.maxsi %sub3A_221, %max3A_223 : vector<16xi32>
          %gather3A_225 = tpu.vector_load_idx %arg15[%max3A_224] : memref<16xi32, #tpu.memory_space<vmem>>[vector<16xi32>], vector<16xi32>,
          %ge3A_226 = arith.constant 4 : i32
          %ge3A_227 = vector.broadcast %ge3A_226 : i32 to vector<16xi32>
          %ge3A_228 = arith.cmpi sge, %iota3A, %ge3A_227 : vector<16xi32>
          %convert_element_type3A_229 = arith.extui %ge3A_228 : vector<16xi1> to vector<16xi32>
          %mul3A_230 = arith.muli %gather3A_225, %convert_element_type3A_229 : vector<16xi32>
          %add3A_231 = arith.addi %add3A_216, %mul3A_230 : vector<16xi32>
          %swap3A_232 = arith.constant 0 : index
          %swap3A_233 = tpu.vector_load %arg15[%swap3A_232] {strides = array<i32>} : memref<16xi32, #tpu.memory_space<vmem>>, vector<16xi32>,
          tpu.vector_store %arg15[%swap3A_232], %add3A_231 {strides = array<i32>} : memref<16xi32, #tpu.memory_space<vmem>>, vector<16xi32>,
          %sub3A_234 = arith.constant 8 : i32
          %sub3A_235 = vector.broadcast %sub3A_234 : i32 to vector<16xi32>
          %sub3A_236 = arith.subi %iota3A, %sub3A_235 : vector<16xi32>
          %max3A_237 = arith.constant 0 : i32
          %max3A_238 = vector.broadcast %max3A_237 : i32 to vector<16xi32>
          %max3A_239 = arith.maxsi %sub3A_236, %max3A_238 : vector<16xi32>
          %gather3A_240 = tpu.vector_load_idx %arg15[%max3A_239] : memref<16xi32, #tpu.memory_space<vmem>>[vector<16xi32>], vector<16xi32>,
          %ge3A_241 = arith.constant 8 : i32
          %ge3A_242 = vector.broadcast %ge3A_241 : i32 to vector<16xi32>
          %ge3A_243 = arith.cmpi sge, %iota3A, %ge3A_242 : vector<16xi32>
          %convert_element_type3A_244 = arith.extui %ge3A_243 : vector<16xi1> to vector<16xi32>
          %mul3A_245 = arith.muli %gather3A_240, %convert_element_type3A_244 : vector<16xi32>
          %add3A_246 = arith.addi %add3A_231, %mul3A_245 : vector<16xi32>
          %broadcast_in_dim3A_247 = vector.broadcast %scan3A_166 : i32 to vector<16xi32>
          %sub3A_248 = arith.constant 1 : i32
          %sub3A_249 = vector.broadcast %sub3A_248 : i32 to vector<16xi32>
          %sub3A_250 = arith.subi %broadcast_in_dim3A_247, %sub3A_249 : vector<16xi32>
          %add3A_251 = arith.addi %sub3A_250, %add3A_246 : vector<16xi32>
          %lt3A_252 = arith.cmpi slt, %add3A_251, %broadcast_in_dim3A_16 : vector<16xi32>
          %and3A_253 = arith.andi %and3A_188, %lt3A_252 : vector<16xi1>
          tpu.vector_store_idx %arg9[%add3A_251], %get3A_170 masked %and3A_253 : memref<3072xf32, #tpu.memory_space<vmem>>[vector<16xi32>], vector<16xf32>, vector<16xi1>
          %lt3A_254 = arith.cmpi slt, %add3A_251, %broadcast_in_dim3A_16 : vector<16xi32>
          %and3A_255 = arith.andi %and3A_188, %lt3A_254 : vector<16xi1>
          tpu.vector_store_idx %arg10[%add3A_251], %add3A_174 masked %and3A_255 : memref<3072xi32, #tpu.memory_space<vmem>>[vector<16xi32>], vector<16xi32>, vector<16xi1>
          %reduce_max3A = arith.constant true
          %reduce_max3A_256 = vector.broadcast %reduce_max3A : i1 to vector<16xi1>
          %reduce_max3A_257 = arith.constant -2147483648 : i32
          %reduce_max3A_258 = vector.broadcast %reduce_max3A_257 : i32 to vector<16xi32>
          %reduce_max3A_259 = arith.xori %add3A_246, %reduce_max3A_258 : vector<16xi32>
          %reduce_max3A_260 = tpu.scan <max>, %reduce_max3A_259 masked %reduce_max3A_256 : vector<16xi32>, vector<16xi1> -> vector<16xi32>
          %reduce_max3A_261 = arith.xori %reduce_max3A_260, %reduce_max3A_258 : vector<16xi32>
          %reduce_max3A_262 = vector.extract %reduce_max3A_261[15] : i32 from vector<16xi32>
          %add3A_263 = arith.addi %scan3A_166, %reduce_max3A_262 : i32
          scf.yield %add3A_263 : i32
        }
        %scan3A_143 = arith.constant 1280 : i32
        %min3A_144 = arith.constant 3072 : i32
        %min3A_145 = arith.minsi %scan3A_142, %min3A_144 : i32
        %add3A_146 = arith.constant 15 : i32
        %add3A_147 = arith.addi %min3A_145, %add3A_146 : i32
        %shift_right_logical3A_148 = arith.constant 4 : i32
        %shift_right_logical3A_149 = arith.shrui %add3A_147, %shift_right_logical3A_148 : i32
        %broadcast_in_dim3A_150 = vector.broadcast %min3A_72 : i32 to vector<16xi32>
        %broadcast_in_dim3A_151 = vector.broadcast %sub3A_73 : i32 to vector<16xi32>
        %broadcast_in_dim3A_152 = vector.broadcast %min3A_145 : i32 to vector<16xi32>
        %while3A_153 = arith.constant 0 : i32
        %while3A_154 = arith.constant 0 : i32
        %while3A_155 = arith.subi %shift_right_logical3A_149, %while3A_153 : i32
        %while3A_156 = arith.addi %while3A_153, %while3A_155 : i32
        %while3A_157 = arith.constant 1 : i32
        %while3A_158 = arith.divsi %while3A_155, %while3A_157 : i32
        %while3A_159 = arith.muli %while3A_158, %while3A_157 : i32
        %while3A_160 = arith.addi %while3A_153, %while3A_159 : i32
        %while3A_161 = arith.constant 1 : i32
        %while3A_162 = scf.for %while3A_165 = %while3A_153 to %while3A_160 step %while3A_161 iter_args(%while3A_166 = %while3A_154) -> (i32)  : i32 {
          %mul3A_167 = arith.constant 16 : i32
          %mul3A_168 = arith.muli %while3A_165, %mul3A_167 : i32
          %get3A_169 = arith.index_cast %mul3A_168 : i32 to index
          %get3A_170 = tpu.vector_load %arg9[%get3A_169] {strides = array<i32>} : memref<3072xf32, #tpu.memory_space<vmem>>, vector<16xf32>,
          %mul3A_171 = arith.constant 16 : i32
          %mul3A_172 = arith.muli %while3A_165, %mul3A_171 : i32
          %get3A_173 = arith.index_cast %mul3A_172 : i32 to index
          %get3A_174 = tpu.vector_load %arg10[%get3A_173] {strides = array<i32>} : memref<3072xi32, #tpu.memory_space<vmem>>, vector<16xi32>,
          %swap3A_175 = arith.constant 0 : index
          %swap3A_176 = tpu.vector_load %arg16[%swap3A_175] {strides = array<i32>} : memref<16xi32, #tpu.memory_space<vmem>>, vector<16xi32>,
          tpu.vector_store %arg16[%swap3A_175], %broadcast_in_dim3A_5 {strides = array<i32>} : memref<16xi32, #tpu.memory_space<vmem>>, vector<16xi32>,
          %while3A_177 = arith.constant 0 : i32
          %while3A_178 = arith.constant 0 : i32
          %while3A_179 = arith.subi %shift_right_logical3A_149, %while3A_177 : i32
          %while3A_180 = arith.addi %while3A_177, %while3A_179 : i32
          %while3A_181 = arith.constant 1 : i32
          %while3A_182 = arith.divsi %while3A_179, %while3A_181 : i32
          %while3A_183 = arith.muli %while3A_182, %while3A_181 : i32
          %while3A_184 = arith.addi %while3A_177, %while3A_183 : i32
          %while3A_185 = arith.constant 1 : i32
          %while3A_186 = scf.for %while3A_200 = %while3A_177 to %while3A_184 step %while3A_185 iter_args(%while3A_201 = %while3A_178) -> (i32)  : i32 {
            %get3A_202 = arith.constant 0 : index
            %get3A_203 = tpu.vector_load %arg16[%get3A_202] {strides = array<i32>} : memref<16xi32, #tpu.memory_space<vmem>>, vector<16xi32>,
            %add3A_204 = arith.constant 0 : i32
            %add3A_205 = vector.broadcast %add3A_204 : i32 to vector<16xi32>
            %add3A_206 = arith.addi %iota3A, %add3A_205 : vector<16xi32>
            %and3A_207 = arith.constant 15 : i32
            %and3A_208 = vector.broadcast %and3A_207 : i32 to vector<16xi32>
            %and3A_209 = arith.andi %add3A_206, %and3A_208 : vector<16xi32>
            %mul3A_210 = arith.constant 16 : i32
            %mul3A_211 = arith.muli %while3A_200, %mul3A_210 : i32
            %add3A_212 = vector.broadcast %mul3A_211 : i32 to vector<16xi32>
            %add3A_213 = arith.addi %add3A_212, %and3A_209 : vector<16xi32>
            %gather3A = tpu.vector_load_idx %arg9[%add3A_213] : memref<3072xf32, #tpu.memory_space<vmem>>[vector<16xi32>], vector<16xf32>,
            %mul3A_214 = arith.constant 16 : i32
            %mul3A_215 = arith.muli %while3A_200, %mul3A_214 : i32
            %add3A_216 = vector.broadcast %mul3A_215 : i32 to vector<16xi32>
            %add3A_217 = arith.addi %add3A_216, %and3A_209 : vector<16xi32>
            %gather3A_218 = tpu.vector_load_idx %arg10[%add3A_217] : memref<3072xi32, #tpu.memory_space<vmem>>[vector<16xi32>], vector<16xi32>,
            %lt3A_219 = arith.cmpf olt, %gather3A, %get3A_170 : vector<16xf32>
            %eq3A = arith.cmpf oeq, %gather3A, %get3A_170 : vector<16xf32>
            %lt3A_220 = arith.cmpi slt, %gather3A_218, %get3A_174 : vector<16xi32>
            %and3A_221 = arith.andi %eq3A, %lt3A_220 : vector<16xi1>
            %or3A = arith.ori %lt3A_219, %and3A_221 : vector<16xi1>
            %convert_element_type3A_222 = arith.extui %or3A : vector<16xi1> to vector<16xi32>
            %add3A_223 = arith.addi %get3A_203, %convert_element_type3A_222 : vector<16xi32>
            %add3A_224 = arith.constant 1 : i32
            %add3A_225 = vector.broadcast %add3A_224 : i32 to vector<16xi32>
            %add3A_226 = arith.addi %iota3A, %add3A_225 : vector<16xi32>
            %and3A_227 = arith.constant 15 : i32
            %and3A_228 = vector.broadcast %and3A_227 : i32 to vector<16xi32>
            %and3A_229 = arith.andi %add3A_226, %and3A_228 : vector<16xi32>
            %mul3A_230 = arith.constant 16 : i32
            %mul3A_231 = arith.muli %while3A_200, %mul3A_230 : i32
            %add3A_232 = vector.broadcast %mul3A_231 : i32 to vector<16xi32>
            %add3A_233 = arith.addi %add3A_232, %and3A_229 : vector<16xi32>
            %gather3A_234 = tpu.vector_load_idx %arg9[%add3A_233] : memref<3072xf32, #tpu.memory_space<vmem>>[vector<16xi32>], vector<16xf32>,
            %mul3A_235 = arith.constant 16 : i32
            %mul3A_236 = arith.muli %while3A_200, %mul3A_235 : i32
            %add3A_237 = vector.broadcast %mul3A_236 : i32 to vector<16xi32>
            %add3A_238 = arith.addi %add3A_237, %and3A_229 : vector<16xi32>
            %gather3A_239 = tpu.vector_load_idx %arg10[%add3A_238] : memref<3072xi32, #tpu.memory_space<vmem>>[vector<16xi32>], vector<16xi32>,
            %lt3A_240 = arith.cmpf olt, %gather3A_234, %get3A_170 : vector<16xf32>
            %eq3A_241 = arith.cmpf oeq, %gather3A_234, %get3A_170 : vector<16xf32>
            %lt3A_242 = arith.cmpi slt, %gather3A_239, %get3A_174 : vector<16xi32>
            %and3A_243 = arith.andi %eq3A_241, %lt3A_242 : vector<16xi1>
            %or3A_244 = arith.ori %lt3A_240, %and3A_243 : vector<16xi1>
            %convert_element_type3A_245 = arith.extui %or3A_244 : vector<16xi1> to vector<16xi32>
            %add3A_246 = arith.addi %add3A_223, %convert_element_type3A_245 : vector<16xi32>
            %add3A_247 = arith.constant 2 : i32
            %add3A_248 = vector.broadcast %add3A_247 : i32 to vector<16xi32>
            %add3A_249 = arith.addi %iota3A, %add3A_248 : vector<16xi32>
            %and3A_250 = arith.constant 15 : i32
            %and3A_251 = vector.broadcast %and3A_250 : i32 to vector<16xi32>
            %and3A_252 = arith.andi %add3A_249, %and3A_251 : vector<16xi32>
            %mul3A_253 = arith.constant 16 : i32
            %mul3A_254 = arith.muli %while3A_200, %mul3A_253 : i32
            %add3A_255 = vector.broadcast %mul3A_254 : i32 to vector<16xi32>
            %add3A_256 = arith.addi %add3A_255, %and3A_252 : vector<16xi32>
            %gather3A_257 = tpu.vector_load_idx %arg9[%add3A_256] : memref<3072xf32, #tpu.memory_space<vmem>>[vector<16xi32>], vector<16xf32>,
            %mul3A_258 = arith.constant 16 : i32
            %mul3A_259 = arith.muli %while3A_200, %mul3A_258 : i32
            %add3A_260 = vector.broadcast %mul3A_259 : i32 to vector<16xi32>
            %add3A_261 = arith.addi %add3A_260, %and3A_252 : vector<16xi32>
            %gather3A_262 = tpu.vector_load_idx %arg10[%add3A_261] : memref<3072xi32, #tpu.memory_space<vmem>>[vector<16xi32>], vector<16xi32>,
            %lt3A_263 = arith.cmpf olt, %gather3A_257, %get3A_170 : vector<16xf32>
            %eq3A_264 = arith.cmpf oeq, %gather3A_257, %get3A_170 : vector<16xf32>
            %lt3A_265 = arith.cmpi slt, %gather3A_262, %get3A_174 : vector<16xi32>
            %and3A_266 = arith.andi %eq3A_264, %lt3A_265 : vector<16xi1>
            %or3A_267 = arith.ori %lt3A_263, %and3A_266 : vector<16xi1>
            %convert_element_type3A_268 = arith.extui %or3A_267 : vector<16xi1> to vector<16xi32>
            %add3A_269 = arith.addi %add3A_246, %convert_element_type3A_268 : vector<16xi32>
            %add3A_270 = arith.constant 3 : i32
            %add3A_271 = vector.broadcast %add3A_270 : i32 to vector<16xi32>
            %add3A_272 = arith.addi %iota3A, %add3A_271 : vector<16xi32>
            %and3A_273 = arith.constant 15 : i32
            %and3A_274 = vector.broadcast %and3A_273 : i32 to vector<16xi32>
            %and3A_275 = arith.andi %add3A_272, %and3A_274 : vector<16xi32>
            %mul3A_276 = arith.constant 16 : i32
            %mul3A_277 = arith.muli %while3A_200, %mul3A_276 : i32
            %add3A_278 = vector.broadcast %mul3A_277 : i32 to vector<16xi32>
            %add3A_279 = arith.addi %add3A_278, %and3A_275 : vector<16xi32>
            %gather3A_280 = tpu.vector_load_idx %arg9[%add3A_279] : memref<3072xf32, #tpu.memory_space<vmem>>[vector<16xi32>], vector<16xf32>,
            %mul3A_281 = arith.constant 16 : i32
            %mul3A_282 = arith.muli %while3A_200, %mul3A_281 : i32
            %add3A_283 = vector.broadcast %mul3A_282 : i32 to vector<16xi32>
            %add3A_284 = arith.addi %add3A_283, %and3A_275 : vector<16xi32>
            %gather3A_285 = tpu.vector_load_idx %arg10[%add3A_284] : memref<3072xi32, #tpu.memory_space<vmem>>[vector<16xi32>], vector<16xi32>,
            %lt3A_286 = arith.cmpf olt, %gather3A_280, %get3A_170 : vector<16xf32>
            %eq3A_287 = arith.cmpf oeq, %gather3A_280, %get3A_170 : vector<16xf32>
            %lt3A_288 = arith.cmpi slt, %gather3A_285, %get3A_174 : vector<16xi32>
            %and3A_289 = arith.andi %eq3A_287, %lt3A_288 : vector<16xi1>
            %or3A_290 = arith.ori %lt3A_286, %and3A_289 : vector<16xi1>
            %convert_element_type3A_291 = arith.extui %or3A_290 : vector<16xi1> to vector<16xi32>
            %add3A_292 = arith.addi %add3A_269, %convert_element_type3A_291 : vector<16xi32>
            %add3A_293 = arith.constant 4 : i32
            %add3A_294 = vector.broadcast %add3A_293 : i32 to vector<16xi32>
            %add3A_295 = arith.addi %iota3A, %add3A_294 : vector<16xi32>
            %and3A_296 = arith.constant 15 : i32
            %and3A_297 = vector.broadcast %and3A_296 : i32 to vector<16xi32>
            %and3A_298 = arith.andi %add3A_295, %and3A_297 : vector<16xi32>
            %mul3A_299 = arith.constant 16 : i32
            %mul3A_300 = arith.muli %while3A_200, %mul3A_299 : i32
            %add3A_301 = vector.broadcast %mul3A_300 : i32 to vector<16xi32>
            %add3A_302 = arith.addi %add3A_301, %and3A_298 : vector<16xi32>
            %gather3A_303 = tpu.vector_load_idx %arg9[%add3A_302] : memref<3072xf32, #tpu.memory_space<vmem>>[vector<16xi32>], vector<16xf32>,
            %mul3A_304 = arith.constant 16 : i32
            %mul3A_305 = arith.muli %while3A_200, %mul3A_304 : i32
            %add3A_306 = vector.broadcast %mul3A_305 : i32 to vector<16xi32>
            %add3A_307 = arith.addi %add3A_306, %and3A_298 : vector<16xi32>
            %gather3A_308 = tpu.vector_load_idx %arg10[%add3A_307] : memref<3072xi32, #tpu.memory_space<vmem>>[vector<16xi32>], vector<16xi32>,
            %lt3A_309 = arith.cmpf olt, %gather3A_303, %get3A_170 : vector<16xf32>
            %eq3A_310 = arith.cmpf oeq, %gather3A_303, %get3A_170 : vector<16xf32>
            %lt3A_311 = arith.cmpi slt, %gather3A_308, %get3A_174 : vector<16xi32>
            %and3A_312 = arith.andi %eq3A_310, %lt3A_311 : vector<16xi1>
            %or3A_313 = arith.ori %lt3A_309, %and3A_312 : vector<16xi1>
            %convert_element_type3A_314 = arith.extui %or3A_313 : vector<16xi1> to vector<16xi32>
            %add3A_315 = arith.addi %add3A_292, %convert_element_type3A_314 : vector<16xi32>
            %add3A_316 = arith.constant 5 : i32
            %add3A_317 = vector.broadcast %add3A_316 : i32 to vector<16xi32>
            %add3A_318 = arith.addi %iota3A, %add3A_317 : vector<16xi32>
            %and3A_319 = arith.constant 15 : i32
            %and3A_320 = vector.broadcast %and3A_319 : i32 to vector<16xi32>
            %and3A_321 = arith.andi %add3A_318, %and3A_320 : vector<16xi32>
            %mul3A_322 = arith.constant 16 : i32
            %mul3A_323 = arith.muli %while3A_200, %mul3A_322 : i32
            %add3A_324 = vector.broadcast %mul3A_323 : i32 to vector<16xi32>
            %add3A_325 = arith.addi %add3A_324, %and3A_321 : vector<16xi32>
            %gather3A_326 = tpu.vector_load_idx %arg9[%add3A_325] : memref<3072xf32, #tpu.memory_space<vmem>>[vector<16xi32>], vector<16xf32>,
            %mul3A_327 = arith.constant 16 : i32
            %mul3A_328 = arith.muli %while3A_200, %mul3A_327 : i32
            %add3A_329 = vector.broadcast %mul3A_328 : i32 to vector<16xi32>
            %add3A_330 = arith.addi %add3A_329, %and3A_321 : vector<16xi32>
            %gather3A_331 = tpu.vector_load_idx %arg10[%add3A_330] : memref<3072xi32, #tpu.memory_space<vmem>>[vector<16xi32>], vector<16xi32>,
            %lt3A_332 = arith.cmpf olt, %gather3A_326, %get3A_170 : vector<16xf32>
            %eq3A_333 = arith.cmpf oeq, %gather3A_326, %get3A_170 : vector<16xf32>
            %lt3A_334 = arith.cmpi slt, %gather3A_331, %get3A_174 : vector<16xi32>
            %and3A_335 = arith.andi %eq3A_333, %lt3A_334 : vector<16xi1>
            %or3A_336 = arith.ori %lt3A_332, %and3A_335 : vector<16xi1>
            %convert_element_type3A_337 = arith.extui %or3A_336 : vector<16xi1> to vector<16xi32>
            %add3A_338 = arith.addi %add3A_315, %convert_element_type3A_337 : vector<16xi32>
            %add3A_339 = arith.constant 6 : i32
            %add3A_340 = vector.broadcast %add3A_339 : i32 to vector<16xi32>
            %add3A_341 = arith.addi %iota3A, %add3A_340 : vector<16xi32>
            %and3A_342 = arith.constant 15 : i32
            %and3A_343 = vector.broadcast %and3A_342 : i32 to vector<16xi32>
            %and3A_344 = arith.andi %add3A_341, %and3A_343 : vector<16xi32>
            %mul3A_345 = arith.constant 16 : i32
            %mul3A_346 = arith.muli %while3A_200, %mul3A_345 : i32
            %add3A_347 = vector.broadcast %mul3A_346 : i32 to vector<16xi32>
            %add3A_348 = arith.addi %add3A_347, %and3A_344 : vector<16xi32>
            %gather3A_349 = tpu.vector_load_idx %arg9[%add3A_348] : memref<3072xf32, #tpu.memory_space<vmem>>[vector<16xi32>], vector<16xf32>,
            %mul3A_350 = arith.constant 16 : i32
            %mul3A_351 = arith.muli %while3A_200, %mul3A_350 : i32
            %add3A_352 = vector.broadcast %mul3A_351 : i32 to vector<16xi32>
            %add3A_353 = arith.addi %add3A_352, %and3A_344 : vector<16xi32>
            %gather3A_354 = tpu.vector_load_idx %arg10[%add3A_353] : memref<3072xi32, #tpu.memory_space<vmem>>[vector<16xi32>], vector<16xi32>,
            %lt3A_355 = arith.cmpf olt, %gather3A_349, %get3A_170 : vector<16xf32>
            %eq3A_356 = arith.cmpf oeq, %gather3A_349, %get3A_170 : vector<16xf32>
            %lt3A_357 = arith.cmpi slt, %gather3A_354, %get3A_174 : vector<16xi32>
            %and3A_358 = arith.andi %eq3A_356, %lt3A_357 : vector<16xi1>
            %or3A_359 = arith.ori %lt3A_355, %and3A_358 : vector<16xi1>
            %convert_element_type3A_360 = arith.extui %or3A_359 : vector<16xi1> to vector<16xi32>
            %add3A_361 = arith.addi %add3A_338, %convert_element_type3A_360 : vector<16xi32>
            %add3A_362 = arith.constant 7 : i32
            %add3A_363 = vector.broadcast %add3A_362 : i32 to vector<16xi32>
            %add3A_364 = arith.addi %iota3A, %add3A_363 : vector<16xi32>
            %and3A_365 = arith.constant 15 : i32
            %and3A_366 = vector.broadcast %and3A_365 : i32 to vector<16xi32>
            %and3A_367 = arith.andi %add3A_364, %and3A_366 : vector<16xi32>
            %mul3A_368 = arith.constant 16 : i32
            %mul3A_369 = arith.muli %while3A_200, %mul3A_368 : i32
            %add3A_370 = vector.broadcast %mul3A_369 : i32 to vector<16xi32>
            %add3A_371 = arith.addi %add3A_370, %and3A_367 : vector<16xi32>
            %gather3A_372 = tpu.vector_load_idx %arg9[%add3A_371] : memref<3072xf32, #tpu.memory_space<vmem>>[vector<16xi32>], vector<16xf32>,
            %mul3A_373 = arith.constant 16 : i32
            %mul3A_374 = arith.muli %while3A_200, %mul3A_373 : i32
            %add3A_375 = vector.broadcast %mul3A_374 : i32 to vector<16xi32>
            %add3A_376 = arith.addi %add3A_375, %and3A_367 : vector<16xi32>
            %gather3A_377 = tpu.vector_load_idx %arg10[%add3A_376] : memref<3072xi32, #tpu.memory_space<vmem>>[vector<16xi32>], vector<16xi32>,
            %lt3A_378 = arith.cmpf olt, %gather3A_372, %get3A_170 : vector<16xf32>
            %eq3A_379 = arith.cmpf oeq, %gather3A_372, %get3A_170 : vector<16xf32>
            %lt3A_380 = arith.cmpi slt, %gather3A_377, %get3A_174 : vector<16xi32>
            %and3A_381 = arith.andi %eq3A_379, %lt3A_380 : vector<16xi1>
            %or3A_382 = arith.ori %lt3A_378, %and3A_381 : vector<16xi1>
            %convert_element_type3A_383 = arith.extui %or3A_382 : vector<16xi1> to vector<16xi32>
            %add3A_384 = arith.addi %add3A_361, %convert_element_type3A_383 : vector<16xi32>
            %add3A_385 = arith.constant 8 : i32
            %add3A_386 = vector.broadcast %add3A_385 : i32 to vector<16xi32>
            %add3A_387 = arith.addi %iota3A, %add3A_386 : vector<16xi32>
            %and3A_388 = arith.constant 15 : i32
            %and3A_389 = vector.broadcast %and3A_388 : i32 to vector<16xi32>
            %and3A_390 = arith.andi %add3A_387, %and3A_389 : vector<16xi32>
            %mul3A_391 = arith.constant 16 : i32
            %mul3A_392 = arith.muli %while3A_200, %mul3A_391 : i32
            %add3A_393 = vector.broadcast %mul3A_392 : i32 to vector<16xi32>
            %add3A_394 = arith.addi %add3A_393, %and3A_390 : vector<16xi32>
            %gather3A_395 = tpu.vector_load_idx %arg9[%add3A_394] : memref<3072xf32, #tpu.memory_space<vmem>>[vector<16xi32>], vector<16xf32>,
            %mul3A_396 = arith.constant 16 : i32
            %mul3A_397 = arith.muli %while3A_200, %mul3A_396 : i32
            %add3A_398 = vector.broadcast %mul3A_397 : i32 to vector<16xi32>
            %add3A_399 = arith.addi %add3A_398, %and3A_390 : vector<16xi32>
            %gather3A_400 = tpu.vector_load_idx %arg10[%add3A_399] : memref<3072xi32, #tpu.memory_space<vmem>>[vector<16xi32>], vector<16xi32>,
            %lt3A_401 = arith.cmpf olt, %gather3A_395, %get3A_170 : vector<16xf32>
            %eq3A_402 = arith.cmpf oeq, %gather3A_395, %get3A_170 : vector<16xf32>
            %lt3A_403 = arith.cmpi slt, %gather3A_400, %get3A_174 : vector<16xi32>
            %and3A_404 = arith.andi %eq3A_402, %lt3A_403 : vector<16xi1>
            %or3A_405 = arith.ori %lt3A_401, %and3A_404 : vector<16xi1>
            %convert_element_type3A_406 = arith.extui %or3A_405 : vector<16xi1> to vector<16xi32>
            %add3A_407 = arith.addi %add3A_384, %convert_element_type3A_406 : vector<16xi32>
            %add3A_408 = arith.constant 9 : i32
            %add3A_409 = vector.broadcast %add3A_408 : i32 to vector<16xi32>
            %add3A_410 = arith.addi %iota3A, %add3A_409 : vector<16xi32>
            %and3A_411 = arith.constant 15 : i32
            %and3A_412 = vector.broadcast %and3A_411 : i32 to vector<16xi32>
            %and3A_413 = arith.andi %add3A_410, %and3A_412 : vector<16xi32>
            %mul3A_414 = arith.constant 16 : i32
            %mul3A_415 = arith.muli %while3A_200, %mul3A_414 : i32
            %add3A_416 = vector.broadcast %mul3A_415 : i32 to vector<16xi32>
            %add3A_417 = arith.addi %add3A_416, %and3A_413 : vector<16xi32>
            %gather3A_418 = tpu.vector_load_idx %arg9[%add3A_417] : memref<3072xf32, #tpu.memory_space<vmem>>[vector<16xi32>], vector<16xf32>,
            %mul3A_419 = arith.constant 16 : i32
            %mul3A_420 = arith.muli %while3A_200, %mul3A_419 : i32
            %add3A_421 = vector.broadcast %mul3A_420 : i32 to vector<16xi32>
            %add3A_422 = arith.addi %add3A_421, %and3A_413 : vector<16xi32>
            %gather3A_423 = tpu.vector_load_idx %arg10[%add3A_422] : memref<3072xi32, #tpu.memory_space<vmem>>[vector<16xi32>], vector<16xi32>,
            %lt3A_424 = arith.cmpf olt, %gather3A_418, %get3A_170 : vector<16xf32>
            %eq3A_425 = arith.cmpf oeq, %gather3A_418, %get3A_170 : vector<16xf32>
            %lt3A_426 = arith.cmpi slt, %gather3A_423, %get3A_174 : vector<16xi32>
            %and3A_427 = arith.andi %eq3A_425, %lt3A_426 : vector<16xi1>
            %or3A_428 = arith.ori %lt3A_424, %and3A_427 : vector<16xi1>
            %convert_element_type3A_429 = arith.extui %or3A_428 : vector<16xi1> to vector<16xi32>
            %add3A_430 = arith.addi %add3A_407, %convert_element_type3A_429 : vector<16xi32>
            %add3A_431 = arith.constant 10 : i32
            %add3A_432 = vector.broadcast %add3A_431 : i32 to vector<16xi32>
            %add3A_433 = arith.addi %iota3A, %add3A_432 : vector<16xi32>
            %and3A_434 = arith.constant 15 : i32
            %and3A_435 = vector.broadcast %and3A_434 : i32 to vector<16xi32>
            %and3A_436 = arith.andi %add3A_433, %and3A_435 : vector<16xi32>
            %mul3A_437 = arith.constant 16 : i32
            %mul3A_438 = arith.muli %while3A_200, %mul3A_437 : i32
            %add3A_439 = vector.broadcast %mul3A_438 : i32 to vector<16xi32>
            %add3A_440 = arith.addi %add3A_439, %and3A_436 : vector<16xi32>
            %gather3A_441 = tpu.vector_load_idx %arg9[%add3A_440] : memref<3072xf32, #tpu.memory_space<vmem>>[vector<16xi32>], vector<16xf32>,
            %mul3A_442 = arith.constant 16 : i32
            %mul3A_443 = arith.muli %while3A_200, %mul3A_442 : i32
            %add3A_444 = vector.broadcast %mul3A_443 : i32 to vector<16xi32>
            %add3A_445 = arith.addi %add3A_444, %and3A_436 : vector<16xi32>
            %gather3A_446 = tpu.vector_load_idx %arg10[%add3A_445] : memref<3072xi32, #tpu.memory_space<vmem>>[vector<16xi32>], vector<16xi32>,
            %lt3A_447 = arith.cmpf olt, %gather3A_441, %get3A_170 : vector<16xf32>
            %eq3A_448 = arith.cmpf oeq, %gather3A_441, %get3A_170 : vector<16xf32>
            %lt3A_449 = arith.cmpi slt, %gather3A_446, %get3A_174 : vector<16xi32>
            %and3A_450 = arith.andi %eq3A_448, %lt3A_449 : vector<16xi1>
            %or3A_451 = arith.ori %lt3A_447, %and3A_450 : vector<16xi1>
            %convert_element_type3A_452 = arith.extui %or3A_451 : vector<16xi1> to vector<16xi32>
            %add3A_453 = arith.addi %add3A_430, %convert_element_type3A_452 : vector<16xi32>
            %add3A_454 = arith.constant 11 : i32
            %add3A_455 = vector.broadcast %add3A_454 : i32 to vector<16xi32>
            %add3A_456 = arith.addi %iota3A, %add3A_455 : vector<16xi32>
            %and3A_457 = arith.constant 15 : i32
            %and3A_458 = vector.broadcast %and3A_457 : i32 to vector<16xi32>
            %and3A_459 = arith.andi %add3A_456, %and3A_458 : vector<16xi32>
            %mul3A_460 = arith.constant 16 : i32
            %mul3A_461 = arith.muli %while3A_200, %mul3A_460 : i32
            %add3A_462 = vector.broadcast %mul3A_461 : i32 to vector<16xi32>
            %add3A_463 = arith.addi %add3A_462, %and3A_459 : vector<16xi32>
            %gather3A_464 = tpu.vector_load_idx %arg9[%add3A_463] : memref<3072xf32, #tpu.memory_space<vmem>>[vector<16xi32>], vector<16xf32>,
            %mul3A_465 = arith.constant 16 : i32
            %mul3A_466 = arith.muli %while3A_200, %mul3A_465 : i32
            %add3A_467 = vector.broadcast %mul3A_466 : i32 to vector<16xi32>
            %add3A_468 = arith.addi %add3A_467, %and3A_459 : vector<16xi32>
            %gather3A_469 = tpu.vector_load_idx %arg10[%add3A_468] : memref<3072xi32, #tpu.memory_space<vmem>>[vector<16xi32>], vector<16xi32>,
            %lt3A_470 = arith.cmpf olt, %gather3A_464, %get3A_170 : vector<16xf32>
            %eq3A_471 = arith.cmpf oeq, %gather3A_464, %get3A_170 : vector<16xf32>
            %lt3A_472 = arith.cmpi slt, %gather3A_469, %get3A_174 : vector<16xi32>
            %and3A_473 = arith.andi %eq3A_471, %lt3A_472 : vector<16xi1>
            %or3A_474 = arith.ori %lt3A_470, %and3A_473 : vector<16xi1>
            %convert_element_type3A_475 = arith.extui %or3A_474 : vector<16xi1> to vector<16xi32>
            %add3A_476 = arith.addi %add3A_453, %convert_element_type3A_475 : vector<16xi32>
            %add3A_477 = arith.constant 12 : i32
            %add3A_478 = vector.broadcast %add3A_477 : i32 to vector<16xi32>
            %add3A_479 = arith.addi %iota3A, %add3A_478 : vector<16xi32>
            %and3A_480 = arith.constant 15 : i32
            %and3A_481 = vector.broadcast %and3A_480 : i32 to vector<16xi32>
            %and3A_482 = arith.andi %add3A_479, %and3A_481 : vector<16xi32>
            %mul3A_483 = arith.constant 16 : i32
            %mul3A_484 = arith.muli %while3A_200, %mul3A_483 : i32
            %add3A_485 = vector.broadcast %mul3A_484 : i32 to vector<16xi32>
            %add3A_486 = arith.addi %add3A_485, %and3A_482 : vector<16xi32>
            %gather3A_487 = tpu.vector_load_idx %arg9[%add3A_486] : memref<3072xf32, #tpu.memory_space<vmem>>[vector<16xi32>], vector<16xf32>,
            %mul3A_488 = arith.constant 16 : i32
            %mul3A_489 = arith.muli %while3A_200, %mul3A_488 : i32
            %add3A_490 = vector.broadcast %mul3A_489 : i32 to vector<16xi32>
            %add3A_491 = arith.addi %add3A_490, %and3A_482 : vector<16xi32>
            %gather3A_492 = tpu.vector_load_idx %arg10[%add3A_491] : memref<3072xi32, #tpu.memory_space<vmem>>[vector<16xi32>], vector<16xi32>,
            %lt3A_493 = arith.cmpf olt, %gather3A_487, %get3A_170 : vector<16xf32>
            %eq3A_494 = arith.cmpf oeq, %gather3A_487, %get3A_170 : vector<16xf32>
            %lt3A_495 = arith.cmpi slt, %gather3A_492, %get3A_174 : vector<16xi32>
            %and3A_496 = arith.andi %eq3A_494, %lt3A_495 : vector<16xi1>
            %or3A_497 = arith.ori %lt3A_493, %and3A_496 : vector<16xi1>
            %convert_element_type3A_498 = arith.extui %or3A_497 : vector<16xi1> to vector<16xi32>
            %add3A_499 = arith.addi %add3A_476, %convert_element_type3A_498 : vector<16xi32>
            %add3A_500 = arith.constant 13 : i32
            %add3A_501 = vector.broadcast %add3A_500 : i32 to vector<16xi32>
            %add3A_502 = arith.addi %iota3A, %add3A_501 : vector<16xi32>
            %and3A_503 = arith.constant 15 : i32
            %and3A_504 = vector.broadcast %and3A_503 : i32 to vector<16xi32>
            %and3A_505 = arith.andi %add3A_502, %and3A_504 : vector<16xi32>
            %mul3A_506 = arith.constant 16 : i32
            %mul3A_507 = arith.muli %while3A_200, %mul3A_506 : i32
            %add3A_508 = vector.broadcast %mul3A_507 : i32 to vector<16xi32>
            %add3A_509 = arith.addi %add3A_508, %and3A_505 : vector<16xi32>
            %gather3A_510 = tpu.vector_load_idx %arg9[%add3A_509] : memref<3072xf32, #tpu.memory_space<vmem>>[vector<16xi32>], vector<16xf32>,
            %mul3A_511 = arith.constant 16 : i32
            %mul3A_512 = arith.muli %while3A_200, %mul3A_511 : i32
            %add3A_513 = vector.broadcast %mul3A_512 : i32 to vector<16xi32>
            %add3A_514 = arith.addi %add3A_513, %and3A_505 : vector<16xi32>
            %gather3A_515 = tpu.vector_load_idx %arg10[%add3A_514] : memref<3072xi32, #tpu.memory_space<vmem>>[vector<16xi32>], vector<16xi32>,
            %lt3A_516 = arith.cmpf olt, %gather3A_510, %get3A_170 : vector<16xf32>
            %eq3A_517 = arith.cmpf oeq, %gather3A_510, %get3A_170 : vector<16xf32>
            %lt3A_518 = arith.cmpi slt, %gather3A_515, %get3A_174 : vector<16xi32>
            %and3A_519 = arith.andi %eq3A_517, %lt3A_518 : vector<16xi1>
            %or3A_520 = arith.ori %lt3A_516, %and3A_519 : vector<16xi1>
            %convert_element_type3A_521 = arith.extui %or3A_520 : vector<16xi1> to vector<16xi32>
            %add3A_522 = arith.addi %add3A_499, %convert_element_type3A_521 : vector<16xi32>
            %add3A_523 = arith.constant 14 : i32
            %add3A_524 = vector.broadcast %add3A_523 : i32 to vector<16xi32>
            %add3A_525 = arith.addi %iota3A, %add3A_524 : vector<16xi32>
            %and3A_526 = arith.constant 15 : i32
            %and3A_527 = vector.broadcast %and3A_526 : i32 to vector<16xi32>
            %and3A_528 = arith.andi %add3A_525, %and3A_527 : vector<16xi32>
            %mul3A_529 = arith.constant 16 : i32
            %mul3A_530 = arith.muli %while3A_200, %mul3A_529 : i32
            %add3A_531 = vector.broadcast %mul3A_530 : i32 to vector<16xi32>
            %add3A_532 = arith.addi %add3A_531, %and3A_528 : vector<16xi32>
            %gather3A_533 = tpu.vector_load_idx %arg9[%add3A_532] : memref<3072xf32, #tpu.memory_space<vmem>>[vector<16xi32>], vector<16xf32>,
            %mul3A_534 = arith.constant 16 : i32
            %mul3A_535 = arith.muli %while3A_200, %mul3A_534 : i32
            %add3A_536 = vector.broadcast %mul3A_535 : i32 to vector<16xi32>
            %add3A_537 = arith.addi %add3A_536, %and3A_528 : vector<16xi32>
            %gather3A_538 = tpu.vector_load_idx %arg10[%add3A_537] : memref<3072xi32, #tpu.memory_space<vmem>>[vector<16xi32>], vector<16xi32>,
            %lt3A_539 = arith.cmpf olt, %gather3A_533, %get3A_170 : vector<16xf32>
            %eq3A_540 = arith.cmpf oeq, %gather3A_533, %get3A_170 : vector<16xf32>
            %lt3A_541 = arith.cmpi slt, %gather3A_538, %get3A_174 : vector<16xi32>
            %and3A_542 = arith.andi %eq3A_540, %lt3A_541 : vector<16xi1>
            %or3A_543 = arith.ori %lt3A_539, %and3A_542 : vector<16xi1>
            %convert_element_type3A_544 = arith.extui %or3A_543 : vector<16xi1> to vector<16xi32>
            %add3A_545 = arith.addi %add3A_522, %convert_element_type3A_544 : vector<16xi32>
            %add3A_546 = arith.constant 15 : i32
            %add3A_547 = vector.broadcast %add3A_546 : i32 to vector<16xi32>
            %add3A_548 = arith.addi %iota3A, %add3A_547 : vector<16xi32>
            %and3A_549 = arith.constant 15 : i32
            %and3A_550 = vector.broadcast %and3A_549 : i32 to vector<16xi32>
            %and3A_551 = arith.andi %add3A_548, %and3A_550 : vector<16xi32>
            %mul3A_552 = arith.constant 16 : i32
            %mul3A_553 = arith.muli %while3A_200, %mul3A_552 : i32
            %add3A_554 = vector.broadcast %mul3A_553 : i32 to vector<16xi32>
            %add3A_555 = arith.addi %add3A_554, %and3A_551 : vector<16xi32>
            %gather3A_556 = tpu.vector_load_idx %arg9[%add3A_555] : memref<3072xf32, #tpu.memory_space<vmem>>[vector<16xi32>], vector<16xf32>,
            %mul3A_557 = arith.constant 16 : i32
            %mul3A_558 = arith.muli %while3A_200, %mul3A_557 : i32
            %add3A_559 = vector.broadcast %mul3A_558 : i32 to vector<16xi32>
            %add3A_560 = arith.addi %add3A_559, %and3A_551 : vector<16xi32>
            %gather3A_561 = tpu.vector_load_idx %arg10[%add3A_560] : memref<3072xi32, #tpu.memory_space<vmem>>[vector<16xi32>], vector<16xi32>,
            %lt3A_562 = arith.cmpf olt, %gather3A_556, %get3A_170 : vector<16xf32>
            %eq3A_563 = arith.cmpf oeq, %gather3A_556, %get3A_170 : vector<16xf32>
            %lt3A_564 = arith.cmpi slt, %gather3A_561, %get3A_174 : vector<16xi32>
            %and3A_565 = arith.andi %eq3A_563, %lt3A_564 : vector<16xi1>
            %or3A_566 = arith.ori %lt3A_562, %and3A_565 : vector<16xi1>
            %convert_element_type3A_567 = arith.extui %or3A_566 : vector<16xi1> to vector<16xi32>
            %add3A_568 = arith.addi %add3A_545, %convert_element_type3A_567 : vector<16xi32>
            %swap3A_569 = arith.constant 0 : index
            %swap3A_570 = tpu.vector_load %arg16[%swap3A_569] {strides = array<i32>} : memref<16xi32, #tpu.memory_space<vmem>>, vector<16xi32>,
            tpu.vector_store %arg16[%swap3A_569], %add3A_568 {strides = array<i32>} : memref<16xi32, #tpu.memory_space<vmem>>, vector<16xi32>,
            %while3A_571 = arith.constant 0 : i32
            scf.yield %while3A_571 : i32
          }
          %while3A_187 = arith.constant 1 : i32
          %while3A_188 = scf.for %while3A_200 = %while3A_184 to %while3A_180 step %while3A_187 iter_args(%while3A_201 = %while3A_186) -> (i32)  : i32 {
            %get3A_202 = arith.constant 0 : index
            %get3A_203 = tpu.vector_load %arg16[%get3A_202] {strides = array<i32>} : memref<16xi32, #tpu.memory_space<vmem>>, vector<16xi32>,
            %add3A_204 = arith.constant 0 : i32
            %add3A_205 = vector.broadcast %add3A_204 : i32 to vector<16xi32>
            %add3A_206 = arith.addi %iota3A, %add3A_205 : vector<16xi32>
            %and3A_207 = arith.constant 15 : i32
            %and3A_208 = vector.broadcast %and3A_207 : i32 to vector<16xi32>
            %and3A_209 = arith.andi %add3A_206, %and3A_208 : vector<16xi32>
            %mul3A_210 = arith.constant 16 : i32
            %mul3A_211 = arith.muli %while3A_200, %mul3A_210 : i32
            %add3A_212 = vector.broadcast %mul3A_211 : i32 to vector<16xi32>
            %add3A_213 = arith.addi %add3A_212, %and3A_209 : vector<16xi32>
            %gather3A = tpu.vector_load_idx %arg9[%add3A_213] : memref<3072xf32, #tpu.memory_space<vmem>>[vector<16xi32>], vector<16xf32>,
            %mul3A_214 = arith.constant 16 : i32
            %mul3A_215 = arith.muli %while3A_200, %mul3A_214 : i32
            %add3A_216 = vector.broadcast %mul3A_215 : i32 to vector<16xi32>
            %add3A_217 = arith.addi %add3A_216, %and3A_209 : vector<16xi32>
            %gather3A_218 = tpu.vector_load_idx %arg10[%add3A_217] : memref<3072xi32, #tpu.memory_space<vmem>>[vector<16xi32>], vector<16xi32>,
            %lt3A_219 = arith.cmpf olt, %gather3A, %get3A_170 : vector<16xf32>
            %eq3A = arith.cmpf oeq, %gather3A, %get3A_170 : vector<16xf32>
            %lt3A_220 = arith.cmpi slt, %gather3A_218, %get3A_174 : vector<16xi32>
            %and3A_221 = arith.andi %eq3A, %lt3A_220 : vector<16xi1>
            %or3A = arith.ori %lt3A_219, %and3A_221 : vector<16xi1>
            %convert_element_type3A_222 = arith.extui %or3A : vector<16xi1> to vector<16xi32>
            %add3A_223 = arith.addi %get3A_203, %convert_element_type3A_222 : vector<16xi32>
            %add3A_224 = arith.constant 1 : i32
            %add3A_225 = vector.broadcast %add3A_224 : i32 to vector<16xi32>
            %add3A_226 = arith.addi %iota3A, %add3A_225 : vector<16xi32>
            %and3A_227 = arith.constant 15 : i32
            %and3A_228 = vector.broadcast %and3A_227 : i32 to vector<16xi32>
            %and3A_229 = arith.andi %add3A_226, %and3A_228 : vector<16xi32>
            %mul3A_230 = arith.constant 16 : i32
            %mul3A_231 = arith.muli %while3A_200, %mul3A_230 : i32
            %add3A_232 = vector.broadcast %mul3A_231 : i32 to vector<16xi32>
            %add3A_233 = arith.addi %add3A_232, %and3A_229 : vector<16xi32>
            %gather3A_234 = tpu.vector_load_idx %arg9[%add3A_233] : memref<3072xf32, #tpu.memory_space<vmem>>[vector<16xi32>], vector<16xf32>,
            %mul3A_235 = arith.constant 16 : i32
            %mul3A_236 = arith.muli %while3A_200, %mul3A_235 : i32
            %add3A_237 = vector.broadcast %mul3A_236 : i32 to vector<16xi32>
            %add3A_238 = arith.addi %add3A_237, %and3A_229 : vector<16xi32>
            %gather3A_239 = tpu.vector_load_idx %arg10[%add3A_238] : memref<3072xi32, #tpu.memory_space<vmem>>[vector<16xi32>], vector<16xi32>,
            %lt3A_240 = arith.cmpf olt, %gather3A_234, %get3A_170 : vector<16xf32>
            %eq3A_241 = arith.cmpf oeq, %gather3A_234, %get3A_170 : vector<16xf32>
            %lt3A_242 = arith.cmpi slt, %gather3A_239, %get3A_174 : vector<16xi32>
            %and3A_243 = arith.andi %eq3A_241, %lt3A_242 : vector<16xi1>
            %or3A_244 = arith.ori %lt3A_240, %and3A_243 : vector<16xi1>
            %convert_element_type3A_245 = arith.extui %or3A_244 : vector<16xi1> to vector<16xi32>
            %add3A_246 = arith.addi %add3A_223, %convert_element_type3A_245 : vector<16xi32>
            %add3A_247 = arith.constant 2 : i32
            %add3A_248 = vector.broadcast %add3A_247 : i32 to vector<16xi32>
            %add3A_249 = arith.addi %iota3A, %add3A_248 : vector<16xi32>
            %and3A_250 = arith.constant 15 : i32
            %and3A_251 = vector.broadcast %and3A_250 : i32 to vector<16xi32>
            %and3A_252 = arith.andi %add3A_249, %and3A_251 : vector<16xi32>
            %mul3A_253 = arith.constant 16 : i32
            %mul3A_254 = arith.muli %while3A_200, %mul3A_253 : i32
            %add3A_255 = vector.broadcast %mul3A_254 : i32 to vector<16xi32>
            %add3A_256 = arith.addi %add3A_255, %and3A_252 : vector<16xi32>
            %gather3A_257 = tpu.vector_load_idx %arg9[%add3A_256] : memref<3072xf32, #tpu.memory_space<vmem>>[vector<16xi32>], vector<16xf32>,
            %mul3A_258 = arith.constant 16 : i32
            %mul3A_259 = arith.muli %while3A_200, %mul3A_258 : i32
            %add3A_260 = vector.broadcast %mul3A_259 : i32 to vector<16xi32>
            %add3A_261 = arith.addi %add3A_260, %and3A_252 : vector<16xi32>
            %gather3A_262 = tpu.vector_load_idx %arg10[%add3A_261] : memref<3072xi32, #tpu.memory_space<vmem>>[vector<16xi32>], vector<16xi32>,
            %lt3A_263 = arith.cmpf olt, %gather3A_257, %get3A_170 : vector<16xf32>
            %eq3A_264 = arith.cmpf oeq, %gather3A_257, %get3A_170 : vector<16xf32>
            %lt3A_265 = arith.cmpi slt, %gather3A_262, %get3A_174 : vector<16xi32>
            %and3A_266 = arith.andi %eq3A_264, %lt3A_265 : vector<16xi1>
            %or3A_267 = arith.ori %lt3A_263, %and3A_266 : vector<16xi1>
            %convert_element_type3A_268 = arith.extui %or3A_267 : vector<16xi1> to vector<16xi32>
            %add3A_269 = arith.addi %add3A_246, %convert_element_type3A_268 : vector<16xi32>
            %add3A_270 = arith.constant 3 : i32
            %add3A_271 = vector.broadcast %add3A_270 : i32 to vector<16xi32>
            %add3A_272 = arith.addi %iota3A, %add3A_271 : vector<16xi32>
            %and3A_273 = arith.constant 15 : i32
            %and3A_274 = vector.broadcast %and3A_273 : i32 to vector<16xi32>
            %and3A_275 = arith.andi %add3A_272, %and3A_274 : vector<16xi32>
            %mul3A_276 = arith.constant 16 : i32
            %mul3A_277 = arith.muli %while3A_200, %mul3A_276 : i32
            %add3A_278 = vector.broadcast %mul3A_277 : i32 to vector<16xi32>
            %add3A_279 = arith.addi %add3A_278, %and3A_275 : vector<16xi32>
            %gather3A_280 = tpu.vector_load_idx %arg9[%add3A_279] : memref<3072xf32, #tpu.memory_space<vmem>>[vector<16xi32>], vector<16xf32>,
            %mul3A_281 = arith.constant 16 : i32
            %mul3A_282 = arith.muli %while3A_200, %mul3A_281 : i32
            %add3A_283 = vector.broadcast %mul3A_282 : i32 to vector<16xi32>
            %add3A_284 = arith.addi %add3A_283, %and3A_275 : vector<16xi32>
            %gather3A_285 = tpu.vector_load_idx %arg10[%add3A_284] : memref<3072xi32, #tpu.memory_space<vmem>>[vector<16xi32>], vector<16xi32>,
            %lt3A_286 = arith.cmpf olt, %gather3A_280, %get3A_170 : vector<16xf32>
            %eq3A_287 = arith.cmpf oeq, %gather3A_280, %get3A_170 : vector<16xf32>
            %lt3A_288 = arith.cmpi slt, %gather3A_285, %get3A_174 : vector<16xi32>
            %and3A_289 = arith.andi %eq3A_287, %lt3A_288 : vector<16xi1>
            %or3A_290 = arith.ori %lt3A_286, %and3A_289 : vector<16xi1>
            %convert_element_type3A_291 = arith.extui %or3A_290 : vector<16xi1> to vector<16xi32>
            %add3A_292 = arith.addi %add3A_269, %convert_element_type3A_291 : vector<16xi32>
            %add3A_293 = arith.constant 4 : i32
            %add3A_294 = vector.broadcast %add3A_293 : i32 to vector<16xi32>
            %add3A_295 = arith.addi %iota3A, %add3A_294 : vector<16xi32>
            %and3A_296 = arith.constant 15 : i32
            %and3A_297 = vector.broadcast %and3A_296 : i32 to vector<16xi32>
            %and3A_298 = arith.andi %add3A_295, %and3A_297 : vector<16xi32>
            %mul3A_299 = arith.constant 16 : i32
            %mul3A_300 = arith.muli %while3A_200, %mul3A_299 : i32
            %add3A_301 = vector.broadcast %mul3A_300 : i32 to vector<16xi32>
            %add3A_302 = arith.addi %add3A_301, %and3A_298 : vector<16xi32>
            %gather3A_303 = tpu.vector_load_idx %arg9[%add3A_302] : memref<3072xf32, #tpu.memory_space<vmem>>[vector<16xi32>], vector<16xf32>,
            %mul3A_304 = arith.constant 16 : i32
            %mul3A_305 = arith.muli %while3A_200, %mul3A_304 : i32
            %add3A_306 = vector.broadcast %mul3A_305 : i32 to vector<16xi32>
            %add3A_307 = arith.addi %add3A_306, %and3A_298 : vector<16xi32>
            %gather3A_308 = tpu.vector_load_idx %arg10[%add3A_307] : memref<3072xi32, #tpu.memory_space<vmem>>[vector<16xi32>], vector<16xi32>,
            %lt3A_309 = arith.cmpf olt, %gather3A_303, %get3A_170 : vector<16xf32>
            %eq3A_310 = arith.cmpf oeq, %gather3A_303, %get3A_170 : vector<16xf32>
            %lt3A_311 = arith.cmpi slt, %gather3A_308, %get3A_174 : vector<16xi32>
            %and3A_312 = arith.andi %eq3A_310, %lt3A_311 : vector<16xi1>
            %or3A_313 = arith.ori %lt3A_309, %and3A_312 : vector<16xi1>
            %convert_element_type3A_314 = arith.extui %or3A_313 : vector<16xi1> to vector<16xi32>
            %add3A_315 = arith.addi %add3A_292, %convert_element_type3A_314 : vector<16xi32>
            %add3A_316 = arith.constant 5 : i32
            %add3A_317 = vector.broadcast %add3A_316 : i32 to vector<16xi32>
            %add3A_318 = arith.addi %iota3A, %add3A_317 : vector<16xi32>
            %and3A_319 = arith.constant 15 : i32
            %and3A_320 = vector.broadcast %and3A_319 : i32 to vector<16xi32>
            %and3A_321 = arith.andi %add3A_318, %and3A_320 : vector<16xi32>
            %mul3A_322 = arith.constant 16 : i32
            %mul3A_323 = arith.muli %while3A_200, %mul3A_322 : i32
            %add3A_324 = vector.broadcast %mul3A_323 : i32 to vector<16xi32>
            %add3A_325 = arith.addi %add3A_324, %and3A_321 : vector<16xi32>
            %gather3A_326 = tpu.vector_load_idx %arg9[%add3A_325] : memref<3072xf32, #tpu.memory_space<vmem>>[vector<16xi32>], vector<16xf32>,
            %mul3A_327 = arith.constant 16 : i32
            %mul3A_328 = arith.muli %while3A_200, %mul3A_327 : i32
            %add3A_329 = vector.broadcast %mul3A_328 : i32 to vector<16xi32>
            %add3A_330 = arith.addi %add3A_329, %and3A_321 : vector<16xi32>
            %gather3A_331 = tpu.vector_load_idx %arg10[%add3A_330] : memref<3072xi32, #tpu.memory_space<vmem>>[vector<16xi32>], vector<16xi32>,
            %lt3A_332 = arith.cmpf olt, %gather3A_326, %get3A_170 : vector<16xf32>
            %eq3A_333 = arith.cmpf oeq, %gather3A_326, %get3A_170 : vector<16xf32>
            %lt3A_334 = arith.cmpi slt, %gather3A_331, %get3A_174 : vector<16xi32>
            %and3A_335 = arith.andi %eq3A_333, %lt3A_334 : vector<16xi1>
            %or3A_336 = arith.ori %lt3A_332, %and3A_335 : vector<16xi1>
            %convert_element_type3A_337 = arith.extui %or3A_336 : vector<16xi1> to vector<16xi32>
            %add3A_338 = arith.addi %add3A_315, %convert_element_type3A_337 : vector<16xi32>
            %add3A_339 = arith.constant 6 : i32
            %add3A_340 = vector.broadcast %add3A_339 : i32 to vector<16xi32>
            %add3A_341 = arith.addi %iota3A, %add3A_340 : vector<16xi32>
            %and3A_342 = arith.constant 15 : i32
            %and3A_343 = vector.broadcast %and3A_342 : i32 to vector<16xi32>
            %and3A_344 = arith.andi %add3A_341, %and3A_343 : vector<16xi32>
            %mul3A_345 = arith.constant 16 : i32
            %mul3A_346 = arith.muli %while3A_200, %mul3A_345 : i32
            %add3A_347 = vector.broadcast %mul3A_346 : i32 to vector<16xi32>
            %add3A_348 = arith.addi %add3A_347, %and3A_344 : vector<16xi32>
            %gather3A_349 = tpu.vector_load_idx %arg9[%add3A_348] : memref<3072xf32, #tpu.memory_space<vmem>>[vector<16xi32>], vector<16xf32>,
            %mul3A_350 = arith.constant 16 : i32
            %mul3A_351 = arith.muli %while3A_200, %mul3A_350 : i32
            %add3A_352 = vector.broadcast %mul3A_351 : i32 to vector<16xi32>
            %add3A_353 = arith.addi %add3A_352, %and3A_344 : vector<16xi32>
            %gather3A_354 = tpu.vector_load_idx %arg10[%add3A_353] : memref<3072xi32, #tpu.memory_space<vmem>>[vector<16xi32>], vector<16xi32>,
            %lt3A_355 = arith.cmpf olt, %gather3A_349, %get3A_170 : vector<16xf32>
            %eq3A_356 = arith.cmpf oeq, %gather3A_349, %get3A_170 : vector<16xf32>
            %lt3A_357 = arith.cmpi slt, %gather3A_354, %get3A_174 : vector<16xi32>
            %and3A_358 = arith.andi %eq3A_356, %lt3A_357 : vector<16xi1>
            %or3A_359 = arith.ori %lt3A_355, %and3A_358 : vector<16xi1>
            %convert_element_type3A_360 = arith.extui %or3A_359 : vector<16xi1> to vector<16xi32>
            %add3A_361 = arith.addi %add3A_338, %convert_element_type3A_360 : vector<16xi32>
            %add3A_362 = arith.constant 7 : i32
            %add3A_363 = vector.broadcast %add3A_362 : i32 to vector<16xi32>
            %add3A_364 = arith.addi %iota3A, %add3A_363 : vector<16xi32>
            %and3A_365 = arith.constant 15 : i32
            %and3A_366 = vector.broadcast %and3A_365 : i32 to vector<16xi32>
            %and3A_367 = arith.andi %add3A_364, %and3A_366 : vector<16xi32>
            %mul3A_368 = arith.constant 16 : i32
            %mul3A_369 = arith.muli %while3A_200, %mul3A_368 : i32
            %add3A_370 = vector.broadcast %mul3A_369 : i32 to vector<16xi32>
            %add3A_371 = arith.addi %add3A_370, %and3A_367 : vector<16xi32>
            %gather3A_372 = tpu.vector_load_idx %arg9[%add3A_371] : memref<3072xf32, #tpu.memory_space<vmem>>[vector<16xi32>], vector<16xf32>,
            %mul3A_373 = arith.constant 16 : i32
            %mul3A_374 = arith.muli %while3A_200, %mul3A_373 : i32
            %add3A_375 = vector.broadcast %mul3A_374 : i32 to vector<16xi32>
            %add3A_376 = arith.addi %add3A_375, %and3A_367 : vector<16xi32>
            %gather3A_377 = tpu.vector_load_idx %arg10[%add3A_376] : memref<3072xi32, #tpu.memory_space<vmem>>[vector<16xi32>], vector<16xi32>,
            %lt3A_378 = arith.cmpf olt, %gather3A_372, %get3A_170 : vector<16xf32>
            %eq3A_379 = arith.cmpf oeq, %gather3A_372, %get3A_170 : vector<16xf32>
            %lt3A_380 = arith.cmpi slt, %gather3A_377, %get3A_174 : vector<16xi32>
            %and3A_381 = arith.andi %eq3A_379, %lt3A_380 : vector<16xi1>
            %or3A_382 = arith.ori %lt3A_378, %and3A_381 : vector<16xi1>
            %convert_element_type3A_383 = arith.extui %or3A_382 : vector<16xi1> to vector<16xi32>
            %add3A_384 = arith.addi %add3A_361, %convert_element_type3A_383 : vector<16xi32>
            %add3A_385 = arith.constant 8 : i32
            %add3A_386 = vector.broadcast %add3A_385 : i32 to vector<16xi32>
            %add3A_387 = arith.addi %iota3A, %add3A_386 : vector<16xi32>
            %and3A_388 = arith.constant 15 : i32
            %and3A_389 = vector.broadcast %and3A_388 : i32 to vector<16xi32>
            %and3A_390 = arith.andi %add3A_387, %and3A_389 : vector<16xi32>
            %mul3A_391 = arith.constant 16 : i32
            %mul3A_392 = arith.muli %while3A_200, %mul3A_391 : i32
            %add3A_393 = vector.broadcast %mul3A_392 : i32 to vector<16xi32>
            %add3A_394 = arith.addi %add3A_393, %and3A_390 : vector<16xi32>
            %gather3A_395 = tpu.vector_load_idx %arg9[%add3A_394] : memref<3072xf32, #tpu.memory_space<vmem>>[vector<16xi32>], vector<16xf32>,
            %mul3A_396 = arith.constant 16 : i32
            %mul3A_397 = arith.muli %while3A_200, %mul3A_396 : i32
            %add3A_398 = vector.broadcast %mul3A_397 : i32 to vector<16xi32>
            %add3A_399 = arith.addi %add3A_398, %and3A_390 : vector<16xi32>
            %gather3A_400 = tpu.vector_load_idx %arg10[%add3A_399] : memref<3072xi32, #tpu.memory_space<vmem>>[vector<16xi32>], vector<16xi32>,
            %lt3A_401 = arith.cmpf olt, %gather3A_395, %get3A_170 : vector<16xf32>
            %eq3A_402 = arith.cmpf oeq, %gather3A_395, %get3A_170 : vector<16xf32>
            %lt3A_403 = arith.cmpi slt, %gather3A_400, %get3A_174 : vector<16xi32>
            %and3A_404 = arith.andi %eq3A_402, %lt3A_403 : vector<16xi1>
            %or3A_405 = arith.ori %lt3A_401, %and3A_404 : vector<16xi1>
            %convert_element_type3A_406 = arith.extui %or3A_405 : vector<16xi1> to vector<16xi32>
            %add3A_407 = arith.addi %add3A_384, %convert_element_type3A_406 : vector<16xi32>
            %add3A_408 = arith.constant 9 : i32
            %add3A_409 = vector.broadcast %add3A_408 : i32 to vector<16xi32>
            %add3A_410 = arith.addi %iota3A, %add3A_409 : vector<16xi32>
            %and3A_411 = arith.constant 15 : i32
            %and3A_412 = vector.broadcast %and3A_411 : i32 to vector<16xi32>
            %and3A_413 = arith.andi %add3A_410, %and3A_412 : vector<16xi32>
            %mul3A_414 = arith.constant 16 : i32
            %mul3A_415 = arith.muli %while3A_200, %mul3A_414 : i32
            %add3A_416 = vector.broadcast %mul3A_415 : i32 to vector<16xi32>
            %add3A_417 = arith.addi %add3A_416, %and3A_413 : vector<16xi32>
            %gather3A_418 = tpu.vector_load_idx %arg9[%add3A_417] : memref<3072xf32, #tpu.memory_space<vmem>>[vector<16xi32>], vector<16xf32>,
            %mul3A_419 = arith.constant 16 : i32
            %mul3A_420 = arith.muli %while3A_200, %mul3A_419 : i32
            %add3A_421 = vector.broadcast %mul3A_420 : i32 to vector<16xi32>
            %add3A_422 = arith.addi %add3A_421, %and3A_413 : vector<16xi32>
            %gather3A_423 = tpu.vector_load_idx %arg10[%add3A_422] : memref<3072xi32, #tpu.memory_space<vmem>>[vector<16xi32>], vector<16xi32>,
            %lt3A_424 = arith.cmpf olt, %gather3A_418, %get3A_170 : vector<16xf32>
            %eq3A_425 = arith.cmpf oeq, %gather3A_418, %get3A_170 : vector<16xf32>
            %lt3A_426 = arith.cmpi slt, %gather3A_423, %get3A_174 : vector<16xi32>
            %and3A_427 = arith.andi %eq3A_425, %lt3A_426 : vector<16xi1>
            %or3A_428 = arith.ori %lt3A_424, %and3A_427 : vector<16xi1>
            %convert_element_type3A_429 = arith.extui %or3A_428 : vector<16xi1> to vector<16xi32>
            %add3A_430 = arith.addi %add3A_407, %convert_element_type3A_429 : vector<16xi32>
            %add3A_431 = arith.constant 10 : i32
            %add3A_432 = vector.broadcast %add3A_431 : i32 to vector<16xi32>
            %add3A_433 = arith.addi %iota3A, %add3A_432 : vector<16xi32>
            %and3A_434 = arith.constant 15 : i32
            %and3A_435 = vector.broadcast %and3A_434 : i32 to vector<16xi32>
            %and3A_436 = arith.andi %add3A_433, %and3A_435 : vector<16xi32>
            %mul3A_437 = arith.constant 16 : i32
            %mul3A_438 = arith.muli %while3A_200, %mul3A_437 : i32
            %add3A_439 = vector.broadcast %mul3A_438 : i32 to vector<16xi32>
            %add3A_440 = arith.addi %add3A_439, %and3A_436 : vector<16xi32>
            %gather3A_441 = tpu.vector_load_idx %arg9[%add3A_440] : memref<3072xf32, #tpu.memory_space<vmem>>[vector<16xi32>], vector<16xf32>,
            %mul3A_442 = arith.constant 16 : i32
            %mul3A_443 = arith.muli %while3A_200, %mul3A_442 : i32
            %add3A_444 = vector.broadcast %mul3A_443 : i32 to vector<16xi32>
            %add3A_445 = arith.addi %add3A_444, %and3A_436 : vector<16xi32>
            %gather3A_446 = tpu.vector_load_idx %arg10[%add3A_445] : memref<3072xi32, #tpu.memory_space<vmem>>[vector<16xi32>], vector<16xi32>,
            %lt3A_447 = arith.cmpf olt, %gather3A_441, %get3A_170 : vector<16xf32>
            %eq3A_448 = arith.cmpf oeq, %gather3A_441, %get3A_170 : vector<16xf32>
            %lt3A_449 = arith.cmpi slt, %gather3A_446, %get3A_174 : vector<16xi32>
            %and3A_450 = arith.andi %eq3A_448, %lt3A_449 : vector<16xi1>
            %or3A_451 = arith.ori %lt3A_447, %and3A_450 : vector<16xi1>
            %convert_element_type3A_452 = arith.extui %or3A_451 : vector<16xi1> to vector<16xi32>
            %add3A_453 = arith.addi %add3A_430, %convert_element_type3A_452 : vector<16xi32>
            %add3A_454 = arith.constant 11 : i32
            %add3A_455 = vector.broadcast %add3A_454 : i32 to vector<16xi32>
            %add3A_456 = arith.addi %iota3A, %add3A_455 : vector<16xi32>
            %and3A_457 = arith.constant 15 : i32
            %and3A_458 = vector.broadcast %and3A_457 : i32 to vector<16xi32>
            %and3A_459 = arith.andi %add3A_456, %and3A_458 : vector<16xi32>
            %mul3A_460 = arith.constant 16 : i32
            %mul3A_461 = arith.muli %while3A_200, %mul3A_460 : i32
            %add3A_462 = vector.broadcast %mul3A_461 : i32 to vector<16xi32>
            %add3A_463 = arith.addi %add3A_462, %and3A_459 : vector<16xi32>
            %gather3A_464 = tpu.vector_load_idx %arg9[%add3A_463] : memref<3072xf32, #tpu.memory_space<vmem>>[vector<16xi32>], vector<16xf32>,
            %mul3A_465 = arith.constant 16 : i32
            %mul3A_466 = arith.muli %while3A_200, %mul3A_465 : i32
            %add3A_467 = vector.broadcast %mul3A_466 : i32 to vector<16xi32>
            %add3A_468 = arith.addi %add3A_467, %and3A_459 : vector<16xi32>
            %gather3A_469 = tpu.vector_load_idx %arg10[%add3A_468] : memref<3072xi32, #tpu.memory_space<vmem>>[vector<16xi32>], vector<16xi32>,
            %lt3A_470 = arith.cmpf olt, %gather3A_464, %get3A_170 : vector<16xf32>
            %eq3A_471 = arith.cmpf oeq, %gather3A_464, %get3A_170 : vector<16xf32>
            %lt3A_472 = arith.cmpi slt, %gather3A_469, %get3A_174 : vector<16xi32>
            %and3A_473 = arith.andi %eq3A_471, %lt3A_472 : vector<16xi1>
            %or3A_474 = arith.ori %lt3A_470, %and3A_473 : vector<16xi1>
            %convert_element_type3A_475 = arith.extui %or3A_474 : vector<16xi1> to vector<16xi32>
            %add3A_476 = arith.addi %add3A_453, %convert_element_type3A_475 : vector<16xi32>
            %add3A_477 = arith.constant 12 : i32
            %add3A_478 = vector.broadcast %add3A_477 : i32 to vector<16xi32>
            %add3A_479 = arith.addi %iota3A, %add3A_478 : vector<16xi32>
            %and3A_480 = arith.constant 15 : i32
            %and3A_481 = vector.broadcast %and3A_480 : i32 to vector<16xi32>
            %and3A_482 = arith.andi %add3A_479, %and3A_481 : vector<16xi32>
            %mul3A_483 = arith.constant 16 : i32
            %mul3A_484 = arith.muli %while3A_200, %mul3A_483 : i32
            %add3A_485 = vector.broadcast %mul3A_484 : i32 to vector<16xi32>
            %add3A_486 = arith.addi %add3A_485, %and3A_482 : vector<16xi32>
            %gather3A_487 = tpu.vector_load_idx %arg9[%add3A_486] : memref<3072xf32, #tpu.memory_space<vmem>>[vector<16xi32>], vector<16xf32>,
            %mul3A_488 = arith.constant 16 : i32
            %mul3A_489 = arith.muli %while3A_200, %mul3A_488 : i32
            %add3A_490 = vector.broadcast %mul3A_489 : i32 to vector<16xi32>
            %add3A_491 = arith.addi %add3A_490, %and3A_482 : vector<16xi32>
            %gather3A_492 = tpu.vector_load_idx %arg10[%add3A_491] : memref<3072xi32, #tpu.memory_space<vmem>>[vector<16xi32>], vector<16xi32>,
            %lt3A_493 = arith.cmpf olt, %gather3A_487, %get3A_170 : vector<16xf32>
            %eq3A_494 = arith.cmpf oeq, %gather3A_487, %get3A_170 : vector<16xf32>
            %lt3A_495 = arith.cmpi slt, %gather3A_492, %get3A_174 : vector<16xi32>
            %and3A_496 = arith.andi %eq3A_494, %lt3A_495 : vector<16xi1>
            %or3A_497 = arith.ori %lt3A_493, %and3A_496 : vector<16xi1>
            %convert_element_type3A_498 = arith.extui %or3A_497 : vector<16xi1> to vector<16xi32>
            %add3A_499 = arith.addi %add3A_476, %convert_element_type3A_498 : vector<16xi32>
            %add3A_500 = arith.constant 13 : i32
            %add3A_501 = vector.broadcast %add3A_500 : i32 to vector<16xi32>
            %add3A_502 = arith.addi %iota3A, %add3A_501 : vector<16xi32>
            %and3A_503 = arith.constant 15 : i32
            %and3A_504 = vector.broadcast %and3A_503 : i32 to vector<16xi32>
            %and3A_505 = arith.andi %add3A_502, %and3A_504 : vector<16xi32>
            %mul3A_506 = arith.constant 16 : i32
            %mul3A_507 = arith.muli %while3A_200, %mul3A_506 : i32
            %add3A_508 = vector.broadcast %mul3A_507 : i32 to vector<16xi32>
            %add3A_509 = arith.addi %add3A_508, %and3A_505 : vector<16xi32>
            %gather3A_510 = tpu.vector_load_idx %arg9[%add3A_509] : memref<3072xf32, #tpu.memory_space<vmem>>[vector<16xi32>], vector<16xf32>,
            %mul3A_511 = arith.constant 16 : i32
            %mul3A_512 = arith.muli %while3A_200, %mul3A_511 : i32
            %add3A_513 = vector.broadcast %mul3A_512 : i32 to vector<16xi32>
            %add3A_514 = arith.addi %add3A_513, %and3A_505 : vector<16xi32>
            %gather3A_515 = tpu.vector_load_idx %arg10[%add3A_514] : memref<3072xi32, #tpu.memory_space<vmem>>[vector<16xi32>], vector<16xi32>,
            %lt3A_516 = arith.cmpf olt, %gather3A_510, %get3A_170 : vector<16xf32>
            %eq3A_517 = arith.cmpf oeq, %gather3A_510, %get3A_170 : vector<16xf32>
            %lt3A_518 = arith.cmpi slt, %gather3A_515, %get3A_174 : vector<16xi32>
            %and3A_519 = arith.andi %eq3A_517, %lt3A_518 : vector<16xi1>
            %or3A_520 = arith.ori %lt3A_516, %and3A_519 : vector<16xi1>
            %convert_element_type3A_521 = arith.extui %or3A_520 : vector<16xi1> to vector<16xi32>
            %add3A_522 = arith.addi %add3A_499, %convert_element_type3A_521 : vector<16xi32>
            %add3A_523 = arith.constant 14 : i32
            %add3A_524 = vector.broadcast %add3A_523 : i32 to vector<16xi32>
            %add3A_525 = arith.addi %iota3A, %add3A_524 : vector<16xi32>
            %and3A_526 = arith.constant 15 : i32
            %and3A_527 = vector.broadcast %and3A_526 : i32 to vector<16xi32>
            %and3A_528 = arith.andi %add3A_525, %and3A_527 : vector<16xi32>
            %mul3A_529 = arith.constant 16 : i32
            %mul3A_530 = arith.muli %while3A_200, %mul3A_529 : i32
            %add3A_531 = vector.broadcast %mul3A_530 : i32 to vector<16xi32>
            %add3A_532 = arith.addi %add3A_531, %and3A_528 : vector<16xi32>
            %gather3A_533 = tpu.vector_load_idx %arg9[%add3A_532] : memref<3072xf32, #tpu.memory_space<vmem>>[vector<16xi32>], vector<16xf32>,
            %mul3A_534 = arith.constant 16 : i32
            %mul3A_535 = arith.muli %while3A_200, %mul3A_534 : i32
            %add3A_536 = vector.broadcast %mul3A_535 : i32 to vector<16xi32>
            %add3A_537 = arith.addi %add3A_536, %and3A_528 : vector<16xi32>
            %gather3A_538 = tpu.vector_load_idx %arg10[%add3A_537] : memref<3072xi32, #tpu.memory_space<vmem>>[vector<16xi32>], vector<16xi32>,
            %lt3A_539 = arith.cmpf olt, %gather3A_533, %get3A_170 : vector<16xf32>
            %eq3A_540 = arith.cmpf oeq, %gather3A_533, %get3A_170 : vector<16xf32>
            %lt3A_541 = arith.cmpi slt, %gather3A_538, %get3A_174 : vector<16xi32>
            %and3A_542 = arith.andi %eq3A_540, %lt3A_541 : vector<16xi1>
            %or3A_543 = arith.ori %lt3A_539, %and3A_542 : vector<16xi1>
            %convert_element_type3A_544 = arith.extui %or3A_543 : vector<16xi1> to vector<16xi32>
            %add3A_545 = arith.addi %add3A_522, %convert_element_type3A_544 : vector<16xi32>
            %add3A_546 = arith.constant 15 : i32
            %add3A_547 = vector.broadcast %add3A_546 : i32 to vector<16xi32>
            %add3A_548 = arith.addi %iota3A, %add3A_547 : vector<16xi32>
            %and3A_549 = arith.constant 15 : i32
            %and3A_550 = vector.broadcast %and3A_549 : i32 to vector<16xi32>
            %and3A_551 = arith.andi %add3A_548, %and3A_550 : vector<16xi32>
            %mul3A_552 = arith.constant 16 : i32
            %mul3A_553 = arith.muli %while3A_200, %mul3A_552 : i32
            %add3A_554 = vector.broadcast %mul3A_553 : i32 to vector<16xi32>
            %add3A_555 = arith.addi %add3A_554, %and3A_551 : vector<16xi32>
            %gather3A_556 = tpu.vector_load_idx %arg9[%add3A_555] : memref<3072xf32, #tpu.memory_space<vmem>>[vector<16xi32>], vector<16xf32>,
            %mul3A_557 = arith.constant 16 : i32
            %mul3A_558 = arith.muli %while3A_200, %mul3A_557 : i32
            %add3A_559 = vector.broadcast %mul3A_558 : i32 to vector<16xi32>
            %add3A_560 = arith.addi %add3A_559, %and3A_551 : vector<16xi32>
            %gather3A_561 = tpu.vector_load_idx %arg10[%add3A_560] : memref<3072xi32, #tpu.memory_space<vmem>>[vector<16xi32>], vector<16xi32>,
            %lt3A_562 = arith.cmpf olt, %gather3A_556, %get3A_170 : vector<16xf32>
            %eq3A_563 = arith.cmpf oeq, %gather3A_556, %get3A_170 : vector<16xf32>
            %lt3A_564 = arith.cmpi slt, %gather3A_561, %get3A_174 : vector<16xi32>
            %and3A_565 = arith.andi %eq3A_563, %lt3A_564 : vector<16xi1>
            %or3A_566 = arith.ori %lt3A_562, %and3A_565 : vector<16xi1>
            %convert_element_type3A_567 = arith.extui %or3A_566 : vector<16xi1> to vector<16xi32>
            %add3A_568 = arith.addi %add3A_545, %convert_element_type3A_567 : vector<16xi32>
            %swap3A_569 = arith.constant 0 : index
            %swap3A_570 = tpu.vector_load %arg16[%swap3A_569] {strides = array<i32>} : memref<16xi32, #tpu.memory_space<vmem>>, vector<16xi32>,
            tpu.vector_store %arg16[%swap3A_569], %add3A_568 {strides = array<i32>} : memref<16xi32, #tpu.memory_space<vmem>>, vector<16xi32>,
            %while3A_571 = arith.constant 0 : i32
            scf.yield %while3A_571 : i32
          }
          %get3A_189 = arith.constant 0 : index
          %get3A_190 = tpu.vector_load %arg16[%get3A_189] {strides = array<i32>} : memref<16xi32, #tpu.memory_space<vmem>>, vector<16xi32>,
          %mul3A_191 = arith.constant 16 : i32
          %mul3A_192 = arith.muli %while3A_165, %mul3A_191 : i32
          %add3A_193 = vector.broadcast %mul3A_192 : i32 to vector<16xi32>
          %add3A_194 = arith.addi %iota3A, %add3A_193 : vector<16xi32>
          %lt3A_195 = arith.cmpi slt, %add3A_194, %broadcast_in_dim3A_152 : vector<16xi32>
          %lt3A_196 = arith.cmpi slt, %get3A_190, %broadcast_in_dim3A_151 : vector<16xi32>
          %and3A = arith.andi %lt3A_195, %lt3A_196 : vector<16xi1>
          %add3A_197 = arith.addi %broadcast_in_dim3A_74, %broadcast_in_dim3A_150 : vector<16xi32>
          %add3A_198 = arith.addi %add3A_197, %get3A_190 : vector<16xi32>
          tpu.vector_store_idx %arg12[%add3A_198], %get3A_174 masked %and3A : memref<512xi32, #tpu.memory_space<vmem>>[vector<16xi32>], vector<16xi32>, vector<16xi1>
          %while3A_199 = arith.constant 0 : i32
          scf.yield %while3A_199 : i32
        }
        %while3A_163 = arith.constant 1 : i32
        %while3A_164 = scf.for %while3A_165 = %while3A_160 to %while3A_156 step %while3A_163 iter_args(%while3A_166 = %while3A_162) -> (i32)  : i32 {
          %mul3A_167 = arith.constant 16 : i32
          %mul3A_168 = arith.muli %while3A_165, %mul3A_167 : i32
          %get3A_169 = arith.index_cast %mul3A_168 : i32 to index
          %get3A_170 = tpu.vector_load %arg9[%get3A_169] {strides = array<i32>} : memref<3072xf32, #tpu.memory_space<vmem>>, vector<16xf32>,
          %mul3A_171 = arith.constant 16 : i32
          %mul3A_172 = arith.muli %while3A_165, %mul3A_171 : i32
          %get3A_173 = arith.index_cast %mul3A_172 : i32 to index
          %get3A_174 = tpu.vector_load %arg10[%get3A_173] {strides = array<i32>} : memref<3072xi32, #tpu.memory_space<vmem>>, vector<16xi32>,
          %swap3A_175 = arith.constant 0 : index
          %swap3A_176 = tpu.vector_load %arg16[%swap3A_175] {strides = array<i32>} : memref<16xi32, #tpu.memory_space<vmem>>, vector<16xi32>,
          tpu.vector_store %arg16[%swap3A_175], %broadcast_in_dim3A_5 {strides = array<i32>} : memref<16xi32, #tpu.memory_space<vmem>>, vector<16xi32>,
          %while3A_177 = arith.constant 0 : i32
          %while3A_178 = arith.constant 0 : i32
          %while3A_179 = arith.subi %shift_right_logical3A_149, %while3A_177 : i32
          %while3A_180 = arith.addi %while3A_177, %while3A_179 : i32
          %while3A_181 = arith.constant 1 : i32
          %while3A_182 = arith.divsi %while3A_179, %while3A_181 : i32
          %while3A_183 = arith.muli %while3A_182, %while3A_181 : i32
          %while3A_184 = arith.addi %while3A_177, %while3A_183 : i32
          %while3A_185 = arith.constant 1 : i32
          %while3A_186 = scf.for %while3A_200 = %while3A_177 to %while3A_184 step %while3A_185 iter_args(%while3A_201 = %while3A_178) -> (i32)  : i32 {
            %get3A_202 = arith.constant 0 : index
            %get3A_203 = tpu.vector_load %arg16[%get3A_202] {strides = array<i32>} : memref<16xi32, #tpu.memory_space<vmem>>, vector<16xi32>,
            %add3A_204 = arith.constant 0 : i32
            %add3A_205 = vector.broadcast %add3A_204 : i32 to vector<16xi32>
            %add3A_206 = arith.addi %iota3A, %add3A_205 : vector<16xi32>
            %and3A_207 = arith.constant 15 : i32
            %and3A_208 = vector.broadcast %and3A_207 : i32 to vector<16xi32>
            %and3A_209 = arith.andi %add3A_206, %and3A_208 : vector<16xi32>
            %mul3A_210 = arith.constant 16 : i32
            %mul3A_211 = arith.muli %while3A_200, %mul3A_210 : i32
            %add3A_212 = vector.broadcast %mul3A_211 : i32 to vector<16xi32>
            %add3A_213 = arith.addi %add3A_212, %and3A_209 : vector<16xi32>
            %gather3A = tpu.vector_load_idx %arg9[%add3A_213] : memref<3072xf32, #tpu.memory_space<vmem>>[vector<16xi32>], vector<16xf32>,
            %mul3A_214 = arith.constant 16 : i32
            %mul3A_215 = arith.muli %while3A_200, %mul3A_214 : i32
            %add3A_216 = vector.broadcast %mul3A_215 : i32 to vector<16xi32>
            %add3A_217 = arith.addi %add3A_216, %and3A_209 : vector<16xi32>
            %gather3A_218 = tpu.vector_load_idx %arg10[%add3A_217] : memref<3072xi32, #tpu.memory_space<vmem>>[vector<16xi32>], vector<16xi32>,
            %lt3A_219 = arith.cmpf olt, %gather3A, %get3A_170 : vector<16xf32>
            %eq3A = arith.cmpf oeq, %gather3A, %get3A_170 : vector<16xf32>
            %lt3A_220 = arith.cmpi slt, %gather3A_218, %get3A_174 : vector<16xi32>
            %and3A_221 = arith.andi %eq3A, %lt3A_220 : vector<16xi1>
            %or3A = arith.ori %lt3A_219, %and3A_221 : vector<16xi1>
            %convert_element_type3A_222 = arith.extui %or3A : vector<16xi1> to vector<16xi32>
            %add3A_223 = arith.addi %get3A_203, %convert_element_type3A_222 : vector<16xi32>
            %add3A_224 = arith.constant 1 : i32
            %add3A_225 = vector.broadcast %add3A_224 : i32 to vector<16xi32>
            %add3A_226 = arith.addi %iota3A, %add3A_225 : vector<16xi32>
            %and3A_227 = arith.constant 15 : i32
            %and3A_228 = vector.broadcast %and3A_227 : i32 to vector<16xi32>
            %and3A_229 = arith.andi %add3A_226, %and3A_228 : vector<16xi32>
            %mul3A_230 = arith.constant 16 : i32
            %mul3A_231 = arith.muli %while3A_200, %mul3A_230 : i32
            %add3A_232 = vector.broadcast %mul3A_231 : i32 to vector<16xi32>
            %add3A_233 = arith.addi %add3A_232, %and3A_229 : vector<16xi32>
            %gather3A_234 = tpu.vector_load_idx %arg9[%add3A_233] : memref<3072xf32, #tpu.memory_space<vmem>>[vector<16xi32>], vector<16xf32>,
            %mul3A_235 = arith.constant 16 : i32
            %mul3A_236 = arith.muli %while3A_200, %mul3A_235 : i32
            %add3A_237 = vector.broadcast %mul3A_236 : i32 to vector<16xi32>
            %add3A_238 = arith.addi %add3A_237, %and3A_229 : vector<16xi32>
            %gather3A_239 = tpu.vector_load_idx %arg10[%add3A_238] : memref<3072xi32, #tpu.memory_space<vmem>>[vector<16xi32>], vector<16xi32>,
            %lt3A_240 = arith.cmpf olt, %gather3A_234, %get3A_170 : vector<16xf32>
            %eq3A_241 = arith.cmpf oeq, %gather3A_234, %get3A_170 : vector<16xf32>
            %lt3A_242 = arith.cmpi slt, %gather3A_239, %get3A_174 : vector<16xi32>
            %and3A_243 = arith.andi %eq3A_241, %lt3A_242 : vector<16xi1>
            %or3A_244 = arith.ori %lt3A_240, %and3A_243 : vector<16xi1>
            %convert_element_type3A_245 = arith.extui %or3A_244 : vector<16xi1> to vector<16xi32>
            %add3A_246 = arith.addi %add3A_223, %convert_element_type3A_245 : vector<16xi32>
            %add3A_247 = arith.constant 2 : i32
            %add3A_248 = vector.broadcast %add3A_247 : i32 to vector<16xi32>
            %add3A_249 = arith.addi %iota3A, %add3A_248 : vector<16xi32>
            %and3A_250 = arith.constant 15 : i32
            %and3A_251 = vector.broadcast %and3A_250 : i32 to vector<16xi32>
            %and3A_252 = arith.andi %add3A_249, %and3A_251 : vector<16xi32>
            %mul3A_253 = arith.constant 16 : i32
            %mul3A_254 = arith.muli %while3A_200, %mul3A_253 : i32
            %add3A_255 = vector.broadcast %mul3A_254 : i32 to vector<16xi32>
            %add3A_256 = arith.addi %add3A_255, %and3A_252 : vector<16xi32>
            %gather3A_257 = tpu.vector_load_idx %arg9[%add3A_256] : memref<3072xf32, #tpu.memory_space<vmem>>[vector<16xi32>], vector<16xf32>,
            %mul3A_258 = arith.constant 16 : i32
            %mul3A_259 = arith.muli %while3A_200, %mul3A_258 : i32
            %add3A_260 = vector.broadcast %mul3A_259 : i32 to vector<16xi32>
            %add3A_261 = arith.addi %add3A_260, %and3A_252 : vector<16xi32>
            %gather3A_262 = tpu.vector_load_idx %arg10[%add3A_261] : memref<3072xi32, #tpu.memory_space<vmem>>[vector<16xi32>], vector<16xi32>,
            %lt3A_263 = arith.cmpf olt, %gather3A_257, %get3A_170 : vector<16xf32>
            %eq3A_264 = arith.cmpf oeq, %gather3A_257, %get3A_170 : vector<16xf32>
            %lt3A_265 = arith.cmpi slt, %gather3A_262, %get3A_174 : vector<16xi32>
            %and3A_266 = arith.andi %eq3A_264, %lt3A_265 : vector<16xi1>
            %or3A_267 = arith.ori %lt3A_263, %and3A_266 : vector<16xi1>
            %convert_element_type3A_268 = arith.extui %or3A_267 : vector<16xi1> to vector<16xi32>
            %add3A_269 = arith.addi %add3A_246, %convert_element_type3A_268 : vector<16xi32>
            %add3A_270 = arith.constant 3 : i32
            %add3A_271 = vector.broadcast %add3A_270 : i32 to vector<16xi32>
            %add3A_272 = arith.addi %iota3A, %add3A_271 : vector<16xi32>
            %and3A_273 = arith.constant 15 : i32
            %and3A_274 = vector.broadcast %and3A_273 : i32 to vector<16xi32>
            %and3A_275 = arith.andi %add3A_272, %and3A_274 : vector<16xi32>
            %mul3A_276 = arith.constant 16 : i32
            %mul3A_277 = arith.muli %while3A_200, %mul3A_276 : i32
            %add3A_278 = vector.broadcast %mul3A_277 : i32 to vector<16xi32>
            %add3A_279 = arith.addi %add3A_278, %and3A_275 : vector<16xi32>
            %gather3A_280 = tpu.vector_load_idx %arg9[%add3A_279] : memref<3072xf32, #tpu.memory_space<vmem>>[vector<16xi32>], vector<16xf32>,
            %mul3A_281 = arith.constant 16 : i32
            %mul3A_282 = arith.muli %while3A_200, %mul3A_281 : i32
            %add3A_283 = vector.broadcast %mul3A_282 : i32 to vector<16xi32>
            %add3A_284 = arith.addi %add3A_283, %and3A_275 : vector<16xi32>
            %gather3A_285 = tpu.vector_load_idx %arg10[%add3A_284] : memref<3072xi32, #tpu.memory_space<vmem>>[vector<16xi32>], vector<16xi32>,
            %lt3A_286 = arith.cmpf olt, %gather3A_280, %get3A_170 : vector<16xf32>
            %eq3A_287 = arith.cmpf oeq, %gather3A_280, %get3A_170 : vector<16xf32>
            %lt3A_288 = arith.cmpi slt, %gather3A_285, %get3A_174 : vector<16xi32>
            %and3A_289 = arith.andi %eq3A_287, %lt3A_288 : vector<16xi1>
            %or3A_290 = arith.ori %lt3A_286, %and3A_289 : vector<16xi1>
            %convert_element_type3A_291 = arith.extui %or3A_290 : vector<16xi1> to vector<16xi32>
            %add3A_292 = arith.addi %add3A_269, %convert_element_type3A_291 : vector<16xi32>
            %add3A_293 = arith.constant 4 : i32
            %add3A_294 = vector.broadcast %add3A_293 : i32 to vector<16xi32>
            %add3A_295 = arith.addi %iota3A, %add3A_294 : vector<16xi32>
            %and3A_296 = arith.constant 15 : i32
            %and3A_297 = vector.broadcast %and3A_296 : i32 to vector<16xi32>
            %and3A_298 = arith.andi %add3A_295, %and3A_297 : vector<16xi32>
            %mul3A_299 = arith.constant 16 : i32
            %mul3A_300 = arith.muli %while3A_200, %mul3A_299 : i32
            %add3A_301 = vector.broadcast %mul3A_300 : i32 to vector<16xi32>
            %add3A_302 = arith.addi %add3A_301, %and3A_298 : vector<16xi32>
            %gather3A_303 = tpu.vector_load_idx %arg9[%add3A_302] : memref<3072xf32, #tpu.memory_space<vmem>>[vector<16xi32>], vector<16xf32>,
            %mul3A_304 = arith.constant 16 : i32
            %mul3A_305 = arith.muli %while3A_200, %mul3A_304 : i32
            %add3A_306 = vector.broadcast %mul3A_305 : i32 to vector<16xi32>
            %add3A_307 = arith.addi %add3A_306, %and3A_298 : vector<16xi32>
            %gather3A_308 = tpu.vector_load_idx %arg10[%add3A_307] : memref<3072xi32, #tpu.memory_space<vmem>>[vector<16xi32>], vector<16xi32>,
            %lt3A_309 = arith.cmpf olt, %gather3A_303, %get3A_170 : vector<16xf32>
            %eq3A_310 = arith.cmpf oeq, %gather3A_303, %get3A_170 : vector<16xf32>
            %lt3A_311 = arith.cmpi slt, %gather3A_308, %get3A_174 : vector<16xi32>
            %and3A_312 = arith.andi %eq3A_310, %lt3A_311 : vector<16xi1>
            %or3A_313 = arith.ori %lt3A_309, %and3A_312 : vector<16xi1>
            %convert_element_type3A_314 = arith.extui %or3A_313 : vector<16xi1> to vector<16xi32>
            %add3A_315 = arith.addi %add3A_292, %convert_element_type3A_314 : vector<16xi32>
            %add3A_316 = arith.constant 5 : i32
            %add3A_317 = vector.broadcast %add3A_316 : i32 to vector<16xi32>
            %add3A_318 = arith.addi %iota3A, %add3A_317 : vector<16xi32>
            %and3A_319 = arith.constant 15 : i32
            %and3A_320 = vector.broadcast %and3A_319 : i32 to vector<16xi32>
            %and3A_321 = arith.andi %add3A_318, %and3A_320 : vector<16xi32>
            %mul3A_322 = arith.constant 16 : i32
            %mul3A_323 = arith.muli %while3A_200, %mul3A_322 : i32
            %add3A_324 = vector.broadcast %mul3A_323 : i32 to vector<16xi32>
            %add3A_325 = arith.addi %add3A_324, %and3A_321 : vector<16xi32>
            %gather3A_326 = tpu.vector_load_idx %arg9[%add3A_325] : memref<3072xf32, #tpu.memory_space<vmem>>[vector<16xi32>], vector<16xf32>,
            %mul3A_327 = arith.constant 16 : i32
            %mul3A_328 = arith.muli %while3A_200, %mul3A_327 : i32
            %add3A_329 = vector.broadcast %mul3A_328 : i32 to vector<16xi32>
            %add3A_330 = arith.addi %add3A_329, %and3A_321 : vector<16xi32>
            %gather3A_331 = tpu.vector_load_idx %arg10[%add3A_330] : memref<3072xi32, #tpu.memory_space<vmem>>[vector<16xi32>], vector<16xi32>,
            %lt3A_332 = arith.cmpf olt, %gather3A_326, %get3A_170 : vector<16xf32>
            %eq3A_333 = arith.cmpf oeq, %gather3A_326, %get3A_170 : vector<16xf32>
            %lt3A_334 = arith.cmpi slt, %gather3A_331, %get3A_174 : vector<16xi32>
            %and3A_335 = arith.andi %eq3A_333, %lt3A_334 : vector<16xi1>
            %or3A_336 = arith.ori %lt3A_332, %and3A_335 : vector<16xi1>
            %convert_element_type3A_337 = arith.extui %or3A_336 : vector<16xi1> to vector<16xi32>
            %add3A_338 = arith.addi %add3A_315, %convert_element_type3A_337 : vector<16xi32>
            %add3A_339 = arith.constant 6 : i32
            %add3A_340 = vector.broadcast %add3A_339 : i32 to vector<16xi32>
            %add3A_341 = arith.addi %iota3A, %add3A_340 : vector<16xi32>
            %and3A_342 = arith.constant 15 : i32
            %and3A_343 = vector.broadcast %and3A_342 : i32 to vector<16xi32>
            %and3A_344 = arith.andi %add3A_341, %and3A_343 : vector<16xi32>
            %mul3A_345 = arith.constant 16 : i32
            %mul3A_346 = arith.muli %while3A_200, %mul3A_345 : i32
            %add3A_347 = vector.broadcast %mul3A_346 : i32 to vector<16xi32>
            %add3A_348 = arith.addi %add3A_347, %and3A_344 : vector<16xi32>
            %gather3A_349 = tpu.vector_load_idx %arg9[%add3A_348] : memref<3072xf32, #tpu.memory_space<vmem>>[vector<16xi32>], vector<16xf32>,
            %mul3A_350 = arith.constant 16 : i32
            %mul3A_351 = arith.muli %while3A_200, %mul3A_350 : i32
            %add3A_352 = vector.broadcast %mul3A_351 : i32 to vector<16xi32>
            %add3A_353 = arith.addi %add3A_352, %and3A_344 : vector<16xi32>
            %gather3A_354 = tpu.vector_load_idx %arg10[%add3A_353] : memref<3072xi32, #tpu.memory_space<vmem>>[vector<16xi32>], vector<16xi32>,
            %lt3A_355 = arith.cmpf olt, %gather3A_349, %get3A_170 : vector<16xf32>
            %eq3A_356 = arith.cmpf oeq, %gather3A_349, %get3A_170 : vector<16xf32>
            %lt3A_357 = arith.cmpi slt, %gather3A_354, %get3A_174 : vector<16xi32>
            %and3A_358 = arith.andi %eq3A_356, %lt3A_357 : vector<16xi1>
            %or3A_359 = arith.ori %lt3A_355, %and3A_358 : vector<16xi1>
            %convert_element_type3A_360 = arith.extui %or3A_359 : vector<16xi1> to vector<16xi32>
            %add3A_361 = arith.addi %add3A_338, %convert_element_type3A_360 : vector<16xi32>
            %add3A_362 = arith.constant 7 : i32
            %add3A_363 = vector.broadcast %add3A_362 : i32 to vector<16xi32>
            %add3A_364 = arith.addi %iota3A, %add3A_363 : vector<16xi32>
            %and3A_365 = arith.constant 15 : i32
            %and3A_366 = vector.broadcast %and3A_365 : i32 to vector<16xi32>
            %and3A_367 = arith.andi %add3A_364, %and3A_366 : vector<16xi32>
            %mul3A_368 = arith.constant 16 : i32
            %mul3A_369 = arith.muli %while3A_200, %mul3A_368 : i32
            %add3A_370 = vector.broadcast %mul3A_369 : i32 to vector<16xi32>
            %add3A_371 = arith.addi %add3A_370, %and3A_367 : vector<16xi32>
            %gather3A_372 = tpu.vector_load_idx %arg9[%add3A_371] : memref<3072xf32, #tpu.memory_space<vmem>>[vector<16xi32>], vector<16xf32>,
            %mul3A_373 = arith.constant 16 : i32
            %mul3A_374 = arith.muli %while3A_200, %mul3A_373 : i32
            %add3A_375 = vector.broadcast %mul3A_374 : i32 to vector<16xi32>
            %add3A_376 = arith.addi %add3A_375, %and3A_367 : vector<16xi32>
            %gather3A_377 = tpu.vector_load_idx %arg10[%add3A_376] : memref<3072xi32, #tpu.memory_space<vmem>>[vector<16xi32>], vector<16xi32>,
            %lt3A_378 = arith.cmpf olt, %gather3A_372, %get3A_170 : vector<16xf32>
            %eq3A_379 = arith.cmpf oeq, %gather3A_372, %get3A_170 : vector<16xf32>
            %lt3A_380 = arith.cmpi slt, %gather3A_377, %get3A_174 : vector<16xi32>
            %and3A_381 = arith.andi %eq3A_379, %lt3A_380 : vector<16xi1>
            %or3A_382 = arith.ori %lt3A_378, %and3A_381 : vector<16xi1>
            %convert_element_type3A_383 = arith.extui %or3A_382 : vector<16xi1> to vector<16xi32>
            %add3A_384 = arith.addi %add3A_361, %convert_element_type3A_383 : vector<16xi32>
            %add3A_385 = arith.constant 8 : i32
            %add3A_386 = vector.broadcast %add3A_385 : i32 to vector<16xi32>
            %add3A_387 = arith.addi %iota3A, %add3A_386 : vector<16xi32>
            %and3A_388 = arith.constant 15 : i32
            %and3A_389 = vector.broadcast %and3A_388 : i32 to vector<16xi32>
            %and3A_390 = arith.andi %add3A_387, %and3A_389 : vector<16xi32>
            %mul3A_391 = arith.constant 16 : i32
            %mul3A_392 = arith.muli %while3A_200, %mul3A_391 : i32
            %add3A_393 = vector.broadcast %mul3A_392 : i32 to vector<16xi32>
            %add3A_394 = arith.addi %add3A_393, %and3A_390 : vector<16xi32>
            %gather3A_395 = tpu.vector_load_idx %arg9[%add3A_394] : memref<3072xf32, #tpu.memory_space<vmem>>[vector<16xi32>], vector<16xf32>,
            %mul3A_396 = arith.constant 16 : i32
            %mul3A_397 = arith.muli %while3A_200, %mul3A_396 : i32
            %add3A_398 = vector.broadcast %mul3A_397 : i32 to vector<16xi32>
            %add3A_399 = arith.addi %add3A_398, %and3A_390 : vector<16xi32>
            %gather3A_400 = tpu.vector_load_idx %arg10[%add3A_399] : memref<3072xi32, #tpu.memory_space<vmem>>[vector<16xi32>], vector<16xi32>,
            %lt3A_401 = arith.cmpf olt, %gather3A_395, %get3A_170 : vector<16xf32>
            %eq3A_402 = arith.cmpf oeq, %gather3A_395, %get3A_170 : vector<16xf32>
            %lt3A_403 = arith.cmpi slt, %gather3A_400, %get3A_174 : vector<16xi32>
            %and3A_404 = arith.andi %eq3A_402, %lt3A_403 : vector<16xi1>
            %or3A_405 = arith.ori %lt3A_401, %and3A_404 : vector<16xi1>
            %convert_element_type3A_406 = arith.extui %or3A_405 : vector<16xi1> to vector<16xi32>
            %add3A_407 = arith.addi %add3A_384, %convert_element_type3A_406 : vector<16xi32>
            %add3A_408 = arith.constant 9 : i32
            %add3A_409 = vector.broadcast %add3A_408 : i32 to vector<16xi32>
            %add3A_410 = arith.addi %iota3A, %add3A_409 : vector<16xi32>
            %and3A_411 = arith.constant 15 : i32
            %and3A_412 = vector.broadcast %and3A_411 : i32 to vector<16xi32>
            %and3A_413 = arith.andi %add3A_410, %and3A_412 : vector<16xi32>
            %mul3A_414 = arith.constant 16 : i32
            %mul3A_415 = arith.muli %while3A_200, %mul3A_414 : i32
            %add3A_416 = vector.broadcast %mul3A_415 : i32 to vector<16xi32>
            %add3A_417 = arith.addi %add3A_416, %and3A_413 : vector<16xi32>
            %gather3A_418 = tpu.vector_load_idx %arg9[%add3A_417] : memref<3072xf32, #tpu.memory_space<vmem>>[vector<16xi32>], vector<16xf32>,
            %mul3A_419 = arith.constant 16 : i32
            %mul3A_420 = arith.muli %while3A_200, %mul3A_419 : i32
            %add3A_421 = vector.broadcast %mul3A_420 : i32 to vector<16xi32>
            %add3A_422 = arith.addi %add3A_421, %and3A_413 : vector<16xi32>
            %gather3A_423 = tpu.vector_load_idx %arg10[%add3A_422] : memref<3072xi32, #tpu.memory_space<vmem>>[vector<16xi32>], vector<16xi32>,
            %lt3A_424 = arith.cmpf olt, %gather3A_418, %get3A_170 : vector<16xf32>
            %eq3A_425 = arith.cmpf oeq, %gather3A_418, %get3A_170 : vector<16xf32>
            %lt3A_426 = arith.cmpi slt, %gather3A_423, %get3A_174 : vector<16xi32>
            %and3A_427 = arith.andi %eq3A_425, %lt3A_426 : vector<16xi1>
            %or3A_428 = arith.ori %lt3A_424, %and3A_427 : vector<16xi1>
            %convert_element_type3A_429 = arith.extui %or3A_428 : vector<16xi1> to vector<16xi32>
            %add3A_430 = arith.addi %add3A_407, %convert_element_type3A_429 : vector<16xi32>
            %add3A_431 = arith.constant 10 : i32
            %add3A_432 = vector.broadcast %add3A_431 : i32 to vector<16xi32>
            %add3A_433 = arith.addi %iota3A, %add3A_432 : vector<16xi32>
            %and3A_434 = arith.constant 15 : i32
            %and3A_435 = vector.broadcast %and3A_434 : i32 to vector<16xi32>
            %and3A_436 = arith.andi %add3A_433, %and3A_435 : vector<16xi32>
            %mul3A_437 = arith.constant 16 : i32
            %mul3A_438 = arith.muli %while3A_200, %mul3A_437 : i32
            %add3A_439 = vector.broadcast %mul3A_438 : i32 to vector<16xi32>
            %add3A_440 = arith.addi %add3A_439, %and3A_436 : vector<16xi32>
            %gather3A_441 = tpu.vector_load_idx %arg9[%add3A_440] : memref<3072xf32, #tpu.memory_space<vmem>>[vector<16xi32>], vector<16xf32>,
            %mul3A_442 = arith.constant 16 : i32
            %mul3A_443 = arith.muli %while3A_200, %mul3A_442 : i32
            %add3A_444 = vector.broadcast %mul3A_443 : i32 to vector<16xi32>
            %add3A_445 = arith.addi %add3A_444, %and3A_436 : vector<16xi32>
            %gather3A_446 = tpu.vector_load_idx %arg10[%add3A_445] : memref<3072xi32, #tpu.memory_space<vmem>>[vector<16xi32>], vector<16xi32>,
            %lt3A_447 = arith.cmpf olt, %gather3A_441, %get3A_170 : vector<16xf32>
            %eq3A_448 = arith.cmpf oeq, %gather3A_441, %get3A_170 : vector<16xf32>
            %lt3A_449 = arith.cmpi slt, %gather3A_446, %get3A_174 : vector<16xi32>
            %and3A_450 = arith.andi %eq3A_448, %lt3A_449 : vector<16xi1>
            %or3A_451 = arith.ori %lt3A_447, %and3A_450 : vector<16xi1>
            %convert_element_type3A_452 = arith.extui %or3A_451 : vector<16xi1> to vector<16xi32>
            %add3A_453 = arith.addi %add3A_430, %convert_element_type3A_452 : vector<16xi32>
            %add3A_454 = arith.constant 11 : i32
            %add3A_455 = vector.broadcast %add3A_454 : i32 to vector<16xi32>
            %add3A_456 = arith.addi %iota3A, %add3A_455 : vector<16xi32>
            %and3A_457 = arith.constant 15 : i32
            %and3A_458 = vector.broadcast %and3A_457 : i32 to vector<16xi32>
            %and3A_459 = arith.andi %add3A_456, %and3A_458 : vector<16xi32>
            %mul3A_460 = arith.constant 16 : i32
            %mul3A_461 = arith.muli %while3A_200, %mul3A_460 : i32
            %add3A_462 = vector.broadcast %mul3A_461 : i32 to vector<16xi32>
            %add3A_463 = arith.addi %add3A_462, %and3A_459 : vector<16xi32>
            %gather3A_464 = tpu.vector_load_idx %arg9[%add3A_463] : memref<3072xf32, #tpu.memory_space<vmem>>[vector<16xi32>], vector<16xf32>,
            %mul3A_465 = arith.constant 16 : i32
            %mul3A_466 = arith.muli %while3A_200, %mul3A_465 : i32
            %add3A_467 = vector.broadcast %mul3A_466 : i32 to vector<16xi32>
            %add3A_468 = arith.addi %add3A_467, %and3A_459 : vector<16xi32>
            %gather3A_469 = tpu.vector_load_idx %arg10[%add3A_468] : memref<3072xi32, #tpu.memory_space<vmem>>[vector<16xi32>], vector<16xi32>,
            %lt3A_470 = arith.cmpf olt, %gather3A_464, %get3A_170 : vector<16xf32>
            %eq3A_471 = arith.cmpf oeq, %gather3A_464, %get3A_170 : vector<16xf32>
            %lt3A_472 = arith.cmpi slt, %gather3A_469, %get3A_174 : vector<16xi32>
            %and3A_473 = arith.andi %eq3A_471, %lt3A_472 : vector<16xi1>
            %or3A_474 = arith.ori %lt3A_470, %and3A_473 : vector<16xi1>
            %convert_element_type3A_475 = arith.extui %or3A_474 : vector<16xi1> to vector<16xi32>
            %add3A_476 = arith.addi %add3A_453, %convert_element_type3A_475 : vector<16xi32>
            %add3A_477 = arith.constant 12 : i32
            %add3A_478 = vector.broadcast %add3A_477 : i32 to vector<16xi32>
            %add3A_479 = arith.addi %iota3A, %add3A_478 : vector<16xi32>
            %and3A_480 = arith.constant 15 : i32
            %and3A_481 = vector.broadcast %and3A_480 : i32 to vector<16xi32>
            %and3A_482 = arith.andi %add3A_479, %and3A_481 : vector<16xi32>
            %mul3A_483 = arith.constant 16 : i32
            %mul3A_484 = arith.muli %while3A_200, %mul3A_483 : i32
            %add3A_485 = vector.broadcast %mul3A_484 : i32 to vector<16xi32>
            %add3A_486 = arith.addi %add3A_485, %and3A_482 : vector<16xi32>
            %gather3A_487 = tpu.vector_load_idx %arg9[%add3A_486] : memref<3072xf32, #tpu.memory_space<vmem>>[vector<16xi32>], vector<16xf32>,
            %mul3A_488 = arith.constant 16 : i32
            %mul3A_489 = arith.muli %while3A_200, %mul3A_488 : i32
            %add3A_490 = vector.broadcast %mul3A_489 : i32 to vector<16xi32>
            %add3A_491 = arith.addi %add3A_490, %and3A_482 : vector<16xi32>
            %gather3A_492 = tpu.vector_load_idx %arg10[%add3A_491] : memref<3072xi32, #tpu.memory_space<vmem>>[vector<16xi32>], vector<16xi32>,
            %lt3A_493 = arith.cmpf olt, %gather3A_487, %get3A_170 : vector<16xf32>
            %eq3A_494 = arith.cmpf oeq, %gather3A_487, %get3A_170 : vector<16xf32>
            %lt3A_495 = arith.cmpi slt, %gather3A_492, %get3A_174 : vector<16xi32>
            %and3A_496 = arith.andi %eq3A_494, %lt3A_495 : vector<16xi1>
            %or3A_497 = arith.ori %lt3A_493, %and3A_496 : vector<16xi1>
            %convert_element_type3A_498 = arith.extui %or3A_497 : vector<16xi1> to vector<16xi32>
            %add3A_499 = arith.addi %add3A_476, %convert_element_type3A_498 : vector<16xi32>
            %add3A_500 = arith.constant 13 : i32
            %add3A_501 = vector.broadcast %add3A_500 : i32 to vector<16xi32>
            %add3A_502 = arith.addi %iota3A, %add3A_501 : vector<16xi32>
            %and3A_503 = arith.constant 15 : i32
            %and3A_504 = vector.broadcast %and3A_503 : i32 to vector<16xi32>
            %and3A_505 = arith.andi %add3A_502, %and3A_504 : vector<16xi32>
            %mul3A_506 = arith.constant 16 : i32
            %mul3A_507 = arith.muli %while3A_200, %mul3A_506 : i32
            %add3A_508 = vector.broadcast %mul3A_507 : i32 to vector<16xi32>
            %add3A_509 = arith.addi %add3A_508, %and3A_505 : vector<16xi32>
            %gather3A_510 = tpu.vector_load_idx %arg9[%add3A_509] : memref<3072xf32, #tpu.memory_space<vmem>>[vector<16xi32>], vector<16xf32>,
            %mul3A_511 = arith.constant 16 : i32
            %mul3A_512 = arith.muli %while3A_200, %mul3A_511 : i32
            %add3A_513 = vector.broadcast %mul3A_512 : i32 to vector<16xi32>
            %add3A_514 = arith.addi %add3A_513, %and3A_505 : vector<16xi32>
            %gather3A_515 = tpu.vector_load_idx %arg10[%add3A_514] : memref<3072xi32, #tpu.memory_space<vmem>>[vector<16xi32>], vector<16xi32>,
            %lt3A_516 = arith.cmpf olt, %gather3A_510, %get3A_170 : vector<16xf32>
            %eq3A_517 = arith.cmpf oeq, %gather3A_510, %get3A_170 : vector<16xf32>
            %lt3A_518 = arith.cmpi slt, %gather3A_515, %get3A_174 : vector<16xi32>
            %and3A_519 = arith.andi %eq3A_517, %lt3A_518 : vector<16xi1>
            %or3A_520 = arith.ori %lt3A_516, %and3A_519 : vector<16xi1>
            %convert_element_type3A_521 = arith.extui %or3A_520 : vector<16xi1> to vector<16xi32>
            %add3A_522 = arith.addi %add3A_499, %convert_element_type3A_521 : vector<16xi32>
            %add3A_523 = arith.constant 14 : i32
            %add3A_524 = vector.broadcast %add3A_523 : i32 to vector<16xi32>
            %add3A_525 = arith.addi %iota3A, %add3A_524 : vector<16xi32>
            %and3A_526 = arith.constant 15 : i32
            %and3A_527 = vector.broadcast %and3A_526 : i32 to vector<16xi32>
            %and3A_528 = arith.andi %add3A_525, %and3A_527 : vector<16xi32>
            %mul3A_529 = arith.constant 16 : i32
            %mul3A_530 = arith.muli %while3A_200, %mul3A_529 : i32
            %add3A_531 = vector.broadcast %mul3A_530 : i32 to vector<16xi32>
            %add3A_532 = arith.addi %add3A_531, %and3A_528 : vector<16xi32>
            %gather3A_533 = tpu.vector_load_idx %arg9[%add3A_532] : memref<3072xf32, #tpu.memory_space<vmem>>[vector<16xi32>], vector<16xf32>,
            %mul3A_534 = arith.constant 16 : i32
            %mul3A_535 = arith.muli %while3A_200, %mul3A_534 : i32
            %add3A_536 = vector.broadcast %mul3A_535 : i32 to vector<16xi32>
            %add3A_537 = arith.addi %add3A_536, %and3A_528 : vector<16xi32>
            %gather3A_538 = tpu.vector_load_idx %arg10[%add3A_537] : memref<3072xi32, #tpu.memory_space<vmem>>[vector<16xi32>], vector<16xi32>,
            %lt3A_539 = arith.cmpf olt, %gather3A_533, %get3A_170 : vector<16xf32>
            %eq3A_540 = arith.cmpf oeq, %gather3A_533, %get3A_170 : vector<16xf32>
            %lt3A_541 = arith.cmpi slt, %gather3A_538, %get3A_174 : vector<16xi32>
            %and3A_542 = arith.andi %eq3A_540, %lt3A_541 : vector<16xi1>
            %or3A_543 = arith.ori %lt3A_539, %and3A_542 : vector<16xi1>
            %convert_element_type3A_544 = arith.extui %or3A_543 : vector<16xi1> to vector<16xi32>
            %add3A_545 = arith.addi %add3A_522, %convert_element_type3A_544 : vector<16xi32>
            %add3A_546 = arith.constant 15 : i32
            %add3A_547 = vector.broadcast %add3A_546 : i32 to vector<16xi32>
            %add3A_548 = arith.addi %iota3A, %add3A_547 : vector<16xi32>
            %and3A_549 = arith.constant 15 : i32
            %and3A_550 = vector.broadcast %and3A_549 : i32 to vector<16xi32>
            %and3A_551 = arith.andi %add3A_548, %and3A_550 : vector<16xi32>
            %mul3A_552 = arith.constant 16 : i32
            %mul3A_553 = arith.muli %while3A_200, %mul3A_552 : i32
            %add3A_554 = vector.broadcast %mul3A_553 : i32 to vector<16xi32>
            %add3A_555 = arith.addi %add3A_554, %and3A_551 : vector<16xi32>
            %gather3A_556 = tpu.vector_load_idx %arg9[%add3A_555] : memref<3072xf32, #tpu.memory_space<vmem>>[vector<16xi32>], vector<16xf32>,
            %mul3A_557 = arith.constant 16 : i32
            %mul3A_558 = arith.muli %while3A_200, %mul3A_557 : i32
            %add3A_559 = vector.broadcast %mul3A_558 : i32 to vector<16xi32>
            %add3A_560 = arith.addi %add3A_559, %and3A_551 : vector<16xi32>
            %gather3A_561 = tpu.vector_load_idx %arg10[%add3A_560] : memref<3072xi32, #tpu.memory_space<vmem>>[vector<16xi32>], vector<16xi32>,
            %lt3A_562 = arith.cmpf olt, %gather3A_556, %get3A_170 : vector<16xf32>
            %eq3A_563 = arith.cmpf oeq, %gather3A_556, %get3A_170 : vector<16xf32>
            %lt3A_564 = arith.cmpi slt, %gather3A_561, %get3A_174 : vector<16xi32>
            %and3A_565 = arith.andi %eq3A_563, %lt3A_564 : vector<16xi1>
            %or3A_566 = arith.ori %lt3A_562, %and3A_565 : vector<16xi1>
            %convert_element_type3A_567 = arith.extui %or3A_566 : vector<16xi1> to vector<16xi32>
            %add3A_568 = arith.addi %add3A_545, %convert_element_type3A_567 : vector<16xi32>
            %swap3A_569 = arith.constant 0 : index
            %swap3A_570 = tpu.vector_load %arg16[%swap3A_569] {strides = array<i32>} : memref<16xi32, #tpu.memory_space<vmem>>, vector<16xi32>,
            tpu.vector_store %arg16[%swap3A_569], %add3A_568 {strides = array<i32>} : memref<16xi32, #tpu.memory_space<vmem>>, vector<16xi32>,
            %while3A_571 = arith.constant 0 : i32
            scf.yield %while3A_571 : i32
          }
          %while3A_187 = arith.constant 1 : i32
          %while3A_188 = scf.for %while3A_200 = %while3A_184 to %while3A_180 step %while3A_187 iter_args(%while3A_201 = %while3A_186) -> (i32)  : i32 {
            %get3A_202 = arith.constant 0 : index
            %get3A_203 = tpu.vector_load %arg16[%get3A_202] {strides = array<i32>} : memref<16xi32, #tpu.memory_space<vmem>>, vector<16xi32>,
            %add3A_204 = arith.constant 0 : i32
            %add3A_205 = vector.broadcast %add3A_204 : i32 to vector<16xi32>
            %add3A_206 = arith.addi %iota3A, %add3A_205 : vector<16xi32>
            %and3A_207 = arith.constant 15 : i32
            %and3A_208 = vector.broadcast %and3A_207 : i32 to vector<16xi32>
            %and3A_209 = arith.andi %add3A_206, %and3A_208 : vector<16xi32>
            %mul3A_210 = arith.constant 16 : i32
            %mul3A_211 = arith.muli %while3A_200, %mul3A_210 : i32
            %add3A_212 = vector.broadcast %mul3A_211 : i32 to vector<16xi32>
            %add3A_213 = arith.addi %add3A_212, %and3A_209 : vector<16xi32>
            %gather3A = tpu.vector_load_idx %arg9[%add3A_213] : memref<3072xf32, #tpu.memory_space<vmem>>[vector<16xi32>], vector<16xf32>,
            %mul3A_214 = arith.constant 16 : i32
            %mul3A_215 = arith.muli %while3A_200, %mul3A_214 : i32
            %add3A_216 = vector.broadcast %mul3A_215 : i32 to vector<16xi32>
            %add3A_217 = arith.addi %add3A_216, %and3A_209 : vector<16xi32>
            %gather3A_218 = tpu.vector_load_idx %arg10[%add3A_217] : memref<3072xi32, #tpu.memory_space<vmem>>[vector<16xi32>], vector<16xi32>,
            %lt3A_219 = arith.cmpf olt, %gather3A, %get3A_170 : vector<16xf32>
            %eq3A = arith.cmpf oeq, %gather3A, %get3A_170 : vector<16xf32>
            %lt3A_220 = arith.cmpi slt, %gather3A_218, %get3A_174 : vector<16xi32>
            %and3A_221 = arith.andi %eq3A, %lt3A_220 : vector<16xi1>
            %or3A = arith.ori %lt3A_219, %and3A_221 : vector<16xi1>
            %convert_element_type3A_222 = arith.extui %or3A : vector<16xi1> to vector<16xi32>
            %add3A_223 = arith.addi %get3A_203, %convert_element_type3A_222 : vector<16xi32>
            %add3A_224 = arith.constant 1 : i32
            %add3A_225 = vector.broadcast %add3A_224 : i32 to vector<16xi32>
            %add3A_226 = arith.addi %iota3A, %add3A_225 : vector<16xi32>
            %and3A_227 = arith.constant 15 : i32
            %and3A_228 = vector.broadcast %and3A_227 : i32 to vector<16xi32>
            %and3A_229 = arith.andi %add3A_226, %and3A_228 : vector<16xi32>
            %mul3A_230 = arith.constant 16 : i32
            %mul3A_231 = arith.muli %while3A_200, %mul3A_230 : i32
            %add3A_232 = vector.broadcast %mul3A_231 : i32 to vector<16xi32>
            %add3A_233 = arith.addi %add3A_232, %and3A_229 : vector<16xi32>
            %gather3A_234 = tpu.vector_load_idx %arg9[%add3A_233] : memref<3072xf32, #tpu.memory_space<vmem>>[vector<16xi32>], vector<16xf32>,
            %mul3A_235 = arith.constant 16 : i32
            %mul3A_236 = arith.muli %while3A_200, %mul3A_235 : i32
            %add3A_237 = vector.broadcast %mul3A_236 : i32 to vector<16xi32>
            %add3A_238 = arith.addi %add3A_237, %and3A_229 : vector<16xi32>
            %gather3A_239 = tpu.vector_load_idx %arg10[%add3A_238] : memref<3072xi32, #tpu.memory_space<vmem>>[vector<16xi32>], vector<16xi32>,
            %lt3A_240 = arith.cmpf olt, %gather3A_234, %get3A_170 : vector<16xf32>
            %eq3A_241 = arith.cmpf oeq, %gather3A_234, %get3A_170 : vector<16xf32>
            %lt3A_242 = arith.cmpi slt, %gather3A_239, %get3A_174 : vector<16xi32>
            %and3A_243 = arith.andi %eq3A_241, %lt3A_242 : vector<16xi1>
            %or3A_244 = arith.ori %lt3A_240, %and3A_243 : vector<16xi1>
            %convert_element_type3A_245 = arith.extui %or3A_244 : vector<16xi1> to vector<16xi32>
            %add3A_246 = arith.addi %add3A_223, %convert_element_type3A_245 : vector<16xi32>
            %add3A_247 = arith.constant 2 : i32
            %add3A_248 = vector.broadcast %add3A_247 : i32 to vector<16xi32>
            %add3A_249 = arith.addi %iota3A, %add3A_248 : vector<16xi32>
            %and3A_250 = arith.constant 15 : i32
            %and3A_251 = vector.broadcast %and3A_250 : i32 to vector<16xi32>
            %and3A_252 = arith.andi %add3A_249, %and3A_251 : vector<16xi32>
            %mul3A_253 = arith.constant 16 : i32
            %mul3A_254 = arith.muli %while3A_200, %mul3A_253 : i32
            %add3A_255 = vector.broadcast %mul3A_254 : i32 to vector<16xi32>
            %add3A_256 = arith.addi %add3A_255, %and3A_252 : vector<16xi32>
            %gather3A_257 = tpu.vector_load_idx %arg9[%add3A_256] : memref<3072xf32, #tpu.memory_space<vmem>>[vector<16xi32>], vector<16xf32>,
            %mul3A_258 = arith.constant 16 : i32
            %mul3A_259 = arith.muli %while3A_200, %mul3A_258 : i32
            %add3A_260 = vector.broadcast %mul3A_259 : i32 to vector<16xi32>
            %add3A_261 = arith.addi %add3A_260, %and3A_252 : vector<16xi32>
            %gather3A_262 = tpu.vector_load_idx %arg10[%add3A_261] : memref<3072xi32, #tpu.memory_space<vmem>>[vector<16xi32>], vector<16xi32>,
            %lt3A_263 = arith.cmpf olt, %gather3A_257, %get3A_170 : vector<16xf32>
            %eq3A_264 = arith.cmpf oeq, %gather3A_257, %get3A_170 : vector<16xf32>
            %lt3A_265 = arith.cmpi slt, %gather3A_262, %get3A_174 : vector<16xi32>
            %and3A_266 = arith.andi %eq3A_264, %lt3A_265 : vector<16xi1>
            %or3A_267 = arith.ori %lt3A_263, %and3A_266 : vector<16xi1>
            %convert_element_type3A_268 = arith.extui %or3A_267 : vector<16xi1> to vector<16xi32>
            %add3A_269 = arith.addi %add3A_246, %convert_element_type3A_268 : vector<16xi32>
            %add3A_270 = arith.constant 3 : i32
            %add3A_271 = vector.broadcast %add3A_270 : i32 to vector<16xi32>
            %add3A_272 = arith.addi %iota3A, %add3A_271 : vector<16xi32>
            %and3A_273 = arith.constant 15 : i32
            %and3A_274 = vector.broadcast %and3A_273 : i32 to vector<16xi32>
            %and3A_275 = arith.andi %add3A_272, %and3A_274 : vector<16xi32>
            %mul3A_276 = arith.constant 16 : i32
            %mul3A_277 = arith.muli %while3A_200, %mul3A_276 : i32
            %add3A_278 = vector.broadcast %mul3A_277 : i32 to vector<16xi32>
            %add3A_279 = arith.addi %add3A_278, %and3A_275 : vector<16xi32>
            %gather3A_280 = tpu.vector_load_idx %arg9[%add3A_279] : memref<3072xf32, #tpu.memory_space<vmem>>[vector<16xi32>], vector<16xf32>,
            %mul3A_281 = arith.constant 16 : i32
            %mul3A_282 = arith.muli %while3A_200, %mul3A_281 : i32
            %add3A_283 = vector.broadcast %mul3A_282 : i32 to vector<16xi32>
            %add3A_284 = arith.addi %add3A_283, %and3A_275 : vector<16xi32>
            %gather3A_285 = tpu.vector_load_idx %arg10[%add3A_284] : memref<3072xi32, #tpu.memory_space<vmem>>[vector<16xi32>], vector<16xi32>,
            %lt3A_286 = arith.cmpf olt, %gather3A_280, %get3A_170 : vector<16xf32>
            %eq3A_287 = arith.cmpf oeq, %gather3A_280, %get3A_170 : vector<16xf32>
            %lt3A_288 = arith.cmpi slt, %gather3A_285, %get3A_174 : vector<16xi32>
            %and3A_289 = arith.andi %eq3A_287, %lt3A_288 : vector<16xi1>
            %or3A_290 = arith.ori %lt3A_286, %and3A_289 : vector<16xi1>
            %convert_element_type3A_291 = arith.extui %or3A_290 : vector<16xi1> to vector<16xi32>
            %add3A_292 = arith.addi %add3A_269, %convert_element_type3A_291 : vector<16xi32>
            %add3A_293 = arith.constant 4 : i32
            %add3A_294 = vector.broadcast %add3A_293 : i32 to vector<16xi32>
            %add3A_295 = arith.addi %iota3A, %add3A_294 : vector<16xi32>
            %and3A_296 = arith.constant 15 : i32
            %and3A_297 = vector.broadcast %and3A_296 : i32 to vector<16xi32>
            %and3A_298 = arith.andi %add3A_295, %and3A_297 : vector<16xi32>
            %mul3A_299 = arith.constant 16 : i32
            %mul3A_300 = arith.muli %while3A_200, %mul3A_299 : i32
            %add3A_301 = vector.broadcast %mul3A_300 : i32 to vector<16xi32>
            %add3A_302 = arith.addi %add3A_301, %and3A_298 : vector<16xi32>
            %gather3A_303 = tpu.vector_load_idx %arg9[%add3A_302] : memref<3072xf32, #tpu.memory_space<vmem>>[vector<16xi32>], vector<16xf32>,
            %mul3A_304 = arith.constant 16 : i32
            %mul3A_305 = arith.muli %while3A_200, %mul3A_304 : i32
            %add3A_306 = vector.broadcast %mul3A_305 : i32 to vector<16xi32>
            %add3A_307 = arith.addi %add3A_306, %and3A_298 : vector<16xi32>
            %gather3A_308 = tpu.vector_load_idx %arg10[%add3A_307] : memref<3072xi32, #tpu.memory_space<vmem>>[vector<16xi32>], vector<16xi32>,
            %lt3A_309 = arith.cmpf olt, %gather3A_303, %get3A_170 : vector<16xf32>
            %eq3A_310 = arith.cmpf oeq, %gather3A_303, %get3A_170 : vector<16xf32>
            %lt3A_311 = arith.cmpi slt, %gather3A_308, %get3A_174 : vector<16xi32>
            %and3A_312 = arith.andi %eq3A_310, %lt3A_311 : vector<16xi1>
            %or3A_313 = arith.ori %lt3A_309, %and3A_312 : vector<16xi1>
            %convert_element_type3A_314 = arith.extui %or3A_313 : vector<16xi1> to vector<16xi32>
            %add3A_315 = arith.addi %add3A_292, %convert_element_type3A_314 : vector<16xi32>
            %add3A_316 = arith.constant 5 : i32
            %add3A_317 = vector.broadcast %add3A_316 : i32 to vector<16xi32>
            %add3A_318 = arith.addi %iota3A, %add3A_317 : vector<16xi32>
            %and3A_319 = arith.constant 15 : i32
            %and3A_320 = vector.broadcast %and3A_319 : i32 to vector<16xi32>
            %and3A_321 = arith.andi %add3A_318, %and3A_320 : vector<16xi32>
            %mul3A_322 = arith.constant 16 : i32
            %mul3A_323 = arith.muli %while3A_200, %mul3A_322 : i32
            %add3A_324 = vector.broadcast %mul3A_323 : i32 to vector<16xi32>
            %add3A_325 = arith.addi %add3A_324, %and3A_321 : vector<16xi32>
            %gather3A_326 = tpu.vector_load_idx %arg9[%add3A_325] : memref<3072xf32, #tpu.memory_space<vmem>>[vector<16xi32>], vector<16xf32>,
            %mul3A_327 = arith.constant 16 : i32
            %mul3A_328 = arith.muli %while3A_200, %mul3A_327 : i32
            %add3A_329 = vector.broadcast %mul3A_328 : i32 to vector<16xi32>
            %add3A_330 = arith.addi %add3A_329, %and3A_321 : vector<16xi32>
            %gather3A_331 = tpu.vector_load_idx %arg10[%add3A_330] : memref<3072xi32, #tpu.memory_space<vmem>>[vector<16xi32>], vector<16xi32>,
            %lt3A_332 = arith.cmpf olt, %gather3A_326, %get3A_170 : vector<16xf32>
            %eq3A_333 = arith.cmpf oeq, %gather3A_326, %get3A_170 : vector<16xf32>
            %lt3A_334 = arith.cmpi slt, %gather3A_331, %get3A_174 : vector<16xi32>
            %and3A_335 = arith.andi %eq3A_333, %lt3A_334 : vector<16xi1>
            %or3A_336 = arith.ori %lt3A_332, %and3A_335 : vector<16xi1>
            %convert_element_type3A_337 = arith.extui %or3A_336 : vector<16xi1> to vector<16xi32>
            %add3A_338 = arith.addi %add3A_315, %convert_element_type3A_337 : vector<16xi32>
            %add3A_339 = arith.constant 6 : i32
            %add3A_340 = vector.broadcast %add3A_339 : i32 to vector<16xi32>
            %add3A_341 = arith.addi %iota3A, %add3A_340 : vector<16xi32>
            %and3A_342 = arith.constant 15 : i32
            %and3A_343 = vector.broadcast %and3A_342 : i32 to vector<16xi32>
            %and3A_344 = arith.andi %add3A_341, %and3A_343 : vector<16xi32>
            %mul3A_345 = arith.constant 16 : i32
            %mul3A_346 = arith.muli %while3A_200, %mul3A_345 : i32
            %add3A_347 = vector.broadcast %mul3A_346 : i32 to vector<16xi32>
            %add3A_348 = arith.addi %add3A_347, %and3A_344 : vector<16xi32>
            %gather3A_349 = tpu.vector_load_idx %arg9[%add3A_348] : memref<3072xf32, #tpu.memory_space<vmem>>[vector<16xi32>], vector<16xf32>,
            %mul3A_350 = arith.constant 16 : i32
            %mul3A_351 = arith.muli %while3A_200, %mul3A_350 : i32
            %add3A_352 = vector.broadcast %mul3A_351 : i32 to vector<16xi32>
            %add3A_353 = arith.addi %add3A_352, %and3A_344 : vector<16xi32>
            %gather3A_354 = tpu.vector_load_idx %arg10[%add3A_353] : memref<3072xi32, #tpu.memory_space<vmem>>[vector<16xi32>], vector<16xi32>,
            %lt3A_355 = arith.cmpf olt, %gather3A_349, %get3A_170 : vector<16xf32>
            %eq3A_356 = arith.cmpf oeq, %gather3A_349, %get3A_170 : vector<16xf32>
            %lt3A_357 = arith.cmpi slt, %gather3A_354, %get3A_174 : vector<16xi32>
            %and3A_358 = arith.andi %eq3A_356, %lt3A_357 : vector<16xi1>
            %or3A_359 = arith.ori %lt3A_355, %and3A_358 : vector<16xi1>
            %convert_element_type3A_360 = arith.extui %or3A_359 : vector<16xi1> to vector<16xi32>
            %add3A_361 = arith.addi %add3A_338, %convert_element_type3A_360 : vector<16xi32>
            %add3A_362 = arith.constant 7 : i32
            %add3A_363 = vector.broadcast %add3A_362 : i32 to vector<16xi32>
            %add3A_364 = arith.addi %iota3A, %add3A_363 : vector<16xi32>
            %and3A_365 = arith.constant 15 : i32
            %and3A_366 = vector.broadcast %and3A_365 : i32 to vector<16xi32>
            %and3A_367 = arith.andi %add3A_364, %and3A_366 : vector<16xi32>
            %mul3A_368 = arith.constant 16 : i32
            %mul3A_369 = arith.muli %while3A_200, %mul3A_368 : i32
            %add3A_370 = vector.broadcast %mul3A_369 : i32 to vector<16xi32>
            %add3A_371 = arith.addi %add3A_370, %and3A_367 : vector<16xi32>
            %gather3A_372 = tpu.vector_load_idx %arg9[%add3A_371] : memref<3072xf32, #tpu.memory_space<vmem>>[vector<16xi32>], vector<16xf32>,
            %mul3A_373 = arith.constant 16 : i32
            %mul3A_374 = arith.muli %while3A_200, %mul3A_373 : i32
            %add3A_375 = vector.broadcast %mul3A_374 : i32 to vector<16xi32>
            %add3A_376 = arith.addi %add3A_375, %and3A_367 : vector<16xi32>
            %gather3A_377 = tpu.vector_load_idx %arg10[%add3A_376] : memref<3072xi32, #tpu.memory_space<vmem>>[vector<16xi32>], vector<16xi32>,
            %lt3A_378 = arith.cmpf olt, %gather3A_372, %get3A_170 : vector<16xf32>
            %eq3A_379 = arith.cmpf oeq, %gather3A_372, %get3A_170 : vector<16xf32>
            %lt3A_380 = arith.cmpi slt, %gather3A_377, %get3A_174 : vector<16xi32>
            %and3A_381 = arith.andi %eq3A_379, %lt3A_380 : vector<16xi1>
            %or3A_382 = arith.ori %lt3A_378, %and3A_381 : vector<16xi1>
            %convert_element_type3A_383 = arith.extui %or3A_382 : vector<16xi1> to vector<16xi32>
            %add3A_384 = arith.addi %add3A_361, %convert_element_type3A_383 : vector<16xi32>
            %add3A_385 = arith.constant 8 : i32
            %add3A_386 = vector.broadcast %add3A_385 : i32 to vector<16xi32>
            %add3A_387 = arith.addi %iota3A, %add3A_386 : vector<16xi32>
            %and3A_388 = arith.constant 15 : i32
            %and3A_389 = vector.broadcast %and3A_388 : i32 to vector<16xi32>
            %and3A_390 = arith.andi %add3A_387, %and3A_389 : vector<16xi32>
            %mul3A_391 = arith.constant 16 : i32
            %mul3A_392 = arith.muli %while3A_200, %mul3A_391 : i32
            %add3A_393 = vector.broadcast %mul3A_392 : i32 to vector<16xi32>
            %add3A_394 = arith.addi %add3A_393, %and3A_390 : vector<16xi32>
            %gather3A_395 = tpu.vector_load_idx %arg9[%add3A_394] : memref<3072xf32, #tpu.memory_space<vmem>>[vector<16xi32>], vector<16xf32>,
            %mul3A_396 = arith.constant 16 : i32
            %mul3A_397 = arith.muli %while3A_200, %mul3A_396 : i32
            %add3A_398 = vector.broadcast %mul3A_397 : i32 to vector<16xi32>
            %add3A_399 = arith.addi %add3A_398, %and3A_390 : vector<16xi32>
            %gather3A_400 = tpu.vector_load_idx %arg10[%add3A_399] : memref<3072xi32, #tpu.memory_space<vmem>>[vector<16xi32>], vector<16xi32>,
            %lt3A_401 = arith.cmpf olt, %gather3A_395, %get3A_170 : vector<16xf32>
            %eq3A_402 = arith.cmpf oeq, %gather3A_395, %get3A_170 : vector<16xf32>
            %lt3A_403 = arith.cmpi slt, %gather3A_400, %get3A_174 : vector<16xi32>
            %and3A_404 = arith.andi %eq3A_402, %lt3A_403 : vector<16xi1>
            %or3A_405 = arith.ori %lt3A_401, %and3A_404 : vector<16xi1>
            %convert_element_type3A_406 = arith.extui %or3A_405 : vector<16xi1> to vector<16xi32>
            %add3A_407 = arith.addi %add3A_384, %convert_element_type3A_406 : vector<16xi32>
            %add3A_408 = arith.constant 9 : i32
            %add3A_409 = vector.broadcast %add3A_408 : i32 to vector<16xi32>
            %add3A_410 = arith.addi %iota3A, %add3A_409 : vector<16xi32>
            %and3A_411 = arith.constant 15 : i32
            %and3A_412 = vector.broadcast %and3A_411 : i32 to vector<16xi32>
            %and3A_413 = arith.andi %add3A_410, %and3A_412 : vector<16xi32>
            %mul3A_414 = arith.constant 16 : i32
            %mul3A_415 = arith.muli %while3A_200, %mul3A_414 : i32
            %add3A_416 = vector.broadcast %mul3A_415 : i32 to vector<16xi32>
            %add3A_417 = arith.addi %add3A_416, %and3A_413 : vector<16xi32>
            %gather3A_418 = tpu.vector_load_idx %arg9[%add3A_417] : memref<3072xf32, #tpu.memory_space<vmem>>[vector<16xi32>], vector<16xf32>,
            %mul3A_419 = arith.constant 16 : i32
            %mul3A_420 = arith.muli %while3A_200, %mul3A_419 : i32
            %add3A_421 = vector.broadcast %mul3A_420 : i32 to vector<16xi32>
            %add3A_422 = arith.addi %add3A_421, %and3A_413 : vector<16xi32>
            %gather3A_423 = tpu.vector_load_idx %arg10[%add3A_422] : memref<3072xi32, #tpu.memory_space<vmem>>[vector<16xi32>], vector<16xi32>,
            %lt3A_424 = arith.cmpf olt, %gather3A_418, %get3A_170 : vector<16xf32>
            %eq3A_425 = arith.cmpf oeq, %gather3A_418, %get3A_170 : vector<16xf32>
            %lt3A_426 = arith.cmpi slt, %gather3A_423, %get3A_174 : vector<16xi32>
            %and3A_427 = arith.andi %eq3A_425, %lt3A_426 : vector<16xi1>
            %or3A_428 = arith.ori %lt3A_424, %and3A_427 : vector<16xi1>
            %convert_element_type3A_429 = arith.extui %or3A_428 : vector<16xi1> to vector<16xi32>
            %add3A_430 = arith.addi %add3A_407, %convert_element_type3A_429 : vector<16xi32>
            %add3A_431 = arith.constant 10 : i32
            %add3A_432 = vector.broadcast %add3A_431 : i32 to vector<16xi32>
            %add3A_433 = arith.addi %iota3A, %add3A_432 : vector<16xi32>
            %and3A_434 = arith.constant 15 : i32
            %and3A_435 = vector.broadcast %and3A_434 : i32 to vector<16xi32>
            %and3A_436 = arith.andi %add3A_433, %and3A_435 : vector<16xi32>
            %mul3A_437 = arith.constant 16 : i32
            %mul3A_438 = arith.muli %while3A_200, %mul3A_437 : i32
            %add3A_439 = vector.broadcast %mul3A_438 : i32 to vector<16xi32>
            %add3A_440 = arith.addi %add3A_439, %and3A_436 : vector<16xi32>
            %gather3A_441 = tpu.vector_load_idx %arg9[%add3A_440] : memref<3072xf32, #tpu.memory_space<vmem>>[vector<16xi32>], vector<16xf32>,
            %mul3A_442 = arith.constant 16 : i32
            %mul3A_443 = arith.muli %while3A_200, %mul3A_442 : i32
            %add3A_444 = vector.broadcast %mul3A_443 : i32 to vector<16xi32>
            %add3A_445 = arith.addi %add3A_444, %and3A_436 : vector<16xi32>
            %gather3A_446 = tpu.vector_load_idx %arg10[%add3A_445] : memref<3072xi32, #tpu.memory_space<vmem>>[vector<16xi32>], vector<16xi32>,
            %lt3A_447 = arith.cmpf olt, %gather3A_441, %get3A_170 : vector<16xf32>
            %eq3A_448 = arith.cmpf oeq, %gather3A_441, %get3A_170 : vector<16xf32>
            %lt3A_449 = arith.cmpi slt, %gather3A_446, %get3A_174 : vector<16xi32>
            %and3A_450 = arith.andi %eq3A_448, %lt3A_449 : vector<16xi1>
            %or3A_451 = arith.ori %lt3A_447, %and3A_450 : vector<16xi1>
            %convert_element_type3A_452 = arith.extui %or3A_451 : vector<16xi1> to vector<16xi32>
            %add3A_453 = arith.addi %add3A_430, %convert_element_type3A_452 : vector<16xi32>
            %add3A_454 = arith.constant 11 : i32
            %add3A_455 = vector.broadcast %add3A_454 : i32 to vector<16xi32>
            %add3A_456 = arith.addi %iota3A, %add3A_455 : vector<16xi32>
            %and3A_457 = arith.constant 15 : i32
            %and3A_458 = vector.broadcast %and3A_457 : i32 to vector<16xi32>
            %and3A_459 = arith.andi %add3A_456, %and3A_458 : vector<16xi32>
            %mul3A_460 = arith.constant 16 : i32
            %mul3A_461 = arith.muli %while3A_200, %mul3A_460 : i32
            %add3A_462 = vector.broadcast %mul3A_461 : i32 to vector<16xi32>
            %add3A_463 = arith.addi %add3A_462, %and3A_459 : vector<16xi32>
            %gather3A_464 = tpu.vector_load_idx %arg9[%add3A_463] : memref<3072xf32, #tpu.memory_space<vmem>>[vector<16xi32>], vector<16xf32>,
            %mul3A_465 = arith.constant 16 : i32
            %mul3A_466 = arith.muli %while3A_200, %mul3A_465 : i32
            %add3A_467 = vector.broadcast %mul3A_466 : i32 to vector<16xi32>
            %add3A_468 = arith.addi %add3A_467, %and3A_459 : vector<16xi32>
            %gather3A_469 = tpu.vector_load_idx %arg10[%add3A_468] : memref<3072xi32, #tpu.memory_space<vmem>>[vector<16xi32>], vector<16xi32>,
            %lt3A_470 = arith.cmpf olt, %gather3A_464, %get3A_170 : vector<16xf32>
            %eq3A_471 = arith.cmpf oeq, %gather3A_464, %get3A_170 : vector<16xf32>
            %lt3A_472 = arith.cmpi slt, %gather3A_469, %get3A_174 : vector<16xi32>
            %and3A_473 = arith.andi %eq3A_471, %lt3A_472 : vector<16xi1>
            %or3A_474 = arith.ori %lt3A_470, %and3A_473 : vector<16xi1>
            %convert_element_type3A_475 = arith.extui %or3A_474 : vector<16xi1> to vector<16xi32>
            %add3A_476 = arith.addi %add3A_453, %convert_element_type3A_475 : vector<16xi32>
            %add3A_477 = arith.constant 12 : i32
            %add3A_478 = vector.broadcast %add3A_477 : i32 to vector<16xi32>
            %add3A_479 = arith.addi %iota3A, %add3A_478 : vector<16xi32>
            %and3A_480 = arith.constant 15 : i32
            %and3A_481 = vector.broadcast %and3A_480 : i32 to vector<16xi32>
            %and3A_482 = arith.andi %add3A_479, %and3A_481 : vector<16xi32>
            %mul3A_483 = arith.constant 16 : i32
            %mul3A_484 = arith.muli %while3A_200, %mul3A_483 : i32
            %add3A_485 = vector.broadcast %mul3A_484 : i32 to vector<16xi32>
            %add3A_486 = arith.addi %add3A_485, %and3A_482 : vector<16xi32>
            %gather3A_487 = tpu.vector_load_idx %arg9[%add3A_486] : memref<3072xf32, #tpu.memory_space<vmem>>[vector<16xi32>], vector<16xf32>,
            %mul3A_488 = arith.constant 16 : i32
            %mul3A_489 = arith.muli %while3A_200, %mul3A_488 : i32
            %add3A_490 = vector.broadcast %mul3A_489 : i32 to vector<16xi32>
            %add3A_491 = arith.addi %add3A_490, %and3A_482 : vector<16xi32>
            %gather3A_492 = tpu.vector_load_idx %arg10[%add3A_491] : memref<3072xi32, #tpu.memory_space<vmem>>[vector<16xi32>], vector<16xi32>,
            %lt3A_493 = arith.cmpf olt, %gather3A_487, %get3A_170 : vector<16xf32>
            %eq3A_494 = arith.cmpf oeq, %gather3A_487, %get3A_170 : vector<16xf32>
            %lt3A_495 = arith.cmpi slt, %gather3A_492, %get3A_174 : vector<16xi32>
            %and3A_496 = arith.andi %eq3A_494, %lt3A_495 : vector<16xi1>
            %or3A_497 = arith.ori %lt3A_493, %and3A_496 : vector<16xi1>
            %convert_element_type3A_498 = arith.extui %or3A_497 : vector<16xi1> to vector<16xi32>
            %add3A_499 = arith.addi %add3A_476, %convert_element_type3A_498 : vector<16xi32>
            %add3A_500 = arith.constant 13 : i32
            %add3A_501 = vector.broadcast %add3A_500 : i32 to vector<16xi32>
            %add3A_502 = arith.addi %iota3A, %add3A_501 : vector<16xi32>
            %and3A_503 = arith.constant 15 : i32
            %and3A_504 = vector.broadcast %and3A_503 : i32 to vector<16xi32>
            %and3A_505 = arith.andi %add3A_502, %and3A_504 : vector<16xi32>
            %mul3A_506 = arith.constant 16 : i32
            %mul3A_507 = arith.muli %while3A_200, %mul3A_506 : i32
            %add3A_508 = vector.broadcast %mul3A_507 : i32 to vector<16xi32>
            %add3A_509 = arith.addi %add3A_508, %and3A_505 : vector<16xi32>
            %gather3A_510 = tpu.vector_load_idx %arg9[%add3A_509] : memref<3072xf32, #tpu.memory_space<vmem>>[vector<16xi32>], vector<16xf32>,
            %mul3A_511 = arith.constant 16 : i32
            %mul3A_512 = arith.muli %while3A_200, %mul3A_511 : i32
            %add3A_513 = vector.broadcast %mul3A_512 : i32 to vector<16xi32>
            %add3A_514 = arith.addi %add3A_513, %and3A_505 : vector<16xi32>
            %gather3A_515 = tpu.vector_load_idx %arg10[%add3A_514] : memref<3072xi32, #tpu.memory_space<vmem>>[vector<16xi32>], vector<16xi32>,
            %lt3A_516 = arith.cmpf olt, %gather3A_510, %get3A_170 : vector<16xf32>
            %eq3A_517 = arith.cmpf oeq, %gather3A_510, %get3A_170 : vector<16xf32>
            %lt3A_518 = arith.cmpi slt, %gather3A_515, %get3A_174 : vector<16xi32>
            %and3A_519 = arith.andi %eq3A_517, %lt3A_518 : vector<16xi1>
            %or3A_520 = arith.ori %lt3A_516, %and3A_519 : vector<16xi1>
            %convert_element_type3A_521 = arith.extui %or3A_520 : vector<16xi1> to vector<16xi32>
            %add3A_522 = arith.addi %add3A_499, %convert_element_type3A_521 : vector<16xi32>
            %add3A_523 = arith.constant 14 : i32
            %add3A_524 = vector.broadcast %add3A_523 : i32 to vector<16xi32>
            %add3A_525 = arith.addi %iota3A, %add3A_524 : vector<16xi32>
            %and3A_526 = arith.constant 15 : i32
            %and3A_527 = vector.broadcast %and3A_526 : i32 to vector<16xi32>
            %and3A_528 = arith.andi %add3A_525, %and3A_527 : vector<16xi32>
            %mul3A_529 = arith.constant 16 : i32
            %mul3A_530 = arith.muli %while3A_200, %mul3A_529 : i32
            %add3A_531 = vector.broadcast %mul3A_530 : i32 to vector<16xi32>
            %add3A_532 = arith.addi %add3A_531, %and3A_528 : vector<16xi32>
            %gather3A_533 = tpu.vector_load_idx %arg9[%add3A_532] : memref<3072xf32, #tpu.memory_space<vmem>>[vector<16xi32>], vector<16xf32>,
            %mul3A_534 = arith.constant 16 : i32
            %mul3A_535 = arith.muli %while3A_200, %mul3A_534 : i32
            %add3A_536 = vector.broadcast %mul3A_535 : i32 to vector<16xi32>
            %add3A_537 = arith.addi %add3A_536, %and3A_528 : vector<16xi32>
            %gather3A_538 = tpu.vector_load_idx %arg10[%add3A_537] : memref<3072xi32, #tpu.memory_space<vmem>>[vector<16xi32>], vector<16xi32>,
            %lt3A_539 = arith.cmpf olt, %gather3A_533, %get3A_170 : vector<16xf32>
            %eq3A_540 = arith.cmpf oeq, %gather3A_533, %get3A_170 : vector<16xf32>
            %lt3A_541 = arith.cmpi slt, %gather3A_538, %get3A_174 : vector<16xi32>
            %and3A_542 = arith.andi %eq3A_540, %lt3A_541 : vector<16xi1>
            %or3A_543 = arith.ori %lt3A_539, %and3A_542 : vector<16xi1>
            %convert_element_type3A_544 = arith.extui %or3A_543 : vector<16xi1> to vector<16xi32>
            %add3A_545 = arith.addi %add3A_522, %convert_element_type3A_544 : vector<16xi32>
            %add3A_546 = arith.constant 15 : i32
            %add3A_547 = vector.broadcast %add3A_546 : i32 to vector<16xi32>
            %add3A_548 = arith.addi %iota3A, %add3A_547 : vector<16xi32>
            %and3A_549 = arith.constant 15 : i32
            %and3A_550 = vector.broadcast %and3A_549 : i32 to vector<16xi32>
            %and3A_551 = arith.andi %add3A_548, %and3A_550 : vector<16xi32>
            %mul3A_552 = arith.constant 16 : i32
            %mul3A_553 = arith.muli %while3A_200, %mul3A_552 : i32
            %add3A_554 = vector.broadcast %mul3A_553 : i32 to vector<16xi32>
            %add3A_555 = arith.addi %add3A_554, %and3A_551 : vector<16xi32>
            %gather3A_556 = tpu.vector_load_idx %arg9[%add3A_555] : memref<3072xf32, #tpu.memory_space<vmem>>[vector<16xi32>], vector<16xf32>,
            %mul3A_557 = arith.constant 16 : i32
            %mul3A_558 = arith.muli %while3A_200, %mul3A_557 : i32
            %add3A_559 = vector.broadcast %mul3A_558 : i32 to vector<16xi32>
            %add3A_560 = arith.addi %add3A_559, %and3A_551 : vector<16xi32>
            %gather3A_561 = tpu.vector_load_idx %arg10[%add3A_560] : memref<3072xi32, #tpu.memory_space<vmem>>[vector<16xi32>], vector<16xi32>,
            %lt3A_562 = arith.cmpf olt, %gather3A_556, %get3A_170 : vector<16xf32>
            %eq3A_563 = arith.cmpf oeq, %gather3A_556, %get3A_170 : vector<16xf32>
            %lt3A_564 = arith.cmpi slt, %gather3A_561, %get3A_174 : vector<16xi32>
            %and3A_565 = arith.andi %eq3A_563, %lt3A_564 : vector<16xi1>
            %or3A_566 = arith.ori %lt3A_562, %and3A_565 : vector<16xi1>
            %convert_element_type3A_567 = arith.extui %or3A_566 : vector<16xi1> to vector<16xi32>
            %add3A_568 = arith.addi %add3A_545, %convert_element_type3A_567 : vector<16xi32>
            %swap3A_569 = arith.constant 0 : index
            %swap3A_570 = tpu.vector_load %arg16[%swap3A_569] {strides = array<i32>} : memref<16xi32, #tpu.memory_space<vmem>>, vector<16xi32>,
            tpu.vector_store %arg16[%swap3A_569], %add3A_568 {strides = array<i32>} : memref<16xi32, #tpu.memory_space<vmem>>, vector<16xi32>,
            %while3A_571 = arith.constant 0 : i32
            scf.yield %while3A_571 : i32
          }
          %get3A_189 = arith.constant 0 : index
          %get3A_190 = tpu.vector_load %arg16[%get3A_189] {strides = array<i32>} : memref<16xi32, #tpu.memory_space<vmem>>, vector<16xi32>,
          %mul3A_191 = arith.constant 16 : i32
          %mul3A_192 = arith.muli %while3A_165, %mul3A_191 : i32
          %add3A_193 = vector.broadcast %mul3A_192 : i32 to vector<16xi32>
          %add3A_194 = arith.addi %iota3A, %add3A_193 : vector<16xi32>
          %lt3A_195 = arith.cmpi slt, %add3A_194, %broadcast_in_dim3A_152 : vector<16xi32>
          %lt3A_196 = arith.cmpi slt, %get3A_190, %broadcast_in_dim3A_151 : vector<16xi32>
          %and3A = arith.andi %lt3A_195, %lt3A_196 : vector<16xi1>
          %add3A_197 = arith.addi %broadcast_in_dim3A_74, %broadcast_in_dim3A_150 : vector<16xi32>
          %add3A_198 = arith.addi %add3A_197, %get3A_190 : vector<16xi32>
          tpu.vector_store_idx %arg12[%add3A_198], %get3A_174 masked %and3A : memref<512xi32, #tpu.memory_space<vmem>>[vector<16xi32>], vector<16xi32>, vector<16xi1>
          %while3A_199 = arith.constant 0 : i32
          scf.yield %while3A_199 : i32
        }
      } else {
      }
      %min3A_79 = arith.constant 2048 : i32
      %min3A_80 = arith.minsi %scan3A_54#0, %min3A_79 : i32
      %add3A_81 = arith.constant 15 : i32
      %add3A_82 = arith.addi %min3A_80, %add3A_81 : i32
      %shift_right_logical3A = arith.constant 4 : i32
      %shift_right_logical3A_83 = arith.shrui %add3A_82, %shift_right_logical3A : i32
      %broadcast_in_dim3A_84 = vector.broadcast %min3A_80 : i32 to vector<16xi32>
      %while3A = arith.constant 0 : i32
      %while3A_85 = arith.constant 0 : i32
      %while3A_86 = arith.subi %shift_right_logical3A_83, %while3A : i32
      %while3A_87 = arith.addi %while3A, %while3A_86 : i32
      %while3A_88 = arith.constant 1 : i32
      %while3A_89 = arith.divsi %while3A_86, %while3A_88 : i32
      %while3A_90 = arith.muli %while3A_89, %while3A_88 : i32
      %while3A_91 = arith.addi %while3A, %while3A_90 : i32
      %while3A_92 = arith.constant 1 : i32
      %while3A_93 = scf.for %while3A_127 = %while3A to %while3A_91 step %while3A_92 iter_args(%while3A_128 = %while3A_85) -> (i32)  : i32 {
        %mul3A_129 = arith.constant 16 : i32
        %mul3A_130 = arith.muli %while3A_127, %mul3A_129 : i32
        %get3A_131 = arith.index_cast %mul3A_130 : i32 to index
        %get3A_132 = tpu.vector_load %arg6[%get3A_131] {strides = array<i32>} : memref<2048xf32, #tpu.memory_space<vmem>>, vector<16xf32>,
        %mul3A_133 = arith.constant 16 : i32
        %mul3A_134 = arith.muli %while3A_127, %mul3A_133 : i32
        %get3A_135 = arith.index_cast %mul3A_134 : i32 to index
        %get3A_136 = tpu.vector_load %arg7[%get3A_135] {strides = array<i32>} : memref<2048xi32, #tpu.memory_space<vmem>>, vector<16xi32>,
        %swap3A_137 = arith.constant 0 : index
        %swap3A_138 = tpu.vector_load %arg16[%swap3A_137] {strides = array<i32>} : memref<16xi32, #tpu.memory_space<vmem>>, vector<16xi32>,
        tpu.vector_store %arg16[%swap3A_137], %broadcast_in_dim3A_5 {strides = array<i32>} : memref<16xi32, #tpu.memory_space<vmem>>, vector<16xi32>,
        %while3A_139 = arith.constant 0 : i32
        %while3A_140 = arith.constant 0 : i32
        %while3A_141 = arith.subi %shift_right_logical3A_83, %while3A_139 : i32
        %while3A_142 = arith.addi %while3A_139, %while3A_141 : i32
        %while3A_143 = arith.constant 1 : i32
        %while3A_144 = arith.divsi %while3A_141, %while3A_143 : i32
        %while3A_145 = arith.muli %while3A_144, %while3A_143 : i32
        %while3A_146 = arith.addi %while3A_139, %while3A_145 : i32
        %while3A_147 = arith.constant 1 : i32
        %while3A_148 = scf.for %while3A_167 = %while3A_139 to %while3A_146 step %while3A_147 iter_args(%while3A_168 = %while3A_140) -> (i32)  : i32 {
          %get3A_169 = arith.constant 0 : index
          %get3A_170 = tpu.vector_load %arg16[%get3A_169] {strides = array<i32>} : memref<16xi32, #tpu.memory_space<vmem>>, vector<16xi32>,
          %add3A_171 = arith.constant 0 : i32
          %add3A_172 = vector.broadcast %add3A_171 : i32 to vector<16xi32>
          %add3A_173 = arith.addi %iota3A, %add3A_172 : vector<16xi32>
          %and3A_174 = arith.constant 15 : i32
          %and3A_175 = vector.broadcast %and3A_174 : i32 to vector<16xi32>
          %and3A_176 = arith.andi %add3A_173, %and3A_175 : vector<16xi32>
          %mul3A_177 = arith.constant 16 : i32
          %mul3A_178 = arith.muli %while3A_167, %mul3A_177 : i32
          %add3A_179 = vector.broadcast %mul3A_178 : i32 to vector<16xi32>
          %add3A_180 = arith.addi %add3A_179, %and3A_176 : vector<16xi32>
          %gather3A = tpu.vector_load_idx %arg6[%add3A_180] : memref<2048xf32, #tpu.memory_space<vmem>>[vector<16xi32>], vector<16xf32>,
          %mul3A_181 = arith.constant 16 : i32
          %mul3A_182 = arith.muli %while3A_167, %mul3A_181 : i32
          %add3A_183 = vector.broadcast %mul3A_182 : i32 to vector<16xi32>
          %add3A_184 = arith.addi %add3A_183, %and3A_176 : vector<16xi32>
          %gather3A_185 = tpu.vector_load_idx %arg7[%add3A_184] : memref<2048xi32, #tpu.memory_space<vmem>>[vector<16xi32>], vector<16xi32>,
          %gt3A_186 = arith.cmpf ogt, %gather3A, %get3A_132 : vector<16xf32>
          %eq3A = arith.cmpf oeq, %gather3A, %get3A_132 : vector<16xf32>
          %lt3A_187 = arith.cmpi slt, %gather3A_185, %get3A_136 : vector<16xi32>
          %and3A_188 = arith.andi %eq3A, %lt3A_187 : vector<16xi1>
          %or3A = arith.ori %gt3A_186, %and3A_188 : vector<16xi1>
          %convert_element_type3A_189 = arith.extui %or3A : vector<16xi1> to vector<16xi32>
          %add3A_190 = arith.addi %get3A_170, %convert_element_type3A_189 : vector<16xi32>
          %add3A_191 = arith.constant 1 : i32
          %add3A_192 = vector.broadcast %add3A_191 : i32 to vector<16xi32>
          %add3A_193 = arith.addi %iota3A, %add3A_192 : vector<16xi32>
          %and3A_194 = arith.constant 15 : i32
          %and3A_195 = vector.broadcast %and3A_194 : i32 to vector<16xi32>
          %and3A_196 = arith.andi %add3A_193, %and3A_195 : vector<16xi32>
          %mul3A_197 = arith.constant 16 : i32
          %mul3A_198 = arith.muli %while3A_167, %mul3A_197 : i32
          %add3A_199 = vector.broadcast %mul3A_198 : i32 to vector<16xi32>
          %add3A_200 = arith.addi %add3A_199, %and3A_196 : vector<16xi32>
          %gather3A_201 = tpu.vector_load_idx %arg6[%add3A_200] : memref<2048xf32, #tpu.memory_space<vmem>>[vector<16xi32>], vector<16xf32>,
          %mul3A_202 = arith.constant 16 : i32
          %mul3A_203 = arith.muli %while3A_167, %mul3A_202 : i32
          %add3A_204 = vector.broadcast %mul3A_203 : i32 to vector<16xi32>
          %add3A_205 = arith.addi %add3A_204, %and3A_196 : vector<16xi32>
          %gather3A_206 = tpu.vector_load_idx %arg7[%add3A_205] : memref<2048xi32, #tpu.memory_space<vmem>>[vector<16xi32>], vector<16xi32>,
          %gt3A_207 = arith.cmpf ogt, %gather3A_201, %get3A_132 : vector<16xf32>
          %eq3A_208 = arith.cmpf oeq, %gather3A_201, %get3A_132 : vector<16xf32>
          %lt3A_209 = arith.cmpi slt, %gather3A_206, %get3A_136 : vector<16xi32>
          %and3A_210 = arith.andi %eq3A_208, %lt3A_209 : vector<16xi1>
          %or3A_211 = arith.ori %gt3A_207, %and3A_210 : vector<16xi1>
          %convert_element_type3A_212 = arith.extui %or3A_211 : vector<16xi1> to vector<16xi32>
          %add3A_213 = arith.addi %add3A_190, %convert_element_type3A_212 : vector<16xi32>
          %add3A_214 = arith.constant 2 : i32
          %add3A_215 = vector.broadcast %add3A_214 : i32 to vector<16xi32>
          %add3A_216 = arith.addi %iota3A, %add3A_215 : vector<16xi32>
          %and3A_217 = arith.constant 15 : i32
          %and3A_218 = vector.broadcast %and3A_217 : i32 to vector<16xi32>
          %and3A_219 = arith.andi %add3A_216, %and3A_218 : vector<16xi32>
          %mul3A_220 = arith.constant 16 : i32
          %mul3A_221 = arith.muli %while3A_167, %mul3A_220 : i32
          %add3A_222 = vector.broadcast %mul3A_221 : i32 to vector<16xi32>
          %add3A_223 = arith.addi %add3A_222, %and3A_219 : vector<16xi32>
          %gather3A_224 = tpu.vector_load_idx %arg6[%add3A_223] : memref<2048xf32, #tpu.memory_space<vmem>>[vector<16xi32>], vector<16xf32>,
          %mul3A_225 = arith.constant 16 : i32
          %mul3A_226 = arith.muli %while3A_167, %mul3A_225 : i32
          %add3A_227 = vector.broadcast %mul3A_226 : i32 to vector<16xi32>
          %add3A_228 = arith.addi %add3A_227, %and3A_219 : vector<16xi32>
          %gather3A_229 = tpu.vector_load_idx %arg7[%add3A_228] : memref<2048xi32, #tpu.memory_space<vmem>>[vector<16xi32>], vector<16xi32>,
          %gt3A_230 = arith.cmpf ogt, %gather3A_224, %get3A_132 : vector<16xf32>
          %eq3A_231 = arith.cmpf oeq, %gather3A_224, %get3A_132 : vector<16xf32>
          %lt3A_232 = arith.cmpi slt, %gather3A_229, %get3A_136 : vector<16xi32>
          %and3A_233 = arith.andi %eq3A_231, %lt3A_232 : vector<16xi1>
          %or3A_234 = arith.ori %gt3A_230, %and3A_233 : vector<16xi1>
          %convert_element_type3A_235 = arith.extui %or3A_234 : vector<16xi1> to vector<16xi32>
          %add3A_236 = arith.addi %add3A_213, %convert_element_type3A_235 : vector<16xi32>
          %add3A_237 = arith.constant 3 : i32
          %add3A_238 = vector.broadcast %add3A_237 : i32 to vector<16xi32>
          %add3A_239 = arith.addi %iota3A, %add3A_238 : vector<16xi32>
          %and3A_240 = arith.constant 15 : i32
          %and3A_241 = vector.broadcast %and3A_240 : i32 to vector<16xi32>
          %and3A_242 = arith.andi %add3A_239, %and3A_241 : vector<16xi32>
          %mul3A_243 = arith.constant 16 : i32
          %mul3A_244 = arith.muli %while3A_167, %mul3A_243 : i32
          %add3A_245 = vector.broadcast %mul3A_244 : i32 to vector<16xi32>
          %add3A_246 = arith.addi %add3A_245, %and3A_242 : vector<16xi32>
          %gather3A_247 = tpu.vector_load_idx %arg6[%add3A_246] : memref<2048xf32, #tpu.memory_space<vmem>>[vector<16xi32>], vector<16xf32>,
          %mul3A_248 = arith.constant 16 : i32
          %mul3A_249 = arith.muli %while3A_167, %mul3A_248 : i32
          %add3A_250 = vector.broadcast %mul3A_249 : i32 to vector<16xi32>
          %add3A_251 = arith.addi %add3A_250, %and3A_242 : vector<16xi32>
          %gather3A_252 = tpu.vector_load_idx %arg7[%add3A_251] : memref<2048xi32, #tpu.memory_space<vmem>>[vector<16xi32>], vector<16xi32>,
          %gt3A_253 = arith.cmpf ogt, %gather3A_247, %get3A_132 : vector<16xf32>
          %eq3A_254 = arith.cmpf oeq, %gather3A_247, %get3A_132 : vector<16xf32>
          %lt3A_255 = arith.cmpi slt, %gather3A_252, %get3A_136 : vector<16xi32>
          %and3A_256 = arith.andi %eq3A_254, %lt3A_255 : vector<16xi1>
          %or3A_257 = arith.ori %gt3A_253, %and3A_256 : vector<16xi1>
          %convert_element_type3A_258 = arith.extui %or3A_257 : vector<16xi1> to vector<16xi32>
          %add3A_259 = arith.addi %add3A_236, %convert_element_type3A_258 : vector<16xi32>
          %add3A_260 = arith.constant 4 : i32
          %add3A_261 = vector.broadcast %add3A_260 : i32 to vector<16xi32>
          %add3A_262 = arith.addi %iota3A, %add3A_261 : vector<16xi32>
          %and3A_263 = arith.constant 15 : i32
          %and3A_264 = vector.broadcast %and3A_263 : i32 to vector<16xi32>
          %and3A_265 = arith.andi %add3A_262, %and3A_264 : vector<16xi32>
          %mul3A_266 = arith.constant 16 : i32
          %mul3A_267 = arith.muli %while3A_167, %mul3A_266 : i32
          %add3A_268 = vector.broadcast %mul3A_267 : i32 to vector<16xi32>
          %add3A_269 = arith.addi %add3A_268, %and3A_265 : vector<16xi32>
          %gather3A_270 = tpu.vector_load_idx %arg6[%add3A_269] : memref<2048xf32, #tpu.memory_space<vmem>>[vector<16xi32>], vector<16xf32>,
          %mul3A_271 = arith.constant 16 : i32
          %mul3A_272 = arith.muli %while3A_167, %mul3A_271 : i32
          %add3A_273 = vector.broadcast %mul3A_272 : i32 to vector<16xi32>
          %add3A_274 = arith.addi %add3A_273, %and3A_265 : vector<16xi32>
          %gather3A_275 = tpu.vector_load_idx %arg7[%add3A_274] : memref<2048xi32, #tpu.memory_space<vmem>>[vector<16xi32>], vector<16xi32>,
          %gt3A_276 = arith.cmpf ogt, %gather3A_270, %get3A_132 : vector<16xf32>
          %eq3A_277 = arith.cmpf oeq, %gather3A_270, %get3A_132 : vector<16xf32>
          %lt3A_278 = arith.cmpi slt, %gather3A_275, %get3A_136 : vector<16xi32>
          %and3A_279 = arith.andi %eq3A_277, %lt3A_278 : vector<16xi1>
          %or3A_280 = arith.ori %gt3A_276, %and3A_279 : vector<16xi1>
          %convert_element_type3A_281 = arith.extui %or3A_280 : vector<16xi1> to vector<16xi32>
          %add3A_282 = arith.addi %add3A_259, %convert_element_type3A_281 : vector<16xi32>
          %add3A_283 = arith.constant 5 : i32
          %add3A_284 = vector.broadcast %add3A_283 : i32 to vector<16xi32>
          %add3A_285 = arith.addi %iota3A, %add3A_284 : vector<16xi32>
          %and3A_286 = arith.constant 15 : i32
          %and3A_287 = vector.broadcast %and3A_286 : i32 to vector<16xi32>
          %and3A_288 = arith.andi %add3A_285, %and3A_287 : vector<16xi32>
          %mul3A_289 = arith.constant 16 : i32
          %mul3A_290 = arith.muli %while3A_167, %mul3A_289 : i32
          %add3A_291 = vector.broadcast %mul3A_290 : i32 to vector<16xi32>
          %add3A_292 = arith.addi %add3A_291, %and3A_288 : vector<16xi32>
          %gather3A_293 = tpu.vector_load_idx %arg6[%add3A_292] : memref<2048xf32, #tpu.memory_space<vmem>>[vector<16xi32>], vector<16xf32>,
          %mul3A_294 = arith.constant 16 : i32
          %mul3A_295 = arith.muli %while3A_167, %mul3A_294 : i32
          %add3A_296 = vector.broadcast %mul3A_295 : i32 to vector<16xi32>
          %add3A_297 = arith.addi %add3A_296, %and3A_288 : vector<16xi32>
          %gather3A_298 = tpu.vector_load_idx %arg7[%add3A_297] : memref<2048xi32, #tpu.memory_space<vmem>>[vector<16xi32>], vector<16xi32>,
          %gt3A_299 = arith.cmpf ogt, %gather3A_293, %get3A_132 : vector<16xf32>
          %eq3A_300 = arith.cmpf oeq, %gather3A_293, %get3A_132 : vector<16xf32>
          %lt3A_301 = arith.cmpi slt, %gather3A_298, %get3A_136 : vector<16xi32>
          %and3A_302 = arith.andi %eq3A_300, %lt3A_301 : vector<16xi1>
          %or3A_303 = arith.ori %gt3A_299, %and3A_302 : vector<16xi1>
          %convert_element_type3A_304 = arith.extui %or3A_303 : vector<16xi1> to vector<16xi32>
          %add3A_305 = arith.addi %add3A_282, %convert_element_type3A_304 : vector<16xi32>
          %add3A_306 = arith.constant 6 : i32
          %add3A_307 = vector.broadcast %add3A_306 : i32 to vector<16xi32>
          %add3A_308 = arith.addi %iota3A, %add3A_307 : vector<16xi32>
          %and3A_309 = arith.constant 15 : i32
          %and3A_310 = vector.broadcast %and3A_309 : i32 to vector<16xi32>
          %and3A_311 = arith.andi %add3A_308, %and3A_310 : vector<16xi32>
          %mul3A_312 = arith.constant 16 : i32
          %mul3A_313 = arith.muli %while3A_167, %mul3A_312 : i32
          %add3A_314 = vector.broadcast %mul3A_313 : i32 to vector<16xi32>
          %add3A_315 = arith.addi %add3A_314, %and3A_311 : vector<16xi32>
          %gather3A_316 = tpu.vector_load_idx %arg6[%add3A_315] : memref<2048xf32, #tpu.memory_space<vmem>>[vector<16xi32>], vector<16xf32>,
          %mul3A_317 = arith.constant 16 : i32
          %mul3A_318 = arith.muli %while3A_167, %mul3A_317 : i32
          %add3A_319 = vector.broadcast %mul3A_318 : i32 to vector<16xi32>
          %add3A_320 = arith.addi %add3A_319, %and3A_311 : vector<16xi32>
          %gather3A_321 = tpu.vector_load_idx %arg7[%add3A_320] : memref<2048xi32, #tpu.memory_space<vmem>>[vector<16xi32>], vector<16xi32>,
          %gt3A_322 = arith.cmpf ogt, %gather3A_316, %get3A_132 : vector<16xf32>
          %eq3A_323 = arith.cmpf oeq, %gather3A_316, %get3A_132 : vector<16xf32>
          %lt3A_324 = arith.cmpi slt, %gather3A_321, %get3A_136 : vector<16xi32>
          %and3A_325 = arith.andi %eq3A_323, %lt3A_324 : vector<16xi1>
          %or3A_326 = arith.ori %gt3A_322, %and3A_325 : vector<16xi1>
          %convert_element_type3A_327 = arith.extui %or3A_326 : vector<16xi1> to vector<16xi32>
          %add3A_328 = arith.addi %add3A_305, %convert_element_type3A_327 : vector<16xi32>
          %add3A_329 = arith.constant 7 : i32
          %add3A_330 = vector.broadcast %add3A_329 : i32 to vector<16xi32>
          %add3A_331 = arith.addi %iota3A, %add3A_330 : vector<16xi32>
          %and3A_332 = arith.constant 15 : i32
          %and3A_333 = vector.broadcast %and3A_332 : i32 to vector<16xi32>
          %and3A_334 = arith.andi %add3A_331, %and3A_333 : vector<16xi32>
          %mul3A_335 = arith.constant 16 : i32
          %mul3A_336 = arith.muli %while3A_167, %mul3A_335 : i32
          %add3A_337 = vector.broadcast %mul3A_336 : i32 to vector<16xi32>
          %add3A_338 = arith.addi %add3A_337, %and3A_334 : vector<16xi32>
          %gather3A_339 = tpu.vector_load_idx %arg6[%add3A_338] : memref<2048xf32, #tpu.memory_space<vmem>>[vector<16xi32>], vector<16xf32>,
          %mul3A_340 = arith.constant 16 : i32
          %mul3A_341 = arith.muli %while3A_167, %mul3A_340 : i32
          %add3A_342 = vector.broadcast %mul3A_341 : i32 to vector<16xi32>
          %add3A_343 = arith.addi %add3A_342, %and3A_334 : vector<16xi32>
          %gather3A_344 = tpu.vector_load_idx %arg7[%add3A_343] : memref<2048xi32, #tpu.memory_space<vmem>>[vector<16xi32>], vector<16xi32>,
          %gt3A_345 = arith.cmpf ogt, %gather3A_339, %get3A_132 : vector<16xf32>
          %eq3A_346 = arith.cmpf oeq, %gather3A_339, %get3A_132 : vector<16xf32>
          %lt3A_347 = arith.cmpi slt, %gather3A_344, %get3A_136 : vector<16xi32>
          %and3A_348 = arith.andi %eq3A_346, %lt3A_347 : vector<16xi1>
          %or3A_349 = arith.ori %gt3A_345, %and3A_348 : vector<16xi1>
          %convert_element_type3A_350 = arith.extui %or3A_349 : vector<16xi1> to vector<16xi32>
          %add3A_351 = arith.addi %add3A_328, %convert_element_type3A_350 : vector<16xi32>
          %add3A_352 = arith.constant 8 : i32
          %add3A_353 = vector.broadcast %add3A_352 : i32 to vector<16xi32>
          %add3A_354 = arith.addi %iota3A, %add3A_353 : vector<16xi32>
          %and3A_355 = arith.constant 15 : i32
          %and3A_356 = vector.broadcast %and3A_355 : i32 to vector<16xi32>
          %and3A_357 = arith.andi %add3A_354, %and3A_356 : vector<16xi32>
          %mul3A_358 = arith.constant 16 : i32
          %mul3A_359 = arith.muli %while3A_167, %mul3A_358 : i32
          %add3A_360 = vector.broadcast %mul3A_359 : i32 to vector<16xi32>
          %add3A_361 = arith.addi %add3A_360, %and3A_357 : vector<16xi32>
          %gather3A_362 = tpu.vector_load_idx %arg6[%add3A_361] : memref<2048xf32, #tpu.memory_space<vmem>>[vector<16xi32>], vector<16xf32>,
          %mul3A_363 = arith.constant 16 : i32
          %mul3A_364 = arith.muli %while3A_167, %mul3A_363 : i32
          %add3A_365 = vector.broadcast %mul3A_364 : i32 to vector<16xi32>
          %add3A_366 = arith.addi %add3A_365, %and3A_357 : vector<16xi32>
          %gather3A_367 = tpu.vector_load_idx %arg7[%add3A_366] : memref<2048xi32, #tpu.memory_space<vmem>>[vector<16xi32>], vector<16xi32>,
          %gt3A_368 = arith.cmpf ogt, %gather3A_362, %get3A_132 : vector<16xf32>
          %eq3A_369 = arith.cmpf oeq, %gather3A_362, %get3A_132 : vector<16xf32>
          %lt3A_370 = arith.cmpi slt, %gather3A_367, %get3A_136 : vector<16xi32>
          %and3A_371 = arith.andi %eq3A_369, %lt3A_370 : vector<16xi1>
          %or3A_372 = arith.ori %gt3A_368, %and3A_371 : vector<16xi1>
          %convert_element_type3A_373 = arith.extui %or3A_372 : vector<16xi1> to vector<16xi32>
          %add3A_374 = arith.addi %add3A_351, %convert_element_type3A_373 : vector<16xi32>
          %add3A_375 = arith.constant 9 : i32
          %add3A_376 = vector.broadcast %add3A_375 : i32 to vector<16xi32>
          %add3A_377 = arith.addi %iota3A, %add3A_376 : vector<16xi32>
          %and3A_378 = arith.constant 15 : i32
          %and3A_379 = vector.broadcast %and3A_378 : i32 to vector<16xi32>
          %and3A_380 = arith.andi %add3A_377, %and3A_379 : vector<16xi32>
          %mul3A_381 = arith.constant 16 : i32
          %mul3A_382 = arith.muli %while3A_167, %mul3A_381 : i32
          %add3A_383 = vector.broadcast %mul3A_382 : i32 to vector<16xi32>
          %add3A_384 = arith.addi %add3A_383, %and3A_380 : vector<16xi32>
          %gather3A_385 = tpu.vector_load_idx %arg6[%add3A_384] : memref<2048xf32, #tpu.memory_space<vmem>>[vector<16xi32>], vector<16xf32>,
          %mul3A_386 = arith.constant 16 : i32
          %mul3A_387 = arith.muli %while3A_167, %mul3A_386 : i32
          %add3A_388 = vector.broadcast %mul3A_387 : i32 to vector<16xi32>
          %add3A_389 = arith.addi %add3A_388, %and3A_380 : vector<16xi32>
          %gather3A_390 = tpu.vector_load_idx %arg7[%add3A_389] : memref<2048xi32, #tpu.memory_space<vmem>>[vector<16xi32>], vector<16xi32>,
          %gt3A_391 = arith.cmpf ogt, %gather3A_385, %get3A_132 : vector<16xf32>
          %eq3A_392 = arith.cmpf oeq, %gather3A_385, %get3A_132 : vector<16xf32>
          %lt3A_393 = arith.cmpi slt, %gather3A_390, %get3A_136 : vector<16xi32>
          %and3A_394 = arith.andi %eq3A_392, %lt3A_393 : vector<16xi1>
          %or3A_395 = arith.ori %gt3A_391, %and3A_394 : vector<16xi1>
          %convert_element_type3A_396 = arith.extui %or3A_395 : vector<16xi1> to vector<16xi32>
          %add3A_397 = arith.addi %add3A_374, %convert_element_type3A_396 : vector<16xi32>
          %add3A_398 = arith.constant 10 : i32
          %add3A_399 = vector.broadcast %add3A_398 : i32 to vector<16xi32>
          %add3A_400 = arith.addi %iota3A, %add3A_399 : vector<16xi32>
          %and3A_401 = arith.constant 15 : i32
          %and3A_402 = vector.broadcast %and3A_401 : i32 to vector<16xi32>
          %and3A_403 = arith.andi %add3A_400, %and3A_402 : vector<16xi32>
          %mul3A_404 = arith.constant 16 : i32
          %mul3A_405 = arith.muli %while3A_167, %mul3A_404 : i32
          %add3A_406 = vector.broadcast %mul3A_405 : i32 to vector<16xi32>
          %add3A_407 = arith.addi %add3A_406, %and3A_403 : vector<16xi32>
          %gather3A_408 = tpu.vector_load_idx %arg6[%add3A_407] : memref<2048xf32, #tpu.memory_space<vmem>>[vector<16xi32>], vector<16xf32>,
          %mul3A_409 = arith.constant 16 : i32
          %mul3A_410 = arith.muli %while3A_167, %mul3A_409 : i32
          %add3A_411 = vector.broadcast %mul3A_410 : i32 to vector<16xi32>
          %add3A_412 = arith.addi %add3A_411, %and3A_403 : vector<16xi32>
          %gather3A_413 = tpu.vector_load_idx %arg7[%add3A_412] : memref<2048xi32, #tpu.memory_space<vmem>>[vector<16xi32>], vector<16xi32>,
          %gt3A_414 = arith.cmpf ogt, %gather3A_408, %get3A_132 : vector<16xf32>
          %eq3A_415 = arith.cmpf oeq, %gather3A_408, %get3A_132 : vector<16xf32>
          %lt3A_416 = arith.cmpi slt, %gather3A_413, %get3A_136 : vector<16xi32>
          %and3A_417 = arith.andi %eq3A_415, %lt3A_416 : vector<16xi1>
          %or3A_418 = arith.ori %gt3A_414, %and3A_417 : vector<16xi1>
          %convert_element_type3A_419 = arith.extui %or3A_418 : vector<16xi1> to vector<16xi32>
          %add3A_420 = arith.addi %add3A_397, %convert_element_type3A_419 : vector<16xi32>
          %add3A_421 = arith.constant 11 : i32
          %add3A_422 = vector.broadcast %add3A_421 : i32 to vector<16xi32>
          %add3A_423 = arith.addi %iota3A, %add3A_422 : vector<16xi32>
          %and3A_424 = arith.constant 15 : i32
          %and3A_425 = vector.broadcast %and3A_424 : i32 to vector<16xi32>
          %and3A_426 = arith.andi %add3A_423, %and3A_425 : vector<16xi32>
          %mul3A_427 = arith.constant 16 : i32
          %mul3A_428 = arith.muli %while3A_167, %mul3A_427 : i32
          %add3A_429 = vector.broadcast %mul3A_428 : i32 to vector<16xi32>
          %add3A_430 = arith.addi %add3A_429, %and3A_426 : vector<16xi32>
          %gather3A_431 = tpu.vector_load_idx %arg6[%add3A_430] : memref<2048xf32, #tpu.memory_space<vmem>>[vector<16xi32>], vector<16xf32>,
          %mul3A_432 = arith.constant 16 : i32
          %mul3A_433 = arith.muli %while3A_167, %mul3A_432 : i32
          %add3A_434 = vector.broadcast %mul3A_433 : i32 to vector<16xi32>
          %add3A_435 = arith.addi %add3A_434, %and3A_426 : vector<16xi32>
          %gather3A_436 = tpu.vector_load_idx %arg7[%add3A_435] : memref<2048xi32, #tpu.memory_space<vmem>>[vector<16xi32>], vector<16xi32>,
          %gt3A_437 = arith.cmpf ogt, %gather3A_431, %get3A_132 : vector<16xf32>
          %eq3A_438 = arith.cmpf oeq, %gather3A_431, %get3A_132 : vector<16xf32>
          %lt3A_439 = arith.cmpi slt, %gather3A_436, %get3A_136 : vector<16xi32>
          %and3A_440 = arith.andi %eq3A_438, %lt3A_439 : vector<16xi1>
          %or3A_441 = arith.ori %gt3A_437, %and3A_440 : vector<16xi1>
          %convert_element_type3A_442 = arith.extui %or3A_441 : vector<16xi1> to vector<16xi32>
          %add3A_443 = arith.addi %add3A_420, %convert_element_type3A_442 : vector<16xi32>
          %add3A_444 = arith.constant 12 : i32
          %add3A_445 = vector.broadcast %add3A_444 : i32 to vector<16xi32>
          %add3A_446 = arith.addi %iota3A, %add3A_445 : vector<16xi32>
          %and3A_447 = arith.constant 15 : i32
          %and3A_448 = vector.broadcast %and3A_447 : i32 to vector<16xi32>
          %and3A_449 = arith.andi %add3A_446, %and3A_448 : vector<16xi32>
          %mul3A_450 = arith.constant 16 : i32
          %mul3A_451 = arith.muli %while3A_167, %mul3A_450 : i32
          %add3A_452 = vector.broadcast %mul3A_451 : i32 to vector<16xi32>
          %add3A_453 = arith.addi %add3A_452, %and3A_449 : vector<16xi32>
          %gather3A_454 = tpu.vector_load_idx %arg6[%add3A_453] : memref<2048xf32, #tpu.memory_space<vmem>>[vector<16xi32>], vector<16xf32>,
          %mul3A_455 = arith.constant 16 : i32
          %mul3A_456 = arith.muli %while3A_167, %mul3A_455 : i32
          %add3A_457 = vector.broadcast %mul3A_456 : i32 to vector<16xi32>
          %add3A_458 = arith.addi %add3A_457, %and3A_449 : vector<16xi32>
          %gather3A_459 = tpu.vector_load_idx %arg7[%add3A_458] : memref<2048xi32, #tpu.memory_space<vmem>>[vector<16xi32>], vector<16xi32>,
          %gt3A_460 = arith.cmpf ogt, %gather3A_454, %get3A_132 : vector<16xf32>
          %eq3A_461 = arith.cmpf oeq, %gather3A_454, %get3A_132 : vector<16xf32>
          %lt3A_462 = arith.cmpi slt, %gather3A_459, %get3A_136 : vector<16xi32>
          %and3A_463 = arith.andi %eq3A_461, %lt3A_462 : vector<16xi1>
          %or3A_464 = arith.ori %gt3A_460, %and3A_463 : vector<16xi1>
          %convert_element_type3A_465 = arith.extui %or3A_464 : vector<16xi1> to vector<16xi32>
          %add3A_466 = arith.addi %add3A_443, %convert_element_type3A_465 : vector<16xi32>
          %add3A_467 = arith.constant 13 : i32
          %add3A_468 = vector.broadcast %add3A_467 : i32 to vector<16xi32>
          %add3A_469 = arith.addi %iota3A, %add3A_468 : vector<16xi32>
          %and3A_470 = arith.constant 15 : i32
          %and3A_471 = vector.broadcast %and3A_470 : i32 to vector<16xi32>
          %and3A_472 = arith.andi %add3A_469, %and3A_471 : vector<16xi32>
          %mul3A_473 = arith.constant 16 : i32
          %mul3A_474 = arith.muli %while3A_167, %mul3A_473 : i32
          %add3A_475 = vector.broadcast %mul3A_474 : i32 to vector<16xi32>
          %add3A_476 = arith.addi %add3A_475, %and3A_472 : vector<16xi32>
          %gather3A_477 = tpu.vector_load_idx %arg6[%add3A_476] : memref<2048xf32, #tpu.memory_space<vmem>>[vector<16xi32>], vector<16xf32>,
          %mul3A_478 = arith.constant 16 : i32
          %mul3A_479 = arith.muli %while3A_167, %mul3A_478 : i32
          %add3A_480 = vector.broadcast %mul3A_479 : i32 to vector<16xi32>
          %add3A_481 = arith.addi %add3A_480, %and3A_472 : vector<16xi32>
          %gather3A_482 = tpu.vector_load_idx %arg7[%add3A_481] : memref<2048xi32, #tpu.memory_space<vmem>>[vector<16xi32>], vector<16xi32>,
          %gt3A_483 = arith.cmpf ogt, %gather3A_477, %get3A_132 : vector<16xf32>
          %eq3A_484 = arith.cmpf oeq, %gather3A_477, %get3A_132 : vector<16xf32>
          %lt3A_485 = arith.cmpi slt, %gather3A_482, %get3A_136 : vector<16xi32>
          %and3A_486 = arith.andi %eq3A_484, %lt3A_485 : vector<16xi1>
          %or3A_487 = arith.ori %gt3A_483, %and3A_486 : vector<16xi1>
          %convert_element_type3A_488 = arith.extui %or3A_487 : vector<16xi1> to vector<16xi32>
          %add3A_489 = arith.addi %add3A_466, %convert_element_type3A_488 : vector<16xi32>
          %add3A_490 = arith.constant 14 : i32
          %add3A_491 = vector.broadcast %add3A_490 : i32 to vector<16xi32>
          %add3A_492 = arith.addi %iota3A, %add3A_491 : vector<16xi32>
          %and3A_493 = arith.constant 15 : i32
          %and3A_494 = vector.broadcast %and3A_493 : i32 to vector<16xi32>
          %and3A_495 = arith.andi %add3A_492, %and3A_494 : vector<16xi32>
          %mul3A_496 = arith.constant 16 : i32
          %mul3A_497 = arith.muli %while3A_167, %mul3A_496 : i32
          %add3A_498 = vector.broadcast %mul3A_497 : i32 to vector<16xi32>
          %add3A_499 = arith.addi %add3A_498, %and3A_495 : vector<16xi32>
          %gather3A_500 = tpu.vector_load_idx %arg6[%add3A_499] : memref<2048xf32, #tpu.memory_space<vmem>>[vector<16xi32>], vector<16xf32>,
          %mul3A_501 = arith.constant 16 : i32
          %mul3A_502 = arith.muli %while3A_167, %mul3A_501 : i32
          %add3A_503 = vector.broadcast %mul3A_502 : i32 to vector<16xi32>
          %add3A_504 = arith.addi %add3A_503, %and3A_495 : vector<16xi32>
          %gather3A_505 = tpu.vector_load_idx %arg7[%add3A_504] : memref<2048xi32, #tpu.memory_space<vmem>>[vector<16xi32>], vector<16xi32>,
          %gt3A_506 = arith.cmpf ogt, %gather3A_500, %get3A_132 : vector<16xf32>
          %eq3A_507 = arith.cmpf oeq, %gather3A_500, %get3A_132 : vector<16xf32>
          %lt3A_508 = arith.cmpi slt, %gather3A_505, %get3A_136 : vector<16xi32>
          %and3A_509 = arith.andi %eq3A_507, %lt3A_508 : vector<16xi1>
          %or3A_510 = arith.ori %gt3A_506, %and3A_509 : vector<16xi1>
          %convert_element_type3A_511 = arith.extui %or3A_510 : vector<16xi1> to vector<16xi32>
          %add3A_512 = arith.addi %add3A_489, %convert_element_type3A_511 : vector<16xi32>
          %add3A_513 = arith.constant 15 : i32
          %add3A_514 = vector.broadcast %add3A_513 : i32 to vector<16xi32>
          %add3A_515 = arith.addi %iota3A, %add3A_514 : vector<16xi32>
          %and3A_516 = arith.constant 15 : i32
          %and3A_517 = vector.broadcast %and3A_516 : i32 to vector<16xi32>
          %and3A_518 = arith.andi %add3A_515, %and3A_517 : vector<16xi32>
          %mul3A_519 = arith.constant 16 : i32
          %mul3A_520 = arith.muli %while3A_167, %mul3A_519 : i32
          %add3A_521 = vector.broadcast %mul3A_520 : i32 to vector<16xi32>
          %add3A_522 = arith.addi %add3A_521, %and3A_518 : vector<16xi32>
          %gather3A_523 = tpu.vector_load_idx %arg6[%add3A_522] : memref<2048xf32, #tpu.memory_space<vmem>>[vector<16xi32>], vector<16xf32>,
          %mul3A_524 = arith.constant 16 : i32
          %mul3A_525 = arith.muli %while3A_167, %mul3A_524 : i32
          %add3A_526 = vector.broadcast %mul3A_525 : i32 to vector<16xi32>
          %add3A_527 = arith.addi %add3A_526, %and3A_518 : vector<16xi32>
          %gather3A_528 = tpu.vector_load_idx %arg7[%add3A_527] : memref<2048xi32, #tpu.memory_space<vmem>>[vector<16xi32>], vector<16xi32>,
          %gt3A_529 = arith.cmpf ogt, %gather3A_523, %get3A_132 : vector<16xf32>
          %eq3A_530 = arith.cmpf oeq, %gather3A_523, %get3A_132 : vector<16xf32>
          %lt3A_531 = arith.cmpi slt, %gather3A_528, %get3A_136 : vector<16xi32>
          %and3A_532 = arith.andi %eq3A_530, %lt3A_531 : vector<16xi1>
          %or3A_533 = arith.ori %gt3A_529, %and3A_532 : vector<16xi1>
          %convert_element_type3A_534 = arith.extui %or3A_533 : vector<16xi1> to vector<16xi32>
          %add3A_535 = arith.addi %add3A_512, %convert_element_type3A_534 : vector<16xi32>
          %swap3A_536 = arith.constant 0 : index
          %swap3A_537 = tpu.vector_load %arg16[%swap3A_536] {strides = array<i32>} : memref<16xi32, #tpu.memory_space<vmem>>, vector<16xi32>,
          tpu.vector_store %arg16[%swap3A_536], %add3A_535 {strides = array<i32>} : memref<16xi32, #tpu.memory_space<vmem>>, vector<16xi32>,
          %while3A_538 = arith.constant 0 : i32
          scf.yield %while3A_538 : i32
        }
        %while3A_149 = arith.constant 1 : i32
        %while3A_150 = scf.for %while3A_167 = %while3A_146 to %while3A_142 step %while3A_149 iter_args(%while3A_168 = %while3A_148) -> (i32)  : i32 {
          %get3A_169 = arith.constant 0 : index
          %get3A_170 = tpu.vector_load %arg16[%get3A_169] {strides = array<i32>} : memref<16xi32, #tpu.memory_space<vmem>>, vector<16xi32>,
          %add3A_171 = arith.constant 0 : i32
          %add3A_172 = vector.broadcast %add3A_171 : i32 to vector<16xi32>
          %add3A_173 = arith.addi %iota3A, %add3A_172 : vector<16xi32>
          %and3A_174 = arith.constant 15 : i32
          %and3A_175 = vector.broadcast %and3A_174 : i32 to vector<16xi32>
          %and3A_176 = arith.andi %add3A_173, %and3A_175 : vector<16xi32>
          %mul3A_177 = arith.constant 16 : i32
          %mul3A_178 = arith.muli %while3A_167, %mul3A_177 : i32
          %add3A_179 = vector.broadcast %mul3A_178 : i32 to vector<16xi32>
          %add3A_180 = arith.addi %add3A_179, %and3A_176 : vector<16xi32>
          %gather3A = tpu.vector_load_idx %arg6[%add3A_180] : memref<2048xf32, #tpu.memory_space<vmem>>[vector<16xi32>], vector<16xf32>,
          %mul3A_181 = arith.constant 16 : i32
          %mul3A_182 = arith.muli %while3A_167, %mul3A_181 : i32
          %add3A_183 = vector.broadcast %mul3A_182 : i32 to vector<16xi32>
          %add3A_184 = arith.addi %add3A_183, %and3A_176 : vector<16xi32>
          %gather3A_185 = tpu.vector_load_idx %arg7[%add3A_184] : memref<2048xi32, #tpu.memory_space<vmem>>[vector<16xi32>], vector<16xi32>,
          %gt3A_186 = arith.cmpf ogt, %gather3A, %get3A_132 : vector<16xf32>
          %eq3A = arith.cmpf oeq, %gather3A, %get3A_132 : vector<16xf32>
          %lt3A_187 = arith.cmpi slt, %gather3A_185, %get3A_136 : vector<16xi32>
          %and3A_188 = arith.andi %eq3A, %lt3A_187 : vector<16xi1>
          %or3A = arith.ori %gt3A_186, %and3A_188 : vector<16xi1>
          %convert_element_type3A_189 = arith.extui %or3A : vector<16xi1> to vector<16xi32>
          %add3A_190 = arith.addi %get3A_170, %convert_element_type3A_189 : vector<16xi32>
          %add3A_191 = arith.constant 1 : i32
          %add3A_192 = vector.broadcast %add3A_191 : i32 to vector<16xi32>
          %add3A_193 = arith.addi %iota3A, %add3A_192 : vector<16xi32>
          %and3A_194 = arith.constant 15 : i32
          %and3A_195 = vector.broadcast %and3A_194 : i32 to vector<16xi32>
          %and3A_196 = arith.andi %add3A_193, %and3A_195 : vector<16xi32>
          %mul3A_197 = arith.constant 16 : i32
          %mul3A_198 = arith.muli %while3A_167, %mul3A_197 : i32
          %add3A_199 = vector.broadcast %mul3A_198 : i32 to vector<16xi32>
          %add3A_200 = arith.addi %add3A_199, %and3A_196 : vector<16xi32>
          %gather3A_201 = tpu.vector_load_idx %arg6[%add3A_200] : memref<2048xf32, #tpu.memory_space<vmem>>[vector<16xi32>], vector<16xf32>,
          %mul3A_202 = arith.constant 16 : i32
          %mul3A_203 = arith.muli %while3A_167, %mul3A_202 : i32
          %add3A_204 = vector.broadcast %mul3A_203 : i32 to vector<16xi32>
          %add3A_205 = arith.addi %add3A_204, %and3A_196 : vector<16xi32>
          %gather3A_206 = tpu.vector_load_idx %arg7[%add3A_205] : memref<2048xi32, #tpu.memory_space<vmem>>[vector<16xi32>], vector<16xi32>,
          %gt3A_207 = arith.cmpf ogt, %gather3A_201, %get3A_132 : vector<16xf32>
          %eq3A_208 = arith.cmpf oeq, %gather3A_201, %get3A_132 : vector<16xf32>
          %lt3A_209 = arith.cmpi slt, %gather3A_206, %get3A_136 : vector<16xi32>
          %and3A_210 = arith.andi %eq3A_208, %lt3A_209 : vector<16xi1>
          %or3A_211 = arith.ori %gt3A_207, %and3A_210 : vector<16xi1>
          %convert_element_type3A_212 = arith.extui %or3A_211 : vector<16xi1> to vector<16xi32>
          %add3A_213 = arith.addi %add3A_190, %convert_element_type3A_212 : vector<16xi32>
          %add3A_214 = arith.constant 2 : i32
          %add3A_215 = vector.broadcast %add3A_214 : i32 to vector<16xi32>
          %add3A_216 = arith.addi %iota3A, %add3A_215 : vector<16xi32>
          %and3A_217 = arith.constant 15 : i32
          %and3A_218 = vector.broadcast %and3A_217 : i32 to vector<16xi32>
          %and3A_219 = arith.andi %add3A_216, %and3A_218 : vector<16xi32>
          %mul3A_220 = arith.constant 16 : i32
          %mul3A_221 = arith.muli %while3A_167, %mul3A_220 : i32
          %add3A_222 = vector.broadcast %mul3A_221 : i32 to vector<16xi32>
          %add3A_223 = arith.addi %add3A_222, %and3A_219 : vector<16xi32>
          %gather3A_224 = tpu.vector_load_idx %arg6[%add3A_223] : memref<2048xf32, #tpu.memory_space<vmem>>[vector<16xi32>], vector<16xf32>,
          %mul3A_225 = arith.constant 16 : i32
          %mul3A_226 = arith.muli %while3A_167, %mul3A_225 : i32
          %add3A_227 = vector.broadcast %mul3A_226 : i32 to vector<16xi32>
          %add3A_228 = arith.addi %add3A_227, %and3A_219 : vector<16xi32>
          %gather3A_229 = tpu.vector_load_idx %arg7[%add3A_228] : memref<2048xi32, #tpu.memory_space<vmem>>[vector<16xi32>], vector<16xi32>,
          %gt3A_230 = arith.cmpf ogt, %gather3A_224, %get3A_132 : vector<16xf32>
          %eq3A_231 = arith.cmpf oeq, %gather3A_224, %get3A_132 : vector<16xf32>
          %lt3A_232 = arith.cmpi slt, %gather3A_229, %get3A_136 : vector<16xi32>
          %and3A_233 = arith.andi %eq3A_231, %lt3A_232 : vector<16xi1>
          %or3A_234 = arith.ori %gt3A_230, %and3A_233 : vector<16xi1>
          %convert_element_type3A_235 = arith.extui %or3A_234 : vector<16xi1> to vector<16xi32>
          %add3A_236 = arith.addi %add3A_213, %convert_element_type3A_235 : vector<16xi32>
          %add3A_237 = arith.constant 3 : i32
          %add3A_238 = vector.broadcast %add3A_237 : i32 to vector<16xi32>
          %add3A_239 = arith.addi %iota3A, %add3A_238 : vector<16xi32>
          %and3A_240 = arith.constant 15 : i32
          %and3A_241 = vector.broadcast %and3A_240 : i32 to vector<16xi32>
          %and3A_242 = arith.andi %add3A_239, %and3A_241 : vector<16xi32>
          %mul3A_243 = arith.constant 16 : i32
          %mul3A_244 = arith.muli %while3A_167, %mul3A_243 : i32
          %add3A_245 = vector.broadcast %mul3A_244 : i32 to vector<16xi32>
          %add3A_246 = arith.addi %add3A_245, %and3A_242 : vector<16xi32>
          %gather3A_247 = tpu.vector_load_idx %arg6[%add3A_246] : memref<2048xf32, #tpu.memory_space<vmem>>[vector<16xi32>], vector<16xf32>,
          %mul3A_248 = arith.constant 16 : i32
          %mul3A_249 = arith.muli %while3A_167, %mul3A_248 : i32
          %add3A_250 = vector.broadcast %mul3A_249 : i32 to vector<16xi32>
          %add3A_251 = arith.addi %add3A_250, %and3A_242 : vector<16xi32>
          %gather3A_252 = tpu.vector_load_idx %arg7[%add3A_251] : memref<2048xi32, #tpu.memory_space<vmem>>[vector<16xi32>], vector<16xi32>,
          %gt3A_253 = arith.cmpf ogt, %gather3A_247, %get3A_132 : vector<16xf32>
          %eq3A_254 = arith.cmpf oeq, %gather3A_247, %get3A_132 : vector<16xf32>
          %lt3A_255 = arith.cmpi slt, %gather3A_252, %get3A_136 : vector<16xi32>
          %and3A_256 = arith.andi %eq3A_254, %lt3A_255 : vector<16xi1>
          %or3A_257 = arith.ori %gt3A_253, %and3A_256 : vector<16xi1>
          %convert_element_type3A_258 = arith.extui %or3A_257 : vector<16xi1> to vector<16xi32>
          %add3A_259 = arith.addi %add3A_236, %convert_element_type3A_258 : vector<16xi32>
          %add3A_260 = arith.constant 4 : i32
          %add3A_261 = vector.broadcast %add3A_260 : i32 to vector<16xi32>
          %add3A_262 = arith.addi %iota3A, %add3A_261 : vector<16xi32>
          %and3A_263 = arith.constant 15 : i32
          %and3A_264 = vector.broadcast %and3A_263 : i32 to vector<16xi32>
          %and3A_265 = arith.andi %add3A_262, %and3A_264 : vector<16xi32>
          %mul3A_266 = arith.constant 16 : i32
          %mul3A_267 = arith.muli %while3A_167, %mul3A_266 : i32
          %add3A_268 = vector.broadcast %mul3A_267 : i32 to vector<16xi32>
          %add3A_269 = arith.addi %add3A_268, %and3A_265 : vector<16xi32>
          %gather3A_270 = tpu.vector_load_idx %arg6[%add3A_269] : memref<2048xf32, #tpu.memory_space<vmem>>[vector<16xi32>], vector<16xf32>,
          %mul3A_271 = arith.constant 16 : i32
          %mul3A_272 = arith.muli %while3A_167, %mul3A_271 : i32
          %add3A_273 = vector.broadcast %mul3A_272 : i32 to vector<16xi32>
          %add3A_274 = arith.addi %add3A_273, %and3A_265 : vector<16xi32>
          %gather3A_275 = tpu.vector_load_idx %arg7[%add3A_274] : memref<2048xi32, #tpu.memory_space<vmem>>[vector<16xi32>], vector<16xi32>,
          %gt3A_276 = arith.cmpf ogt, %gather3A_270, %get3A_132 : vector<16xf32>
          %eq3A_277 = arith.cmpf oeq, %gather3A_270, %get3A_132 : vector<16xf32>
          %lt3A_278 = arith.cmpi slt, %gather3A_275, %get3A_136 : vector<16xi32>
          %and3A_279 = arith.andi %eq3A_277, %lt3A_278 : vector<16xi1>
          %or3A_280 = arith.ori %gt3A_276, %and3A_279 : vector<16xi1>
          %convert_element_type3A_281 = arith.extui %or3A_280 : vector<16xi1> to vector<16xi32>
          %add3A_282 = arith.addi %add3A_259, %convert_element_type3A_281 : vector<16xi32>
          %add3A_283 = arith.constant 5 : i32
          %add3A_284 = vector.broadcast %add3A_283 : i32 to vector<16xi32>
          %add3A_285 = arith.addi %iota3A, %add3A_284 : vector<16xi32>
          %and3A_286 = arith.constant 15 : i32
          %and3A_287 = vector.broadcast %and3A_286 : i32 to vector<16xi32>
          %and3A_288 = arith.andi %add3A_285, %and3A_287 : vector<16xi32>
          %mul3A_289 = arith.constant 16 : i32
          %mul3A_290 = arith.muli %while3A_167, %mul3A_289 : i32
          %add3A_291 = vector.broadcast %mul3A_290 : i32 to vector<16xi32>
          %add3A_292 = arith.addi %add3A_291, %and3A_288 : vector<16xi32>
          %gather3A_293 = tpu.vector_load_idx %arg6[%add3A_292] : memref<2048xf32, #tpu.memory_space<vmem>>[vector<16xi32>], vector<16xf32>,
          %mul3A_294 = arith.constant 16 : i32
          %mul3A_295 = arith.muli %while3A_167, %mul3A_294 : i32
          %add3A_296 = vector.broadcast %mul3A_295 : i32 to vector<16xi32>
          %add3A_297 = arith.addi %add3A_296, %and3A_288 : vector<16xi32>
          %gather3A_298 = tpu.vector_load_idx %arg7[%add3A_297] : memref<2048xi32, #tpu.memory_space<vmem>>[vector<16xi32>], vector<16xi32>,
          %gt3A_299 = arith.cmpf ogt, %gather3A_293, %get3A_132 : vector<16xf32>
          %eq3A_300 = arith.cmpf oeq, %gather3A_293, %get3A_132 : vector<16xf32>
          %lt3A_301 = arith.cmpi slt, %gather3A_298, %get3A_136 : vector<16xi32>
          %and3A_302 = arith.andi %eq3A_300, %lt3A_301 : vector<16xi1>
          %or3A_303 = arith.ori %gt3A_299, %and3A_302 : vector<16xi1>
          %convert_element_type3A_304 = arith.extui %or3A_303 : vector<16xi1> to vector<16xi32>
          %add3A_305 = arith.addi %add3A_282, %convert_element_type3A_304 : vector<16xi32>
          %add3A_306 = arith.constant 6 : i32
          %add3A_307 = vector.broadcast %add3A_306 : i32 to vector<16xi32>
          %add3A_308 = arith.addi %iota3A, %add3A_307 : vector<16xi32>
          %and3A_309 = arith.constant 15 : i32
          %and3A_310 = vector.broadcast %and3A_309 : i32 to vector<16xi32>
          %and3A_311 = arith.andi %add3A_308, %and3A_310 : vector<16xi32>
          %mul3A_312 = arith.constant 16 : i32
          %mul3A_313 = arith.muli %while3A_167, %mul3A_312 : i32
          %add3A_314 = vector.broadcast %mul3A_313 : i32 to vector<16xi32>
          %add3A_315 = arith.addi %add3A_314, %and3A_311 : vector<16xi32>
          %gather3A_316 = tpu.vector_load_idx %arg6[%add3A_315] : memref<2048xf32, #tpu.memory_space<vmem>>[vector<16xi32>], vector<16xf32>,
          %mul3A_317 = arith.constant 16 : i32
          %mul3A_318 = arith.muli %while3A_167, %mul3A_317 : i32
          %add3A_319 = vector.broadcast %mul3A_318 : i32 to vector<16xi32>
          %add3A_320 = arith.addi %add3A_319, %and3A_311 : vector<16xi32>
          %gather3A_321 = tpu.vector_load_idx %arg7[%add3A_320] : memref<2048xi32, #tpu.memory_space<vmem>>[vector<16xi32>], vector<16xi32>,
          %gt3A_322 = arith.cmpf ogt, %gather3A_316, %get3A_132 : vector<16xf32>
          %eq3A_323 = arith.cmpf oeq, %gather3A_316, %get3A_132 : vector<16xf32>
          %lt3A_324 = arith.cmpi slt, %gather3A_321, %get3A_136 : vector<16xi32>
          %and3A_325 = arith.andi %eq3A_323, %lt3A_324 : vector<16xi1>
          %or3A_326 = arith.ori %gt3A_322, %and3A_325 : vector<16xi1>
          %convert_element_type3A_327 = arith.extui %or3A_326 : vector<16xi1> to vector<16xi32>
          %add3A_328 = arith.addi %add3A_305, %convert_element_type3A_327 : vector<16xi32>
          %add3A_329 = arith.constant 7 : i32
          %add3A_330 = vector.broadcast %add3A_329 : i32 to vector<16xi32>
          %add3A_331 = arith.addi %iota3A, %add3A_330 : vector<16xi32>
          %and3A_332 = arith.constant 15 : i32
          %and3A_333 = vector.broadcast %and3A_332 : i32 to vector<16xi32>
          %and3A_334 = arith.andi %add3A_331, %and3A_333 : vector<16xi32>
          %mul3A_335 = arith.constant 16 : i32
          %mul3A_336 = arith.muli %while3A_167, %mul3A_335 : i32
          %add3A_337 = vector.broadcast %mul3A_336 : i32 to vector<16xi32>
          %add3A_338 = arith.addi %add3A_337, %and3A_334 : vector<16xi32>
          %gather3A_339 = tpu.vector_load_idx %arg6[%add3A_338] : memref<2048xf32, #tpu.memory_space<vmem>>[vector<16xi32>], vector<16xf32>,
          %mul3A_340 = arith.constant 16 : i32
          %mul3A_341 = arith.muli %while3A_167, %mul3A_340 : i32
          %add3A_342 = vector.broadcast %mul3A_341 : i32 to vector<16xi32>
          %add3A_343 = arith.addi %add3A_342, %and3A_334 : vector<16xi32>
          %gather3A_344 = tpu.vector_load_idx %arg7[%add3A_343] : memref<2048xi32, #tpu.memory_space<vmem>>[vector<16xi32>], vector<16xi32>,
          %gt3A_345 = arith.cmpf ogt, %gather3A_339, %get3A_132 : vector<16xf32>
          %eq3A_346 = arith.cmpf oeq, %gather3A_339, %get3A_132 : vector<16xf32>
          %lt3A_347 = arith.cmpi slt, %gather3A_344, %get3A_136 : vector<16xi32>
          %and3A_348 = arith.andi %eq3A_346, %lt3A_347 : vector<16xi1>
          %or3A_349 = arith.ori %gt3A_345, %and3A_348 : vector<16xi1>
          %convert_element_type3A_350 = arith.extui %or3A_349 : vector<16xi1> to vector<16xi32>
          %add3A_351 = arith.addi %add3A_328, %convert_element_type3A_350 : vector<16xi32>
          %add3A_352 = arith.constant 8 : i32
          %add3A_353 = vector.broadcast %add3A_352 : i32 to vector<16xi32>
          %add3A_354 = arith.addi %iota3A, %add3A_353 : vector<16xi32>
          %and3A_355 = arith.constant 15 : i32
          %and3A_356 = vector.broadcast %and3A_355 : i32 to vector<16xi32>
          %and3A_357 = arith.andi %add3A_354, %and3A_356 : vector<16xi32>
          %mul3A_358 = arith.constant 16 : i32
          %mul3A_359 = arith.muli %while3A_167, %mul3A_358 : i32
          %add3A_360 = vector.broadcast %mul3A_359 : i32 to vector<16xi32>
          %add3A_361 = arith.addi %add3A_360, %and3A_357 : vector<16xi32>
          %gather3A_362 = tpu.vector_load_idx %arg6[%add3A_361] : memref<2048xf32, #tpu.memory_space<vmem>>[vector<16xi32>], vector<16xf32>,
          %mul3A_363 = arith.constant 16 : i32
          %mul3A_364 = arith.muli %while3A_167, %mul3A_363 : i32
          %add3A_365 = vector.broadcast %mul3A_364 : i32 to vector<16xi32>
          %add3A_366 = arith.addi %add3A_365, %and3A_357 : vector<16xi32>
          %gather3A_367 = tpu.vector_load_idx %arg7[%add3A_366] : memref<2048xi32, #tpu.memory_space<vmem>>[vector<16xi32>], vector<16xi32>,
          %gt3A_368 = arith.cmpf ogt, %gather3A_362, %get3A_132 : vector<16xf32>
          %eq3A_369 = arith.cmpf oeq, %gather3A_362, %get3A_132 : vector<16xf32>
          %lt3A_370 = arith.cmpi slt, %gather3A_367, %get3A_136 : vector<16xi32>
          %and3A_371 = arith.andi %eq3A_369, %lt3A_370 : vector<16xi1>
          %or3A_372 = arith.ori %gt3A_368, %and3A_371 : vector<16xi1>
          %convert_element_type3A_373 = arith.extui %or3A_372 : vector<16xi1> to vector<16xi32>
          %add3A_374 = arith.addi %add3A_351, %convert_element_type3A_373 : vector<16xi32>
          %add3A_375 = arith.constant 9 : i32
          %add3A_376 = vector.broadcast %add3A_375 : i32 to vector<16xi32>
          %add3A_377 = arith.addi %iota3A, %add3A_376 : vector<16xi32>
          %and3A_378 = arith.constant 15 : i32
          %and3A_379 = vector.broadcast %and3A_378 : i32 to vector<16xi32>
          %and3A_380 = arith.andi %add3A_377, %and3A_379 : vector<16xi32>
          %mul3A_381 = arith.constant 16 : i32
          %mul3A_382 = arith.muli %while3A_167, %mul3A_381 : i32
          %add3A_383 = vector.broadcast %mul3A_382 : i32 to vector<16xi32>
          %add3A_384 = arith.addi %add3A_383, %and3A_380 : vector<16xi32>
          %gather3A_385 = tpu.vector_load_idx %arg6[%add3A_384] : memref<2048xf32, #tpu.memory_space<vmem>>[vector<16xi32>], vector<16xf32>,
          %mul3A_386 = arith.constant 16 : i32
          %mul3A_387 = arith.muli %while3A_167, %mul3A_386 : i32
          %add3A_388 = vector.broadcast %mul3A_387 : i32 to vector<16xi32>
          %add3A_389 = arith.addi %add3A_388, %and3A_380 : vector<16xi32>
          %gather3A_390 = tpu.vector_load_idx %arg7[%add3A_389] : memref<2048xi32, #tpu.memory_space<vmem>>[vector<16xi32>], vector<16xi32>,
          %gt3A_391 = arith.cmpf ogt, %gather3A_385, %get3A_132 : vector<16xf32>
          %eq3A_392 = arith.cmpf oeq, %gather3A_385, %get3A_132 : vector<16xf32>
          %lt3A_393 = arith.cmpi slt, %gather3A_390, %get3A_136 : vector<16xi32>
          %and3A_394 = arith.andi %eq3A_392, %lt3A_393 : vector<16xi1>
          %or3A_395 = arith.ori %gt3A_391, %and3A_394 : vector<16xi1>
          %convert_element_type3A_396 = arith.extui %or3A_395 : vector<16xi1> to vector<16xi32>
          %add3A_397 = arith.addi %add3A_374, %convert_element_type3A_396 : vector<16xi32>
          %add3A_398 = arith.constant 10 : i32
          %add3A_399 = vector.broadcast %add3A_398 : i32 to vector<16xi32>
          %add3A_400 = arith.addi %iota3A, %add3A_399 : vector<16xi32>
          %and3A_401 = arith.constant 15 : i32
          %and3A_402 = vector.broadcast %and3A_401 : i32 to vector<16xi32>
          %and3A_403 = arith.andi %add3A_400, %and3A_402 : vector<16xi32>
          %mul3A_404 = arith.constant 16 : i32
          %mul3A_405 = arith.muli %while3A_167, %mul3A_404 : i32
          %add3A_406 = vector.broadcast %mul3A_405 : i32 to vector<16xi32>
          %add3A_407 = arith.addi %add3A_406, %and3A_403 : vector<16xi32>
          %gather3A_408 = tpu.vector_load_idx %arg6[%add3A_407] : memref<2048xf32, #tpu.memory_space<vmem>>[vector<16xi32>], vector<16xf32>,
          %mul3A_409 = arith.constant 16 : i32
          %mul3A_410 = arith.muli %while3A_167, %mul3A_409 : i32
          %add3A_411 = vector.broadcast %mul3A_410 : i32 to vector<16xi32>
          %add3A_412 = arith.addi %add3A_411, %and3A_403 : vector<16xi32>
          %gather3A_413 = tpu.vector_load_idx %arg7[%add3A_412] : memref<2048xi32, #tpu.memory_space<vmem>>[vector<16xi32>], vector<16xi32>,
          %gt3A_414 = arith.cmpf ogt, %gather3A_408, %get3A_132 : vector<16xf32>
          %eq3A_415 = arith.cmpf oeq, %gather3A_408, %get3A_132 : vector<16xf32>
          %lt3A_416 = arith.cmpi slt, %gather3A_413, %get3A_136 : vector<16xi32>
          %and3A_417 = arith.andi %eq3A_415, %lt3A_416 : vector<16xi1>
          %or3A_418 = arith.ori %gt3A_414, %and3A_417 : vector<16xi1>
          %convert_element_type3A_419 = arith.extui %or3A_418 : vector<16xi1> to vector<16xi32>
          %add3A_420 = arith.addi %add3A_397, %convert_element_type3A_419 : vector<16xi32>
          %add3A_421 = arith.constant 11 : i32
          %add3A_422 = vector.broadcast %add3A_421 : i32 to vector<16xi32>
          %add3A_423 = arith.addi %iota3A, %add3A_422 : vector<16xi32>
          %and3A_424 = arith.constant 15 : i32
          %and3A_425 = vector.broadcast %and3A_424 : i32 to vector<16xi32>
          %and3A_426 = arith.andi %add3A_423, %and3A_425 : vector<16xi32>
          %mul3A_427 = arith.constant 16 : i32
          %mul3A_428 = arith.muli %while3A_167, %mul3A_427 : i32
          %add3A_429 = vector.broadcast %mul3A_428 : i32 to vector<16xi32>
          %add3A_430 = arith.addi %add3A_429, %and3A_426 : vector<16xi32>
          %gather3A_431 = tpu.vector_load_idx %arg6[%add3A_430] : memref<2048xf32, #tpu.memory_space<vmem>>[vector<16xi32>], vector<16xf32>,
          %mul3A_432 = arith.constant 16 : i32
          %mul3A_433 = arith.muli %while3A_167, %mul3A_432 : i32
          %add3A_434 = vector.broadcast %mul3A_433 : i32 to vector<16xi32>
          %add3A_435 = arith.addi %add3A_434, %and3A_426 : vector<16xi32>
          %gather3A_436 = tpu.vector_load_idx %arg7[%add3A_435] : memref<2048xi32, #tpu.memory_space<vmem>>[vector<16xi32>], vector<16xi32>,
          %gt3A_437 = arith.cmpf ogt, %gather3A_431, %get3A_132 : vector<16xf32>
          %eq3A_438 = arith.cmpf oeq, %gather3A_431, %get3A_132 : vector<16xf32>
          %lt3A_439 = arith.cmpi slt, %gather3A_436, %get3A_136 : vector<16xi32>
          %and3A_440 = arith.andi %eq3A_438, %lt3A_439 : vector<16xi1>
          %or3A_441 = arith.ori %gt3A_437, %and3A_440 : vector<16xi1>
          %convert_element_type3A_442 = arith.extui %or3A_441 : vector<16xi1> to vector<16xi32>
          %add3A_443 = arith.addi %add3A_420, %convert_element_type3A_442 : vector<16xi32>
          %add3A_444 = arith.constant 12 : i32
          %add3A_445 = vector.broadcast %add3A_444 : i32 to vector<16xi32>
          %add3A_446 = arith.addi %iota3A, %add3A_445 : vector<16xi32>
          %and3A_447 = arith.constant 15 : i32
          %and3A_448 = vector.broadcast %and3A_447 : i32 to vector<16xi32>
          %and3A_449 = arith.andi %add3A_446, %and3A_448 : vector<16xi32>
          %mul3A_450 = arith.constant 16 : i32
          %mul3A_451 = arith.muli %while3A_167, %mul3A_450 : i32
          %add3A_452 = vector.broadcast %mul3A_451 : i32 to vector<16xi32>
          %add3A_453 = arith.addi %add3A_452, %and3A_449 : vector<16xi32>
          %gather3A_454 = tpu.vector_load_idx %arg6[%add3A_453] : memref<2048xf32, #tpu.memory_space<vmem>>[vector<16xi32>], vector<16xf32>,
          %mul3A_455 = arith.constant 16 : i32
          %mul3A_456 = arith.muli %while3A_167, %mul3A_455 : i32
          %add3A_457 = vector.broadcast %mul3A_456 : i32 to vector<16xi32>
          %add3A_458 = arith.addi %add3A_457, %and3A_449 : vector<16xi32>
          %gather3A_459 = tpu.vector_load_idx %arg7[%add3A_458] : memref<2048xi32, #tpu.memory_space<vmem>>[vector<16xi32>], vector<16xi32>,
          %gt3A_460 = arith.cmpf ogt, %gather3A_454, %get3A_132 : vector<16xf32>
          %eq3A_461 = arith.cmpf oeq, %gather3A_454, %get3A_132 : vector<16xf32>
          %lt3A_462 = arith.cmpi slt, %gather3A_459, %get3A_136 : vector<16xi32>
          %and3A_463 = arith.andi %eq3A_461, %lt3A_462 : vector<16xi1>
          %or3A_464 = arith.ori %gt3A_460, %and3A_463 : vector<16xi1>
          %convert_element_type3A_465 = arith.extui %or3A_464 : vector<16xi1> to vector<16xi32>
          %add3A_466 = arith.addi %add3A_443, %convert_element_type3A_465 : vector<16xi32>
          %add3A_467 = arith.constant 13 : i32
          %add3A_468 = vector.broadcast %add3A_467 : i32 to vector<16xi32>
          %add3A_469 = arith.addi %iota3A, %add3A_468 : vector<16xi32>
          %and3A_470 = arith.constant 15 : i32
          %and3A_471 = vector.broadcast %and3A_470 : i32 to vector<16xi32>
          %and3A_472 = arith.andi %add3A_469, %and3A_471 : vector<16xi32>
          %mul3A_473 = arith.constant 16 : i32
          %mul3A_474 = arith.muli %while3A_167, %mul3A_473 : i32
          %add3A_475 = vector.broadcast %mul3A_474 : i32 to vector<16xi32>
          %add3A_476 = arith.addi %add3A_475, %and3A_472 : vector<16xi32>
          %gather3A_477 = tpu.vector_load_idx %arg6[%add3A_476] : memref<2048xf32, #tpu.memory_space<vmem>>[vector<16xi32>], vector<16xf32>,
          %mul3A_478 = arith.constant 16 : i32
          %mul3A_479 = arith.muli %while3A_167, %mul3A_478 : i32
          %add3A_480 = vector.broadcast %mul3A_479 : i32 to vector<16xi32>
          %add3A_481 = arith.addi %add3A_480, %and3A_472 : vector<16xi32>
          %gather3A_482 = tpu.vector_load_idx %arg7[%add3A_481] : memref<2048xi32, #tpu.memory_space<vmem>>[vector<16xi32>], vector<16xi32>,
          %gt3A_483 = arith.cmpf ogt, %gather3A_477, %get3A_132 : vector<16xf32>
          %eq3A_484 = arith.cmpf oeq, %gather3A_477, %get3A_132 : vector<16xf32>
          %lt3A_485 = arith.cmpi slt, %gather3A_482, %get3A_136 : vector<16xi32>
          %and3A_486 = arith.andi %eq3A_484, %lt3A_485 : vector<16xi1>
          %or3A_487 = arith.ori %gt3A_483, %and3A_486 : vector<16xi1>
          %convert_element_type3A_488 = arith.extui %or3A_487 : vector<16xi1> to vector<16xi32>
          %add3A_489 = arith.addi %add3A_466, %convert_element_type3A_488 : vector<16xi32>
          %add3A_490 = arith.constant 14 : i32
          %add3A_491 = vector.broadcast %add3A_490 : i32 to vector<16xi32>
          %add3A_492 = arith.addi %iota3A, %add3A_491 : vector<16xi32>
          %and3A_493 = arith.constant 15 : i32
          %and3A_494 = vector.broadcast %and3A_493 : i32 to vector<16xi32>
          %and3A_495 = arith.andi %add3A_492, %and3A_494 : vector<16xi32>
          %mul3A_496 = arith.constant 16 : i32
          %mul3A_497 = arith.muli %while3A_167, %mul3A_496 : i32
          %add3A_498 = vector.broadcast %mul3A_497 : i32 to vector<16xi32>
          %add3A_499 = arith.addi %add3A_498, %and3A_495 : vector<16xi32>
          %gather3A_500 = tpu.vector_load_idx %arg6[%add3A_499] : memref<2048xf32, #tpu.memory_space<vmem>>[vector<16xi32>], vector<16xf32>,
          %mul3A_501 = arith.constant 16 : i32
          %mul3A_502 = arith.muli %while3A_167, %mul3A_501 : i32
          %add3A_503 = vector.broadcast %mul3A_502 : i32 to vector<16xi32>
          %add3A_504 = arith.addi %add3A_503, %and3A_495 : vector<16xi32>
          %gather3A_505 = tpu.vector_load_idx %arg7[%add3A_504] : memref<2048xi32, #tpu.memory_space<vmem>>[vector<16xi32>], vector<16xi32>,
          %gt3A_506 = arith.cmpf ogt, %gather3A_500, %get3A_132 : vector<16xf32>
          %eq3A_507 = arith.cmpf oeq, %gather3A_500, %get3A_132 : vector<16xf32>
          %lt3A_508 = arith.cmpi slt, %gather3A_505, %get3A_136 : vector<16xi32>
          %and3A_509 = arith.andi %eq3A_507, %lt3A_508 : vector<16xi1>
          %or3A_510 = arith.ori %gt3A_506, %and3A_509 : vector<16xi1>
          %convert_element_type3A_511 = arith.extui %or3A_510 : vector<16xi1> to vector<16xi32>
          %add3A_512 = arith.addi %add3A_489, %convert_element_type3A_511 : vector<16xi32>
          %add3A_513 = arith.constant 15 : i32
          %add3A_514 = vector.broadcast %add3A_513 : i32 to vector<16xi32>
          %add3A_515 = arith.addi %iota3A, %add3A_514 : vector<16xi32>
          %and3A_516 = arith.constant 15 : i32
          %and3A_517 = vector.broadcast %and3A_516 : i32 to vector<16xi32>
          %and3A_518 = arith.andi %add3A_515, %and3A_517 : vector<16xi32>
          %mul3A_519 = arith.constant 16 : i32
          %mul3A_520 = arith.muli %while3A_167, %mul3A_519 : i32
          %add3A_521 = vector.broadcast %mul3A_520 : i32 to vector<16xi32>
          %add3A_522 = arith.addi %add3A_521, %and3A_518 : vector<16xi32>
          %gather3A_523 = tpu.vector_load_idx %arg6[%add3A_522] : memref<2048xf32, #tpu.memory_space<vmem>>[vector<16xi32>], vector<16xf32>,
          %mul3A_524 = arith.constant 16 : i32
          %mul3A_525 = arith.muli %while3A_167, %mul3A_524 : i32
          %add3A_526 = vector.broadcast %mul3A_525 : i32 to vector<16xi32>
          %add3A_527 = arith.addi %add3A_526, %and3A_518 : vector<16xi32>
          %gather3A_528 = tpu.vector_load_idx %arg7[%add3A_527] : memref<2048xi32, #tpu.memory_space<vmem>>[vector<16xi32>], vector<16xi32>,
          %gt3A_529 = arith.cmpf ogt, %gather3A_523, %get3A_132 : vector<16xf32>
          %eq3A_530 = arith.cmpf oeq, %gather3A_523, %get3A_132 : vector<16xf32>
          %lt3A_531 = arith.cmpi slt, %gather3A_528, %get3A_136 : vector<16xi32>
          %and3A_532 = arith.andi %eq3A_530, %lt3A_531 : vector<16xi1>
          %or3A_533 = arith.ori %gt3A_529, %and3A_532 : vector<16xi1>
          %convert_element_type3A_534 = arith.extui %or3A_533 : vector<16xi1> to vector<16xi32>
          %add3A_535 = arith.addi %add3A_512, %convert_element_type3A_534 : vector<16xi32>
          %swap3A_536 = arith.constant 0 : index
          %swap3A_537 = tpu.vector_load %arg16[%swap3A_536] {strides = array<i32>} : memref<16xi32, #tpu.memory_space<vmem>>, vector<16xi32>,
          tpu.vector_store %arg16[%swap3A_536], %add3A_535 {strides = array<i32>} : memref<16xi32, #tpu.memory_space<vmem>>, vector<16xi32>,
          %while3A_538 = arith.constant 0 : i32
          scf.yield %while3A_538 : i32
        }
        %get3A_151 = arith.constant 0 : index
        %get3A_152 = tpu.vector_load %arg16[%get3A_151] {strides = array<i32>} : memref<16xi32, #tpu.memory_space<vmem>>, vector<16xi32>,
        %mul3A_153 = arith.constant 16 : i32
        %mul3A_154 = arith.muli %while3A_127, %mul3A_153 : i32
        %add3A_155 = vector.broadcast %mul3A_154 : i32 to vector<16xi32>
        %add3A_156 = arith.addi %iota3A, %add3A_155 : vector<16xi32>
        %lt3A_157 = arith.cmpi slt, %add3A_156, %broadcast_in_dim3A_84 : vector<16xi32>
        %lt3A_158 = arith.cmpi slt, %get3A_152, %broadcast_in_dim3A_74 : vector<16xi32>
        %and3A = arith.andi %lt3A_157, %lt3A_158 : vector<16xi1>
        tpu.vector_store_idx %arg12[%get3A_152], %get3A_136 masked %and3A : memref<512xi32, #tpu.memory_space<vmem>>[vector<16xi32>], vector<16xi32>, vector<16xi1>
        %min3A_159 = arith.constant 1279 : i32
        %min3A_160 = vector.broadcast %min3A_159 : i32 to vector<16xi32>
        %min3A_161 = arith.minsi %get3A_136, %min3A_160 : vector<16xi32>
        %lt3A_162 = arith.constant 1280 : i32
        %lt3A_163 = vector.broadcast %lt3A_162 : i32 to vector<16xi32>
        %lt3A_164 = arith.cmpi slt, %get3A_136, %lt3A_163 : vector<16xi32>
        %and3A_165 = arith.andi %and3A, %lt3A_164 : vector<16xi1>
        tpu.vector_store_idx %arg13[%min3A_161], %broadcast_in_dim3A_7 masked %and3A_165 : memref<1280xi32, #tpu.memory_space<vmem>>[vector<16xi32>], vector<16xi32>, vector<16xi1>
        %while3A_166 = arith.constant 0 : i32
        scf.yield %while3A_166 : i32
      }
      %while3A_94 = arith.constant 1 : i32
      %while3A_95 = scf.for %while3A_127 = %while3A_91 to %while3A_87 step %while3A_94 iter_args(%while3A_128 = %while3A_93) -> (i32)  : i32 {
        %mul3A_129 = arith.constant 16 : i32
        %mul3A_130 = arith.muli %while3A_127, %mul3A_129 : i32
        %get3A_131 = arith.index_cast %mul3A_130 : i32 to index
        %get3A_132 = tpu.vector_load %arg6[%get3A_131] {strides = array<i32>} : memref<2048xf32, #tpu.memory_space<vmem>>, vector<16xf32>,
        %mul3A_133 = arith.constant 16 : i32
        %mul3A_134 = arith.muli %while3A_127, %mul3A_133 : i32
        %get3A_135 = arith.index_cast %mul3A_134 : i32 to index
        %get3A_136 = tpu.vector_load %arg7[%get3A_135] {strides = array<i32>} : memref<2048xi32, #tpu.memory_space<vmem>>, vector<16xi32>,
        %swap3A_137 = arith.constant 0 : index
        %swap3A_138 = tpu.vector_load %arg16[%swap3A_137] {strides = array<i32>} : memref<16xi32, #tpu.memory_space<vmem>>, vector<16xi32>,
        tpu.vector_store %arg16[%swap3A_137], %broadcast_in_dim3A_5 {strides = array<i32>} : memref<16xi32, #tpu.memory_space<vmem>>, vector<16xi32>,
        %while3A_139 = arith.constant 0 : i32
        %while3A_140 = arith.constant 0 : i32
        %while3A_141 = arith.subi %shift_right_logical3A_83, %while3A_139 : i32
        %while3A_142 = arith.addi %while3A_139, %while3A_141 : i32
        %while3A_143 = arith.constant 1 : i32
        %while3A_144 = arith.divsi %while3A_141, %while3A_143 : i32
        %while3A_145 = arith.muli %while3A_144, %while3A_143 : i32
        %while3A_146 = arith.addi %while3A_139, %while3A_145 : i32
        %while3A_147 = arith.constant 1 : i32
        %while3A_148 = scf.for %while3A_167 = %while3A_139 to %while3A_146 step %while3A_147 iter_args(%while3A_168 = %while3A_140) -> (i32)  : i32 {
          %get3A_169 = arith.constant 0 : index
          %get3A_170 = tpu.vector_load %arg16[%get3A_169] {strides = array<i32>} : memref<16xi32, #tpu.memory_space<vmem>>, vector<16xi32>,
          %add3A_171 = arith.constant 0 : i32
          %add3A_172 = vector.broadcast %add3A_171 : i32 to vector<16xi32>
          %add3A_173 = arith.addi %iota3A, %add3A_172 : vector<16xi32>
          %and3A_174 = arith.constant 15 : i32
          %and3A_175 = vector.broadcast %and3A_174 : i32 to vector<16xi32>
          %and3A_176 = arith.andi %add3A_173, %and3A_175 : vector<16xi32>
          %mul3A_177 = arith.constant 16 : i32
          %mul3A_178 = arith.muli %while3A_167, %mul3A_177 : i32
          %add3A_179 = vector.broadcast %mul3A_178 : i32 to vector<16xi32>
          %add3A_180 = arith.addi %add3A_179, %and3A_176 : vector<16xi32>
          %gather3A = tpu.vector_load_idx %arg6[%add3A_180] : memref<2048xf32, #tpu.memory_space<vmem>>[vector<16xi32>], vector<16xf32>,
          %mul3A_181 = arith.constant 16 : i32
          %mul3A_182 = arith.muli %while3A_167, %mul3A_181 : i32
          %add3A_183 = vector.broadcast %mul3A_182 : i32 to vector<16xi32>
          %add3A_184 = arith.addi %add3A_183, %and3A_176 : vector<16xi32>
          %gather3A_185 = tpu.vector_load_idx %arg7[%add3A_184] : memref<2048xi32, #tpu.memory_space<vmem>>[vector<16xi32>], vector<16xi32>,
          %gt3A_186 = arith.cmpf ogt, %gather3A, %get3A_132 : vector<16xf32>
          %eq3A = arith.cmpf oeq, %gather3A, %get3A_132 : vector<16xf32>
          %lt3A_187 = arith.cmpi slt, %gather3A_185, %get3A_136 : vector<16xi32>
          %and3A_188 = arith.andi %eq3A, %lt3A_187 : vector<16xi1>
          %or3A = arith.ori %gt3A_186, %and3A_188 : vector<16xi1>
          %convert_element_type3A_189 = arith.extui %or3A : vector<16xi1> to vector<16xi32>
          %add3A_190 = arith.addi %get3A_170, %convert_element_type3A_189 : vector<16xi32>
          %add3A_191 = arith.constant 1 : i32
          %add3A_192 = vector.broadcast %add3A_191 : i32 to vector<16xi32>
          %add3A_193 = arith.addi %iota3A, %add3A_192 : vector<16xi32>
          %and3A_194 = arith.constant 15 : i32
          %and3A_195 = vector.broadcast %and3A_194 : i32 to vector<16xi32>
          %and3A_196 = arith.andi %add3A_193, %and3A_195 : vector<16xi32>
          %mul3A_197 = arith.constant 16 : i32
          %mul3A_198 = arith.muli %while3A_167, %mul3A_197 : i32
          %add3A_199 = vector.broadcast %mul3A_198 : i32 to vector<16xi32>
          %add3A_200 = arith.addi %add3A_199, %and3A_196 : vector<16xi32>
          %gather3A_201 = tpu.vector_load_idx %arg6[%add3A_200] : memref<2048xf32, #tpu.memory_space<vmem>>[vector<16xi32>], vector<16xf32>,
          %mul3A_202 = arith.constant 16 : i32
          %mul3A_203 = arith.muli %while3A_167, %mul3A_202 : i32
          %add3A_204 = vector.broadcast %mul3A_203 : i32 to vector<16xi32>
          %add3A_205 = arith.addi %add3A_204, %and3A_196 : vector<16xi32>
          %gather3A_206 = tpu.vector_load_idx %arg7[%add3A_205] : memref<2048xi32, #tpu.memory_space<vmem>>[vector<16xi32>], vector<16xi32>,
          %gt3A_207 = arith.cmpf ogt, %gather3A_201, %get3A_132 : vector<16xf32>
          %eq3A_208 = arith.cmpf oeq, %gather3A_201, %get3A_132 : vector<16xf32>
          %lt3A_209 = arith.cmpi slt, %gather3A_206, %get3A_136 : vector<16xi32>
          %and3A_210 = arith.andi %eq3A_208, %lt3A_209 : vector<16xi1>
          %or3A_211 = arith.ori %gt3A_207, %and3A_210 : vector<16xi1>
          %convert_element_type3A_212 = arith.extui %or3A_211 : vector<16xi1> to vector<16xi32>
          %add3A_213 = arith.addi %add3A_190, %convert_element_type3A_212 : vector<16xi32>
          %add3A_214 = arith.constant 2 : i32
          %add3A_215 = vector.broadcast %add3A_214 : i32 to vector<16xi32>
          %add3A_216 = arith.addi %iota3A, %add3A_215 : vector<16xi32>
          %and3A_217 = arith.constant 15 : i32
          %and3A_218 = vector.broadcast %and3A_217 : i32 to vector<16xi32>
          %and3A_219 = arith.andi %add3A_216, %and3A_218 : vector<16xi32>
          %mul3A_220 = arith.constant 16 : i32
          %mul3A_221 = arith.muli %while3A_167, %mul3A_220 : i32
          %add3A_222 = vector.broadcast %mul3A_221 : i32 to vector<16xi32>
          %add3A_223 = arith.addi %add3A_222, %and3A_219 : vector<16xi32>
          %gather3A_224 = tpu.vector_load_idx %arg6[%add3A_223] : memref<2048xf32, #tpu.memory_space<vmem>>[vector<16xi32>], vector<16xf32>,
          %mul3A_225 = arith.constant 16 : i32
          %mul3A_226 = arith.muli %while3A_167, %mul3A_225 : i32
          %add3A_227 = vector.broadcast %mul3A_226 : i32 to vector<16xi32>
          %add3A_228 = arith.addi %add3A_227, %and3A_219 : vector<16xi32>
          %gather3A_229 = tpu.vector_load_idx %arg7[%add3A_228] : memref<2048xi32, #tpu.memory_space<vmem>>[vector<16xi32>], vector<16xi32>,
          %gt3A_230 = arith.cmpf ogt, %gather3A_224, %get3A_132 : vector<16xf32>
          %eq3A_231 = arith.cmpf oeq, %gather3A_224, %get3A_132 : vector<16xf32>
          %lt3A_232 = arith.cmpi slt, %gather3A_229, %get3A_136 : vector<16xi32>
          %and3A_233 = arith.andi %eq3A_231, %lt3A_232 : vector<16xi1>
          %or3A_234 = arith.ori %gt3A_230, %and3A_233 : vector<16xi1>
          %convert_element_type3A_235 = arith.extui %or3A_234 : vector<16xi1> to vector<16xi32>
          %add3A_236 = arith.addi %add3A_213, %convert_element_type3A_235 : vector<16xi32>
          %add3A_237 = arith.constant 3 : i32
          %add3A_238 = vector.broadcast %add3A_237 : i32 to vector<16xi32>
          %add3A_239 = arith.addi %iota3A, %add3A_238 : vector<16xi32>
          %and3A_240 = arith.constant 15 : i32
          %and3A_241 = vector.broadcast %and3A_240 : i32 to vector<16xi32>
          %and3A_242 = arith.andi %add3A_239, %and3A_241 : vector<16xi32>
          %mul3A_243 = arith.constant 16 : i32
          %mul3A_244 = arith.muli %while3A_167, %mul3A_243 : i32
          %add3A_245 = vector.broadcast %mul3A_244 : i32 to vector<16xi32>
          %add3A_246 = arith.addi %add3A_245, %and3A_242 : vector<16xi32>
          %gather3A_247 = tpu.vector_load_idx %arg6[%add3A_246] : memref<2048xf32, #tpu.memory_space<vmem>>[vector<16xi32>], vector<16xf32>,
          %mul3A_248 = arith.constant 16 : i32
          %mul3A_249 = arith.muli %while3A_167, %mul3A_248 : i32
          %add3A_250 = vector.broadcast %mul3A_249 : i32 to vector<16xi32>
          %add3A_251 = arith.addi %add3A_250, %and3A_242 : vector<16xi32>
          %gather3A_252 = tpu.vector_load_idx %arg7[%add3A_251] : memref<2048xi32, #tpu.memory_space<vmem>>[vector<16xi32>], vector<16xi32>,
          %gt3A_253 = arith.cmpf ogt, %gather3A_247, %get3A_132 : vector<16xf32>
          %eq3A_254 = arith.cmpf oeq, %gather3A_247, %get3A_132 : vector<16xf32>
          %lt3A_255 = arith.cmpi slt, %gather3A_252, %get3A_136 : vector<16xi32>
          %and3A_256 = arith.andi %eq3A_254, %lt3A_255 : vector<16xi1>
          %or3A_257 = arith.ori %gt3A_253, %and3A_256 : vector<16xi1>
          %convert_element_type3A_258 = arith.extui %or3A_257 : vector<16xi1> to vector<16xi32>
          %add3A_259 = arith.addi %add3A_236, %convert_element_type3A_258 : vector<16xi32>
          %add3A_260 = arith.constant 4 : i32
          %add3A_261 = vector.broadcast %add3A_260 : i32 to vector<16xi32>
          %add3A_262 = arith.addi %iota3A, %add3A_261 : vector<16xi32>
          %and3A_263 = arith.constant 15 : i32
          %and3A_264 = vector.broadcast %and3A_263 : i32 to vector<16xi32>
          %and3A_265 = arith.andi %add3A_262, %and3A_264 : vector<16xi32>
          %mul3A_266 = arith.constant 16 : i32
          %mul3A_267 = arith.muli %while3A_167, %mul3A_266 : i32
          %add3A_268 = vector.broadcast %mul3A_267 : i32 to vector<16xi32>
          %add3A_269 = arith.addi %add3A_268, %and3A_265 : vector<16xi32>
          %gather3A_270 = tpu.vector_load_idx %arg6[%add3A_269] : memref<2048xf32, #tpu.memory_space<vmem>>[vector<16xi32>], vector<16xf32>,
          %mul3A_271 = arith.constant 16 : i32
          %mul3A_272 = arith.muli %while3A_167, %mul3A_271 : i32
          %add3A_273 = vector.broadcast %mul3A_272 : i32 to vector<16xi32>
          %add3A_274 = arith.addi %add3A_273, %and3A_265 : vector<16xi32>
          %gather3A_275 = tpu.vector_load_idx %arg7[%add3A_274] : memref<2048xi32, #tpu.memory_space<vmem>>[vector<16xi32>], vector<16xi32>,
          %gt3A_276 = arith.cmpf ogt, %gather3A_270, %get3A_132 : vector<16xf32>
          %eq3A_277 = arith.cmpf oeq, %gather3A_270, %get3A_132 : vector<16xf32>
          %lt3A_278 = arith.cmpi slt, %gather3A_275, %get3A_136 : vector<16xi32>
          %and3A_279 = arith.andi %eq3A_277, %lt3A_278 : vector<16xi1>
          %or3A_280 = arith.ori %gt3A_276, %and3A_279 : vector<16xi1>
          %convert_element_type3A_281 = arith.extui %or3A_280 : vector<16xi1> to vector<16xi32>
          %add3A_282 = arith.addi %add3A_259, %convert_element_type3A_281 : vector<16xi32>
          %add3A_283 = arith.constant 5 : i32
          %add3A_284 = vector.broadcast %add3A_283 : i32 to vector<16xi32>
          %add3A_285 = arith.addi %iota3A, %add3A_284 : vector<16xi32>
          %and3A_286 = arith.constant 15 : i32
          %and3A_287 = vector.broadcast %and3A_286 : i32 to vector<16xi32>
          %and3A_288 = arith.andi %add3A_285, %and3A_287 : vector<16xi32>
          %mul3A_289 = arith.constant 16 : i32
          %mul3A_290 = arith.muli %while3A_167, %mul3A_289 : i32
          %add3A_291 = vector.broadcast %mul3A_290 : i32 to vector<16xi32>
          %add3A_292 = arith.addi %add3A_291, %and3A_288 : vector<16xi32>
          %gather3A_293 = tpu.vector_load_idx %arg6[%add3A_292] : memref<2048xf32, #tpu.memory_space<vmem>>[vector<16xi32>], vector<16xf32>,
          %mul3A_294 = arith.constant 16 : i32
          %mul3A_295 = arith.muli %while3A_167, %mul3A_294 : i32
          %add3A_296 = vector.broadcast %mul3A_295 : i32 to vector<16xi32>
          %add3A_297 = arith.addi %add3A_296, %and3A_288 : vector<16xi32>
          %gather3A_298 = tpu.vector_load_idx %arg7[%add3A_297] : memref<2048xi32, #tpu.memory_space<vmem>>[vector<16xi32>], vector<16xi32>,
          %gt3A_299 = arith.cmpf ogt, %gather3A_293, %get3A_132 : vector<16xf32>
          %eq3A_300 = arith.cmpf oeq, %gather3A_293, %get3A_132 : vector<16xf32>
          %lt3A_301 = arith.cmpi slt, %gather3A_298, %get3A_136 : vector<16xi32>
          %and3A_302 = arith.andi %eq3A_300, %lt3A_301 : vector<16xi1>
          %or3A_303 = arith.ori %gt3A_299, %and3A_302 : vector<16xi1>
          %convert_element_type3A_304 = arith.extui %or3A_303 : vector<16xi1> to vector<16xi32>
          %add3A_305 = arith.addi %add3A_282, %convert_element_type3A_304 : vector<16xi32>
          %add3A_306 = arith.constant 6 : i32
          %add3A_307 = vector.broadcast %add3A_306 : i32 to vector<16xi32>
          %add3A_308 = arith.addi %iota3A, %add3A_307 : vector<16xi32>
          %and3A_309 = arith.constant 15 : i32
          %and3A_310 = vector.broadcast %and3A_309 : i32 to vector<16xi32>
          %and3A_311 = arith.andi %add3A_308, %and3A_310 : vector<16xi32>
          %mul3A_312 = arith.constant 16 : i32
          %mul3A_313 = arith.muli %while3A_167, %mul3A_312 : i32
          %add3A_314 = vector.broadcast %mul3A_313 : i32 to vector<16xi32>
          %add3A_315 = arith.addi %add3A_314, %and3A_311 : vector<16xi32>
          %gather3A_316 = tpu.vector_load_idx %arg6[%add3A_315] : memref<2048xf32, #tpu.memory_space<vmem>>[vector<16xi32>], vector<16xf32>,
          %mul3A_317 = arith.constant 16 : i32
          %mul3A_318 = arith.muli %while3A_167, %mul3A_317 : i32
          %add3A_319 = vector.broadcast %mul3A_318 : i32 to vector<16xi32>
          %add3A_320 = arith.addi %add3A_319, %and3A_311 : vector<16xi32>
          %gather3A_321 = tpu.vector_load_idx %arg7[%add3A_320] : memref<2048xi32, #tpu.memory_space<vmem>>[vector<16xi32>], vector<16xi32>,
          %gt3A_322 = arith.cmpf ogt, %gather3A_316, %get3A_132 : vector<16xf32>
          %eq3A_323 = arith.cmpf oeq, %gather3A_316, %get3A_132 : vector<16xf32>
          %lt3A_324 = arith.cmpi slt, %gather3A_321, %get3A_136 : vector<16xi32>
          %and3A_325 = arith.andi %eq3A_323, %lt3A_324 : vector<16xi1>
          %or3A_326 = arith.ori %gt3A_322, %and3A_325 : vector<16xi1>
          %convert_element_type3A_327 = arith.extui %or3A_326 : vector<16xi1> to vector<16xi32>
          %add3A_328 = arith.addi %add3A_305, %convert_element_type3A_327 : vector<16xi32>
          %add3A_329 = arith.constant 7 : i32
          %add3A_330 = vector.broadcast %add3A_329 : i32 to vector<16xi32>
          %add3A_331 = arith.addi %iota3A, %add3A_330 : vector<16xi32>
          %and3A_332 = arith.constant 15 : i32
          %and3A_333 = vector.broadcast %and3A_332 : i32 to vector<16xi32>
          %and3A_334 = arith.andi %add3A_331, %and3A_333 : vector<16xi32>
          %mul3A_335 = arith.constant 16 : i32
          %mul3A_336 = arith.muli %while3A_167, %mul3A_335 : i32
          %add3A_337 = vector.broadcast %mul3A_336 : i32 to vector<16xi32>
          %add3A_338 = arith.addi %add3A_337, %and3A_334 : vector<16xi32>
          %gather3A_339 = tpu.vector_load_idx %arg6[%add3A_338] : memref<2048xf32, #tpu.memory_space<vmem>>[vector<16xi32>], vector<16xf32>,
          %mul3A_340 = arith.constant 16 : i32
          %mul3A_341 = arith.muli %while3A_167, %mul3A_340 : i32
          %add3A_342 = vector.broadcast %mul3A_341 : i32 to vector<16xi32>
          %add3A_343 = arith.addi %add3A_342, %and3A_334 : vector<16xi32>
          %gather3A_344 = tpu.vector_load_idx %arg7[%add3A_343] : memref<2048xi32, #tpu.memory_space<vmem>>[vector<16xi32>], vector<16xi32>,
          %gt3A_345 = arith.cmpf ogt, %gather3A_339, %get3A_132 : vector<16xf32>
          %eq3A_346 = arith.cmpf oeq, %gather3A_339, %get3A_132 : vector<16xf32>
          %lt3A_347 = arith.cmpi slt, %gather3A_344, %get3A_136 : vector<16xi32>
          %and3A_348 = arith.andi %eq3A_346, %lt3A_347 : vector<16xi1>
          %or3A_349 = arith.ori %gt3A_345, %and3A_348 : vector<16xi1>
          %convert_element_type3A_350 = arith.extui %or3A_349 : vector<16xi1> to vector<16xi32>
          %add3A_351 = arith.addi %add3A_328, %convert_element_type3A_350 : vector<16xi32>
          %add3A_352 = arith.constant 8 : i32
          %add3A_353 = vector.broadcast %add3A_352 : i32 to vector<16xi32>
          %add3A_354 = arith.addi %iota3A, %add3A_353 : vector<16xi32>
          %and3A_355 = arith.constant 15 : i32
          %and3A_356 = vector.broadcast %and3A_355 : i32 to vector<16xi32>
          %and3A_357 = arith.andi %add3A_354, %and3A_356 : vector<16xi32>
          %mul3A_358 = arith.constant 16 : i32
          %mul3A_359 = arith.muli %while3A_167, %mul3A_358 : i32
          %add3A_360 = vector.broadcast %mul3A_359 : i32 to vector<16xi32>
          %add3A_361 = arith.addi %add3A_360, %and3A_357 : vector<16xi32>
          %gather3A_362 = tpu.vector_load_idx %arg6[%add3A_361] : memref<2048xf32, #tpu.memory_space<vmem>>[vector<16xi32>], vector<16xf32>,
          %mul3A_363 = arith.constant 16 : i32
          %mul3A_364 = arith.muli %while3A_167, %mul3A_363 : i32
          %add3A_365 = vector.broadcast %mul3A_364 : i32 to vector<16xi32>
          %add3A_366 = arith.addi %add3A_365, %and3A_357 : vector<16xi32>
          %gather3A_367 = tpu.vector_load_idx %arg7[%add3A_366] : memref<2048xi32, #tpu.memory_space<vmem>>[vector<16xi32>], vector<16xi32>,
          %gt3A_368 = arith.cmpf ogt, %gather3A_362, %get3A_132 : vector<16xf32>
          %eq3A_369 = arith.cmpf oeq, %gather3A_362, %get3A_132 : vector<16xf32>
          %lt3A_370 = arith.cmpi slt, %gather3A_367, %get3A_136 : vector<16xi32>
          %and3A_371 = arith.andi %eq3A_369, %lt3A_370 : vector<16xi1>
          %or3A_372 = arith.ori %gt3A_368, %and3A_371 : vector<16xi1>
          %convert_element_type3A_373 = arith.extui %or3A_372 : vector<16xi1> to vector<16xi32>
          %add3A_374 = arith.addi %add3A_351, %convert_element_type3A_373 : vector<16xi32>
          %add3A_375 = arith.constant 9 : i32
          %add3A_376 = vector.broadcast %add3A_375 : i32 to vector<16xi32>
          %add3A_377 = arith.addi %iota3A, %add3A_376 : vector<16xi32>
          %and3A_378 = arith.constant 15 : i32
          %and3A_379 = vector.broadcast %and3A_378 : i32 to vector<16xi32>
          %and3A_380 = arith.andi %add3A_377, %and3A_379 : vector<16xi32>
          %mul3A_381 = arith.constant 16 : i32
          %mul3A_382 = arith.muli %while3A_167, %mul3A_381 : i32
          %add3A_383 = vector.broadcast %mul3A_382 : i32 to vector<16xi32>
          %add3A_384 = arith.addi %add3A_383, %and3A_380 : vector<16xi32>
          %gather3A_385 = tpu.vector_load_idx %arg6[%add3A_384] : memref<2048xf32, #tpu.memory_space<vmem>>[vector<16xi32>], vector<16xf32>,
          %mul3A_386 = arith.constant 16 : i32
          %mul3A_387 = arith.muli %while3A_167, %mul3A_386 : i32
          %add3A_388 = vector.broadcast %mul3A_387 : i32 to vector<16xi32>
          %add3A_389 = arith.addi %add3A_388, %and3A_380 : vector<16xi32>
          %gather3A_390 = tpu.vector_load_idx %arg7[%add3A_389] : memref<2048xi32, #tpu.memory_space<vmem>>[vector<16xi32>], vector<16xi32>,
          %gt3A_391 = arith.cmpf ogt, %gather3A_385, %get3A_132 : vector<16xf32>
          %eq3A_392 = arith.cmpf oeq, %gather3A_385, %get3A_132 : vector<16xf32>
          %lt3A_393 = arith.cmpi slt, %gather3A_390, %get3A_136 : vector<16xi32>
          %and3A_394 = arith.andi %eq3A_392, %lt3A_393 : vector<16xi1>
          %or3A_395 = arith.ori %gt3A_391, %and3A_394 : vector<16xi1>
          %convert_element_type3A_396 = arith.extui %or3A_395 : vector<16xi1> to vector<16xi32>
          %add3A_397 = arith.addi %add3A_374, %convert_element_type3A_396 : vector<16xi32>
          %add3A_398 = arith.constant 10 : i32
          %add3A_399 = vector.broadcast %add3A_398 : i32 to vector<16xi32>
          %add3A_400 = arith.addi %iota3A, %add3A_399 : vector<16xi32>
          %and3A_401 = arith.constant 15 : i32
          %and3A_402 = vector.broadcast %and3A_401 : i32 to vector<16xi32>
          %and3A_403 = arith.andi %add3A_400, %and3A_402 : vector<16xi32>
          %mul3A_404 = arith.constant 16 : i32
          %mul3A_405 = arith.muli %while3A_167, %mul3A_404 : i32
          %add3A_406 = vector.broadcast %mul3A_405 : i32 to vector<16xi32>
          %add3A_407 = arith.addi %add3A_406, %and3A_403 : vector<16xi32>
          %gather3A_408 = tpu.vector_load_idx %arg6[%add3A_407] : memref<2048xf32, #tpu.memory_space<vmem>>[vector<16xi32>], vector<16xf32>,
          %mul3A_409 = arith.constant 16 : i32
          %mul3A_410 = arith.muli %while3A_167, %mul3A_409 : i32
          %add3A_411 = vector.broadcast %mul3A_410 : i32 to vector<16xi32>
          %add3A_412 = arith.addi %add3A_411, %and3A_403 : vector<16xi32>
          %gather3A_413 = tpu.vector_load_idx %arg7[%add3A_412] : memref<2048xi32, #tpu.memory_space<vmem>>[vector<16xi32>], vector<16xi32>,
          %gt3A_414 = arith.cmpf ogt, %gather3A_408, %get3A_132 : vector<16xf32>
          %eq3A_415 = arith.cmpf oeq, %gather3A_408, %get3A_132 : vector<16xf32>
          %lt3A_416 = arith.cmpi slt, %gather3A_413, %get3A_136 : vector<16xi32>
          %and3A_417 = arith.andi %eq3A_415, %lt3A_416 : vector<16xi1>
          %or3A_418 = arith.ori %gt3A_414, %and3A_417 : vector<16xi1>
          %convert_element_type3A_419 = arith.extui %or3A_418 : vector<16xi1> to vector<16xi32>
          %add3A_420 = arith.addi %add3A_397, %convert_element_type3A_419 : vector<16xi32>
          %add3A_421 = arith.constant 11 : i32
          %add3A_422 = vector.broadcast %add3A_421 : i32 to vector<16xi32>
          %add3A_423 = arith.addi %iota3A, %add3A_422 : vector<16xi32>
          %and3A_424 = arith.constant 15 : i32
          %and3A_425 = vector.broadcast %and3A_424 : i32 to vector<16xi32>
          %and3A_426 = arith.andi %add3A_423, %and3A_425 : vector<16xi32>
          %mul3A_427 = arith.constant 16 : i32
          %mul3A_428 = arith.muli %while3A_167, %mul3A_427 : i32
          %add3A_429 = vector.broadcast %mul3A_428 : i32 to vector<16xi32>
          %add3A_430 = arith.addi %add3A_429, %and3A_426 : vector<16xi32>
          %gather3A_431 = tpu.vector_load_idx %arg6[%add3A_430] : memref<2048xf32, #tpu.memory_space<vmem>>[vector<16xi32>], vector<16xf32>,
          %mul3A_432 = arith.constant 16 : i32
          %mul3A_433 = arith.muli %while3A_167, %mul3A_432 : i32
          %add3A_434 = vector.broadcast %mul3A_433 : i32 to vector<16xi32>
          %add3A_435 = arith.addi %add3A_434, %and3A_426 : vector<16xi32>
          %gather3A_436 = tpu.vector_load_idx %arg7[%add3A_435] : memref<2048xi32, #tpu.memory_space<vmem>>[vector<16xi32>], vector<16xi32>,
          %gt3A_437 = arith.cmpf ogt, %gather3A_431, %get3A_132 : vector<16xf32>
          %eq3A_438 = arith.cmpf oeq, %gather3A_431, %get3A_132 : vector<16xf32>
          %lt3A_439 = arith.cmpi slt, %gather3A_436, %get3A_136 : vector<16xi32>
          %and3A_440 = arith.andi %eq3A_438, %lt3A_439 : vector<16xi1>
          %or3A_441 = arith.ori %gt3A_437, %and3A_440 : vector<16xi1>
          %convert_element_type3A_442 = arith.extui %or3A_441 : vector<16xi1> to vector<16xi32>
          %add3A_443 = arith.addi %add3A_420, %convert_element_type3A_442 : vector<16xi32>
          %add3A_444 = arith.constant 12 : i32
          %add3A_445 = vector.broadcast %add3A_444 : i32 to vector<16xi32>
          %add3A_446 = arith.addi %iota3A, %add3A_445 : vector<16xi32>
          %and3A_447 = arith.constant 15 : i32
          %and3A_448 = vector.broadcast %and3A_447 : i32 to vector<16xi32>
          %and3A_449 = arith.andi %add3A_446, %and3A_448 : vector<16xi32>
          %mul3A_450 = arith.constant 16 : i32
          %mul3A_451 = arith.muli %while3A_167, %mul3A_450 : i32
          %add3A_452 = vector.broadcast %mul3A_451 : i32 to vector<16xi32>
          %add3A_453 = arith.addi %add3A_452, %and3A_449 : vector<16xi32>
          %gather3A_454 = tpu.vector_load_idx %arg6[%add3A_453] : memref<2048xf32, #tpu.memory_space<vmem>>[vector<16xi32>], vector<16xf32>,
          %mul3A_455 = arith.constant 16 : i32
          %mul3A_456 = arith.muli %while3A_167, %mul3A_455 : i32
          %add3A_457 = vector.broadcast %mul3A_456 : i32 to vector<16xi32>
          %add3A_458 = arith.addi %add3A_457, %and3A_449 : vector<16xi32>
          %gather3A_459 = tpu.vector_load_idx %arg7[%add3A_458] : memref<2048xi32, #tpu.memory_space<vmem>>[vector<16xi32>], vector<16xi32>,
          %gt3A_460 = arith.cmpf ogt, %gather3A_454, %get3A_132 : vector<16xf32>
          %eq3A_461 = arith.cmpf oeq, %gather3A_454, %get3A_132 : vector<16xf32>
          %lt3A_462 = arith.cmpi slt, %gather3A_459, %get3A_136 : vector<16xi32>
          %and3A_463 = arith.andi %eq3A_461, %lt3A_462 : vector<16xi1>
          %or3A_464 = arith.ori %gt3A_460, %and3A_463 : vector<16xi1>
          %convert_element_type3A_465 = arith.extui %or3A_464 : vector<16xi1> to vector<16xi32>
          %add3A_466 = arith.addi %add3A_443, %convert_element_type3A_465 : vector<16xi32>
          %add3A_467 = arith.constant 13 : i32
          %add3A_468 = vector.broadcast %add3A_467 : i32 to vector<16xi32>
          %add3A_469 = arith.addi %iota3A, %add3A_468 : vector<16xi32>
          %and3A_470 = arith.constant 15 : i32
          %and3A_471 = vector.broadcast %and3A_470 : i32 to vector<16xi32>
          %and3A_472 = arith.andi %add3A_469, %and3A_471 : vector<16xi32>
          %mul3A_473 = arith.constant 16 : i32
          %mul3A_474 = arith.muli %while3A_167, %mul3A_473 : i32
          %add3A_475 = vector.broadcast %mul3A_474 : i32 to vector<16xi32>
          %add3A_476 = arith.addi %add3A_475, %and3A_472 : vector<16xi32>
          %gather3A_477 = tpu.vector_load_idx %arg6[%add3A_476] : memref<2048xf32, #tpu.memory_space<vmem>>[vector<16xi32>], vector<16xf32>,
          %mul3A_478 = arith.constant 16 : i32
          %mul3A_479 = arith.muli %while3A_167, %mul3A_478 : i32
          %add3A_480 = vector.broadcast %mul3A_479 : i32 to vector<16xi32>
          %add3A_481 = arith.addi %add3A_480, %and3A_472 : vector<16xi32>
          %gather3A_482 = tpu.vector_load_idx %arg7[%add3A_481] : memref<2048xi32, #tpu.memory_space<vmem>>[vector<16xi32>], vector<16xi32>,
          %gt3A_483 = arith.cmpf ogt, %gather3A_477, %get3A_132 : vector<16xf32>
          %eq3A_484 = arith.cmpf oeq, %gather3A_477, %get3A_132 : vector<16xf32>
          %lt3A_485 = arith.cmpi slt, %gather3A_482, %get3A_136 : vector<16xi32>
          %and3A_486 = arith.andi %eq3A_484, %lt3A_485 : vector<16xi1>
          %or3A_487 = arith.ori %gt3A_483, %and3A_486 : vector<16xi1>
          %convert_element_type3A_488 = arith.extui %or3A_487 : vector<16xi1> to vector<16xi32>
          %add3A_489 = arith.addi %add3A_466, %convert_element_type3A_488 : vector<16xi32>
          %add3A_490 = arith.constant 14 : i32
          %add3A_491 = vector.broadcast %add3A_490 : i32 to vector<16xi32>
          %add3A_492 = arith.addi %iota3A, %add3A_491 : vector<16xi32>
          %and3A_493 = arith.constant 15 : i32
          %and3A_494 = vector.broadcast %and3A_493 : i32 to vector<16xi32>
          %and3A_495 = arith.andi %add3A_492, %and3A_494 : vector<16xi32>
          %mul3A_496 = arith.constant 16 : i32
          %mul3A_497 = arith.muli %while3A_167, %mul3A_496 : i32
          %add3A_498 = vector.broadcast %mul3A_497 : i32 to vector<16xi32>
          %add3A_499 = arith.addi %add3A_498, %and3A_495 : vector<16xi32>
          %gather3A_500 = tpu.vector_load_idx %arg6[%add3A_499] : memref<2048xf32, #tpu.memory_space<vmem>>[vector<16xi32>], vector<16xf32>,
          %mul3A_501 = arith.constant 16 : i32
          %mul3A_502 = arith.muli %while3A_167, %mul3A_501 : i32
          %add3A_503 = vector.broadcast %mul3A_502 : i32 to vector<16xi32>
          %add3A_504 = arith.addi %add3A_503, %and3A_495 : vector<16xi32>
          %gather3A_505 = tpu.vector_load_idx %arg7[%add3A_504] : memref<2048xi32, #tpu.memory_space<vmem>>[vector<16xi32>], vector<16xi32>,
          %gt3A_506 = arith.cmpf ogt, %gather3A_500, %get3A_132 : vector<16xf32>
          %eq3A_507 = arith.cmpf oeq, %gather3A_500, %get3A_132 : vector<16xf32>
          %lt3A_508 = arith.cmpi slt, %gather3A_505, %get3A_136 : vector<16xi32>
          %and3A_509 = arith.andi %eq3A_507, %lt3A_508 : vector<16xi1>
          %or3A_510 = arith.ori %gt3A_506, %and3A_509 : vector<16xi1>
          %convert_element_type3A_511 = arith.extui %or3A_510 : vector<16xi1> to vector<16xi32>
          %add3A_512 = arith.addi %add3A_489, %convert_element_type3A_511 : vector<16xi32>
          %add3A_513 = arith.constant 15 : i32
          %add3A_514 = vector.broadcast %add3A_513 : i32 to vector<16xi32>
          %add3A_515 = arith.addi %iota3A, %add3A_514 : vector<16xi32>
          %and3A_516 = arith.constant 15 : i32
          %and3A_517 = vector.broadcast %and3A_516 : i32 to vector<16xi32>
          %and3A_518 = arith.andi %add3A_515, %and3A_517 : vector<16xi32>
          %mul3A_519 = arith.constant 16 : i32
          %mul3A_520 = arith.muli %while3A_167, %mul3A_519 : i32
          %add3A_521 = vector.broadcast %mul3A_520 : i32 to vector<16xi32>
          %add3A_522 = arith.addi %add3A_521, %and3A_518 : vector<16xi32>
          %gather3A_523 = tpu.vector_load_idx %arg6[%add3A_522] : memref<2048xf32, #tpu.memory_space<vmem>>[vector<16xi32>], vector<16xf32>,
          %mul3A_524 = arith.constant 16 : i32
          %mul3A_525 = arith.muli %while3A_167, %mul3A_524 : i32
          %add3A_526 = vector.broadcast %mul3A_525 : i32 to vector<16xi32>
          %add3A_527 = arith.addi %add3A_526, %and3A_518 : vector<16xi32>
          %gather3A_528 = tpu.vector_load_idx %arg7[%add3A_527] : memref<2048xi32, #tpu.memory_space<vmem>>[vector<16xi32>], vector<16xi32>,
          %gt3A_529 = arith.cmpf ogt, %gather3A_523, %get3A_132 : vector<16xf32>
          %eq3A_530 = arith.cmpf oeq, %gather3A_523, %get3A_132 : vector<16xf32>
          %lt3A_531 = arith.cmpi slt, %gather3A_528, %get3A_136 : vector<16xi32>
          %and3A_532 = arith.andi %eq3A_530, %lt3A_531 : vector<16xi1>
          %or3A_533 = arith.ori %gt3A_529, %and3A_532 : vector<16xi1>
          %convert_element_type3A_534 = arith.extui %or3A_533 : vector<16xi1> to vector<16xi32>
          %add3A_535 = arith.addi %add3A_512, %convert_element_type3A_534 : vector<16xi32>
          %swap3A_536 = arith.constant 0 : index
          %swap3A_537 = tpu.vector_load %arg16[%swap3A_536] {strides = array<i32>} : memref<16xi32, #tpu.memory_space<vmem>>, vector<16xi32>,
          tpu.vector_store %arg16[%swap3A_536], %add3A_535 {strides = array<i32>} : memref<16xi32, #tpu.memory_space<vmem>>, vector<16xi32>,
          %while3A_538 = arith.constant 0 : i32
          scf.yield %while3A_538 : i32
        }
        %while3A_149 = arith.constant 1 : i32
        %while3A_150 = scf.for %while3A_167 = %while3A_146 to %while3A_142 step %while3A_149 iter_args(%while3A_168 = %while3A_148) -> (i32)  : i32 {
          %get3A_169 = arith.constant 0 : index
          %get3A_170 = tpu.vector_load %arg16[%get3A_169] {strides = array<i32>} : memref<16xi32, #tpu.memory_space<vmem>>, vector<16xi32>,
          %add3A_171 = arith.constant 0 : i32
          %add3A_172 = vector.broadcast %add3A_171 : i32 to vector<16xi32>
          %add3A_173 = arith.addi %iota3A, %add3A_172 : vector<16xi32>
          %and3A_174 = arith.constant 15 : i32
          %and3A_175 = vector.broadcast %and3A_174 : i32 to vector<16xi32>
          %and3A_176 = arith.andi %add3A_173, %and3A_175 : vector<16xi32>
          %mul3A_177 = arith.constant 16 : i32
          %mul3A_178 = arith.muli %while3A_167, %mul3A_177 : i32
          %add3A_179 = vector.broadcast %mul3A_178 : i32 to vector<16xi32>
          %add3A_180 = arith.addi %add3A_179, %and3A_176 : vector<16xi32>
          %gather3A = tpu.vector_load_idx %arg6[%add3A_180] : memref<2048xf32, #tpu.memory_space<vmem>>[vector<16xi32>], vector<16xf32>,
          %mul3A_181 = arith.constant 16 : i32
          %mul3A_182 = arith.muli %while3A_167, %mul3A_181 : i32
          %add3A_183 = vector.broadcast %mul3A_182 : i32 to vector<16xi32>
          %add3A_184 = arith.addi %add3A_183, %and3A_176 : vector<16xi32>
          %gather3A_185 = tpu.vector_load_idx %arg7[%add3A_184] : memref<2048xi32, #tpu.memory_space<vmem>>[vector<16xi32>], vector<16xi32>,
          %gt3A_186 = arith.cmpf ogt, %gather3A, %get3A_132 : vector<16xf32>
          %eq3A = arith.cmpf oeq, %gather3A, %get3A_132 : vector<16xf32>
          %lt3A_187 = arith.cmpi slt, %gather3A_185, %get3A_136 : vector<16xi32>
          %and3A_188 = arith.andi %eq3A, %lt3A_187 : vector<16xi1>
          %or3A = arith.ori %gt3A_186, %and3A_188 : vector<16xi1>
          %convert_element_type3A_189 = arith.extui %or3A : vector<16xi1> to vector<16xi32>
          %add3A_190 = arith.addi %get3A_170, %convert_element_type3A_189 : vector<16xi32>
          %add3A_191 = arith.constant 1 : i32
          %add3A_192 = vector.broadcast %add3A_191 : i32 to vector<16xi32>
          %add3A_193 = arith.addi %iota3A, %add3A_192 : vector<16xi32>
          %and3A_194 = arith.constant 15 : i32
          %and3A_195 = vector.broadcast %and3A_194 : i32 to vector<16xi32>
          %and3A_196 = arith.andi %add3A_193, %and3A_195 : vector<16xi32>
          %mul3A_197 = arith.constant 16 : i32
          %mul3A_198 = arith.muli %while3A_167, %mul3A_197 : i32
          %add3A_199 = vector.broadcast %mul3A_198 : i32 to vector<16xi32>
          %add3A_200 = arith.addi %add3A_199, %and3A_196 : vector<16xi32>
          %gather3A_201 = tpu.vector_load_idx %arg6[%add3A_200] : memref<2048xf32, #tpu.memory_space<vmem>>[vector<16xi32>], vector<16xf32>,
          %mul3A_202 = arith.constant 16 : i32
          %mul3A_203 = arith.muli %while3A_167, %mul3A_202 : i32
          %add3A_204 = vector.broadcast %mul3A_203 : i32 to vector<16xi32>
          %add3A_205 = arith.addi %add3A_204, %and3A_196 : vector<16xi32>
          %gather3A_206 = tpu.vector_load_idx %arg7[%add3A_205] : memref<2048xi32, #tpu.memory_space<vmem>>[vector<16xi32>], vector<16xi32>,
          %gt3A_207 = arith.cmpf ogt, %gather3A_201, %get3A_132 : vector<16xf32>
          %eq3A_208 = arith.cmpf oeq, %gather3A_201, %get3A_132 : vector<16xf32>
          %lt3A_209 = arith.cmpi slt, %gather3A_206, %get3A_136 : vector<16xi32>
          %and3A_210 = arith.andi %eq3A_208, %lt3A_209 : vector<16xi1>
          %or3A_211 = arith.ori %gt3A_207, %and3A_210 : vector<16xi1>
          %convert_element_type3A_212 = arith.extui %or3A_211 : vector<16xi1> to vector<16xi32>
          %add3A_213 = arith.addi %add3A_190, %convert_element_type3A_212 : vector<16xi32>
          %add3A_214 = arith.constant 2 : i32
          %add3A_215 = vector.broadcast %add3A_214 : i32 to vector<16xi32>
          %add3A_216 = arith.addi %iota3A, %add3A_215 : vector<16xi32>
          %and3A_217 = arith.constant 15 : i32
          %and3A_218 = vector.broadcast %and3A_217 : i32 to vector<16xi32>
          %and3A_219 = arith.andi %add3A_216, %and3A_218 : vector<16xi32>
          %mul3A_220 = arith.constant 16 : i32
          %mul3A_221 = arith.muli %while3A_167, %mul3A_220 : i32
          %add3A_222 = vector.broadcast %mul3A_221 : i32 to vector<16xi32>
          %add3A_223 = arith.addi %add3A_222, %and3A_219 : vector<16xi32>
          %gather3A_224 = tpu.vector_load_idx %arg6[%add3A_223] : memref<2048xf32, #tpu.memory_space<vmem>>[vector<16xi32>], vector<16xf32>,
          %mul3A_225 = arith.constant 16 : i32
          %mul3A_226 = arith.muli %while3A_167, %mul3A_225 : i32
          %add3A_227 = vector.broadcast %mul3A_226 : i32 to vector<16xi32>
          %add3A_228 = arith.addi %add3A_227, %and3A_219 : vector<16xi32>
          %gather3A_229 = tpu.vector_load_idx %arg7[%add3A_228] : memref<2048xi32, #tpu.memory_space<vmem>>[vector<16xi32>], vector<16xi32>,
          %gt3A_230 = arith.cmpf ogt, %gather3A_224, %get3A_132 : vector<16xf32>
          %eq3A_231 = arith.cmpf oeq, %gather3A_224, %get3A_132 : vector<16xf32>
          %lt3A_232 = arith.cmpi slt, %gather3A_229, %get3A_136 : vector<16xi32>
          %and3A_233 = arith.andi %eq3A_231, %lt3A_232 : vector<16xi1>
          %or3A_234 = arith.ori %gt3A_230, %and3A_233 : vector<16xi1>
          %convert_element_type3A_235 = arith.extui %or3A_234 : vector<16xi1> to vector<16xi32>
          %add3A_236 = arith.addi %add3A_213, %convert_element_type3A_235 : vector<16xi32>
          %add3A_237 = arith.constant 3 : i32
          %add3A_238 = vector.broadcast %add3A_237 : i32 to vector<16xi32>
          %add3A_239 = arith.addi %iota3A, %add3A_238 : vector<16xi32>
          %and3A_240 = arith.constant 15 : i32
          %and3A_241 = vector.broadcast %and3A_240 : i32 to vector<16xi32>
          %and3A_242 = arith.andi %add3A_239, %and3A_241 : vector<16xi32>
          %mul3A_243 = arith.constant 16 : i32
          %mul3A_244 = arith.muli %while3A_167, %mul3A_243 : i32
          %add3A_245 = vector.broadcast %mul3A_244 : i32 to vector<16xi32>
          %add3A_246 = arith.addi %add3A_245, %and3A_242 : vector<16xi32>
          %gather3A_247 = tpu.vector_load_idx %arg6[%add3A_246] : memref<2048xf32, #tpu.memory_space<vmem>>[vector<16xi32>], vector<16xf32>,
          %mul3A_248 = arith.constant 16 : i32
          %mul3A_249 = arith.muli %while3A_167, %mul3A_248 : i32
          %add3A_250 = vector.broadcast %mul3A_249 : i32 to vector<16xi32>
          %add3A_251 = arith.addi %add3A_250, %and3A_242 : vector<16xi32>
          %gather3A_252 = tpu.vector_load_idx %arg7[%add3A_251] : memref<2048xi32, #tpu.memory_space<vmem>>[vector<16xi32>], vector<16xi32>,
          %gt3A_253 = arith.cmpf ogt, %gather3A_247, %get3A_132 : vector<16xf32>
          %eq3A_254 = arith.cmpf oeq, %gather3A_247, %get3A_132 : vector<16xf32>
          %lt3A_255 = arith.cmpi slt, %gather3A_252, %get3A_136 : vector<16xi32>
          %and3A_256 = arith.andi %eq3A_254, %lt3A_255 : vector<16xi1>
          %or3A_257 = arith.ori %gt3A_253, %and3A_256 : vector<16xi1>
          %convert_element_type3A_258 = arith.extui %or3A_257 : vector<16xi1> to vector<16xi32>
          %add3A_259 = arith.addi %add3A_236, %convert_element_type3A_258 : vector<16xi32>
          %add3A_260 = arith.constant 4 : i32
          %add3A_261 = vector.broadcast %add3A_260 : i32 to vector<16xi32>
          %add3A_262 = arith.addi %iota3A, %add3A_261 : vector<16xi32>
          %and3A_263 = arith.constant 15 : i32
          %and3A_264 = vector.broadcast %and3A_263 : i32 to vector<16xi32>
          %and3A_265 = arith.andi %add3A_262, %and3A_264 : vector<16xi32>
          %mul3A_266 = arith.constant 16 : i32
          %mul3A_267 = arith.muli %while3A_167, %mul3A_266 : i32
          %add3A_268 = vector.broadcast %mul3A_267 : i32 to vector<16xi32>
          %add3A_269 = arith.addi %add3A_268, %and3A_265 : vector<16xi32>
          %gather3A_270 = tpu.vector_load_idx %arg6[%add3A_269] : memref<2048xf32, #tpu.memory_space<vmem>>[vector<16xi32>], vector<16xf32>,
          %mul3A_271 = arith.constant 16 : i32
          %mul3A_272 = arith.muli %while3A_167, %mul3A_271 : i32
          %add3A_273 = vector.broadcast %mul3A_272 : i32 to vector<16xi32>
          %add3A_274 = arith.addi %add3A_273, %and3A_265 : vector<16xi32>
          %gather3A_275 = tpu.vector_load_idx %arg7[%add3A_274] : memref<2048xi32, #tpu.memory_space<vmem>>[vector<16xi32>], vector<16xi32>,
          %gt3A_276 = arith.cmpf ogt, %gather3A_270, %get3A_132 : vector<16xf32>
          %eq3A_277 = arith.cmpf oeq, %gather3A_270, %get3A_132 : vector<16xf32>
          %lt3A_278 = arith.cmpi slt, %gather3A_275, %get3A_136 : vector<16xi32>
          %and3A_279 = arith.andi %eq3A_277, %lt3A_278 : vector<16xi1>
          %or3A_280 = arith.ori %gt3A_276, %and3A_279 : vector<16xi1>
          %convert_element_type3A_281 = arith.extui %or3A_280 : vector<16xi1> to vector<16xi32>
          %add3A_282 = arith.addi %add3A_259, %convert_element_type3A_281 : vector<16xi32>
          %add3A_283 = arith.constant 5 : i32
          %add3A_284 = vector.broadcast %add3A_283 : i32 to vector<16xi32>
          %add3A_285 = arith.addi %iota3A, %add3A_284 : vector<16xi32>
          %and3A_286 = arith.constant 15 : i32
          %and3A_287 = vector.broadcast %and3A_286 : i32 to vector<16xi32>
          %and3A_288 = arith.andi %add3A_285, %and3A_287 : vector<16xi32>
          %mul3A_289 = arith.constant 16 : i32
          %mul3A_290 = arith.muli %while3A_167, %mul3A_289 : i32
          %add3A_291 = vector.broadcast %mul3A_290 : i32 to vector<16xi32>
          %add3A_292 = arith.addi %add3A_291, %and3A_288 : vector<16xi32>
          %gather3A_293 = tpu.vector_load_idx %arg6[%add3A_292] : memref<2048xf32, #tpu.memory_space<vmem>>[vector<16xi32>], vector<16xf32>,
          %mul3A_294 = arith.constant 16 : i32
          %mul3A_295 = arith.muli %while3A_167, %mul3A_294 : i32
          %add3A_296 = vector.broadcast %mul3A_295 : i32 to vector<16xi32>
          %add3A_297 = arith.addi %add3A_296, %and3A_288 : vector<16xi32>
          %gather3A_298 = tpu.vector_load_idx %arg7[%add3A_297] : memref<2048xi32, #tpu.memory_space<vmem>>[vector<16xi32>], vector<16xi32>,
          %gt3A_299 = arith.cmpf ogt, %gather3A_293, %get3A_132 : vector<16xf32>
          %eq3A_300 = arith.cmpf oeq, %gather3A_293, %get3A_132 : vector<16xf32>
          %lt3A_301 = arith.cmpi slt, %gather3A_298, %get3A_136 : vector<16xi32>
          %and3A_302 = arith.andi %eq3A_300, %lt3A_301 : vector<16xi1>
          %or3A_303 = arith.ori %gt3A_299, %and3A_302 : vector<16xi1>
          %convert_element_type3A_304 = arith.extui %or3A_303 : vector<16xi1> to vector<16xi32>
          %add3A_305 = arith.addi %add3A_282, %convert_element_type3A_304 : vector<16xi32>
          %add3A_306 = arith.constant 6 : i32
          %add3A_307 = vector.broadcast %add3A_306 : i32 to vector<16xi32>
          %add3A_308 = arith.addi %iota3A, %add3A_307 : vector<16xi32>
          %and3A_309 = arith.constant 15 : i32
          %and3A_310 = vector.broadcast %and3A_309 : i32 to vector<16xi32>
          %and3A_311 = arith.andi %add3A_308, %and3A_310 : vector<16xi32>
          %mul3A_312 = arith.constant 16 : i32
          %mul3A_313 = arith.muli %while3A_167, %mul3A_312 : i32
          %add3A_314 = vector.broadcast %mul3A_313 : i32 to vector<16xi32>
          %add3A_315 = arith.addi %add3A_314, %and3A_311 : vector<16xi32>
          %gather3A_316 = tpu.vector_load_idx %arg6[%add3A_315] : memref<2048xf32, #tpu.memory_space<vmem>>[vector<16xi32>], vector<16xf32>,
          %mul3A_317 = arith.constant 16 : i32
          %mul3A_318 = arith.muli %while3A_167, %mul3A_317 : i32
          %add3A_319 = vector.broadcast %mul3A_318 : i32 to vector<16xi32>
          %add3A_320 = arith.addi %add3A_319, %and3A_311 : vector<16xi32>
          %gather3A_321 = tpu.vector_load_idx %arg7[%add3A_320] : memref<2048xi32, #tpu.memory_space<vmem>>[vector<16xi32>], vector<16xi32>,
          %gt3A_322 = arith.cmpf ogt, %gather3A_316, %get3A_132 : vector<16xf32>
          %eq3A_323 = arith.cmpf oeq, %gather3A_316, %get3A_132 : vector<16xf32>
          %lt3A_324 = arith.cmpi slt, %gather3A_321, %get3A_136 : vector<16xi32>
          %and3A_325 = arith.andi %eq3A_323, %lt3A_324 : vector<16xi1>
          %or3A_326 = arith.ori %gt3A_322, %and3A_325 : vector<16xi1>
          %convert_element_type3A_327 = arith.extui %or3A_326 : vector<16xi1> to vector<16xi32>
          %add3A_328 = arith.addi %add3A_305, %convert_element_type3A_327 : vector<16xi32>
          %add3A_329 = arith.constant 7 : i32
          %add3A_330 = vector.broadcast %add3A_329 : i32 to vector<16xi32>
          %add3A_331 = arith.addi %iota3A, %add3A_330 : vector<16xi32>
          %and3A_332 = arith.constant 15 : i32
          %and3A_333 = vector.broadcast %and3A_332 : i32 to vector<16xi32>
          %and3A_334 = arith.andi %add3A_331, %and3A_333 : vector<16xi32>
          %mul3A_335 = arith.constant 16 : i32
          %mul3A_336 = arith.muli %while3A_167, %mul3A_335 : i32
          %add3A_337 = vector.broadcast %mul3A_336 : i32 to vector<16xi32>
          %add3A_338 = arith.addi %add3A_337, %and3A_334 : vector<16xi32>
          %gather3A_339 = tpu.vector_load_idx %arg6[%add3A_338] : memref<2048xf32, #tpu.memory_space<vmem>>[vector<16xi32>], vector<16xf32>,
          %mul3A_340 = arith.constant 16 : i32
          %mul3A_341 = arith.muli %while3A_167, %mul3A_340 : i32
          %add3A_342 = vector.broadcast %mul3A_341 : i32 to vector<16xi32>
          %add3A_343 = arith.addi %add3A_342, %and3A_334 : vector<16xi32>
          %gather3A_344 = tpu.vector_load_idx %arg7[%add3A_343] : memref<2048xi32, #tpu.memory_space<vmem>>[vector<16xi32>], vector<16xi32>,
          %gt3A_345 = arith.cmpf ogt, %gather3A_339, %get3A_132 : vector<16xf32>
          %eq3A_346 = arith.cmpf oeq, %gather3A_339, %get3A_132 : vector<16xf32>
          %lt3A_347 = arith.cmpi slt, %gather3A_344, %get3A_136 : vector<16xi32>
          %and3A_348 = arith.andi %eq3A_346, %lt3A_347 : vector<16xi1>
          %or3A_349 = arith.ori %gt3A_345, %and3A_348 : vector<16xi1>
          %convert_element_type3A_350 = arith.extui %or3A_349 : vector<16xi1> to vector<16xi32>
          %add3A_351 = arith.addi %add3A_328, %convert_element_type3A_350 : vector<16xi32>
          %add3A_352 = arith.constant 8 : i32
          %add3A_353 = vector.broadcast %add3A_352 : i32 to vector<16xi32>
          %add3A_354 = arith.addi %iota3A, %add3A_353 : vector<16xi32>
          %and3A_355 = arith.constant 15 : i32
          %and3A_356 = vector.broadcast %and3A_355 : i32 to vector<16xi32>
          %and3A_357 = arith.andi %add3A_354, %and3A_356 : vector<16xi32>
          %mul3A_358 = arith.constant 16 : i32
          %mul3A_359 = arith.muli %while3A_167, %mul3A_358 : i32
          %add3A_360 = vector.broadcast %mul3A_359 : i32 to vector<16xi32>
          %add3A_361 = arith.addi %add3A_360, %and3A_357 : vector<16xi32>
          %gather3A_362 = tpu.vector_load_idx %arg6[%add3A_361] : memref<2048xf32, #tpu.memory_space<vmem>>[vector<16xi32>], vector<16xf32>,
          %mul3A_363 = arith.constant 16 : i32
          %mul3A_364 = arith.muli %while3A_167, %mul3A_363 : i32
          %add3A_365 = vector.broadcast %mul3A_364 : i32 to vector<16xi32>
          %add3A_366 = arith.addi %add3A_365, %and3A_357 : vector<16xi32>
          %gather3A_367 = tpu.vector_load_idx %arg7[%add3A_366] : memref<2048xi32, #tpu.memory_space<vmem>>[vector<16xi32>], vector<16xi32>,
          %gt3A_368 = arith.cmpf ogt, %gather3A_362, %get3A_132 : vector<16xf32>
          %eq3A_369 = arith.cmpf oeq, %gather3A_362, %get3A_132 : vector<16xf32>
          %lt3A_370 = arith.cmpi slt, %gather3A_367, %get3A_136 : vector<16xi32>
          %and3A_371 = arith.andi %eq3A_369, %lt3A_370 : vector<16xi1>
          %or3A_372 = arith.ori %gt3A_368, %and3A_371 : vector<16xi1>
          %convert_element_type3A_373 = arith.extui %or3A_372 : vector<16xi1> to vector<16xi32>
          %add3A_374 = arith.addi %add3A_351, %convert_element_type3A_373 : vector<16xi32>
          %add3A_375 = arith.constant 9 : i32
          %add3A_376 = vector.broadcast %add3A_375 : i32 to vector<16xi32>
          %add3A_377 = arith.addi %iota3A, %add3A_376 : vector<16xi32>
          %and3A_378 = arith.constant 15 : i32
          %and3A_379 = vector.broadcast %and3A_378 : i32 to vector<16xi32>
          %and3A_380 = arith.andi %add3A_377, %and3A_379 : vector<16xi32>
          %mul3A_381 = arith.constant 16 : i32
          %mul3A_382 = arith.muli %while3A_167, %mul3A_381 : i32
          %add3A_383 = vector.broadcast %mul3A_382 : i32 to vector<16xi32>
          %add3A_384 = arith.addi %add3A_383, %and3A_380 : vector<16xi32>
          %gather3A_385 = tpu.vector_load_idx %arg6[%add3A_384] : memref<2048xf32, #tpu.memory_space<vmem>>[vector<16xi32>], vector<16xf32>,
          %mul3A_386 = arith.constant 16 : i32
          %mul3A_387 = arith.muli %while3A_167, %mul3A_386 : i32
          %add3A_388 = vector.broadcast %mul3A_387 : i32 to vector<16xi32>
          %add3A_389 = arith.addi %add3A_388, %and3A_380 : vector<16xi32>
          %gather3A_390 = tpu.vector_load_idx %arg7[%add3A_389] : memref<2048xi32, #tpu.memory_space<vmem>>[vector<16xi32>], vector<16xi32>,
          %gt3A_391 = arith.cmpf ogt, %gather3A_385, %get3A_132 : vector<16xf32>
          %eq3A_392 = arith.cmpf oeq, %gather3A_385, %get3A_132 : vector<16xf32>
          %lt3A_393 = arith.cmpi slt, %gather3A_390, %get3A_136 : vector<16xi32>
          %and3A_394 = arith.andi %eq3A_392, %lt3A_393 : vector<16xi1>
          %or3A_395 = arith.ori %gt3A_391, %and3A_394 : vector<16xi1>
          %convert_element_type3A_396 = arith.extui %or3A_395 : vector<16xi1> to vector<16xi32>
          %add3A_397 = arith.addi %add3A_374, %convert_element_type3A_396 : vector<16xi32>
          %add3A_398 = arith.constant 10 : i32
          %add3A_399 = vector.broadcast %add3A_398 : i32 to vector<16xi32>
          %add3A_400 = arith.addi %iota3A, %add3A_399 : vector<16xi32>
          %and3A_401 = arith.constant 15 : i32
          %and3A_402 = vector.broadcast %and3A_401 : i32 to vector<16xi32>
          %and3A_403 = arith.andi %add3A_400, %and3A_402 : vector<16xi32>
          %mul3A_404 = arith.constant 16 : i32
          %mul3A_405 = arith.muli %while3A_167, %mul3A_404 : i32
          %add3A_406 = vector.broadcast %mul3A_405 : i32 to vector<16xi32>
          %add3A_407 = arith.addi %add3A_406, %and3A_403 : vector<16xi32>
          %gather3A_408 = tpu.vector_load_idx %arg6[%add3A_407] : memref<2048xf32, #tpu.memory_space<vmem>>[vector<16xi32>], vector<16xf32>,
          %mul3A_409 = arith.constant 16 : i32
          %mul3A_410 = arith.muli %while3A_167, %mul3A_409 : i32
          %add3A_411 = vector.broadcast %mul3A_410 : i32 to vector<16xi32>
          %add3A_412 = arith.addi %add3A_411, %and3A_403 : vector<16xi32>
          %gather3A_413 = tpu.vector_load_idx %arg7[%add3A_412] : memref<2048xi32, #tpu.memory_space<vmem>>[vector<16xi32>], vector<16xi32>,
          %gt3A_414 = arith.cmpf ogt, %gather3A_408, %get3A_132 : vector<16xf32>
          %eq3A_415 = arith.cmpf oeq, %gather3A_408, %get3A_132 : vector<16xf32>
          %lt3A_416 = arith.cmpi slt, %gather3A_413, %get3A_136 : vector<16xi32>
          %and3A_417 = arith.andi %eq3A_415, %lt3A_416 : vector<16xi1>
          %or3A_418 = arith.ori %gt3A_414, %and3A_417 : vector<16xi1>
          %convert_element_type3A_419 = arith.extui %or3A_418 : vector<16xi1> to vector<16xi32>
          %add3A_420 = arith.addi %add3A_397, %convert_element_type3A_419 : vector<16xi32>
          %add3A_421 = arith.constant 11 : i32
          %add3A_422 = vector.broadcast %add3A_421 : i32 to vector<16xi32>
          %add3A_423 = arith.addi %iota3A, %add3A_422 : vector<16xi32>
          %and3A_424 = arith.constant 15 : i32
          %and3A_425 = vector.broadcast %and3A_424 : i32 to vector<16xi32>
          %and3A_426 = arith.andi %add3A_423, %and3A_425 : vector<16xi32>
          %mul3A_427 = arith.constant 16 : i32
          %mul3A_428 = arith.muli %while3A_167, %mul3A_427 : i32
          %add3A_429 = vector.broadcast %mul3A_428 : i32 to vector<16xi32>
          %add3A_430 = arith.addi %add3A_429, %and3A_426 : vector<16xi32>
          %gather3A_431 = tpu.vector_load_idx %arg6[%add3A_430] : memref<2048xf32, #tpu.memory_space<vmem>>[vector<16xi32>], vector<16xf32>,
          %mul3A_432 = arith.constant 16 : i32
          %mul3A_433 = arith.muli %while3A_167, %mul3A_432 : i32
          %add3A_434 = vector.broadcast %mul3A_433 : i32 to vector<16xi32>
          %add3A_435 = arith.addi %add3A_434, %and3A_426 : vector<16xi32>
          %gather3A_436 = tpu.vector_load_idx %arg7[%add3A_435] : memref<2048xi32, #tpu.memory_space<vmem>>[vector<16xi32>], vector<16xi32>,
          %gt3A_437 = arith.cmpf ogt, %gather3A_431, %get3A_132 : vector<16xf32>
          %eq3A_438 = arith.cmpf oeq, %gather3A_431, %get3A_132 : vector<16xf32>
          %lt3A_439 = arith.cmpi slt, %gather3A_436, %get3A_136 : vector<16xi32>
          %and3A_440 = arith.andi %eq3A_438, %lt3A_439 : vector<16xi1>
          %or3A_441 = arith.ori %gt3A_437, %and3A_440 : vector<16xi1>
          %convert_element_type3A_442 = arith.extui %or3A_441 : vector<16xi1> to vector<16xi32>
          %add3A_443 = arith.addi %add3A_420, %convert_element_type3A_442 : vector<16xi32>
          %add3A_444 = arith.constant 12 : i32
          %add3A_445 = vector.broadcast %add3A_444 : i32 to vector<16xi32>
          %add3A_446 = arith.addi %iota3A, %add3A_445 : vector<16xi32>
          %and3A_447 = arith.constant 15 : i32
          %and3A_448 = vector.broadcast %and3A_447 : i32 to vector<16xi32>
          %and3A_449 = arith.andi %add3A_446, %and3A_448 : vector<16xi32>
          %mul3A_450 = arith.constant 16 : i32
          %mul3A_451 = arith.muli %while3A_167, %mul3A_450 : i32
          %add3A_452 = vector.broadcast %mul3A_451 : i32 to vector<16xi32>
          %add3A_453 = arith.addi %add3A_452, %and3A_449 : vector<16xi32>
          %gather3A_454 = tpu.vector_load_idx %arg6[%add3A_453] : memref<2048xf32, #tpu.memory_space<vmem>>[vector<16xi32>], vector<16xf32>,
          %mul3A_455 = arith.constant 16 : i32
          %mul3A_456 = arith.muli %while3A_167, %mul3A_455 : i32
          %add3A_457 = vector.broadcast %mul3A_456 : i32 to vector<16xi32>
          %add3A_458 = arith.addi %add3A_457, %and3A_449 : vector<16xi32>
          %gather3A_459 = tpu.vector_load_idx %arg7[%add3A_458] : memref<2048xi32, #tpu.memory_space<vmem>>[vector<16xi32>], vector<16xi32>,
          %gt3A_460 = arith.cmpf ogt, %gather3A_454, %get3A_132 : vector<16xf32>
          %eq3A_461 = arith.cmpf oeq, %gather3A_454, %get3A_132 : vector<16xf32>
          %lt3A_462 = arith.cmpi slt, %gather3A_459, %get3A_136 : vector<16xi32>
          %and3A_463 = arith.andi %eq3A_461, %lt3A_462 : vector<16xi1>
          %or3A_464 = arith.ori %gt3A_460, %and3A_463 : vector<16xi1>
          %convert_element_type3A_465 = arith.extui %or3A_464 : vector<16xi1> to vector<16xi32>
          %add3A_466 = arith.addi %add3A_443, %convert_element_type3A_465 : vector<16xi32>
          %add3A_467 = arith.constant 13 : i32
          %add3A_468 = vector.broadcast %add3A_467 : i32 to vector<16xi32>
          %add3A_469 = arith.addi %iota3A, %add3A_468 : vector<16xi32>
          %and3A_470 = arith.constant 15 : i32
          %and3A_471 = vector.broadcast %and3A_470 : i32 to vector<16xi32>
          %and3A_472 = arith.andi %add3A_469, %and3A_471 : vector<16xi32>
          %mul3A_473 = arith.constant 16 : i32
          %mul3A_474 = arith.muli %while3A_167, %mul3A_473 : i32
          %add3A_475 = vector.broadcast %mul3A_474 : i32 to vector<16xi32>
          %add3A_476 = arith.addi %add3A_475, %and3A_472 : vector<16xi32>
          %gather3A_477 = tpu.vector_load_idx %arg6[%add3A_476] : memref<2048xf32, #tpu.memory_space<vmem>>[vector<16xi32>], vector<16xf32>,
          %mul3A_478 = arith.constant 16 : i32
          %mul3A_479 = arith.muli %while3A_167, %mul3A_478 : i32
          %add3A_480 = vector.broadcast %mul3A_479 : i32 to vector<16xi32>
          %add3A_481 = arith.addi %add3A_480, %and3A_472 : vector<16xi32>
          %gather3A_482 = tpu.vector_load_idx %arg7[%add3A_481] : memref<2048xi32, #tpu.memory_space<vmem>>[vector<16xi32>], vector<16xi32>,
          %gt3A_483 = arith.cmpf ogt, %gather3A_477, %get3A_132 : vector<16xf32>
          %eq3A_484 = arith.cmpf oeq, %gather3A_477, %get3A_132 : vector<16xf32>
          %lt3A_485 = arith.cmpi slt, %gather3A_482, %get3A_136 : vector<16xi32>
          %and3A_486 = arith.andi %eq3A_484, %lt3A_485 : vector<16xi1>
          %or3A_487 = arith.ori %gt3A_483, %and3A_486 : vector<16xi1>
          %convert_element_type3A_488 = arith.extui %or3A_487 : vector<16xi1> to vector<16xi32>
          %add3A_489 = arith.addi %add3A_466, %convert_element_type3A_488 : vector<16xi32>
          %add3A_490 = arith.constant 14 : i32
          %add3A_491 = vector.broadcast %add3A_490 : i32 to vector<16xi32>
          %add3A_492 = arith.addi %iota3A, %add3A_491 : vector<16xi32>
          %and3A_493 = arith.constant 15 : i32
          %and3A_494 = vector.broadcast %and3A_493 : i32 to vector<16xi32>
          %and3A_495 = arith.andi %add3A_492, %and3A_494 : vector<16xi32>
          %mul3A_496 = arith.constant 16 : i32
          %mul3A_497 = arith.muli %while3A_167, %mul3A_496 : i32
          %add3A_498 = vector.broadcast %mul3A_497 : i32 to vector<16xi32>
          %add3A_499 = arith.addi %add3A_498, %and3A_495 : vector<16xi32>
          %gather3A_500 = tpu.vector_load_idx %arg6[%add3A_499] : memref<2048xf32, #tpu.memory_space<vmem>>[vector<16xi32>], vector<16xf32>,
          %mul3A_501 = arith.constant 16 : i32
          %mul3A_502 = arith.muli %while3A_167, %mul3A_501 : i32
          %add3A_503 = vector.broadcast %mul3A_502 : i32 to vector<16xi32>
          %add3A_504 = arith.addi %add3A_503, %and3A_495 : vector<16xi32>
          %gather3A_505 = tpu.vector_load_idx %arg7[%add3A_504] : memref<2048xi32, #tpu.memory_space<vmem>>[vector<16xi32>], vector<16xi32>,
          %gt3A_506 = arith.cmpf ogt, %gather3A_500, %get3A_132 : vector<16xf32>
          %eq3A_507 = arith.cmpf oeq, %gather3A_500, %get3A_132 : vector<16xf32>
          %lt3A_508 = arith.cmpi slt, %gather3A_505, %get3A_136 : vector<16xi32>
          %and3A_509 = arith.andi %eq3A_507, %lt3A_508 : vector<16xi1>
          %or3A_510 = arith.ori %gt3A_506, %and3A_509 : vector<16xi1>
          %convert_element_type3A_511 = arith.extui %or3A_510 : vector<16xi1> to vector<16xi32>
          %add3A_512 = arith.addi %add3A_489, %convert_element_type3A_511 : vector<16xi32>
          %add3A_513 = arith.constant 15 : i32
          %add3A_514 = vector.broadcast %add3A_513 : i32 to vector<16xi32>
          %add3A_515 = arith.addi %iota3A, %add3A_514 : vector<16xi32>
          %and3A_516 = arith.constant 15 : i32
          %and3A_517 = vector.broadcast %and3A_516 : i32 to vector<16xi32>
          %and3A_518 = arith.andi %add3A_515, %and3A_517 : vector<16xi32>
          %mul3A_519 = arith.constant 16 : i32
          %mul3A_520 = arith.muli %while3A_167, %mul3A_519 : i32
          %add3A_521 = vector.broadcast %mul3A_520 : i32 to vector<16xi32>
          %add3A_522 = arith.addi %add3A_521, %and3A_518 : vector<16xi32>
          %gather3A_523 = tpu.vector_load_idx %arg6[%add3A_522] : memref<2048xf32, #tpu.memory_space<vmem>>[vector<16xi32>], vector<16xf32>,
          %mul3A_524 = arith.constant 16 : i32
          %mul3A_525 = arith.muli %while3A_167, %mul3A_524 : i32
          %add3A_526 = vector.broadcast %mul3A_525 : i32 to vector<16xi32>
          %add3A_527 = arith.addi %add3A_526, %and3A_518 : vector<16xi32>
          %gather3A_528 = tpu.vector_load_idx %arg7[%add3A_527] : memref<2048xi32, #tpu.memory_space<vmem>>[vector<16xi32>], vector<16xi32>,
          %gt3A_529 = arith.cmpf ogt, %gather3A_523, %get3A_132 : vector<16xf32>
          %eq3A_530 = arith.cmpf oeq, %gather3A_523, %get3A_132 : vector<16xf32>
          %lt3A_531 = arith.cmpi slt, %gather3A_528, %get3A_136 : vector<16xi32>
          %and3A_532 = arith.andi %eq3A_530, %lt3A_531 : vector<16xi1>
          %or3A_533 = arith.ori %gt3A_529, %and3A_532 : vector<16xi1>
          %convert_element_type3A_534 = arith.extui %or3A_533 : vector<16xi1> to vector<16xi32>
          %add3A_535 = arith.addi %add3A_512, %convert_element_type3A_534 : vector<16xi32>
          %swap3A_536 = arith.constant 0 : index
          %swap3A_537 = tpu.vector_load %arg16[%swap3A_536] {strides = array<i32>} : memref<16xi32, #tpu.memory_space<vmem>>, vector<16xi32>,
          tpu.vector_store %arg16[%swap3A_536], %add3A_535 {strides = array<i32>} : memref<16xi32, #tpu.memory_space<vmem>>, vector<16xi32>,
          %while3A_538 = arith.constant 0 : i32
          scf.yield %while3A_538 : i32
        }
        %get3A_151 = arith.constant 0 : index
        %get3A_152 = tpu.vector_load %arg16[%get3A_151] {strides = array<i32>} : memref<16xi32, #tpu.memory_space<vmem>>, vector<16xi32>,
        %mul3A_153 = arith.constant 16 : i32
        %mul3A_154 = arith.muli %while3A_127, %mul3A_153 : i32
        %add3A_155 = vector.broadcast %mul3A_154 : i32 to vector<16xi32>
        %add3A_156 = arith.addi %iota3A, %add3A_155 : vector<16xi32>
        %lt3A_157 = arith.cmpi slt, %add3A_156, %broadcast_in_dim3A_84 : vector<16xi32>
        %lt3A_158 = arith.cmpi slt, %get3A_152, %broadcast_in_dim3A_74 : vector<16xi32>
        %and3A = arith.andi %lt3A_157, %lt3A_158 : vector<16xi1>
        tpu.vector_store_idx %arg12[%get3A_152], %get3A_136 masked %and3A : memref<512xi32, #tpu.memory_space<vmem>>[vector<16xi32>], vector<16xi32>, vector<16xi1>
        %min3A_159 = arith.constant 1279 : i32
        %min3A_160 = vector.broadcast %min3A_159 : i32 to vector<16xi32>
        %min3A_161 = arith.minsi %get3A_136, %min3A_160 : vector<16xi32>
        %lt3A_162 = arith.constant 1280 : i32
        %lt3A_163 = vector.broadcast %lt3A_162 : i32 to vector<16xi32>
        %lt3A_164 = arith.cmpi slt, %get3A_136, %lt3A_163 : vector<16xi32>
        %and3A_165 = arith.andi %and3A, %lt3A_164 : vector<16xi1>
        tpu.vector_store_idx %arg13[%min3A_161], %broadcast_in_dim3A_7 masked %and3A_165 : memref<1280xi32, #tpu.memory_space<vmem>>[vector<16xi32>], vector<16xi32>, vector<16xi1>
        %while3A_166 = arith.constant 0 : i32
        scf.yield %while3A_166 : i32
      }
      %broadcast_in_dim3A_96 = vector.broadcast %min3A_72 : i32 to vector<16xi32>
      %add3A_97 = arith.constant 15 : i32
      %add3A_98 = arith.addi %min3A_72, %add3A_97 : i32
      %shift_right_logical3A_99 = arith.constant 4 : i32
      %shift_right_logical3A_100 = arith.shrui %add3A_98, %shift_right_logical3A_99 : i32
      %while3A_101 = arith.constant 0 : i32
      %while3A_102 = arith.constant 0 : i32
      %while3A_103 = arith.subi %shift_right_logical3A_100, %while3A_101 : i32
      %while3A_104 = arith.addi %while3A_101, %while3A_103 : i32
      %while3A_105 = arith.constant 1 : i32
      %while3A_106 = arith.divsi %while3A_103, %while3A_105 : i32
      %while3A_107 = arith.muli %while3A_106, %while3A_105 : i32
      %while3A_108 = arith.addi %while3A_101, %while3A_107 : i32
      %while3A_109 = arith.constant 1 : i32
      %while3A_110 = scf.for %while3A_127 = %while3A_101 to %while3A_108 step %while3A_109 iter_args(%while3A_128 = %while3A_102) -> (i32)  : i32 {
        %mul3A_129 = arith.constant 16 : i32
        %mul3A_130 = arith.muli %while3A_127, %mul3A_129 : i32
        %get3A_131 = arith.index_cast %mul3A_130 : i32 to index
        %get3A_132 = tpu.vector_load %arg8[%get3A_131] {strides = array<i32>} : memref<544xi32, #tpu.memory_space<vmem>>, vector<16xi32>,
        %mul3A_133 = arith.constant 16 : i32
        %mul3A_134 = arith.muli %while3A_127, %mul3A_133 : i32
        %add3A_135 = vector.broadcast %mul3A_134 : i32 to vector<16xi32>
        %add3A_136 = arith.addi %iota3A, %add3A_135 : vector<16xi32>
        %add3A_137 = arith.addi %broadcast_in_dim3A_74, %add3A_136 : vector<16xi32>
        %lt3A_138 = arith.cmpi slt, %add3A_136, %broadcast_in_dim3A_96 : vector<16xi32>
        tpu.vector_store_idx %arg12[%add3A_137], %get3A_132 masked %lt3A_138 : memref<512xi32, #tpu.memory_space<vmem>>[vector<16xi32>], vector<16xi32>, vector<16xi1>
        %while3A_139 = arith.constant 0 : i32
        scf.yield %while3A_139 : i32
      }
      %while3A_111 = arith.constant 1 : i32
      %while3A_112 = scf.for %while3A_127 = %while3A_108 to %while3A_104 step %while3A_111 iter_args(%while3A_128 = %while3A_110) -> (i32)  : i32 {
        %mul3A_129 = arith.constant 16 : i32
        %mul3A_130 = arith.muli %while3A_127, %mul3A_129 : i32
        %get3A_131 = arith.index_cast %mul3A_130 : i32 to index
        %get3A_132 = tpu.vector_load %arg8[%get3A_131] {strides = array<i32>} : memref<544xi32, #tpu.memory_space<vmem>>, vector<16xi32>,
        %mul3A_133 = arith.constant 16 : i32
        %mul3A_134 = arith.muli %while3A_127, %mul3A_133 : i32
        %add3A_135 = vector.broadcast %mul3A_134 : i32 to vector<16xi32>
        %add3A_136 = arith.addi %iota3A, %add3A_135 : vector<16xi32>
        %add3A_137 = arith.addi %broadcast_in_dim3A_74, %add3A_136 : vector<16xi32>
        %lt3A_138 = arith.cmpi slt, %add3A_136, %broadcast_in_dim3A_96 : vector<16xi32>
        tpu.vector_store_idx %arg12[%add3A_137], %get3A_132 masked %lt3A_138 : memref<512xi32, #tpu.memory_space<vmem>>[vector<16xi32>], vector<16xi32>, vector<16xi1>
        %while3A_139 = arith.constant 0 : i32
        scf.yield %while3A_139 : i32
      }
      %sub3A_113 = arith.constant 512 : i32
      %sub3A_114 = arith.subi %sub3A_113, %min3A_69 : i32
      %sub3A_115 = arith.subi %sub3A_114, %min3A_71 : i32
      %gt3A_116 = arith.constant 0 : i32
      %gt3A_117 = arith.cmpi sgt, %sub3A_115, %gt3A_116 : i32
      %convert_element_type3A_118 = arith.extui %gt3A_117 : i1 to i32
      %cond3A_119 = arith.constant 0 : i32
      %cond3A_120 = arith.cmpi ne, %convert_element_type3A_118, %cond3A_119 : i32
      scf.if %cond3A_120 {
        %scan3A_127 = arith.constant 0 : i32
        %scan3A_128 = arith.constant 0 : i32
        %scan3A_129 = arith.constant 80 : i32
        %scan3A_130 = arith.addi %scan3A_128, %scan3A_129 : i32
        %scan3A_131 = arith.constant 1 : i32
        %scan3A_132 = scf.for %scan3A_144 = %scan3A_128 to %scan3A_130 step %scan3A_131 iter_args(%scan3A_145 = %scan3A_127) -> (i32)  : i32 {
          %mul3A_146 = arith.constant 16 : i32
          %mul3A_147 = arith.muli %scan3A_144, %mul3A_146 : i32
          %get3A_148 = arith.index_cast %mul3A_147 : i32 to index
          %get3A_149 = tpu.vector_load %arg5[%get3A_148] {strides = array<i32>} : memref<20480xf32, #tpu.memory_space<vmem>>, vector<16xf32>,
          %mul3A_150 = arith.constant 16 : i32
          %mul3A_151 = arith.muli %scan3A_144, %mul3A_150 : i32
          %add3A_152 = vector.broadcast %mul3A_151 : i32 to vector<16xi32>
          %add3A_153 = arith.addi %iota3A, %add3A_152 : vector<16xi32>
          %lt3A_154 = arith.constant 1.000000e-01 : f32
          %lt3A_155 = vector.broadcast %lt3A_154 : f32 to vector<16xf32>
          %lt3A_156 = arith.cmpf olt, %get3A_149, %lt3A_155 : vector<16xf32>
          %mul3A_157 = arith.constant 16 : i32
          %mul3A_158 = arith.muli %scan3A_144, %mul3A_157 : i32
          %get3A_159 = arith.index_cast %mul3A_158 : i32 to index
          %get3A_160 = tpu.vector_load %arg13[%get3A_159] {strides = array<i32>} : memref<1280xi32, #tpu.memory_space<vmem>>, vector<16xi32>,
          %not3A = arith.constant dense<true> : vector<16xi1>
          %not3A_161 = arith.xori %lt3A_156, %not3A : vector<16xi1>
          %eq3A = arith.constant 0 : i32
          %eq3A_162 = vector.broadcast %eq3A : i32 to vector<16xi32>
          %eq3A_163 = arith.cmpi eq, %get3A_160, %eq3A_162 : vector<16xi32>
          %and3A = arith.andi %not3A_161, %eq3A_163 : vector<16xi1>
          %convert_element_type3A_164 = arith.extui %and3A : vector<16xi1> to vector<16xi32>
          %swap3A_165 = arith.constant 0 : index
          %swap3A_166 = tpu.vector_load %arg15[%swap3A_165] {strides = array<i32>} : memref<16xi32, #tpu.memory_space<vmem>>, vector<16xi32>,
          tpu.vector_store %arg15[%swap3A_165], %convert_element_type3A_164 {strides = array<i32>} : memref<16xi32, #tpu.memory_space<vmem>>, vector<16xi32>,
          %sub3A_167 = arith.constant 1 : i32
          %sub3A_168 = vector.broadcast %sub3A_167 : i32 to vector<16xi32>
          %sub3A_169 = arith.subi %iota3A, %sub3A_168 : vector<16xi32>
          %max3A = arith.constant 0 : i32
          %max3A_170 = vector.broadcast %max3A : i32 to vector<16xi32>
          %max3A_171 = arith.maxsi %sub3A_169, %max3A_170 : vector<16xi32>
          %gather3A = tpu.vector_load_idx %arg15[%max3A_171] : memref<16xi32, #tpu.memory_space<vmem>>[vector<16xi32>], vector<16xi32>,
          %ge3A = arith.constant 1 : i32
          %ge3A_172 = vector.broadcast %ge3A : i32 to vector<16xi32>
          %ge3A_173 = arith.cmpi sge, %iota3A, %ge3A_172 : vector<16xi32>
          %convert_element_type3A_174 = arith.extui %ge3A_173 : vector<16xi1> to vector<16xi32>
          %mul3A_175 = arith.muli %gather3A, %convert_element_type3A_174 : vector<16xi32>
          %add3A_176 = arith.addi %convert_element_type3A_164, %mul3A_175 : vector<16xi32>
          %swap3A_177 = arith.constant 0 : index
          %swap3A_178 = tpu.vector_load %arg15[%swap3A_177] {strides = array<i32>} : memref<16xi32, #tpu.memory_space<vmem>>, vector<16xi32>,
          tpu.vector_store %arg15[%swap3A_177], %add3A_176 {strides = array<i32>} : memref<16xi32, #tpu.memory_space<vmem>>, vector<16xi32>,
          %sub3A_179 = arith.constant 2 : i32
          %sub3A_180 = vector.broadcast %sub3A_179 : i32 to vector<16xi32>
          %sub3A_181 = arith.subi %iota3A, %sub3A_180 : vector<16xi32>
          %max3A_182 = arith.constant 0 : i32
          %max3A_183 = vector.broadcast %max3A_182 : i32 to vector<16xi32>
          %max3A_184 = arith.maxsi %sub3A_181, %max3A_183 : vector<16xi32>
          %gather3A_185 = tpu.vector_load_idx %arg15[%max3A_184] : memref<16xi32, #tpu.memory_space<vmem>>[vector<16xi32>], vector<16xi32>,
          %ge3A_186 = arith.constant 2 : i32
          %ge3A_187 = vector.broadcast %ge3A_186 : i32 to vector<16xi32>
          %ge3A_188 = arith.cmpi sge, %iota3A, %ge3A_187 : vector<16xi32>
          %convert_element_type3A_189 = arith.extui %ge3A_188 : vector<16xi1> to vector<16xi32>
          %mul3A_190 = arith.muli %gather3A_185, %convert_element_type3A_189 : vector<16xi32>
          %add3A_191 = arith.addi %add3A_176, %mul3A_190 : vector<16xi32>
          %swap3A_192 = arith.constant 0 : index
          %swap3A_193 = tpu.vector_load %arg15[%swap3A_192] {strides = array<i32>} : memref<16xi32, #tpu.memory_space<vmem>>, vector<16xi32>,
          tpu.vector_store %arg15[%swap3A_192], %add3A_191 {strides = array<i32>} : memref<16xi32, #tpu.memory_space<vmem>>, vector<16xi32>,
          %sub3A_194 = arith.constant 4 : i32
          %sub3A_195 = vector.broadcast %sub3A_194 : i32 to vector<16xi32>
          %sub3A_196 = arith.subi %iota3A, %sub3A_195 : vector<16xi32>
          %max3A_197 = arith.constant 0 : i32
          %max3A_198 = vector.broadcast %max3A_197 : i32 to vector<16xi32>
          %max3A_199 = arith.maxsi %sub3A_196, %max3A_198 : vector<16xi32>
          %gather3A_200 = tpu.vector_load_idx %arg15[%max3A_199] : memref<16xi32, #tpu.memory_space<vmem>>[vector<16xi32>], vector<16xi32>,
          %ge3A_201 = arith.constant 4 : i32
          %ge3A_202 = vector.broadcast %ge3A_201 : i32 to vector<16xi32>
          %ge3A_203 = arith.cmpi sge, %iota3A, %ge3A_202 : vector<16xi32>
          %convert_element_type3A_204 = arith.extui %ge3A_203 : vector<16xi1> to vector<16xi32>
          %mul3A_205 = arith.muli %gather3A_200, %convert_element_type3A_204 : vector<16xi32>
          %add3A_206 = arith.addi %add3A_191, %mul3A_205 : vector<16xi32>
          %swap3A_207 = arith.constant 0 : index
          %swap3A_208 = tpu.vector_load %arg15[%swap3A_207] {strides = array<i32>} : memref<16xi32, #tpu.memory_space<vmem>>, vector<16xi32>,
          tpu.vector_store %arg15[%swap3A_207], %add3A_206 {strides = array<i32>} : memref<16xi32, #tpu.memory_space<vmem>>, vector<16xi32>,
          %sub3A_209 = arith.constant 8 : i32
          %sub3A_210 = vector.broadcast %sub3A_209 : i32 to vector<16xi32>
          %sub3A_211 = arith.subi %iota3A, %sub3A_210 : vector<16xi32>
          %max3A_212 = arith.constant 0 : i32
          %max3A_213 = vector.broadcast %max3A_212 : i32 to vector<16xi32>
          %max3A_214 = arith.maxsi %sub3A_211, %max3A_213 : vector<16xi32>
          %gather3A_215 = tpu.vector_load_idx %arg15[%max3A_214] : memref<16xi32, #tpu.memory_space<vmem>>[vector<16xi32>], vector<16xi32>,
          %ge3A_216 = arith.constant 8 : i32
          %ge3A_217 = vector.broadcast %ge3A_216 : i32 to vector<16xi32>
          %ge3A_218 = arith.cmpi sge, %iota3A, %ge3A_217 : vector<16xi32>
          %convert_element_type3A_219 = arith.extui %ge3A_218 : vector<16xi1> to vector<16xi32>
          %mul3A_220 = arith.muli %gather3A_215, %convert_element_type3A_219 : vector<16xi32>
          %add3A_221 = arith.addi %add3A_206, %mul3A_220 : vector<16xi32>
          %broadcast_in_dim3A_222 = vector.broadcast %scan3A_145 : i32 to vector<16xi32>
          %sub3A_223 = arith.constant 1 : i32
          %sub3A_224 = vector.broadcast %sub3A_223 : i32 to vector<16xi32>
          %sub3A_225 = arith.subi %broadcast_in_dim3A_222, %sub3A_224 : vector<16xi32>
          %add3A_226 = arith.addi %sub3A_225, %add3A_221 : vector<16xi32>
          %lt3A_227 = arith.cmpi slt, %add3A_226, %broadcast_in_dim3A_14 : vector<16xi32>
          %and3A_228 = arith.andi %and3A, %lt3A_227 : vector<16xi1>
          tpu.vector_store_idx %arg14[%add3A_226], %add3A_153 masked %and3A_228 : memref<544xi32, #tpu.memory_space<vmem>>[vector<16xi32>], vector<16xi32>, vector<16xi1>
          %reduce_max3A = arith.constant true
          %reduce_max3A_229 = vector.broadcast %reduce_max3A : i1 to vector<16xi1>
          %reduce_max3A_230 = arith.constant -2147483648 : i32
          %reduce_max3A_231 = vector.broadcast %reduce_max3A_230 : i32 to vector<16xi32>
          %reduce_max3A_232 = arith.xori %add3A_221, %reduce_max3A_231 : vector<16xi32>
          %reduce_max3A_233 = tpu.scan <max>, %reduce_max3A_232 masked %reduce_max3A_229 : vector<16xi32>, vector<16xi1> -> vector<16xi32>
          %reduce_max3A_234 = arith.xori %reduce_max3A_233, %reduce_max3A_231 : vector<16xi32>
          %reduce_max3A_235 = vector.extract %reduce_max3A_234[15] : i32 from vector<16xi32>
          %add3A_236 = arith.addi %scan3A_145, %reduce_max3A_235 : i32
          scf.yield %add3A_236 : i32
        }
        %scan3A_133 = arith.constant 80 : i32
        %add3A_134 = arith.addi %min3A_69, %min3A_71 : i32
        %broadcast_in_dim3A_135 = vector.broadcast %add3A_134 : i32 to vector<16xi32>
        %broadcast_in_dim3A_136 = vector.broadcast %sub3A_115 : i32 to vector<16xi32>
        %scan3A_137 = arith.constant 0 : i32
        %scan3A_138 = arith.constant 0 : i32
        %scan3A_139 = arith.constant 32 : i32
        %scan3A_140 = arith.addi %scan3A_138, %scan3A_139 : i32
        %scan3A_141 = arith.constant 1 : i32
        %scan3A_142 = scf.for %scan3A_144 = %scan3A_138 to %scan3A_140 step %scan3A_141 iter_args(%scan3A_145 = %scan3A_137) -> (i32)  : i32 {
          %mul3A_146 = arith.constant 16 : i32
          %mul3A_147 = arith.muli %scan3A_144, %mul3A_146 : i32
          %get3A_148 = arith.index_cast %mul3A_147 : i32 to index
          %get3A_149 = tpu.vector_load %arg14[%get3A_148] {strides = array<i32>} : memref<544xi32, #tpu.memory_space<vmem>>, vector<16xi32>,
          %mul3A_150 = arith.constant 16 : i32
          %mul3A_151 = arith.muli %scan3A_144, %mul3A_150 : i32
          %add3A_152 = vector.broadcast %mul3A_151 : i32 to vector<16xi32>
          %add3A_153 = arith.addi %iota3A, %add3A_152 : vector<16xi32>
          %add3A_154 = arith.addi %broadcast_in_dim3A_135, %add3A_153 : vector<16xi32>
          %lt3A_155 = arith.cmpi slt, %add3A_153, %broadcast_in_dim3A_136 : vector<16xi32>
          tpu.vector_store_idx %arg12[%add3A_154], %get3A_149 masked %lt3A_155 : memref<512xi32, #tpu.memory_space<vmem>>[vector<16xi32>], vector<16xi32>, vector<16xi1>
          %scan3A_156 = arith.constant 0 : i32
          scf.yield %scan3A_156 : i32
        }
        %scan3A_143 = arith.constant 32 : i32
      } else {
      }
      %swap3A_121 = arith.constant 0 : index
      %swap3A_122 = tpu.vector_load %arg17[%swap3A_121] {strides = array<i32>} : memref<16xi32, #tpu.memory_space<vmem>>, vector<16xi32>,
      tpu.vector_store %arg17[%swap3A_121], %broadcast_in_dim3A_74 {strides = array<i32>} : memref<16xi32, #tpu.memory_space<vmem>>, vector<16xi32>,
      %mul3A_123 = arith.constant 512 : i32
      %mul3A_124 = arith.muli %add3A, %mul3A_123 : i32
      "tpu.region"() ({
        %run_scoped3A = tpu.sem_alloc : memref<!tpu.dma_semaphore, #tpu.memory_space<semaphore_mem>>
        %dma_start3A = tpu.memref_slice %arg3[%mul3A_124] : memref<4096xi32, #tpu.memory_space<hbm>> -> memref<512xi32, #tpu.memory_space<hbm>>
        %dma_start3A_127 = tpu.memref_slice %arg3[%mul3A_124] : memref<4096xi32, #tpu.memory_space<hbm>> -> memref<512xi32, #tpu.memory_space<hbm>>
        tpu.enqueue_dma source(%arg12 : memref<512xi32, #tpu.memory_space<vmem>>) target(%dma_start3A_127 : memref<512xi32, #tpu.memory_space<hbm>>) target_semaphore(%run_scoped3A : memref<!tpu.dma_semaphore, #tpu.memory_space<semaphore_mem>>)
        %dma_wait3A = tpu.memref_slice %arg3[%mul3A_124] : memref<4096xi32, #tpu.memory_space<hbm>> -> memref<512xi32, #tpu.memory_space<hbm>>
        %dma_wait3A_128 = tpu.memref_slice %arg3[%mul3A_124] : memref<4096xi32, #tpu.memory_space<hbm>> -> memref<512xi32, #tpu.memory_space<hbm>>
        tpu.wait_dma2 semaphore(%run_scoped3A : memref<!tpu.dma_semaphore, #tpu.memory_space<semaphore_mem>>) src(%arg12 : memref<512xi32, #tpu.memory_space<vmem>>) dst(%dma_wait3A_128 : memref<512xi32, #tpu.memory_space<hbm>>)
        tpu.yield
      }) : () -> ()
      %mul3A_125 = arith.constant 16 : i32
      %mul3A_126 = arith.muli %add3A, %mul3A_125 : i32
      "tpu.region"() ({
        %run_scoped3A = tpu.sem_alloc : memref<!tpu.dma_semaphore, #tpu.memory_space<semaphore_mem>>
        %dma_start3A = tpu.memref_slice %arg4[%mul3A_126] : memref<128xi32, #tpu.memory_space<hbm>> -> memref<16xi32, #tpu.memory_space<hbm>>
        %dma_start3A_127 = tpu.memref_slice %arg4[%mul3A_126] : memref<128xi32, #tpu.memory_space<hbm>> -> memref<16xi32, #tpu.memory_space<hbm>>
        tpu.enqueue_dma source(%arg17 : memref<16xi32, #tpu.memory_space<vmem>>) target(%dma_start3A_127 : memref<16xi32, #tpu.memory_space<hbm>>) target_semaphore(%run_scoped3A : memref<!tpu.dma_semaphore, #tpu.memory_space<semaphore_mem>>)
        %dma_wait3A = tpu.memref_slice %arg4[%mul3A_126] : memref<128xi32, #tpu.memory_space<hbm>> -> memref<16xi32, #tpu.memory_space<hbm>>
        %dma_wait3A_128 = tpu.memref_slice %arg4[%mul3A_126] : memref<128xi32, #tpu.memory_space<hbm>> -> memref<16xi32, #tpu.memory_space<hbm>>
        tpu.wait_dma2 semaphore(%run_scoped3A : memref<!tpu.dma_semaphore, #tpu.memory_space<semaphore_mem>>) src(%arg17 : memref<16xi32, #tpu.memory_space<vmem>>) dst(%dma_wait3A_128 : memref<16xi32, #tpu.memory_space<hbm>>)
        tpu.yield
      }) : () -> ()
    } else {
    }
    return
  }
}

module attributes {stable_mosaic.version = 14 : i64} {
  func.func @_iou_body(%arg0: i32, %arg1: i32, %arg2: memref<1x4x2048xf32, #tpu.memory_space<vmem>>, %arg3: memref<1x64x4xf32, #tpu.memory_space<vmem>>, %arg4: memref<1x1x2048xf32, #tpu.memory_space<vmem>>, %arg5: memref<1x1x2048xi32, #tpu.memory_space<vmem>>) attributes {dimension_semantics = [#tpu.dimension_semantics<arbitrary>, #tpu.dimension_semantics<arbitrary>], iteration_bounds = array<i64: 8, 10>, scalar_prefetch = 0 : i64, scratch_operands = 0 : i64, tpu.core_type = #tpu.core_type<tc>, window_params = [{transform_indices = @transform_0, window_bounds = array<i64: 1, 4, 2048>}, {transform_indices = @transform_1, window_bounds = array<i64: 1, 64, 4>}, {transform_indices = @transform_2, window_bounds = array<i64: 1, 1, 2048>}, {transform_indices = @transform_3, window_bounds = array<i64: 1, 1, 2048>}]} {
    %get3A = arith.constant 0 : index
    %get3A_0 = arith.constant 0 : index
    %get3A_1 = arith.constant 0 : index
    %get3A_2 = vector.load %arg2[%get3A, %get3A_0, %get3A_1] : memref<1x4x2048xf32, #tpu.memory_space<vmem>>, vector<1x4x2048xf32>
    %get3A_3 = vector.shape_cast %get3A_2 : vector<1x4x2048xf32> to vector<4x2048xf32>
    %get3A_4 = arith.constant 0 : index
    %get3A_5 = arith.constant 0 : index
    %get3A_6 = arith.constant 0 : index
    %get3A_7 = vector.load %arg3[%get3A_4, %get3A_5, %get3A_6] : memref<1x64x4xf32, #tpu.memory_space<vmem>>, vector<1x64x4xf32>
    %get3A_8 = vector.shape_cast %get3A_7 : vector<1x64x4xf32> to vector<64x4xf32>
    %slice3A = vector.extract_strided_slice %get3A_3 {offsets = [0, 0], sizes = [1, 2048], strides = [1, 1]} : vector<4x2048xf32> to vector<1x2048xf32>
    %slice3A_9 = vector.extract_strided_slice %get3A_3 {offsets = [1, 0], sizes = [1, 2048], strides = [1, 1]} : vector<4x2048xf32> to vector<1x2048xf32>
    %slice3A_10 = vector.extract_strided_slice %get3A_3 {offsets = [2, 0], sizes = [1, 2048], strides = [1, 1]} : vector<4x2048xf32> to vector<1x2048xf32>
    %slice3A_11 = vector.extract_strided_slice %get3A_3 {offsets = [3, 0], sizes = [1, 2048], strides = [1, 1]} : vector<4x2048xf32> to vector<1x2048xf32>
    %slice3A_12 = vector.extract_strided_slice %get3A_8 {offsets = [0, 0], sizes = [64, 1], strides = [1, 1]} : vector<64x4xf32> to vector<64x1xf32>
    %slice3A_13 = vector.extract_strided_slice %get3A_8 {offsets = [0, 1], sizes = [64, 1], strides = [1, 1]} : vector<64x4xf32> to vector<64x1xf32>
    %slice3A_14 = vector.extract_strided_slice %get3A_8 {offsets = [0, 2], sizes = [64, 1], strides = [1, 1]} : vector<64x4xf32> to vector<64x1xf32>
    %slice3A_15 = vector.extract_strided_slice %get3A_8 {offsets = [0, 3], sizes = [64, 1], strides = [1, 1]} : vector<64x4xf32> to vector<64x1xf32>
    %max3A = vector.broadcast %slice3A : vector<1x2048xf32> to vector<64x2048xf32>
    %max3A_16 = vector.broadcast %slice3A_12 : vector<64x1xf32> to vector<64x2048xf32>
    %max3A_17 = arith.maximumf %max3A, %max3A_16 : vector<64x2048xf32>
    %max3A_18 = vector.broadcast %slice3A_9 : vector<1x2048xf32> to vector<64x2048xf32>
    %max3A_19 = vector.broadcast %slice3A_13 : vector<64x1xf32> to vector<64x2048xf32>
    %max3A_20 = arith.maximumf %max3A_18, %max3A_19 : vector<64x2048xf32>
    %min3A = vector.broadcast %slice3A_10 : vector<1x2048xf32> to vector<64x2048xf32>
    %min3A_21 = vector.broadcast %slice3A_14 : vector<64x1xf32> to vector<64x2048xf32>
    %min3A_22 = arith.minimumf %min3A, %min3A_21 : vector<64x2048xf32>
    %min3A_23 = vector.broadcast %slice3A_11 : vector<1x2048xf32> to vector<64x2048xf32>
    %min3A_24 = vector.broadcast %slice3A_15 : vector<64x1xf32> to vector<64x2048xf32>
    %min3A_25 = arith.minimumf %min3A_23, %min3A_24 : vector<64x2048xf32>
    %sub3A = arith.subf %min3A_22, %max3A_17 : vector<64x2048xf32>
    %max3A_26 = arith.constant 0.000000e+00 : f32
    %max3A_27 = vector.broadcast %max3A_26 : f32 to vector<64x2048xf32>
    %max3A_28 = arith.maximumf %sub3A, %max3A_27 : vector<64x2048xf32>
    %sub3A_29 = arith.subf %min3A_25, %max3A_20 : vector<64x2048xf32>
    %max3A_30 = arith.constant 0.000000e+00 : f32
    %max3A_31 = vector.broadcast %max3A_30 : f32 to vector<64x2048xf32>
    %max3A_32 = arith.maximumf %sub3A_29, %max3A_31 : vector<64x2048xf32>
    %mul3A = arith.mulf %max3A_28, %max3A_32 : vector<64x2048xf32>
    %sub3A_33 = arith.subf %slice3A_10, %slice3A : vector<1x2048xf32>
    %sub3A_34 = arith.subf %slice3A_11, %slice3A_9 : vector<1x2048xf32>
    %mul3A_35 = arith.mulf %sub3A_33, %sub3A_34 : vector<1x2048xf32>
    %sub3A_36 = arith.subf %slice3A_14, %slice3A_12 : vector<64x1xf32>
    %sub3A_37 = arith.subf %slice3A_15, %slice3A_13 : vector<64x1xf32>
    %mul3A_38 = arith.mulf %sub3A_36, %sub3A_37 : vector<64x1xf32>
    %add3A = vector.broadcast %mul3A_35 : vector<1x2048xf32> to vector<64x2048xf32>
    %add3A_39 = vector.broadcast %mul3A_38 : vector<64x1xf32> to vector<64x2048xf32>
    %add3A_40 = arith.addf %add3A, %add3A_39 : vector<64x2048xf32>
    %sub3A_41 = arith.subf %add3A_40, %mul3A : vector<64x2048xf32>
    %max3A_42 = arith.constant 9.99999993E-9 : f32
    %max3A_43 = vector.broadcast %max3A_42 : f32 to vector<64x2048xf32>
    %max3A_44 = arith.maximumf %sub3A_41, %max3A_43 : vector<64x2048xf32>
    %div3A = arith.divf %mul3A, %max3A_44 : vector<64x2048xf32>
    %reduce_max3A = arith.constant dense<0xFF800000> : vector<2048xf32>
    %reduce_max3A_45 = vector.multi_reduction <maximumf>, %div3A, %reduce_max3A [0] : vector<64x2048xf32> to vector<2048xf32>
    %broadcast_in_dim3A = vector.shape_cast %reduce_max3A_45 : vector<2048xf32> to vector<1x2048xf32>
    %iota3A = tpu.iota {dimensions = array<i32: 0>} : vector<64x1xi32>
    %eq3A = vector.broadcast %broadcast_in_dim3A : vector<1x2048xf32> to vector<64x2048xf32>
    %eq3A_46 = arith.cmpf oeq, %div3A, %eq3A : vector<64x2048xf32>
    %jit3A = arith.constant 64 : i32
    %broadcast_in_dim3A_47 = vector.shape_cast %iota3A : vector<64x1xi32> to vector<64x1xi32>
    %broadcast_in_dim3A_48 = vector.broadcast %broadcast_in_dim3A_47 : vector<64x1xi32> to vector<64x2048xi32>
    %broadcast_in_dim3A_49 = vector.broadcast %jit3A : i32 to vector<64x2048xi32>
    %select_n3A = arith.select %eq3A_46, %broadcast_in_dim3A_48, %broadcast_in_dim3A_49 : vector<64x2048xi1>, vector<64x2048xi32>
    %reduce_min3A = arith.constant dense<2147483647> : vector<2048xi32>
    %reduce_min3A_50 = vector.multi_reduction <minsi>, %select_n3A, %reduce_min3A [0] : vector<64x2048xi32> to vector<2048xi32>
    %broadcast_in_dim3A_51 = vector.shape_cast %reduce_min3A_50 : vector<2048xi32> to vector<1x2048xi32>
    %broadcast_in_dim3A_52 = vector.shape_cast %broadcast_in_dim3A : vector<1x2048xf32> to vector<1x1x2048xf32>
    %swap3A = arith.constant 0 : index
    %swap3A_53 = arith.constant 0 : index
    %swap3A_54 = arith.constant 0 : index
    %swap3A_55 = vector.load %arg4[%swap3A, %swap3A_53, %swap3A_54] : memref<1x1x2048xf32, #tpu.memory_space<vmem>>, vector<1x1x2048xf32>
    tpu.vector_store %arg4[%swap3A, %swap3A_53, %swap3A_54], %broadcast_in_dim3A_52 {strides = array<i32>} : memref<1x1x2048xf32, #tpu.memory_space<vmem>>, vector<1x1x2048xf32>,
    %broadcast_in_dim3A_56 = vector.shape_cast %broadcast_in_dim3A_51 : vector<1x2048xi32> to vector<1x1x2048xi32>
    %swap3A_57 = arith.constant 0 : index
    %swap3A_58 = arith.constant 0 : index
    %swap3A_59 = arith.constant 0 : index
    %swap3A_60 = vector.load %arg5[%swap3A_57, %swap3A_58, %swap3A_59] : memref<1x1x2048xi32, #tpu.memory_space<vmem>>, vector<1x1x2048xi32>
    tpu.vector_store %arg5[%swap3A_57, %swap3A_58, %swap3A_59], %broadcast_in_dim3A_56 {strides = array<i32>} : memref<1x1x2048xi32, #tpu.memory_space<vmem>>, vector<1x1x2048xi32>,
    return
  }
  func.func @transform_0(%arg0: i32, %arg1: i32) -> (i32, i32, i32) {
    %c0_i32 = arith.constant 0 : i32
    %c0_i32_0 = arith.constant 0 : i32
    return %arg0, %c0_i32, %arg1 : i32, i32, i32
  }
  func.func @transform_1(%arg0: i32, %arg1: i32) -> (i32, i32, i32) {
    %c0_i32 = arith.constant 0 : i32
    %c0_i32_0 = arith.constant 0 : i32
    %c0_i32_1 = arith.constant 0 : i32
    return %arg0, %c0_i32, %c0_i32_0 : i32, i32, i32
  }
  func.func @transform_2(%arg0: i32, %arg1: i32) -> (i32, i32, i32) {
    %mul3A = arith.constant 10 : i32
    %mul3A_0 = arith.muli %arg0, %mul3A : i32
    %add3A = arith.addi %mul3A_0, %arg1 : i32
    %c0_i32 = arith.constant 0 : i32
    %c0_i32_1 = arith.constant 0 : i32
    %c0_i32_2 = arith.constant 0 : i32
    return %add3A, %c0_i32, %c0_i32_1 : i32, i32, i32
  }
  func.func @transform_3(%arg0: i32, %arg1: i32) -> (i32, i32, i32) {
    %mul3A = arith.constant 10 : i32
    %mul3A_0 = arith.muli %arg0, %mul3A : i32
    %add3A = arith.addi %mul3A_0, %arg1 : i32
    %c0_i32 = arith.constant 0 : i32
    %c0_i32_1 = arith.constant 0 : i32
    %c0_i32_2 = arith.constant 0 : i32
    return %add3A, %c0_i32, %c0_i32_1 : i32, i32, i32
  }
}

</mosaic_0001>

<sc_bundles>
// kernel: gather_offload_async_start.1
scs
__scs_entry_jumppad:
0x0: {  	(pc) =	sbr.rel $0x88, $3  }
0x1: {  	(tag) =	ssettag $0x0;
	lr =	simm.s32 $0x1  }
0x2: {  	[smem:$0x3F9F] =	sst lr;
	_ =	strace $0xD0000000  }
0x3: {  	_ = 	snop  }
0x4: {  	_ = 	snop  }
0x5: {  	_ = 	snop  }
0x6: {  	_ = 	snop  }
0x7: {  	_ = 	snop  }
__scs_overlays_trampoline_lowered:
0x8: {  	[smem:$0x3FAE] =	sst s0  }
0x9: {  	[smem:$0x3FAF] =	sst s1  }
0xa: {  	[smem:$0x3FB0] =	sst s2  }
0xb: {  	[smem:$0x3FB1] =	sst s3  }
0xc: {  	[smem:$0x3FB2] =	sst s4  }
0xd: {  	[smem:$0x3FB3] =	sst s5  }
0xe: {  	[smem:$0x3FB4] =	sst s6  }
0xf: {  	[smem:$0x3FB5] =	sst s7  }
0x10: {  	[smem:$0x3FB6] =	sst s8  }
0x11: {  	[smem:$0x3FB7] =	sst s9;
	s0 =	simm.s32 @!p0 $0x0  }
0x12: {  	s1 =	sld [smem:$0x3F9D];
	s0 =	simm.s32 @p0 $0x1  }
0x13: {  	[smem:$0x3FB8] =	sst s0;
	s0 =	simm.s32 @!p1 $0x0  }
0x14: {  	s2 =	sld [smem:$0x3F9C];
	s0 =	simm.s32 @p1 $0x1  }
0x15: {  	[smem:$0x3FB9] =	sst s0;
	s0 =	simm.s32 @!p2 $0x0  }
0x16: {  	s3 =	sld [smem:$0x3FDB];
	s0 =	simm.s32 @p2 $0x1  }
0x17: {  	s4 =	simm.s32 $0x1BF5;
	[smem:$0x3FBB] =	sst s0  }
0x18: {  	s0 =	sld [smem:$0x3F9E];
	_ =	swait.ge [sflag:s4], $0x0  }
0x19: {  	s7 =	sld [smem:$0x3F9F]  }
0x1a: {  	s8 =	sadd.s32 $0xFFFFE003, lr  }
0x1b: {  	s9 =	sadd.s32 $0xFFFFFEF7, lr;
	s5 =	simm.s32 $0xFFFFFFFF;
	p2 =	slt.u32 s8, $0xFFFFF086  }
0x1c: {  	p1 =	slt.u32 s9, $0xF7A;
	s5 =	simm.s32 @!p2 $0x0  }
0x1d: {  	s5 =	simm.s32 @p1 $0x1;
	p0 =	seq.s32 s7, s2  }
0x1e: {  	s7 =	smul.u32 @!p0 $0xF7A, s2;
	p2 =	seq.s32 @!p0 s5, $0x0  }
0x1f: {  	s9 =	smul.u32 $0xF7A, s1;
	s8 =	simm.s32 @!p0 $0x1BF5;
	p2 =	por !p2, p0  }
0x20: {  	[sflag:s8] =	ssyncset.s32 @!p0 $0xFFFFF086;
	s6 =	sadd.s32 @!p0 s3, s7;
	s7 =	simm.s32 @!p0 $0x108  }
0x21: {  	s3 =	sadd.s32 s3, s9;
	s6 =	sadd.s32 @!p0 $0x88, s6;
	s7 =	simm.s32 @p2 $0x1082  }
0x22: {  	[simem:s7], [sflag:s8] =	dma.local @!p0 [hbm:s6], $0xF7A  }
0x23: {  	s9 =	sor.u32 $0xD0000000, s2;
	s6 =	simm.s32 $0x108;
	_ =	swait.ge @!p0 [sflag:s8], $0x0  }
0x24: {  	s3 =	sadd.s32 $0x88, s3;
	s6 =	simm.s32 @!p1 $0x1082;
	[sflag:s4] =	ssyncset.s32 $0xFFFFF086  }
0x25: {  	[simem:s6], [sflag:s4] =	dma.local [hbm:s3], $0xF7A  }
0x26: {  	[smem:$0x3F9F] =	sst s1;
	(tag) =	ssettag s2;
	_ =	strace s9  }
0x27: {  	s1 =	sld [smem:$0x3FAF]  }
0x28: {  	s2 =	sld [smem:$0x3FB0]  }
0x29: {  	s4 =	sld [smem:$0x3FB2]  }
0x2a: {  	p0 =	seq.s32 s5, $0x0;
	s5 =	sld [smem:$0x3FB3]  }
0x2b: {  	s6 =	sld [smem:$0x3FB4]  }
0x2c: {  	s7 =	sld [smem:$0x3FB5]  }
0x2d: {  	s3 =	simm.s32 $0x108;
	s8 =	sld [smem:$0x3FB6]  }
0x2e: {  	s3 =	simm.s32 @!p0 $0x1082;
	s9 =	sld [smem:$0x3FB7]  }
0x2f: {  	lr =	sadd.s32 s0, s3;
	s0 =	sld [smem:$0x3FAE]  }
0x30: {  	s3 =	sld [smem:$0x3FB1]  }
0x31: {  	[smem:$0x3FBA] =	sst s10  }
0x32: {  	s10 =	sld [smem:$0x3FB8];
	_ =	sdelay $0x3  }
0x33: {  	p0 =	seq.s32 s10, $0x1;
	s10 =	sld [smem:$0x3FBA];
	_ =	sdelay $0x3  }
0x34: {  	[smem:$0x3FBA] =	sst s10  }
0x35: {  	s10 =	sld [smem:$0x3FB9];
	_ =	sdelay $0x3  }
0x36: {  	p1 =	seq.s32 s10, $0x1;
	s10 =	sld [smem:$0x3FBA];
	_ =	sdelay $0x3  }
0x37: {  	[smem:$0x3FBA] =	sst s10  }
0x38: {  	s10 =	sld [smem:$0x3FBB]  }
0x39: {  	_ = 	snop;
	(pc) =	sbr.ind lr, $3  }
0x3a: {  	_ = 	snop  }
0x3b: {  	_ = 	snop  }
0x3c: {  	p2 =	seq.s32 s10, $0x1;
	s10 =	sld [smem:$0x3FBA]  }
0x3d: {  	_ =	shalt  }
0x3e: {  	_ =	shalt  }
0x3f: {  	_ =	shalt  }
0x40: {  	_ =	shalt  }
0x41: {  	_ =	shalt  }
0x42: {  	_ =	shalt  }
0x43: {  	_ =	shalt  }
0x44: {  	_ =	shalt  }
0x45: {  	_ =	shalt  }
0x46: {  	_ =	shalt  }
0x47: {  	_ =	shalt  }
0x48: {  	_ =	shalt  }
0x49: {  	_ =	shalt  }
0x4a: {  	_ =	shalt  }
0x4b: {  	_ =	shalt  }
0x4c: {  	_ =	shalt  }
0x4d: {  	_ =	shalt  }
0x4e: {  	_ =	shalt  }
0x4f: {  	_ =	shalt  }
0x50: {  	_ =	shalt  }
0x51: {  	_ =	shalt  }
0x52: {  	_ =	shalt  }
0x53: {  	_ =	shalt  }
0x54: {  	_ =	shalt  }
0x55: {  	_ =	shalt  }
0x56: {  	_ =	shalt  }
0x57: {  	_ =	shalt  }
0x58: {  	_ =	shalt  }
0x59: {  	_ =	shalt  }
0x5a: {  	_ =	shalt  }
0x5b: {  	_ =	shalt  }
0x5c: {  	_ =	shalt  }
0x5d: {  	_ =	shalt  }
0x5e: {  	_ =	shalt  }
0x5f: {  	_ =	shalt  }
0x60: {  	_ =	shalt  }
0x61: {  	_ =	shalt  }
0x62: {  	_ =	shalt  }
0x63: {  	_ =	shalt  }
0x64: {  	_ =	shalt  }
0x65: {  	_ =	shalt  }
0x66: {  	_ =	shalt  }
0x67: {  	_ =	shalt  }
0x68: {  	_ =	shalt  }
0x69: {  	_ =	shalt  }
0x6a: {  	_ =	shalt  }
0x6b: {  	_ =	shalt  }
0x6c: {  	_ =	shalt  }
0x6d: {  	_ =	shalt  }
0x6e: {  	_ =	shalt  }
0x6f: {  	_ =	shalt  }
0x70: {  	_ =	shalt  }
0x71: {  	_ =	shalt  }
0x72: {  	_ =	shalt  }
0x73: {  	_ =	shalt  }
0x74: {  	_ =	shalt  }
0x75: {  	_ =	shalt  }
0x76: {  	_ =	shalt  }
0x77: {  	_ =	shalt  }
0x78: {  	_ =	shalt  }
0x79: {  	_ =	shalt  }
0x7a: {  	_ =	shalt  }
0x7b: {  	_ =	shalt  }
0x7c: {  	_ =	shalt  }
0x7d: {  	_ =	shalt  }
0x7e: {  	_ =	shalt  }
0x7f: {  	_ =	shalt  }
0x80: {  	_ =	shalt  }
0x81: {  	_ =	shalt  }
0x82: {  	_ =	shalt  }
0x83: {  	_ =	shalt  }
0x84: {  	_ =	shalt  }
0x85: {  	_ =	shalt  }
0x86: {  	_ =	shalt  }
0x87: {  	_ =	shalt  }
.Lfunc_end0:
.L_simem_size_0:
called_computation.1_lowered:
.L_overlay_start_0:
0x88: {  	s2 =	sld [smem:$0x3FD9]  }
0x89: {  	s3 =	sld [smem:$0x3FFE];
	_ =	sdelay $0x1  }
0x8a: {  	s1 =	srdreg.scid  }
0x8b: {  	s0 =	sand.u32 $0x1, s1  }
0x8c: {  	s15 =	sshll.u32 s0, $0xA;
	s2 =	sadd.s32 s3, s2  }
0x8d: {  	s2 =	sadd.s32 s2, s15  }
0x8e: {  	[smem:$0x3FC6] =	sst s2  }
0x8f: {  	_ = 	snop  }
0x90: {  	s2 =	sld [smem:$0x3FD0];
	_ =	sdelay $0x2  }
0x91: {  	s16 =	simm.s32 $0xC;
	s4 =	simm.s32 $0x10  }
0x92: {  	[smem:s4], [sflag:s16] =	dma.local [hbm:s2], $0x1  }
0x93: {  	_ =	swait.eq [sflag:s16], $0x1  }
0x94: {  	[sflag:s16] =	ssyncset.done $0x0  }
0x95: {  	[sflag:s16] =	ssyncadd.s32 $0xFFFFFFFF  }
0x96: {  	s17 =	sld [smem:$0x11];
	(tm) =	ssettm $0x1  }
0x97: {  	s18 =	sld [smem:$0x3FFB];
	_ =	sdelay $0x3  }
0x98: {  	_ =	strace s18  }
0x99: {  	s2 =	sld [smem:$0x3FFC];
	_ =	sdelay $0x3  }
0x9a: {  	_ =	strace s2  }
0x9b: {  	s2 =	sld [smem:$0x3FFD];
	_ =	sdelay $0x3  }
0x9c: {  	_ =	strace s2  }
0x9d: {  	_ =	strace $0x8FFFFFFF  }
0x9e: {  	s19 =	sld [smem:$0x3FDB];
	_ =	sdelay $0x1  }
0x9f: {  	s20 =	simm.s32 $_scs_section_size  }
0xa0: {  	s5 =	simm.s32 $_size__tile_overlayer_lowered;
	s6 =	simm.s32 $_tile_overlayer_lowered  }
0xa1: {  	s7 =	simm.s32 $0x1BFF;
	s21 =	sshll.u32 s6, $0x1;
	s4 =	sadd.s32 s20, s19  }
0xa2: {  	s22 =	simm.s32 $0x0;
	s5 =	sshll.u32 s5, $0x1;
	s6 =	sadd.s32 s21, s4  }
0xa3: {  	[timem:s22], [sflag:s7] =	dma.local [hbm:s6], s5  }
0xa4: {  	_ =	swait.ge [sflag:s7], s5  }
0xa5: {  	s5 =	ssub.s32 $0x0, s5;
	[sflag:s7] =	ssyncset.done $0x0  }
0xa6: {  	[sflag:s7] =	ssyncadd.s32 s5;
	_ =	sdelay $0x1  }
0xa7: {  	s23 =	simm.s32 $0x1B8B  }
0xa8: {  	_ =	swait.ge [sflag:s23], $0x1  }
0xa9: {  	[sflag:s23] =	ssyncset.done $0x0  }
0xaa: {  	[sflag:s23] =	ssyncadd.s32 $0xFFFFFFFF  }
0xab: {  	s5 =	sld [smem:$0x0]  }
0xac: {  	s6 =	sand.u32 $0xFFFFFFFE, s1  }
0xad: {  	p0 =	sne.s32 s1, s6  }
0xae: {  	s6 =	sshll.u32 @p0 s6, $0xE  }
0xaf: {  	s6 =	sadd.s32 @p0 $0x11B8D, s6;
	s7 =	sshll.u32 @p0 s5, $0x11  }
0xb0: {  	s6 =	sor.u32 @p0 s7, s6  }
0xb1: {  	[sflag:s6] =	ssyncadd.remote.s32 @p0 $0x1;
	_ =	sdelay $0x1  }
0xb2: {  	s6 =	simm.s32 @p0 $0x1B8D  }
0xb3: {  	_ =	swait.eq @p0 [sflag:s6], $0x1  }
0xb4: {  	[sflag:s6] =	ssyncadd.s32 @p0 $0xFFFFFFFF  }
0xb5: {  	s7 =	sshll.u32 @!p0 s1, $0xE  }
0xb6: {  	s7 =	sor.u32 @!p0 $0x4000, s7;
	s6 =	simm.s32 @!p0 $0x1B8D  }
0xb7: {  	s5 =	sshll.u32 @!p0 s5, $0x11;
	s7 =	sadd.s32 @!p0 $0x11B8D, s7;
	_ =	swait.eq @!p0 [sflag:s6], $0x1  }
0xb8: {  	s5 =	sor.u32 @!p0 s5, s7;
	[sflag:s6] =	ssyncadd.s32 @!p0 $0xFFFFFFFF  }
0xb9: {  	s25 =	simm.s32 $0x1B8E;
	s24 =	sld [smem:$0x3FFE];
	[sflag:s5] =	ssyncadd.remote.s32 @!p0 $0x1  }
0xba: {  	s26 =	simm.s32 $execute0_lowered;
	[smem:$0x3FD2] =	sst s25  }
0xbb: {  	s6 =	sshll.u32 s26, $0x1;
	_ =	strace $0x8000004F;
	[dreg:$0x1] =	wrdreg $0xFFFFFFFF  }
0xbc: {  	s28 =	simm.s32 $_size_execute0_lowered;
	s4 =	sadd.s32 s4, s6;
	[dreg:$0x0] =	wrdreg $0x0  }
0xbd: {  	s6 =	sshll.u32 s28, $0x1;
	[dreg:$0x2] =	wrdreg s4  }
0xbe: {  	[dreg:$0x3] =	wrdreg s6  }
0xbf: {  	[dreg:$0x4] =	wrdreg $0xC0  }
0xc0: {  	_ =	task [dreg:s22], $0x5FFFF  }
0xc1: {  	[dreg:$0x1] =	wrdreg $0xFFFFFFFF  }
0xc2: {  	[dreg:$0x0] =	wrdreg $0x60  }
0xc3: {  	[dreg:$0x2] =	wrdreg s24  }
0xc4: {  	[dreg:$0x3] =	wrdreg s17  }
0xc5: {  	[dreg:$0x4] =	wrdreg $0xA  }
0xc6: {  	_ =	task.clear_ibuf [dreg:s22], $0x5FFFF;
	_ =	strace $0x9000004F  }
0xc7: {  	s29 =	simm.s32 $0xA;
	_ =	strace $0x80000051  }
0xc8: {  	_ =	swait.ge [sflag:s29], $0x1  }
0xc9: {  	[sflag:s29] =	ssyncadd.s32 $0xFFFFFFFF  }
0xca: {  	_ =	strace $0x90000051  }
0xcb: {  	_ =	sfence  }
0xcc: {  	s30 =	sld [smem:$0x0];
	_ =	sdelay $0x2  }
0xcd: {  	s31 =	sshll.u32 s1, $0xD;
	s1 =	sshrl.u32 s1, $0x2  }
0xce: {  	s4 =	sand.u32 $0x4000, s31;
	s1 =	sadd.s32 s1, s30  }
0xcf: {  	s0 =	sor.u32 s4, s0;
	s1 =	sshll.u32 s1, $0x11  }
0xd0: {  	s0 =	sor.u32 s1, s0  }
0xd1: {  	s0 =	sadd.s32 $0x8F2B, s0  }
0xd2: {  	[sflag:s0] =	ssyncadd.remote.s32 $0x1  }
0xd3: {  	_ =	sfence.sel $0xFFFF  }
0xd4: {  	[dreg:$0x0] =	wrdreg $0xFFFFFFFF;
	(pc) =	sbr.abs _section_cstart, $3  }
0xd5: {  	[dreg:$0x1] =	wrdreg $0xFFFFFFFF  }
0xd6: {  	_ =	task.clear_ibuf [dreg:s22], $0x2FFFF;
	_ =	strace $0x9FFFFFFF  }
0xd7: {  	(tm) =	ssettm $0x7FFFFFFF  }
tec
execute0_lowered:
.L_overlay_start_1:
0x0: {  	(tag) =	ssettag $0x1  }
0x1: {  	s2 =	rddreg [dreg:$0x0]  }
0x2: {  	s3 =	rddreg [dreg:$0x1]  }
0x3: {  	s0 =	rddreg [dreg:$0x2];
	s1 =	srdreg.scid;
	_ =	strace $0x80000050  }
0x4: {  	s4 =	simm.s32 $0x1;
	s9 =	simm.s32 $0x3;
	s5 =	sshll.u32 s1, $0x4  }
.Ltmp0:
0x5: {  	s1 =	stileid.u32;
	s5 =	sand.u32 $0x10, s5;
	(pc) =	sbr.rel .LBB2_1-.Ltmp0, $4  }
0x6: {  	s12 =	simm.s32 $0x0;
	s10 =	simm.s32 $0x0;
	s6 =	sor.u32 s1, s5  }
0x7: {  	[sflag:s4] =	ssyncpa.u1 $0x0;
	s5 =	simm.s32 $0x2;
	s6 =	sshll.u32 s6, $0x7  }
0x8: {  	s7 =	sadd.s32 $0x276000, s2;
	[sflag:s5] =	ssyncpa.u1 $0x0;
	s8 =	sadd.s32 $0x80, s6  }
0x9: {  	vm0 =	vmmov $0xff;
	vm1 =	vcmask $0x3F20;
	[sflag:s9] =	ssyncpa.u1 $0x0;
	s9 =	simm.s32 $0x80;
	s11 =	smov.u32 s6  }
.LBB2_9:
0xa: {  	p0 =	seq.s32 s10, $0x2  }
.Ltmp1:
0xb: {  	_ = 	snop;
	(pc) =	sbr.rel @p0 .LBB2_11-.Ltmp1, $1  }
0xc: {  	_ =	sdelay $0x3  }
.LBB2_10:
0xd: {  	s12 =	sadd.s32 $0x80, s11  }
0xe: {  	s13 =	smov.u32 s6;
	p0 =	slt.s32 s12, s8  }
0xf: {  	s13 =	smov.u32 @p0 s12  }
0x10: {  	s10 =	sadd.s32 $0x1, s10;
	s12 =	smov.u32 s11;
	s11 =	smov.u32 s13  }
.LBB2_1:
0x11: {  	p0 =	sne.s32 s10, $0x0  }
.Ltmp2:
0x12: {  	_ = 	snop;
	(pc) =	sbr.rel @!p0 .LBB2_2-.Ltmp2, $1  }
0x13: {  	_ =	sdelay $0x3  }
0x14: {  	s13 =	sand.u32 $0x1, s10  }
0x15: {  	p0 =	seq.s32 s13, $0x0  }
.Ltmp3:
0x16: {  	_ = 	snop;
	(pc) =	sbr.rel @p0 .LBB2_9-.Ltmp3, $1  }
0x17: {  	_ =	sdelay $0x3  }
0x18: {  	_ =	swait.ge [sflag:s5], $0x80  }
0x19: {  	[sflag:s5] =	ssyncset.done $0x0  }
0x1a: {  	s13 =	simm.s32 $0x0;
	[sflag:s5] =	ssyncadd.s32 $0xFFFFFF80  }
0x1b: {  	v0 =	vld.msk [tilespmem:s13+$0x80 ss:$0x1], $0xffff;
	_ =	sdelay $0x4  }
0x1c: {  	v1 =	vand.u32 $0x7, v0;
	v2 =	vshll.u32 v0, $0x4  }
0x1d: {  	vm2 =	veq.s32 v0, $0x80000000;
	v0 =	vmul.u32 $0x271000, v1;
	v1 =	vand.u32 $0x3FFF80, v2  }
0x1e: {  	v1 =	vsel vm2, $0xFFFFFF80, v1  }
0x1f: {  	v0 =	vsel vm2, $0xFFD8F000, v0;
	v2 =	vand.u32 $0xFFFFFC00, v1  }
0x20: {  	v1 =	vand.u32 $0x380, v1;
	v0 =	vadd.s32 v0, v2  }
0x21: {  	v0 =	vor.u32 v1, v0  }
0x22: {  	v0 =	vshrl.u32 v0, $0x3;
	_ =	sdelay $0x3  }
0x23: {  	s13 =	simm.s32 $0x4100  }
0x24: {  	[tilespmem:s13], [sflag:$0x1] =	stream.indirect_vreg.gather [hbm:s2], $0x80, v0, vm0, $0x38;
	[tilespmem:$0x8100] =	vst v63  }
0x25: {  	s14 =	simm.s32 $0x4500;
	s31 =	simm.s32 $0x10  }
0x26: {  	[tilespmem:s14], [sflag:$0x1] =	stream.indirect_vreg.gather [hbm:s2], $0x80, v0, vm1, $0x38;
	[tilespmem:$0x8100] =	vst v63  }
0x27: {  	s14 =	simm.s32 $0x80;
	v0 =	vld.msk [tilespmem:s31+$0x80 ss:$0x1], $0xffff  }
.LBB2_5:
0x28: {  	p0 =	sne.s32 s14, $0x1C0;
	_ =	sdelay $0x4  }
0x29: {  	v1 =	vand.u32 $0x7, v0;
	v2 =	vshll.u32 v0, $0x4  }
0x2a: {  	vm2 =	veq.s32 v0, $0x80000000;
	v0 =	vmul.u32 $0x271000, v1;
	v1 =	vand.u32 $0x3FFF80, v2  }
0x2b: {  	v1 =	vsel vm2, $0xFFFFFF80, v1  }
0x2c: {  	v0 =	vsel vm2, $0xFFD8F000, v0;
	v2 =	vand.u32 $0xFFFFFC00, v1  }
0x2d: {  	v1 =	vand.u32 $0x380, v1;
	v0 =	vadd.s32 v0, v2  }
0x2e: {  	v0 =	vor.u32 v1, v0  }
0x2f: {  	v0 =	vshrl.u32 v0, $0x3;
	_ =	sdelay $0x3  }
.Ltmp4:
0x30: {  	s13 =	sadd.s32 $0x800, s13;
	(pc) =	sbr.rel @p0 .LBB2_5-.Ltmp4, $4  }
0x31: {  	[tilespmem:s13], [sflag:$0x1] =	stream.indirect_vreg.gather [hbm:s2], $0x80, v0, vm0, $0x38;
	[tilespmem:$0x8100] =	vst v63  }
0x32: {  	s15 =	sshra.s32 s14, $0x2;
	s16 =	sadd.s32 $0x400, s13  }
0x33: {  	[tilespmem:s16], [sflag:$0x1] =	stream.indirect_vreg.gather [hbm:s2], $0x80, v0, vm1, $0x38;
	[tilespmem:$0x8100] =	vst v63  }
0x34: {  	s14 =	sadd.s32 $0x40, s14;
	v0 =	vld.msk [tilespmem:s15+$0x80 ss:$0x1], $0xffff  }
0x35: {  	_ =	sdelay $0x3  }
0x36: {  	v1 =	vand.u32 $0x7, v0;
	v2 =	vshll.u32 v0, $0x4  }
0x37: {  	vm2 =	veq.s32 v0, $0x80000000;
	v61 =	vmul.u32 $0x271000, v1;
	v62 =	vand.u32 $0x3FFF80, v2  }
0x38: {  	v1 =	vsel vm2, $0xFFFFFF80, v62  }
0x39: {  	v0 =	vsel vm2, $0xFFD8F000, v61;
	v63 =	vand.u32 $0xFFFFFC00, v1  }
0x3a: {  	v1 =	vand.u32 $0x380, v1;
	v0 =	vadd.s32 v0, v63  }
0x3b: {  	v0 =	vor.u32 v1, v0  }
0x3c: {  	v0 =	vshrl.u32 v0, $0x3;
	_ =	sdelay $0x3  }
0x3d: {  	s13 =	sadd.s32 $0x800, s13  }
0x3e: {  	[tilespmem:s13], [sflag:$0x1] =	stream.indirect_vreg.gather [hbm:s2], $0x80, v0, vm0, $0x38;
	[tilespmem:$0x8100] =	vst v63  }
0x3f: {  	s13 =	sadd.s32 $0x400, s13  }
0x40: {  	[tilespmem:s13], [sflag:$0x1] =	stream.indirect_vreg.gather [hbm:s2], $0x80, v0, vm1, $0x38;
	[tilespmem:$0x8100] =	vst v63  }
0x41: {  	s12 =	sshll.u32 s12, $0x4;
	s14 =	simm.s32 $0x80;
	_ =	swait.ge [sflag:s4], $0x4000  }
0x42: {  	s15 =	simm.s32 $0x4500;
	s12 =	sadd.s32 s12, s7;
	[sflag:s4] =	ssyncset.done $0x0  }
0x43: {  	s16 =	sadd.s32 $0x0, s12;
	s13 =	simm.s32 $0x4100;
	[sflag:s4] =	ssyncadd.s32 $0xFFFFC000  }
.LBB2_7:
0x44: {  	[hbm:s16] =	stream.linear.scatter [tilespmem:s13], [sflag:$0x3], $0x400, $0x38;
	[tilespmem:$0x8100] =	vst v63  }
0x45: {  	s16 =	smov.u32 s14;
	s13 =	smov.u32 s15;
	p0 =	sne.s32 s14, $0x780  }
.Ltmp5:
0x46: {  	s14 =	sadd.s32 $0x80, s14;
	(pc) =	sbr.rel @p0 .LBB2_7-.Ltmp5, $2  }
0x47: {  	_ =	sdelay $0x2  }
0x48: {  	s15 =	sadd.s32 $0x400, s15;
	s16 =	sadd.s32 s16, s12  }
.Ltmp6:
0x49: {  	(pc) =	sbr.rel .LBB2_9-.Ltmp6, $2  }
0x4a: {  	_ =	sdelay $0x2  }
0x4b: {  	[hbm:s16] =	stream.linear.scatter [tilespmem:s13], [sflag:$0x3], $0x400, $0x38;
	[tilespmem:$0x8100] =	vst v63  }
.LBB2_2:
.Ltmp7:
0x4c: {  	(pc) =	sbr.rel .LBB2_10-.Ltmp7, $4  }
0x4d: {  	_ = 	snop  }
0x4e: {  	s12 =	sshrl.u32 s11, $0x3  }
0x4f: {  	s13 =	sand.u32 $0x7, s11;
	s12 =	sadd.s32 s3, s12  }
0x50: {  	[tilespmem:s9], [sflag:$0x2] =	stream.linear.gather [hbm4b:s12+s13], $0x80, $0x38;
	[tilespmem:$0x8100] =	vst v63  }
.LBB2_11:
0x51: {  	s2 =	simm.s32 $0x3  }
0x52: {  	_ =	swait.ge [sflag:s2], $0x4000  }
0x53: {  	[sflag:s2] =	ssyncset.done $0x0  }
0x54: {  	[sflag:s2] =	ssyncadd.s32 $0xFFFFC000  }
0x55: {  	_ =	sfence.sel $0x180000  }
0x56: {  	s3 =	simm.s32 $0x2;
	[bflag:$0x0] =	sbarrier.arrive $0xFFFF  }
0x57: {  	[sflag:s3] =	ssyncpa.u1 $0x1  }
0x58: {  	s31 =	simm.s32 $0x1;
	[sflag:s2] =	ssyncpa.u1 $0x1  }
0x59: {  	[sflag:s31] =	ssyncpa.u1 $0x1  }
0x5a: {  	p0 =	sne.s32 s1, $0x0;
	_ =	strace $0x90000050  }
0x5b: {  	s0 =	sadd.s32 @!p0 $0x100000, s0;
	[bflag:$0x2] =	sbarrier.arrive $0xFFFF  }
0x5c: {  	[sflag:s0] =	ssyncadd.tile.s32 @!p0 $0x1;
	_ =	shalt  }
.Lfunc_end2:
_tile_overlayer_lowered:
.L_overlay_start_2:
0x5d: {  	(tag) =	ssettag $0x2  }
0x5e: {  	s0 =	rddreg [dreg:$0x0];
	s2 =	stileid.u32  }
0x5f: {  	s1 =	rddreg [dreg:$0x1];
	p0 =	sne.s32 s2, $0x0  }
0x60: {  	s3 =	rddreg [dreg:$0x2];
	[bflag:$0x3] =	sbarrier.arrive $0xFFFF;
	s2 =	simm.s32 @!p0 $0x1C01  }
0x61: {  	[timem:s3], [sflag:s2] =	dma.local @!p0 [hbm:s0], s1  }
0x62: {  	s0 =	simm.s32 @!p0 $0x1  }
0x63: {  	_ =	swait.ge @!p0 [sflag:s0], s1  }
0x64: {  	s1 =	ssub.s32 @!p0 $0x0, s1;
	[sflag:s0] =	ssyncset.done @!p0 $0x0  }
0x65: {  	[sflag:s0] =	ssyncadd.s32 @!p0 s1  }
0x66: {  	[bflag:$0x3] =	sbarrier.arrive $0xFFFF  }
0x67: {  	_ =	shalt  }

// kernel: gather_offload_async_start.2
scs
__scs_entry_jumppad:
0x0: {  	(pc) =	sbr.rel $0x88, $3  }
0x1: {  	(tag) =	ssettag $0x0;
	lr =	simm.s32 $0x1  }
0x2: {  	[smem:$0x3F9F] =	sst lr;
	_ =	strace $0xD0000000  }
0x3: {  	_ = 	snop  }
0x4: {  	_ = 	snop  }
0x5: {  	_ = 	snop  }
0x6: {  	_ = 	snop  }
0x7: {  	_ = 	snop  }
__scs_overlays_trampoline_lowered:
0x8: {  	[smem:$0x3FAE] =	sst s0  }
0x9: {  	[smem:$0x3FAF] =	sst s1  }
0xa: {  	[smem:$0x3FB0] =	sst s2  }
0xb: {  	[smem:$0x3FB1] =	sst s3  }
0xc: {  	[smem:$0x3FB2] =	sst s4  }
0xd: {  	[smem:$0x3FB3] =	sst s5  }
0xe: {  	[smem:$0x3FB4] =	sst s6  }
0xf: {  	[smem:$0x3FB5] =	sst s7  }
0x10: {  	[smem:$0x3FB6] =	sst s8  }
0x11: {  	[smem:$0x3FB7] =	sst s9;
	s0 =	simm.s32 @!p0 $0x0  }
0x12: {  	s1 =	sld [smem:$0x3F9D];
	s0 =	simm.s32 @p0 $0x1  }
0x13: {  	[smem:$0x3FB8] =	sst s0;
	s0 =	simm.s32 @!p1 $0x0  }
0x14: {  	s2 =	sld [smem:$0x3F9C];
	s0 =	simm.s32 @p1 $0x1  }
0x15: {  	[smem:$0x3FB9] =	sst s0;
	s0 =	simm.s32 @!p2 $0x0  }
0x16: {  	s3 =	sld [smem:$0x3FDB];
	s0 =	simm.s32 @p2 $0x1  }
0x17: {  	s4 =	simm.s32 $0x1BF5;
	[smem:$0x3FBB] =	sst s0  }
0x18: {  	s0 =	sld [smem:$0x3F9E];
	_ =	swait.ge [sflag:s4], $0x0  }
0x19: {  	s7 =	sld [smem:$0x3F9F]  }
0x1a: {  	s8 =	sadd.s32 $0xFFFFE003, lr  }
0x1b: {  	s9 =	sadd.s32 $0xFFFFFEF7, lr;
	s5 =	simm.s32 $0xFFFFFFFF;
	p2 =	slt.u32 s8, $0xFFFFF086  }
0x1c: {  	p1 =	slt.u32 s9, $0xF7A;
	s5 =	simm.s32 @!p2 $0x0  }
0x1d: {  	s5 =	simm.s32 @p1 $0x1;
	p0 =	seq.s32 s7, s2  }
0x1e: {  	s7 =	smul.u32 @!p0 $0xF7A, s2;
	p2 =	seq.s32 @!p0 s5, $0x0  }
0x1f: {  	s9 =	smul.u32 $0xF7A, s1;
	s8 =	simm.s32 @!p0 $0x1BF5;
	p2 =	por !p2, p0  }
0x20: {  	[sflag:s8] =	ssyncset.s32 @!p0 $0xFFFFF086;
	s6 =	sadd.s32 @!p0 s3, s7;
	s7 =	simm.s32 @!p0 $0x108  }
0x21: {  	s3 =	sadd.s32 s3, s9;
	s6 =	sadd.s32 @!p0 $0x88, s6;
	s7 =	simm.s32 @p2 $0x1082  }
0x22: {  	[simem:s7], [sflag:s8] =	dma.local @!p0 [hbm:s6], $0xF7A  }
0x23: {  	s9 =	sor.u32 $0xD0000000, s2;
	s6 =	simm.s32 $0x108;
	_ =	swait.ge @!p0 [sflag:s8], $0x0  }
0x24: {  	s3 =	sadd.s32 $0x88, s3;
	s6 =	simm.s32 @!p1 $0x1082;
	[sflag:s4] =	ssyncset.s32 $0xFFFFF086  }
0x25: {  	[simem:s6], [sflag:s4] =	dma.local [hbm:s3], $0xF7A  }
0x26: {  	[smem:$0x3F9F] =	sst s1;
	(tag) =	ssettag s2;
	_ =	strace s9  }
0x27: {  	s1 =	sld [smem:$0x3FAF]  }
0x28: {  	s2 =	sld [smem:$0x3FB0]  }
0x29: {  	s4 =	sld [smem:$0x3FB2]  }
0x2a: {  	p0 =	seq.s32 s5, $0x0;
	s5 =	sld [smem:$0x3FB3]  }
0x2b: {  	s6 =	sld [smem:$0x3FB4]  }
0x2c: {  	s7 =	sld [smem:$0x3FB5]  }
0x2d: {  	s3 =	simm.s32 $0x108;
	s8 =	sld [smem:$0x3FB6]  }
0x2e: {  	s3 =	simm.s32 @!p0 $0x1082;
	s9 =	sld [smem:$0x3FB7]  }
0x2f: {  	lr =	sadd.s32 s0, s3;
	s0 =	sld [smem:$0x3FAE]  }
0x30: {  	s3 =	sld [smem:$0x3FB1]  }
0x31: {  	[smem:$0x3FBA] =	sst s10  }
0x32: {  	s10 =	sld [smem:$0x3FB8];
	_ =	sdelay $0x3  }
0x33: {  	p0 =	seq.s32 s10, $0x1;
	s10 =	sld [smem:$0x3FBA];
	_ =	sdelay $0x3  }
0x34: {  	[smem:$0x3FBA] =	sst s10  }
0x35: {  	s10 =	sld [smem:$0x3FB9];
	_ =	sdelay $0x3  }
0x36: {  	p1 =	seq.s32 s10, $0x1;
	s10 =	sld [smem:$0x3FBA];
	_ =	sdelay $0x3  }
0x37: {  	[smem:$0x3FBA] =	sst s10  }
0x38: {  	s10 =	sld [smem:$0x3FBB]  }
0x39: {  	_ = 	snop;
	(pc) =	sbr.ind lr, $3  }
0x3a: {  	_ = 	snop  }
0x3b: {  	_ = 	snop  }
0x3c: {  	p2 =	seq.s32 s10, $0x1;
	s10 =	sld [smem:$0x3FBA]  }
0x3d: {  	_ =	shalt  }
0x3e: {  	_ =	shalt  }
0x3f: {  	_ =	shalt  }
0x40: {  	_ =	shalt  }
0x41: {  	_ =	shalt  }
0x42: {  	_ =	shalt  }
0x43: {  	_ =	shalt  }
0x44: {  	_ =	shalt  }
0x45: {  	_ =	shalt  }
0x46: {  	_ =	shalt  }
0x47: {  	_ =	shalt  }
0x48: {  	_ =	shalt  }
0x49: {  	_ =	shalt  }
0x4a: {  	_ =	shalt  }
0x4b: {  	_ =	shalt  }
0x4c: {  	_ =	shalt  }
0x4d: {  	_ =	shalt  }
0x4e: {  	_ =	shalt  }
0x4f: {  	_ =	shalt  }
0x50: {  	_ =	shalt  }
0x51: {  	_ =	shalt  }
0x52: {  	_ =	shalt  }
0x53: {  	_ =	shalt  }
0x54: {  	_ =	shalt  }
0x55: {  	_ =	shalt  }
0x56: {  	_ =	shalt  }
0x57: {  	_ =	shalt  }
0x58: {  	_ =	shalt  }
0x59: {  	_ =	shalt  }
0x5a: {  	_ =	shalt  }
0x5b: {  	_ =	shalt  }
0x5c: {  	_ =	shalt  }
0x5d: {  	_ =	shalt  }
0x5e: {  	_ =	shalt  }
0x5f: {  	_ =	shalt  }
0x60: {  	_ =	shalt  }
0x61: {  	_ =	shalt  }
0x62: {  	_ =	shalt  }
0x63: {  	_ =	shalt  }
0x64: {  	_ =	shalt  }
0x65: {  	_ =	shalt  }
0x66: {  	_ =	shalt  }
0x67: {  	_ =	shalt  }
0x68: {  	_ =	shalt  }
0x69: {  	_ =	shalt  }
0x6a: {  	_ =	shalt  }
0x6b: {  	_ =	shalt  }
0x6c: {  	_ =	shalt  }
0x6d: {  	_ =	shalt  }
0x6e: {  	_ =	shalt  }
0x6f: {  	_ =	shalt  }
0x70: {  	_ =	shalt  }
0x71: {  	_ =	shalt  }
0x72: {  	_ =	shalt  }
0x73: {  	_ =	shalt  }
0x74: {  	_ =	shalt  }
0x75: {  	_ =	shalt  }
0x76: {  	_ =	shalt  }
0x77: {  	_ =	shalt  }
0x78: {  	_ =	shalt  }
0x79: {  	_ =	shalt  }
0x7a: {  	_ =	shalt  }
0x7b: {  	_ =	shalt  }
0x7c: {  	_ =	shalt  }
0x7d: {  	_ =	shalt  }
0x7e: {  	_ =	shalt  }
0x7f: {  	_ =	shalt  }
0x80: {  	_ =	shalt  }
0x81: {  	_ =	shalt  }
0x82: {  	_ =	shalt  }
0x83: {  	_ =	shalt  }
0x84: {  	_ =	shalt  }
0x85: {  	_ =	shalt  }
0x86: {  	_ =	shalt  }
0x87: {  	_ =	shalt  }
.Lfunc_end0:
.L_simem_size_0:
called_computation.2_lowered:
.L_overlay_start_0:
0x88: {  	s2 =	sld [smem:$0x3FD9]  }
0x89: {  	s3 =	sld [smem:$0x3FFE];
	_ =	sdelay $0x1  }
0x8a: {  	s1 =	srdreg.scid  }
0x8b: {  	s0 =	sand.u32 $0x1, s1  }
0x8c: {  	s14 =	sshll.u32 s0, $0xA;
	s2 =	sadd.s32 s3, s2  }
0x8d: {  	s2 =	sadd.s32 s2, s14  }
0x8e: {  	[smem:$0x3FC6] =	sst s2  }
0x8f: {  	_ = 	snop  }
0x90: {  	s2 =	sld [smem:$0x3FD0];
	_ =	sdelay $0x2  }
0x91: {  	s15 =	simm.s32 $0xC;
	s4 =	simm.s32 $0x10  }
0x92: {  	[smem:s4], [sflag:s15] =	dma.local [hbm:s2], $0x1  }
0x93: {  	_ =	swait.eq [sflag:s15], $0x1  }
0x94: {  	[sflag:s15] =	ssyncset.done $0x0  }
0x95: {  	s16 =	sld [smem:$0x11];
	[sflag:s15] =	ssyncadd.s32 $0xFFFFFFFF  }
0x96: {  	s17 =	sld [smem:$0x12];
	(tm) =	ssettm $0x1  }
0x97: {  	s18 =	sld [smem:$0x3FFB];
	_ =	sdelay $0x3  }
0x98: {  	_ =	strace s18  }
0x99: {  	s4 =	sld [smem:$0x3FFC];
	_ =	sdelay $0x3  }
0x9a: {  	_ =	strace s4  }
0x9b: {  	s4 =	sld [smem:$0x3FFD];
	_ =	sdelay $0x3  }
0x9c: {  	_ =	strace s4  }
0x9d: {  	_ =	strace $0x8FFFFFFF  }
0x9e: {  	s19 =	sld [smem:$0x3FDB];
	_ =	sdelay $0x1  }
0x9f: {  	s5 =	simm.s32 $_scs_section_size  }
0xa0: {  	s6 =	simm.s32 $_size__tile_overlayer_lowered;
	s7 =	simm.s32 $_tile_overlayer_lowered  }
0xa1: {  	s22 =	simm.s32 $0x1BFF;
	s21 =	sshll.u32 s7, $0x1;
	s4 =	sadd.s32 s5, s19  }
0xa2: {  	s8 =	simm.s32 $0x0;
	s20 =	sshll.u32 s6, $0x1;
	s6 =	sadd.s32 s21, s4  }
0xa3: {  	[timem:s8], [sflag:s22] =	dma.local [hbm:s6], s20  }
0xa4: {  	_ =	swait.ge [sflag:s22], s20  }
0xa5: {  	s5 =	ssub.s32 $0x0, s20;
	[sflag:s22] =	ssyncset.done $0x0  }
0xa6: {  	[sflag:s22] =	ssyncadd.s32 s5;
	_ =	sdelay $0x1  }
0xa7: {  	s23 =	simm.s32 $0x1B8B  }
0xa8: {  	_ =	swait.ge [sflag:s23], $0x1  }
0xa9: {  	[sflag:s23] =	ssyncset.done $0x0  }
0xaa: {  	s25 =	simm.s32 $0x1B8E;
	s24 =	sld [smem:$0x3FFE];
	[sflag:s23] =	ssyncadd.s32 $0xFFFFFFFF  }
0xab: {  	s26 =	simm.s32 $execute0_lowered;
	[smem:$0x3FD2] =	sst s25  }
0xac: {  	s6 =	sshll.u32 s26, $0x1;
	_ =	strace $0x80000046;
	[dreg:$0x1] =	wrdreg $0xFFFFFFFF  }
0xad: {  	s28 =	simm.s32 $_size_execute0_lowered;
	s4 =	sadd.s32 s4, s6;
	[dreg:$0x0] =	wrdreg $0x0  }
0xae: {  	s6 =	sshll.u32 s28, $0x1;
	[dreg:$0x2] =	wrdreg s4  }
0xaf: {  	[dreg:$0x3] =	wrdreg s6  }
0xb0: {  	[dreg:$0x4] =	wrdreg $0xC0  }
0xb1: {  	_ =	task [dreg:s8], $0x5FFFF  }
0xb2: {  	[dreg:$0x1] =	wrdreg $0xFFFFFFFF  }
0xb3: {  	[dreg:$0x0] =	wrdreg $0x60  }
0xb4: {  	[dreg:$0x2] =	wrdreg s16  }
0xb5: {  	[dreg:$0x3] =	wrdreg s17  }
0xb6: {  	[dreg:$0x4] =	wrdreg s24  }
0xb7: {  	[dreg:$0x5] =	wrdreg $0x9  }
0xb8: {  	_ =	task.clear_ibuf [dreg:s8], $0x6FFFF;
	_ =	strace $0x90000046  }
0xb9: {  	s29 =	simm.s32 $0x9;
	_ =	strace $0x80000048  }
0xba: {  	_ =	swait.ge [sflag:s29], $0x1  }
0xbb: {  	[sflag:s29] =	ssyncadd.s32 $0xFFFFFFFF  }
0xbc: {  	_ =	strace $0x90000048  }
0xbd: {  	_ =	sfence  }
0xbe: {  	s30 =	sld [smem:$0x0];
	_ =	sdelay $0x2  }
0xbf: {  	s31 =	sshll.u32 s1, $0xD;
	s1 =	sshrl.u32 s1, $0x2  }
0xc0: {  	s3 =	sand.u32 $0x4000, s31;
	s1 =	sadd.s32 s1, s30  }
0xc1: {  	s0 =	sor.u32 s3, s0;
	s1 =	sshll.u32 s1, $0x11  }
0xc2: {  	s0 =	sor.u32 s1, s0  }
0xc3: {  	s0 =	sadd.s32 $0x8F2B, s0  }
0xc4: {  	[sflag:s0] =	ssyncadd.remote.s32 $0x1  }
0xc5: {  	_ =	sfence.sel $0xFFFF  }
0xc6: {  	[dreg:$0x0] =	wrdreg $0xFFFFFFFF;
	(pc) =	sbr.abs _section_cstart, $3  }
0xc7: {  	[dreg:$0x1] =	wrdreg $0xFFFFFFFF  }
0xc8: {  	_ =	task.clear_ibuf [dreg:s8], $0x2FFFF;
	_ =	strace $0x9FFFFFFF  }
0xc9: {  	(tm) =	ssettm $0x7FFFFFFF  }
tec
execute0_lowered:
.L_overlay_start_1:
0x0: {  	(tag) =	ssettag $0x1  }
0x1: {  	s2 =	rddreg [dreg:$0x0]  }
0x2: {  	s1 =	srdreg.scid;
	s3 =	rddreg [dreg:$0x1]  }
0x3: {  	s0 =	stileid.u32;
	s5 =	rddreg [dreg:$0x2]  }
0x4: {  	s9 =	simm.s32 $0x1;
	s10 =	simm.s32 $0x3;
	s1 =	sshll.u32 s1, $0x6  }
0x5: {  	s13 =	simm.s32 $0x0;
	s4 =	sshll.u32 s0, $0x7;
	s6 =	sand.u32 $0x40, s1  }
0x6: {  	s12 =	simm.s32 $0x0;
	s5 =	sadd.s32 $0x276000, s5;
	s4 =	sor.u32 s4, s6  }
0x7: {  	s1 =	rddreg [dreg:$0x3];
	_ =	strace $0x80000047;
	s8 =	ssub.s32 $0x1000, s4  }
.Ltmp0:
0x8: {  	s6 =	simm.s32 $0x1;
	s7 =	sand.u32 $0x7C0, s8;
	(pc) =	sbr.rel .LBB2_1-.Ltmp0, $4  }
0x9: {  	[sflag:s6] =	ssyncpa.u1 $0x0;
	s11 =	smov.u32 s4;
	p0 =	sne.s32 s7, $0x0  }
0xa: {  	s8 =	sshrl.u32 s8, $0xB;
	s7 =	simm.s32 $0x2;
	s9 =	simm.s32 @!p0 $0x0  }
0xb: {  	[sflag:s7] =	ssyncpa.u1 $0x0;
	p0 =	por $0x0, $0x0;
	s8 =	sadd.s32 s9, s8  }
0xc: {  	vm0 =	vmmov $0xffff;
	[sflag:s10] =	ssyncpa.u1 $0x0;
	s10 =	simm.s32 $0x0;
	s9 =	sadd.s32 $0x1, s8  }
.LBB2_4:
0xd: {  	vm1 =	veq.s32 v1, $0x80000000;
	v2 =	vand.u32 $0x1FF, v2  }
0xe: {  	v63 =	vand.u32 $0x7, v1;
	v2 =	vsel vm1, $0xFFFFFFFF, v2  }
0xf: {  	v1 =	vsel vm1, $0xFFFFFFFF, v63;
	v3 =	vshll.u32 v2, $0x3  }
0x10: {  	v4 =	vand.u32 $0xFFFFF000, v1;
	v1 =	vshll.u32 v1, $0x7;
	v3 =	vand.u32 $0xFFFFFC00, v3  }
0x11: {  	v1 =	vand.u32 $0x380, v1;
	v3 =	vadd.s32 v4, v3  }
0x12: {  	v2 =	vand.u32 $0x7F, v2;
	v1 =	vor.u32 v1, v3  }
0x13: {  	v1 =	vor.u32 v2, v1;
	_ =	sdelay $0x1  }
0x14: {  	(ifvalue) =	ssetifvalue $0x7FFFFFFF;
	s14 =	sadd.s32 $0x10, s14  }
0x15: {  	[tilespmem:s14], [sflag:$0x1] =	stream.indirect_vreg.gather [hbm4b:s2+s10], $0x1, v0, vm0, $0x4038;
	[tilespmem:$0x100] =	vst v63  }
0x16: {  	(ifvalue) =	ssetifvalue $0x7FFFFFFF;
	s14 =	sadd.s32 $0x10, s14  }
0x17: {  	[tilespmem:s14], [sflag:$0x1] =	stream.indirect_vreg.gather [hbm4b:s2+s10], $0x1, v1, vm0, $0x4038;
	[tilespmem:$0x100] =	vst v63  }
0x18: {  	_ =	swait.ge [sflag:s6], $0x40  }
0x19: {  	s30 =	sshrl.u32 s13, $0x3;
	[sflag:s6] =	ssyncset.done $0x0  }
0x1a: {  	s31 =	sand.u32 $0x7, s13;
	s14 =	sadd.s32 s5, s30;
	[sflag:s6] =	ssyncadd.s32 $0xFFFFFFC0  }
0x1b: {  	[hbm4b:s14+s31] =	stream.linear.scatter [tilespmem:s15], [sflag:$0x3], $0x40, $0x38;
	[tilespmem:$0x100] =	vst v63  }
.LBB2_5:
0x1c: {  	s15 =	sadd.s32 $0x800, s11  }
0x1d: {  	p2 =	sgt.s32 s15, $0xFFF  }
0x1e: {  	s15 =	smov.u32 @p2 s4;
	p2 =	sne.s32 s12, s9  }
.Ltmp1:
0x1f: {  	p1 =	slt.u32 s12, $0x2;
	(pc) =	sbr.rel @!p2 .LBB2_6-.Ltmp1, $4  }
0x20: {  	s14 =	simm.s32 @!p1 $0x3  }
0x21: {  	s16 =	sadd.s32 $0x1, s12;
	_ =	swait.ge @!p1 [sflag:s14], $0x40  }
0x22: {  	s13 =	smov.u32 s11;
	p0 =	por !p0, !p0;
	[sflag:s14] =	ssyncset.done @!p1 $0x0  }
0x23: {  	s12 =	smov.u32 s16;
	s11 =	smov.u32 s15;
	[sflag:s14] =	ssyncadd.s32 @!p1 $0xFFFFFFC0  }
.LBB2_1:
0x24: {  	p1 =	sge.u32 s12, s8  }
0x25: {  	s14 =	sxor.u32 @!p1 $0xFFFFFFFF, s12  }
0x26: {  	s31 =	sadd.s32 $0xFFFFFFFF, s12;
	s15 =	sshrl.u32 @!p1 s11, $0x3;
	s14 =	sshll.u32 @!p1 s14, $0x6  }
0x27: {  	s16 =	sand.u32 @!p1 $0x7, s11;
	s15 =	sadd.s32 @!p1 s3, s15;
	s14 =	sand.u32 @!p1 $0x40, s14  }
0x28: {  	[tilespmem:s14], [sflag:$0x2] =	stream.linear.gather @!p1 [hbm4b:s15+s16], $0x40, $0x38;
	[tilespmem:$0x100] =	vst v63  }
0x29: {  	p1 =	sge.u32 s31, s8  }
.Ltmp2:
0x2a: {  	_ = 	snop;
	(pc) =	sbr.rel @p1 .LBB2_5-.Ltmp2, $1  }
0x2b: {  	_ =	sdelay $0x3  }
0x2c: {  	s14 =	simm.s32 $0x1  }
0x2d: {  	_ =	swait.ge [sflag:s7], $0x40;
	s14 =	simm.s32 @!p0 $0x0  }
0x2e: {  	[sflag:s7] =	ssyncset.done $0x0;
	s14 =	sshll.u32 s14, $0x6  }
0x2f: {  	[sflag:s7] =	ssyncadd.s32 $0xFFFFFFC0;
	(ifvalue) =	ssetifvalue $0x7FFFFFFF;
	v0 =	vld.msk [tilespmem:s14+$0x0 ss:$0x1], $0xffff;
	_ =	sdelay $0x4  }
0x30: {  	s15 =	sadd.s32 $0x10, s14;
	v1 =	vshrl.u32 v0, $0x3  }
0x31: {  	v2 =	vld.msk [tilespmem:s15+$0x0 ss:$0x1], $0xffff;
	vm1 =	veq.s32 v0, $0x80000000;
	v1 =	vand.u32 $0x1FF, v1  }
0x32: {  	v0 =	vand.u32 $0x7, v0;
	v1 =	vsel vm1, $0xFFFFFFFF, v1  }
0x33: {  	v0 =	vsel vm1, $0xFFFFFFFF, v0;
	v3 =	vshll.u32 v1, $0x3  }
0x34: {  	v4 =	vand.u32 $0xFFFFF000, v0;
	v0 =	vshll.u32 v0, $0x7;
	v3 =	vand.u32 $0xFFFFFC00, v3  }
0x35: {  	v0 =	vand.u32 $0x380, v0;
	v3 =	vadd.s32 v4, v3  }
0x36: {  	v1 =	vand.u32 $0x7F, v1;
	v0 =	vor.u32 v0, v3;
	v3 =	vshrl.u32 v2, $0x3  }
0x37: {  	s17 =	sadd.s32 $0x10, s15;
	vm1 =	veq.s32 v2, $0x80000000;
	v0 =	vor.u32 v1, v0;
	v3 =	vand.u32 $0x1FF, v3  }
0x38: {  	v2 =	vand.u32 $0x7, v2;
	v1 =	vld.msk [tilespmem:s17+$0x0 ss:$0x1], $0xffff;
	v3 =	vsel vm1, $0xFFFFFFFF, v3  }
0x39: {  	v2 =	vsel vm1, $0xFFFFFFFF, v2;
	v63 =	vshll.u32 v3, $0x3  }
0x3a: {  	s31 =	sshll.u32 s12, $0x6;
	v5 =	vand.u32 $0xFFFFF000, v2;
	v2 =	vshll.u32 v2, $0x7;
	v4 =	vand.u32 $0xFFFFFC00, v63  }
0x3b: {  	s14 =	sor.u32 $0x80, s14;
	s15 =	sand.u32 $0x40, s31;
	(ifvalue) =	ssetifvalue $0x7FFFFFFF;
	v2 =	vand.u32 $0x380, v2;
	v4 =	vadd.s32 v5, v4  }
0x3c: {  	[tilespmem:s14], [sflag:$0x1] =	stream.indirect_vreg.gather [hbm4b:s2+s10], $0x1, v0, vm0, $0x4038;
	v0 =	vand.u32 $0x7F, v3;
	v3 =	vor.u32 v2, v4;
	[tilespmem:$0x100] =	vst v63  }
0x3d: {  	s16 =	simm.s32 $0x20;
	s15 =	sor.u32 $0x80, s15;
	s17 =	sadd.s32 $0x10, s17;
	v2 =	vshrl.u32 v1, $0x3;
	v0 =	vor.u32 v0, v3  }
.LBB2_3:
0x3e: {  	v3 =	vld.msk [tilespmem:s17+$0x0 ss:$0x1], $0xffff;
	s16 =	sadd.s32 $0x10, s16;
	vm1 =	veq.s32 v1, $0x80000000;
	v2 =	vand.u32 $0x1FF, v2  }
0x3f: {  	v1 =	vand.u32 $0x7, v1;
	p1 =	slt.u32 s16, $0x30;
	v2 =	vsel vm1, $0xFFFFFFFF, v2  }
.Ltmp3:
0x40: {  	v1 =	vsel vm1, $0xFFFFFFFF, v1;
	v4 =	vshll.u32 v2, $0x3;
	(pc) =	sbr.rel @p1 .LBB2_3-.Ltmp3, $4  }
0x41: {  	s14 =	sadd.s32 $0x10, s14;
	v5 =	vand.u32 $0xFFFFF000, v1;
	v1 =	vshll.u32 v1, $0x7;
	v4 =	vand.u32 $0xFFFFFC00, v4;
	(ifvalue) =	ssetifvalue $0x7FFFFFFF  }
0x42: {  	v4 =	vadd.s32 v5, v4;
	v5 =	vand.u32 $0x380, v1;
	[tilespmem:s14], [sflag:$0x1] =	stream.indirect_vreg.gather [hbm4b:s2+s10], $0x1, v0, vm0, $0x4038;
	[tilespmem:$0x100] =	vst v63  }
0x43: {  	v0 =	vand.u32 $0x7F, v2;
	v4 =	vor.u32 v5, v4  }
0x44: {  	s17 =	sadd.s32 $0x10, s17;
	v2 =	vshrl.u32 v3, $0x3;
	v1 =	vmov v3;
	v0 =	vor.u32 v0, v4  }
.Ltmp4:
0x45: {  	_ = 	snop;
	(pc) =	sbr.rel .LBB2_4-.Ltmp4, $1  }
0x46: {  	_ =	sdelay $0x3  }
.LBB2_6:
0x47: {  	_ =	sfence.sel $0x180000  }
0x48: {  	s2 =	simm.s32 $0x2;
	[bflag:$0x0] =	sbarrier.arrive $0xFFFF  }
0x49: {  	s30 =	simm.s32 $0x3;
	[sflag:s2] =	ssyncpa.u1 $0x1  }
0x4a: {  	s31 =	simm.s32 $0x1;
	[sflag:s30] =	ssyncpa.u1 $0x1  }
0x4b: {  	[sflag:s31] =	ssyncpa.u1 $0x1  }
0x4c: {  	p0 =	sne.s32 s0, $0x0;
	_ =	strace $0x90000047  }
0x4d: {  	s0 =	sadd.s32 @!p0 $0x100000, s1;
	[bflag:$0x2] =	sbarrier.arrive $0xFFFF  }
0x4e: {  	[sflag:s0] =	ssyncadd.tile.s32 @!p0 $0x1;
	_ =	shalt  }
.Lfunc_end2:
_tile_overlayer_lowered:
.L_overlay_start_2:
0x4f: {  	(tag) =	ssettag $0x2  }
0x50: {  	s0 =	rddreg [dreg:$0x0];
	s2 =	stileid.u32  }
0x51: {  	s1 =	rddreg [dreg:$0x1];
	p0 =	sne.s32 s2, $0x0  }
0x52: {  	s3 =	rddreg [dreg:$0x2];
	[bflag:$0x3] =	sbarrier.arrive $0xFFFF;
	s2 =	simm.s32 @!p0 $0x1C01  }
0x53: {  	[timem:s3], [sflag:s2] =	dma.local @!p0 [hbm:s0], s1  }
0x54: {  	s0 =	simm.s32 @!p0 $0x1  }
0x55: {  	_ =	swait.ge @!p0 [sflag:s0], s1  }
0x56: {  	s1 =	ssub.s32 @!p0 $0x0, s1;
	[sflag:s0] =	ssyncset.done @!p0 $0x0  }
0x57: {  	[sflag:s0] =	ssyncadd.s32 @!p0 s1  }
0x58: {  	[bflag:$0x3] =	sbarrier.arrive $0xFFFF  }
0x59: {  	_ =	shalt  }

// kernel: gather_offload_async_start.3
scs
__scs_entry_jumppad:
0x0: {  	(pc) =	sbr.rel $0x88, $3  }
0x1: {  	(tag) =	ssettag $0x0;
	lr =	simm.s32 $0x1  }
0x2: {  	[smem:$0x3F9F] =	sst lr;
	_ =	strace $0xD0000000  }
0x3: {  	_ = 	snop  }
0x4: {  	_ = 	snop  }
0x5: {  	_ = 	snop  }
0x6: {  	_ = 	snop  }
0x7: {  	_ = 	snop  }
__scs_overlays_trampoline_lowered:
0x8: {  	[smem:$0x3FAE] =	sst s0  }
0x9: {  	[smem:$0x3FAF] =	sst s1  }
0xa: {  	[smem:$0x3FB0] =	sst s2  }
0xb: {  	[smem:$0x3FB1] =	sst s3  }
0xc: {  	[smem:$0x3FB2] =	sst s4  }
0xd: {  	[smem:$0x3FB3] =	sst s5  }
0xe: {  	[smem:$0x3FB4] =	sst s6  }
0xf: {  	[smem:$0x3FB5] =	sst s7  }
0x10: {  	[smem:$0x3FB6] =	sst s8  }
0x11: {  	[smem:$0x3FB7] =	sst s9;
	s0 =	simm.s32 @!p0 $0x0  }
0x12: {  	s1 =	sld [smem:$0x3F9D];
	s0 =	simm.s32 @p0 $0x1  }
0x13: {  	[smem:$0x3FB8] =	sst s0;
	s0 =	simm.s32 @!p1 $0x0  }
0x14: {  	s2 =	sld [smem:$0x3F9C];
	s0 =	simm.s32 @p1 $0x1  }
0x15: {  	[smem:$0x3FB9] =	sst s0;
	s0 =	simm.s32 @!p2 $0x0  }
0x16: {  	s3 =	sld [smem:$0x3FDB];
	s0 =	simm.s32 @p2 $0x1  }
0x17: {  	s4 =	simm.s32 $0x1BF5;
	[smem:$0x3FBB] =	sst s0  }
0x18: {  	s0 =	sld [smem:$0x3F9E];
	_ =	swait.ge [sflag:s4], $0x0  }
0x19: {  	s7 =	sld [smem:$0x3F9F]  }
0x1a: {  	s8 =	sadd.s32 $0xFFFFE003, lr  }
0x1b: {  	s9 =	sadd.s32 $0xFFFFFEF7, lr;
	s5 =	simm.s32 $0xFFFFFFFF;
	p2 =	slt.u32 s8, $0xFFFFF086  }
0x1c: {  	p1 =	slt.u32 s9, $0xF7A;
	s5 =	simm.s32 @!p2 $0x0  }
0x1d: {  	s5 =	simm.s32 @p1 $0x1;
	p0 =	seq.s32 s7, s2  }
0x1e: {  	s7 =	smul.u32 @!p0 $0xF7A, s2;
	p2 =	seq.s32 @!p0 s5, $0x0  }
0x1f: {  	s9 =	smul.u32 $0xF7A, s1;
	s8 =	simm.s32 @!p0 $0x1BF5;
	p2 =	por !p2, p0  }
0x20: {  	[sflag:s8] =	ssyncset.s32 @!p0 $0xFFFFF086;
	s6 =	sadd.s32 @!p0 s3, s7;
	s7 =	simm.s32 @!p0 $0x108  }
0x21: {  	s3 =	sadd.s32 s3, s9;
	s6 =	sadd.s32 @!p0 $0x88, s6;
	s7 =	simm.s32 @p2 $0x1082  }
0x22: {  	[simem:s7], [sflag:s8] =	dma.local @!p0 [hbm:s6], $0xF7A  }
0x23: {  	s9 =	sor.u32 $0xD0000000, s2;
	s6 =	simm.s32 $0x108;
	_ =	swait.ge @!p0 [sflag:s8], $0x0  }
0x24: {  	s3 =	sadd.s32 $0x88, s3;
	s6 =	simm.s32 @!p1 $0x1082;
	[sflag:s4] =	ssyncset.s32 $0xFFFFF086  }
0x25: {  	[simem:s6], [sflag:s4] =	dma.local [hbm:s3], $0xF7A  }
0x26: {  	[smem:$0x3F9F] =	sst s1;
	(tag) =	ssettag s2;
	_ =	strace s9  }
0x27: {  	s1 =	sld [smem:$0x3FAF]  }
0x28: {  	s2 =	sld [smem:$0x3FB0]  }
0x29: {  	s4 =	sld [smem:$0x3FB2]  }
0x2a: {  	p0 =	seq.s32 s5, $0x0;
	s5 =	sld [smem:$0x3FB3]  }
0x2b: {  	s6 =	sld [smem:$0x3FB4]  }
0x2c: {  	s7 =	sld [smem:$0x3FB5]  }
0x2d: {  	s3 =	simm.s32 $0x108;
	s8 =	sld [smem:$0x3FB6]  }
0x2e: {  	s3 =	simm.s32 @!p0 $0x1082;
	s9 =	sld [smem:$0x3FB7]  }
0x2f: {  	lr =	sadd.s32 s0, s3;
	s0 =	sld [smem:$0x3FAE]  }
0x30: {  	s3 =	sld [smem:$0x3FB1]  }
0x31: {  	[smem:$0x3FBA] =	sst s10  }
0x32: {  	s10 =	sld [smem:$0x3FB8];
	_ =	sdelay $0x3  }
0x33: {  	p0 =	seq.s32 s10, $0x1;
	s10 =	sld [smem:$0x3FBA];
	_ =	sdelay $0x3  }
0x34: {  	[smem:$0x3FBA] =	sst s10  }
0x35: {  	s10 =	sld [smem:$0x3FB9];
	_ =	sdelay $0x3  }
0x36: {  	p1 =	seq.s32 s10, $0x1;
	s10 =	sld [smem:$0x3FBA];
	_ =	sdelay $0x3  }
0x37: {  	[smem:$0x3FBA] =	sst s10  }
0x38: {  	s10 =	sld [smem:$0x3FBB]  }
0x39: {  	_ = 	snop;
	(pc) =	sbr.ind lr, $3  }
0x3a: {  	_ = 	snop  }
0x3b: {  	_ = 	snop  }
0x3c: {  	p2 =	seq.s32 s10, $0x1;
	s10 =	sld [smem:$0x3FBA]  }
0x3d: {  	_ =	shalt  }
0x3e: {  	_ =	shalt  }
0x3f: {  	_ =	shalt  }
0x40: {  	_ =	shalt  }
0x41: {  	_ =	shalt  }
0x42: {  	_ =	shalt  }
0x43: {  	_ =	shalt  }
0x44: {  	_ =	shalt  }
0x45: {  	_ =	shalt  }
0x46: {  	_ =	shalt  }
0x47: {  	_ =	shalt  }
0x48: {  	_ =	shalt  }
0x49: {  	_ =	shalt  }
0x4a: {  	_ =	shalt  }
0x4b: {  	_ =	shalt  }
0x4c: {  	_ =	shalt  }
0x4d: {  	_ =	shalt  }
0x4e: {  	_ =	shalt  }
0x4f: {  	_ =	shalt  }
0x50: {  	_ =	shalt  }
0x51: {  	_ =	shalt  }
0x52: {  	_ =	shalt  }
0x53: {  	_ =	shalt  }
0x54: {  	_ =	shalt  }
0x55: {  	_ =	shalt  }
0x56: {  	_ =	shalt  }
0x57: {  	_ =	shalt  }
0x58: {  	_ =	shalt  }
0x59: {  	_ =	shalt  }
0x5a: {  	_ =	shalt  }
0x5b: {  	_ =	shalt  }
0x5c: {  	_ =	shalt  }
0x5d: {  	_ =	shalt  }
0x5e: {  	_ =	shalt  }
0x5f: {  	_ =	shalt  }
0x60: {  	_ =	shalt  }
0x61: {  	_ =	shalt  }
0x62: {  	_ =	shalt  }
0x63: {  	_ =	shalt  }
0x64: {  	_ =	shalt  }
0x65: {  	_ =	shalt  }
0x66: {  	_ =	shalt  }
0x67: {  	_ =	shalt  }
0x68: {  	_ =	shalt  }
0x69: {  	_ =	shalt  }
0x6a: {  	_ =	shalt  }
0x6b: {  	_ =	shalt  }
0x6c: {  	_ =	shalt  }
0x6d: {  	_ =	shalt  }
0x6e: {  	_ =	shalt  }
0x6f: {  	_ =	shalt  }
0x70: {  	_ =	shalt  }
0x71: {  	_ =	shalt  }
0x72: {  	_ =	shalt  }
0x73: {  	_ =	shalt  }
0x74: {  	_ =	shalt  }
0x75: {  	_ =	shalt  }
0x76: {  	_ =	shalt  }
0x77: {  	_ =	shalt  }
0x78: {  	_ =	shalt  }
0x79: {  	_ =	shalt  }
0x7a: {  	_ =	shalt  }
0x7b: {  	_ =	shalt  }
0x7c: {  	_ =	shalt  }
0x7d: {  	_ =	shalt  }
0x7e: {  	_ =	shalt  }
0x7f: {  	_ =	shalt  }
0x80: {  	_ =	shalt  }
0x81: {  	_ =	shalt  }
0x82: {  	_ =	shalt  }
0x83: {  	_ =	shalt  }
0x84: {  	_ =	shalt  }
0x85: {  	_ =	shalt  }
0x86: {  	_ =	shalt  }
0x87: {  	_ =	shalt  }
.Lfunc_end0:
.L_simem_size_0:
called_computation.3_lowered:
.L_overlay_start_0:
0x88: {  	s2 =	sld [smem:$0x3FD9]  }
0x89: {  	s3 =	sld [smem:$0x3FFE];
	_ =	sdelay $0x1  }
0x8a: {  	s1 =	srdreg.scid  }
0x8b: {  	s0 =	sand.u32 $0x1, s1  }
0x8c: {  	s16 =	sshll.u32 s0, $0xA;
	s2 =	sadd.s32 s3, s2  }
0x8d: {  	s2 =	sadd.s32 s2, s16  }
0x8e: {  	[smem:$0x3FC6] =	sst s2  }
0x8f: {  	_ = 	snop  }
0x90: {  	s2 =	sld [smem:$0x3FD0];
	_ =	sdelay $0x2  }
0x91: {  	s5 =	simm.s32 $0xC;
	s17 =	simm.s32 $0x10  }
0x92: {  	[smem:s17], [sflag:s5] =	dma.local [hbm:s2], $0x1  }
0x93: {  	_ =	swait.eq [sflag:s5], $0x1  }
0x94: {  	s18 =	sld [smem:$0x10];
	[sflag:s5] =	ssyncset.done $0x0  }
0x95: {  	s4 =	sld [smem:$0x13];
	[sflag:s5] =	ssyncadd.s32 $0xFFFFFFFF  }
0x96: {  	s19 =	sld [smem:$0x14];
	(tm) =	ssettm $0x1  }
0x97: {  	s20 =	sld [smem:$0x3FFB];
	_ =	sdelay $0x3  }
0x98: {  	_ =	strace s20  }
0x99: {  	s2 =	sld [smem:$0x3FFC];
	_ =	sdelay $0x3  }
0x9a: {  	_ =	strace s2  }
0x9b: {  	s2 =	sld [smem:$0x3FFD];
	_ =	sdelay $0x3  }
0x9c: {  	_ =	strace s2  }
0x9d: {  	_ =	strace $0x8FFFFFFF  }
0x9e: {  	s21 =	sld [smem:$0x3FDB];
	_ =	sdelay $0x1  }
0x9f: {  	s6 =	simm.s32 $_scs_section_size  }
0xa0: {  	s7 =	simm.s32 $_size__tile_overlayer_lowered;
	s8 =	simm.s32 $_tile_overlayer_lowered  }
0xa1: {  	s9 =	simm.s32 $0x1BFF;
	s22 =	sshll.u32 s8, $0x1;
	s6 =	sadd.s32 s6, s21  }
0xa2: {  	s23 =	simm.s32 $0x0;
	s7 =	sshll.u32 s7, $0x1;
	s8 =	sadd.s32 s22, s6  }
0xa3: {  	[timem:s23], [sflag:s9] =	dma.local [hbm:s8], s7  }
0xa4: {  	_ =	swait.ge [sflag:s9], s7  }
0xa5: {  	s7 =	ssub.s32 $0x0, s7;
	[sflag:s9] =	ssyncset.done $0x0  }
0xa6: {  	[sflag:s9] =	ssyncadd.s32 s7;
	_ =	sdelay $0x1  }
0xa7: {  	s24 =	simm.s32 $0x1B8B  }
0xa8: {  	_ =	swait.ge [sflag:s24], $0x1  }
0xa9: {  	[sflag:s24] =	ssyncset.done $0x0  }
0xaa: {  	[sflag:s24] =	ssyncadd.s32 $0xFFFFFFFF  }
0xab: {  	s7 =	sld [smem:$0x0]  }
0xac: {  	s8 =	sand.u32 $0xFFFFFFFE, s1  }
0xad: {  	p0 =	sne.s32 s1, s8  }
0xae: {  	s8 =	sshll.u32 @p0 s8, $0xE  }
0xaf: {  	s8 =	sadd.s32 @p0 $0x11B8D, s8;
	s9 =	sshll.u32 @p0 s7, $0x11  }
0xb0: {  	s8 =	sor.u32 @p0 s9, s8  }
0xb1: {  	[sflag:s8] =	ssyncadd.remote.s32 @p0 $0x1;
	_ =	sdelay $0x1  }
0xb2: {  	s8 =	simm.s32 @p0 $0x1B8D  }
0xb3: {  	_ =	swait.eq @p0 [sflag:s8], $0x1  }
0xb4: {  	[sflag:s8] =	ssyncadd.s32 @p0 $0xFFFFFFFF  }
0xb5: {  	s9 =	sshll.u32 @!p0 s1, $0xE  }
0xb6: {  	s9 =	sor.u32 @!p0 $0x4000, s9;
	s8 =	simm.s32 @!p0 $0x1B8D  }
0xb7: {  	s7 =	sshll.u32 @!p0 s7, $0x11;
	s9 =	sadd.s32 @!p0 $0x11B8D, s9;
	_ =	swait.eq @!p0 [sflag:s8], $0x1  }
0xb8: {  	s7 =	sor.u32 @!p0 s7, s9;
	[sflag:s8] =	ssyncadd.s32 @!p0 $0xFFFFFFFF  }
0xb9: {  	s25 =	simm.s32 $0x1B8E;
	[sflag:s7] =	ssyncadd.remote.s32 @!p0 $0x1  }
0xba: {  	s26 =	simm.s32 $execute0_lowered;
	[smem:$0x3FD2] =	sst s25  }
0xbb: {  	s7 =	sshll.u32 s26, $0x1;
	_ =	strace $0x80000049;
	[dreg:$0x1] =	wrdreg $0xFFFFFFFF  }
0xbc: {  	s28 =	simm.s32 $_size_execute0_lowered;
	s6 =	sadd.s32 s6, s7;
	[dreg:$0x0] =	wrdreg $0x0  }
0xbd: {  	s7 =	sshll.u32 s28, $0x1;
	[dreg:$0x2] =	wrdreg s6  }
0xbe: {  	[dreg:$0x3] =	wrdreg s7  }
0xbf: {  	[dreg:$0x4] =	wrdreg $0xC0  }
0xc0: {  	_ =	task [dreg:s23], $0x5FFFF  }
0xc1: {  	[dreg:$0x1] =	wrdreg $0xFFFFFFFF  }
0xc2: {  	[dreg:$0x0] =	wrdreg $0x60  }
0xc3: {  	[dreg:$0x2] =	wrdreg s19  }
0xc4: {  	[dreg:$0x3] =	wrdreg s4  }
0xc5: {  	[dreg:$0x4] =	wrdreg s18  }
0xc6: {  	[dreg:$0x5] =	wrdreg $0xA  }
0xc7: {  	_ =	task.clear_ibuf [dreg:s23], $0x6FFFF;
	_ =	strace $0x90000049  }
0xc8: {  	s29 =	simm.s32 $0xA;
	_ =	strace $0x8000004B  }
0xc9: {  	_ =	swait.ge [sflag:s29], $0x1  }
0xca: {  	[sflag:s29] =	ssyncadd.s32 $0xFFFFFFFF  }
0xcb: {  	_ =	strace $0x9000004B  }
0xcc: {  	_ =	sfence  }
0xcd: {  	s30 =	sld [smem:$0x0];
	_ =	sdelay $0x2  }
0xce: {  	s31 =	sshll.u32 s1, $0xD;
	s1 =	sshrl.u32 s1, $0x2  }
0xcf: {  	s4 =	sand.u32 $0x4000, s31;
	s1 =	sadd.s32 s1, s30  }
0xd0: {  	s0 =	sor.u32 s4, s0;
	s1 =	sshll.u32 s1, $0x11  }
0xd1: {  	s0 =	sor.u32 s1, s0  }
0xd2: {  	s0 =	sadd.s32 $0x8F2B, s0  }
0xd3: {  	[sflag:s0] =	ssyncadd.remote.s32 $0x1  }
0xd4: {  	_ =	sfence.sel $0xFFFF  }
0xd5: {  	[dreg:$0x0] =	wrdreg $0xFFFFFFFF;
	(pc) =	sbr.abs _section_cstart, $3  }
0xd6: {  	[dreg:$0x1] =	wrdreg $0xFFFFFFFF  }
0xd7: {  	_ =	task.clear_ibuf [dreg:s23], $0x2FFFF;
	_ =	strace $0x9FFFFFFF  }
0xd8: {  	(tm) =	ssettm $0x7FFFFFFF  }
0xd9: {  	_ =	shalt  }
tec
execute0_lowered:
.L_overlay_start_1:
0x0: {  	(tag) =	ssettag $0x1  }
0x1: {  	s1 =	srdreg.scid;
	s2 =	rddreg [dreg:$0x0]  }
0x2: {  	s0 =	stileid.u32;
	s3 =	rddreg [dreg:$0x1]  }
0x3: {  	s4 =	rddreg [dreg:$0x2];
	s6 =	simm.s32 $0x1;
	s1 =	sshll.u32 s1, $0x6  }
0x4: {  	s9 =	simm.s32 $0x1;
	s5 =	sshll.u32 s0, $0x7;
	s1 =	sand.u32 $0x40, s1  }
0x5: {  	s10 =	simm.s32 $0x3;
	s13 =	simm.s32 $0x0;
	s5 =	sor.u32 s5, s1  }
0x6: {  	s12 =	simm.s32 $0x0;
	s1 =	rddreg [dreg:$0x3];
	s8 =	ssub.s32 $0x1000, s5  }
.Ltmp0:
0x7: {  	_ =	strace $0x8000004A;
	s7 =	sand.u32 $0x7C0, s8;
	(pc) =	sbr.rel .LBB2_1-.Ltmp0, $4  }
0x8: {  	[sflag:s6] =	ssyncpa.u1 $0x0;
	s11 =	smov.u32 s5;
	p0 =	sne.s32 s7, $0x0  }
0x9: {  	s8 =	sshrl.u32 s8, $0xB;
	s7 =	simm.s32 $0x2;
	s9 =	simm.s32 @!p0 $0x0  }
0xa: {  	[sflag:s7] =	ssyncpa.u1 $0x0;
	p0 =	por $0x0, $0x0;
	s8 =	sadd.s32 s9, s8  }
0xb: {  	vm0 =	vmmov $0xffff;
	[sflag:s10] =	ssyncpa.u1 $0x0;
	s10 =	simm.s32 $0x0;
	s9 =	sadd.s32 $0x1, s8  }
.LBB2_4:
0xc: {  	vm1 =	veq.s32 v1, $0x80000000;
	v2 =	vand.u32 $0x1FF, v2  }
0xd: {  	v63 =	vand.u32 $0x7, v1;
	v2 =	vsel vm1, $0xFFFFFFFF, v2  }
0xe: {  	v1 =	vsel vm1, $0xFFFFFFFF, v63;
	v3 =	vshll.u32 v2, $0x3  }
0xf: {  	v4 =	vand.u32 $0xFFFFF000, v1;
	v1 =	vshll.u32 v1, $0x7;
	v3 =	vand.u32 $0xFFFFFC00, v3  }
0x10: {  	v1 =	vand.u32 $0x380, v1;
	v3 =	vadd.s32 v4, v3  }
0x11: {  	v2 =	vand.u32 $0x7F, v2;
	v1 =	vor.u32 v1, v3  }
0x12: {  	v1 =	vor.u32 v2, v1;
	_ =	sdelay $0x1  }
0x13: {  	(ifvalue) =	ssetifvalue $0x7FFFFFFF;
	s14 =	sadd.s32 $0x10, s14  }
0x14: {  	[tilespmem:s14], [sflag:$0x1] =	stream.indirect_vreg.gather [hbm4b:s2+s10], $0x1, v0, vm0, $0x4038;
	[tilespmem:$0x100] =	vst v63  }
0x15: {  	(ifvalue) =	ssetifvalue $0x7FFFFFFF;
	s14 =	sadd.s32 $0x10, s14  }
0x16: {  	[tilespmem:s14], [sflag:$0x1] =	stream.indirect_vreg.gather [hbm4b:s2+s10], $0x1, v1, vm0, $0x4038;
	[tilespmem:$0x100] =	vst v63  }
0x17: {  	_ =	swait.ge [sflag:s6], $0x40  }
0x18: {  	s30 =	sshrl.u32 s13, $0x3;
	[sflag:s6] =	ssyncset.done $0x0  }
0x19: {  	s31 =	sand.u32 $0x7, s13;
	s14 =	sadd.s32 s4, s30;
	[sflag:s6] =	ssyncadd.s32 $0xFFFFFFC0  }
0x1a: {  	[hbm4b:s14+s31] =	stream.linear.scatter [tilespmem:s15], [sflag:$0x3], $0x40, $0x38;
	[tilespmem:$0x100] =	vst v63  }
.LBB2_5:
0x1b: {  	s15 =	sadd.s32 $0x800, s11  }
0x1c: {  	p2 =	sgt.s32 s15, $0xFFF  }
0x1d: {  	s15 =	smov.u32 @p2 s5;
	p2 =	sne.s32 s12, s9  }
.Ltmp1:
0x1e: {  	p1 =	slt.u32 s12, $0x2;
	(pc) =	sbr.rel @!p2 .LBB2_6-.Ltmp1, $4  }
0x1f: {  	s14 =	simm.s32 @!p1 $0x3  }
0x20: {  	s16 =	sadd.s32 $0x1, s12;
	_ =	swait.ge @!p1 [sflag:s14], $0x40  }
0x21: {  	s13 =	smov.u32 s11;
	p0 =	por !p0, !p0;
	[sflag:s14] =	ssyncset.done @!p1 $0x0  }
0x22: {  	s12 =	smov.u32 s16;
	s11 =	smov.u32 s15;
	[sflag:s14] =	ssyncadd.s32 @!p1 $0xFFFFFFC0  }
.LBB2_1:
0x23: {  	p1 =	sge.u32 s12, s8  }
0x24: {  	s14 =	sxor.u32 @!p1 $0xFFFFFFFF, s12  }
0x25: {  	s31 =	sadd.s32 $0xFFFFFFFF, s12;
	s15 =	sshrl.u32 @!p1 s11, $0x3;
	s14 =	sshll.u32 @!p1 s14, $0x6  }
0x26: {  	s16 =	sand.u32 @!p1 $0x7, s11;
	s15 =	sadd.s32 @!p1 s3, s15;
	s14 =	sand.u32 @!p1 $0x40, s14  }
0x27: {  	[tilespmem:s14], [sflag:$0x2] =	stream.linear.gather @!p1 [hbm4b:s15+s16], $0x40, $0x38;
	[tilespmem:$0x100] =	vst v63  }
0x28: {  	p1 =	sge.u32 s31, s8  }
.Ltmp2:
0x29: {  	_ = 	snop;
	(pc) =	sbr.rel @p1 .LBB2_5-.Ltmp2, $1  }
0x2a: {  	_ =	sdelay $0x3  }
0x2b: {  	s14 =	simm.s32 $0x1  }
0x2c: {  	_ =	swait.ge [sflag:s7], $0x40;
	s14 =	simm.s32 @!p0 $0x0  }
0x2d: {  	[sflag:s7] =	ssyncset.done $0x0;
	s14 =	sshll.u32 s14, $0x6  }
0x2e: {  	[sflag:s7] =	ssyncadd.s32 $0xFFFFFFC0;
	(ifvalue) =	ssetifvalue $0x7FFFFFFF;
	v0 =	vld.msk [tilespmem:s14+$0x0 ss:$0x1], $0xffff;
	_ =	sdelay $0x4  }
0x2f: {  	s15 =	sadd.s32 $0x10, s14;
	v1 =	vshrl.u32 v0, $0x3  }
0x30: {  	v2 =	vld.msk [tilespmem:s15+$0x0 ss:$0x1], $0xffff;
	vm1 =	veq.s32 v0, $0x80000000;
	v1 =	vand.u32 $0x1FF, v1  }
0x31: {  	v0 =	vand.u32 $0x7, v0;
	v1 =	vsel vm1, $0xFFFFFFFF, v1  }
0x32: {  	v0 =	vsel vm1, $0xFFFFFFFF, v0;
	v3 =	vshll.u32 v1, $0x3  }
0x33: {  	v4 =	vand.u32 $0xFFFFF000, v0;
	v0 =	vshll.u32 v0, $0x7;
	v3 =	vand.u32 $0xFFFFFC00, v3  }
0x34: {  	v0 =	vand.u32 $0x380, v0;
	v3 =	vadd.s32 v4, v3  }
0x35: {  	v1 =	vand.u32 $0x7F, v1;
	v0 =	vor.u32 v0, v3;
	v3 =	vshrl.u32 v2, $0x3  }
0x36: {  	s17 =	sadd.s32 $0x10, s15;
	vm1 =	veq.s32 v2, $0x80000000;
	v0 =	vor.u32 v1, v0;
	v3 =	vand.u32 $0x1FF, v3  }
0x37: {  	v2 =	vand.u32 $0x7, v2;
	v1 =	vld.msk [tilespmem:s17+$0x0 ss:$0x1], $0xffff;
	v3 =	vsel vm1, $0xFFFFFFFF, v3  }
0x38: {  	v2 =	vsel vm1, $0xFFFFFFFF, v2;
	v63 =	vshll.u32 v3, $0x3  }
0x39: {  	s31 =	sshll.u32 s12, $0x6;
	v5 =	vand.u32 $0xFFFFF000, v2;
	v2 =	vshll.u32 v2, $0x7;
	v4 =	vand.u32 $0xFFFFFC00, v63  }
0x3a: {  	s14 =	sor.u32 $0x80, s14;
	s15 =	sand.u32 $0x40, s31;
	(ifvalue) =	ssetifvalue $0x7FFFFFFF;
	v2 =	vand.u32 $0x380, v2;
	v4 =	vadd.s32 v5, v4  }
0x3b: {  	[tilespmem:s14], [sflag:$0x1] =	stream.indirect_vreg.gather [hbm4b:s2+s10], $0x1, v0, vm0, $0x4038;
	v0 =	vand.u32 $0x7F, v3;
	v3 =	vor.u32 v2, v4;
	[tilespmem:$0x100] =	vst v63  }
0x3c: {  	s16 =	simm.s32 $0x20;
	s15 =	sor.u32 $0x80, s15;
	s17 =	sadd.s32 $0x10, s17;
	v2 =	vshrl.u32 v1, $0x3;
	v0 =	vor.u32 v0, v3  }
.LBB2_3:
0x3d: {  	v3 =	vld.msk [tilespmem:s17+$0x0 ss:$0x1], $0xffff;
	s16 =	sadd.s32 $0x10, s16;
	vm1 =	veq.s32 v1, $0x80000000;
	v2 =	vand.u32 $0x1FF, v2  }
0x3e: {  	v1 =	vand.u32 $0x7, v1;
	p1 =	slt.u32 s16, $0x30;
	v2 =	vsel vm1, $0xFFFFFFFF, v2  }
.Ltmp3:
0x3f: {  	v1 =	vsel vm1, $0xFFFFFFFF, v1;
	v4 =	vshll.u32 v2, $0x3;
	(pc) =	sbr.rel @p1 .LBB2_3-.Ltmp3, $4  }
0x40: {  	s14 =	sadd.s32 $0x10, s14;
	v5 =	vand.u32 $0xFFFFF000, v1;
	v1 =	vshll.u32 v1, $0x7;
	v4 =	vand.u32 $0xFFFFFC00, v4;
	(ifvalue) =	ssetifvalue $0x7FFFFFFF  }
0x41: {  	v4 =	vadd.s32 v5, v4;
	v5 =	vand.u32 $0x380, v1;
	[tilespmem:s14], [sflag:$0x1] =	stream.indirect_vreg.gather [hbm4b:s2+s10], $0x1, v0, vm0, $0x4038;
	[tilespmem:$0x100] =	vst v63  }
0x42: {  	v0 =	vand.u32 $0x7F, v2;
	v4 =	vor.u32 v5, v4  }
0x43: {  	s17 =	sadd.s32 $0x10, s17;
	v2 =	vshrl.u32 v3, $0x3;
	v1 =	vmov v3;
	v0 =	vor.u32 v0, v4  }
.Ltmp4:
0x44: {  	_ = 	snop;
	(pc) =	sbr.rel .LBB2_4-.Ltmp4, $1  }
0x45: {  	_ =	sdelay $0x3  }
.LBB2_6:
0x46: {  	_ =	sfence.sel $0x180000  }
0x47: {  	s2 =	simm.s32 $0x2;
	[bflag:$0x0] =	sbarrier.arrive $0xFFFF  }
0x48: {  	s30 =	simm.s32 $0x3;
	[sflag:s2] =	ssyncpa.u1 $0x1  }
0x49: {  	s31 =	simm.s32 $0x1;
	[sflag:s30] =	ssyncpa.u1 $0x1  }
0x4a: {  	[sflag:s31] =	ssyncpa.u1 $0x1  }
0x4b: {  	p0 =	sne.s32 s0, $0x0;
	_ =	strace $0x9000004A  }
0x4c: {  	s0 =	sadd.s32 @!p0 $0x100000, s1;
	[bflag:$0x2] =	sbarrier.arrive $0xFFFF  }
0x4d: {  	[sflag:s0] =	ssyncadd.tile.s32 @!p0 $0x1;
	_ =	shalt  }
.Lfunc_end2:
_tile_overlayer_lowered:
.L_overlay_start_2:
0x4e: {  	(tag) =	ssettag $0x2  }
0x4f: {  	s0 =	rddreg [dreg:$0x0];
	s2 =	stileid.u32  }
0x50: {  	s1 =	rddreg [dreg:$0x1];
	p0 =	sne.s32 s2, $0x0  }
0x51: {  	s3 =	rddreg [dreg:$0x2];
	[bflag:$0x3] =	sbarrier.arrive $0xFFFF;
	s2 =	simm.s32 @!p0 $0x1C01  }
0x52: {  	[timem:s3], [sflag:s2] =	dma.local @!p0 [hbm:s0], s1  }
0x53: {  	s0 =	simm.s32 @!p0 $0x1  }
0x54: {  	_ =	swait.ge @!p0 [sflag:s0], s1  }
0x55: {  	s1 =	ssub.s32 @!p0 $0x0, s1;
	[sflag:s0] =	ssyncset.done @!p0 $0x0  }
0x56: {  	[sflag:s0] =	ssyncadd.s32 @!p0 s1  }
0x57: {  	[bflag:$0x3] =	sbarrier.arrive $0xFFFF  }
0x58: {  	_ =	shalt  }

// kernel: gather_offload_async_start
scs
__scs_entry_jumppad:
0x0: {  	(pc) =	sbr.rel $0x88, $3  }
0x1: {  	(tag) =	ssettag $0x0;
	lr =	simm.s32 $0x1  }
0x2: {  	[smem:$0x3F9F] =	sst lr;
	_ =	strace $0xD0000000  }
0x3: {  	_ = 	snop  }
0x4: {  	_ = 	snop  }
0x5: {  	_ = 	snop  }
0x6: {  	_ = 	snop  }
0x7: {  	_ = 	snop  }
__scs_overlays_trampoline_lowered:
0x8: {  	[smem:$0x3FAE] =	sst s0  }
0x9: {  	[smem:$0x3FAF] =	sst s1  }
0xa: {  	[smem:$0x3FB0] =	sst s2  }
0xb: {  	[smem:$0x3FB1] =	sst s3  }
0xc: {  	[smem:$0x3FB2] =	sst s4  }
0xd: {  	[smem:$0x3FB3] =	sst s5  }
0xe: {  	[smem:$0x3FB4] =	sst s6  }
0xf: {  	[smem:$0x3FB5] =	sst s7  }
0x10: {  	[smem:$0x3FB6] =	sst s8  }
0x11: {  	[smem:$0x3FB7] =	sst s9;
	s0 =	simm.s32 @!p0 $0x0  }
0x12: {  	s1 =	sld [smem:$0x3F9D];
	s0 =	simm.s32 @p0 $0x1  }
0x13: {  	[smem:$0x3FB8] =	sst s0;
	s0 =	simm.s32 @!p1 $0x0  }
0x14: {  	s2 =	sld [smem:$0x3F9C];
	s0 =	simm.s32 @p1 $0x1  }
0x15: {  	[smem:$0x3FB9] =	sst s0;
	s0 =	simm.s32 @!p2 $0x0  }
0x16: {  	s3 =	sld [smem:$0x3FDB];
	s0 =	simm.s32 @p2 $0x1  }
0x17: {  	s4 =	simm.s32 $0x1BF5;
	[smem:$0x3FBB] =	sst s0  }
0x18: {  	s0 =	sld [smem:$0x3F9E];
	_ =	swait.ge [sflag:s4], $0x0  }
0x19: {  	s7 =	sld [smem:$0x3F9F]  }
0x1a: {  	s8 =	sadd.s32 $0xFFFFE003, lr  }
0x1b: {  	s9 =	sadd.s32 $0xFFFFFEF7, lr;
	s5 =	simm.s32 $0xFFFFFFFF;
	p2 =	slt.u32 s8, $0xFFFFF086  }
0x1c: {  	p1 =	slt.u32 s9, $0xF7A;
	s5 =	simm.s32 @!p2 $0x0  }
0x1d: {  	s5 =	simm.s32 @p1 $0x1;
	p0 =	seq.s32 s7, s2  }
0x1e: {  	s7 =	smul.u32 @!p0 $0xF7A, s2;
	p2 =	seq.s32 @!p0 s5, $0x0  }
0x1f: {  	s9 =	smul.u32 $0xF7A, s1;
	s8 =	simm.s32 @!p0 $0x1BF5;
	p2 =	por !p2, p0  }
0x20: {  	[sflag:s8] =	ssyncset.s32 @!p0 $0xFFFFF086;
	s6 =	sadd.s32 @!p0 s3, s7;
	s7 =	simm.s32 @!p0 $0x108  }
0x21: {  	s3 =	sadd.s32 s3, s9;
	s6 =	sadd.s32 @!p0 $0x88, s6;
	s7 =	simm.s32 @p2 $0x1082  }
0x22: {  	[simem:s7], [sflag:s8] =	dma.local @!p0 [hbm:s6], $0xF7A  }
0x23: {  	s9 =	sor.u32 $0xD0000000, s2;
	s6 =	simm.s32 $0x108;
	_ =	swait.ge @!p0 [sflag:s8], $0x0  }
0x24: {  	s3 =	sadd.s32 $0x88, s3;
	s6 =	simm.s32 @!p1 $0x1082;
	[sflag:s4] =	ssyncset.s32 $0xFFFFF086  }
0x25: {  	[simem:s6], [sflag:s4] =	dma.local [hbm:s3], $0xF7A  }
0x26: {  	[smem:$0x3F9F] =	sst s1;
	(tag) =	ssettag s2;
	_ =	strace s9  }
0x27: {  	s1 =	sld [smem:$0x3FAF]  }
0x28: {  	s2 =	sld [smem:$0x3FB0]  }
0x29: {  	s4 =	sld [smem:$0x3FB2]  }
0x2a: {  	p0 =	seq.s32 s5, $0x0;
	s5 =	sld [smem:$0x3FB3]  }
0x2b: {  	s6 =	sld [smem:$0x3FB4]  }
0x2c: {  	s7 =	sld [smem:$0x3FB5]  }
0x2d: {  	s3 =	simm.s32 $0x108;
	s8 =	sld [smem:$0x3FB6]  }
0x2e: {  	s3 =	simm.s32 @!p0 $0x1082;
	s9 =	sld [smem:$0x3FB7]  }
0x2f: {  	lr =	sadd.s32 s0, s3;
	s0 =	sld [smem:$0x3FAE]  }
0x30: {  	s3 =	sld [smem:$0x3FB1]  }
0x31: {  	[smem:$0x3FBA] =	sst s10  }
0x32: {  	s10 =	sld [smem:$0x3FB8];
	_ =	sdelay $0x3  }
0x33: {  	p0 =	seq.s32 s10, $0x1;
	s10 =	sld [smem:$0x3FBA];
	_ =	sdelay $0x3  }
0x34: {  	[smem:$0x3FBA] =	sst s10  }
0x35: {  	s10 =	sld [smem:$0x3FB9];
	_ =	sdelay $0x3  }
0x36: {  	p1 =	seq.s32 s10, $0x1;
	s10 =	sld [smem:$0x3FBA];
	_ =	sdelay $0x3  }
0x37: {  	[smem:$0x3FBA] =	sst s10  }
0x38: {  	s10 =	sld [smem:$0x3FBB]  }
0x39: {  	_ = 	snop;
	(pc) =	sbr.ind lr, $3  }
0x3a: {  	_ = 	snop  }
0x3b: {  	_ = 	snop  }
0x3c: {  	p2 =	seq.s32 s10, $0x1;
	s10 =	sld [smem:$0x3FBA]  }
0x3d: {  	_ =	shalt  }
0x3e: {  	_ =	shalt  }
0x3f: {  	_ =	shalt  }
0x40: {  	_ =	shalt  }
0x41: {  	_ =	shalt  }
0x42: {  	_ =	shalt  }
0x43: {  	_ =	shalt  }
0x44: {  	_ =	shalt  }
0x45: {  	_ =	shalt  }
0x46: {  	_ =	shalt  }
0x47: {  	_ =	shalt  }
0x48: {  	_ =	shalt  }
0x49: {  	_ =	shalt  }
0x4a: {  	_ =	shalt  }
0x4b: {  	_ =	shalt  }
0x4c: {  	_ =	shalt  }
0x4d: {  	_ =	shalt  }
0x4e: {  	_ =	shalt  }
0x4f: {  	_ =	shalt  }
0x50: {  	_ =	shalt  }
0x51: {  	_ =	shalt  }
0x52: {  	_ =	shalt  }
0x53: {  	_ =	shalt  }
0x54: {  	_ =	shalt  }
0x55: {  	_ =	shalt  }
0x56: {  	_ =	shalt  }
0x57: {  	_ =	shalt  }
0x58: {  	_ =	shalt  }
0x59: {  	_ =	shalt  }
0x5a: {  	_ =	shalt  }
0x5b: {  	_ =	shalt  }
0x5c: {  	_ =	shalt  }
0x5d: {  	_ =	shalt  }
0x5e: {  	_ =	shalt  }
0x5f: {  	_ =	shalt  }
0x60: {  	_ =	shalt  }
0x61: {  	_ =	shalt  }
0x62: {  	_ =	shalt  }
0x63: {  	_ =	shalt  }
0x64: {  	_ =	shalt  }
0x65: {  	_ =	shalt  }
0x66: {  	_ =	shalt  }
0x67: {  	_ =	shalt  }
0x68: {  	_ =	shalt  }
0x69: {  	_ =	shalt  }
0x6a: {  	_ =	shalt  }
0x6b: {  	_ =	shalt  }
0x6c: {  	_ =	shalt  }
0x6d: {  	_ =	shalt  }
0x6e: {  	_ =	shalt  }
0x6f: {  	_ =	shalt  }
0x70: {  	_ =	shalt  }
0x71: {  	_ =	shalt  }
0x72: {  	_ =	shalt  }
0x73: {  	_ =	shalt  }
0x74: {  	_ =	shalt  }
0x75: {  	_ =	shalt  }
0x76: {  	_ =	shalt  }
0x77: {  	_ =	shalt  }
0x78: {  	_ =	shalt  }
0x79: {  	_ =	shalt  }
0x7a: {  	_ =	shalt  }
0x7b: {  	_ =	shalt  }
0x7c: {  	_ =	shalt  }
0x7d: {  	_ =	shalt  }
0x7e: {  	_ =	shalt  }
0x7f: {  	_ =	shalt  }
0x80: {  	_ =	shalt  }
0x81: {  	_ =	shalt  }
0x82: {  	_ =	shalt  }
0x83: {  	_ =	shalt  }
0x84: {  	_ =	shalt  }
0x85: {  	_ =	shalt  }
0x86: {  	_ =	shalt  }
0x87: {  	_ =	shalt  }
.Lfunc_end0:
.L_simem_size_0:
called_computation_lowered:
.L_overlay_start_0:
0x88: {  	s2 =	sld [smem:$0x3FD9]  }
0x89: {  	s3 =	sld [smem:$0x3FFE];
	_ =	sdelay $0x1  }
0x8a: {  	s1 =	srdreg.scid  }
0x8b: {  	s0 =	sand.u32 $0x1, s1  }
0x8c: {  	s14 =	sshll.u32 s0, $0xA;
	s2 =	sadd.s32 s3, s2  }
0x8d: {  	s2 =	sadd.s32 s2, s14  }
0x8e: {  	[smem:$0x3FC6] =	sst s2  }
0x8f: {  	_ = 	snop  }
0x90: {  	s2 =	sld [smem:$0x3FD0];
	_ =	sdelay $0x2  }
0x91: {  	s15 =	simm.s32 $0xC;
	s4 =	simm.s32 $0x10  }
0x92: {  	[smem:s4], [sflag:s15] =	dma.local [hbm:s2], $0x1  }
0x93: {  	_ =	swait.eq [sflag:s15], $0x1  }
0x94: {  	[sflag:s15] =	ssyncset.done $0x0  }
0x95: {  	s16 =	sld [smem:$0x11];
	[sflag:s15] =	ssyncadd.s32 $0xFFFFFFFF  }
0x96: {  	s17 =	sld [smem:$0x13];
	(tm) =	ssettm $0x1  }
0x97: {  	s18 =	sld [smem:$0x3FFB];
	_ =	sdelay $0x3  }
0x98: {  	_ =	strace s18  }
0x99: {  	s4 =	sld [smem:$0x3FFC];
	_ =	sdelay $0x3  }
0x9a: {  	_ =	strace s4  }
0x9b: {  	s4 =	sld [smem:$0x3FFD];
	_ =	sdelay $0x3  }
0x9c: {  	_ =	strace s4  }
0x9d: {  	_ =	strace $0x8FFFFFFF  }
0x9e: {  	s19 =	sld [smem:$0x3FDB];
	_ =	sdelay $0x1  }
0x9f: {  	s5 =	simm.s32 $_scs_section_size  }
0xa0: {  	s6 =	simm.s32 $_size__tile_overlayer_lowered;
	s7 =	simm.s32 $_tile_overlayer_lowered  }
0xa1: {  	s22 =	simm.s32 $0x1BFF;
	s21 =	sshll.u32 s7, $0x1;
	s4 =	sadd.s32 s5, s19  }
0xa2: {  	s8 =	simm.s32 $0x0;
	s20 =	sshll.u32 s6, $0x1;
	s6 =	sadd.s32 s21, s4  }
0xa3: {  	[timem:s8], [sflag:s22] =	dma.local [hbm:s6], s20  }
0xa4: {  	_ =	swait.ge [sflag:s22], s20  }
0xa5: {  	s5 =	ssub.s32 $0x0, s20;
	[sflag:s22] =	ssyncset.done $0x0  }
0xa6: {  	[sflag:s22] =	ssyncadd.s32 s5;
	_ =	sdelay $0x1  }
0xa7: {  	s23 =	simm.s32 $0x1B8B  }
0xa8: {  	_ =	swait.ge [sflag:s23], $0x1  }
0xa9: {  	[sflag:s23] =	ssyncset.done $0x0  }
0xaa: {  	s25 =	simm.s32 $0x1B8E;
	s24 =	sld [smem:$0x3FFE];
	[sflag:s23] =	ssyncadd.s32 $0xFFFFFFFF  }
0xab: {  	s26 =	simm.s32 $execute0_lowered;
	[smem:$0x3FD2] =	sst s25  }
0xac: {  	s6 =	sshll.u32 s26, $0x1;
	_ =	strace $0x8000004C;
	[dreg:$0x1] =	wrdreg $0xFFFFFFFF  }
0xad: {  	s28 =	simm.s32 $_size_execute0_lowered;
	s4 =	sadd.s32 s4, s6;
	[dreg:$0x0] =	wrdreg $0x0  }
0xae: {  	s6 =	sshll.u32 s28, $0x1;
	[dreg:$0x2] =	wrdreg s4  }
0xaf: {  	[dreg:$0x3] =	wrdreg s6  }
0xb0: {  	[dreg:$0x4] =	wrdreg $0xC0  }
0xb1: {  	_ =	task [dreg:s8], $0x5FFFF  }
0xb2: {  	[dreg:$0x1] =	wrdreg $0xFFFFFFFF  }
0xb3: {  	[dreg:$0x0] =	wrdreg $0x60  }
0xb4: {  	[dreg:$0x2] =	wrdreg s24  }
0xb5: {  	[dreg:$0x3] =	wrdreg s16  }
0xb6: {  	[dreg:$0x4] =	wrdreg s17  }
0xb7: {  	[dreg:$0x5] =	wrdreg $0x9  }
0xb8: {  	_ =	task.clear_ibuf [dreg:s8], $0x6FFFF;
	_ =	strace $0x9000004C  }
0xb9: {  	s29 =	simm.s32 $0x9;
	_ =	strace $0x8000004E  }
0xba: {  	_ =	swait.ge [sflag:s29], $0x1  }
0xbb: {  	[sflag:s29] =	ssyncadd.s32 $0xFFFFFFFF  }
0xbc: {  	_ =	strace $0x9000004E  }
0xbd: {  	_ =	sfence  }
0xbe: {  	s30 =	sld [smem:$0x0];
	_ =	sdelay $0x2  }
0xbf: {  	s31 =	sshll.u32 s1, $0xD;
	s1 =	sshrl.u32 s1, $0x2  }
0xc0: {  	s3 =	sand.u32 $0x4000, s31;
	s1 =	sadd.s32 s1, s30  }
0xc1: {  	s0 =	sor.u32 s3, s0;
	s1 =	sshll.u32 s1, $0x11  }
0xc2: {  	s0 =	sor.u32 s1, s0  }
0xc3: {  	s0 =	sadd.s32 $0x8F2B, s0  }
0xc4: {  	[sflag:s0] =	ssyncadd.remote.s32 $0x1  }
0xc5: {  	_ =	sfence.sel $0xFFFF  }
0xc6: {  	[dreg:$0x0] =	wrdreg $0xFFFFFFFF;
	(pc) =	sbr.abs _section_cstart, $3  }
0xc7: {  	[dreg:$0x1] =	wrdreg $0xFFFFFFFF  }
0xc8: {  	_ =	task.clear_ibuf [dreg:s8], $0x2FFFF;
	_ =	strace $0x9FFFFFFF  }
0xc9: {  	(tm) =	ssettm $0x7FFFFFFF  }
tec
execute0_lowered:
.L_overlay_start_1:
0x0: {  	(tag) =	ssettag $0x1  }
0x1: {  	s5 =	rddreg [dreg:$0x0]  }
0x2: {  	s1 =	srdreg.scid;
	s2 =	rddreg [dreg:$0x1]  }
0x3: {  	s0 =	stileid.u32;
	s3 =	rddreg [dreg:$0x2]  }
0x4: {  	s9 =	simm.s32 $0x1;
	s10 =	simm.s32 $0x3;
	s1 =	sshll.u32 s1, $0x6  }
0x5: {  	s13 =	simm.s32 $0x0;
	s4 =	sshll.u32 s0, $0x7;
	s6 =	sand.u32 $0x40, s1  }
0x6: {  	s12 =	simm.s32 $0x0;
	s5 =	sadd.s32 $0x271000, s5;
	s4 =	sor.u32 s4, s6  }
0x7: {  	s1 =	rddreg [dreg:$0x3];
	_ =	strace $0x8000004D;
	s8 =	ssub.s32 $0x1000, s4  }
.Ltmp0:
0x8: {  	s6 =	simm.s32 $0x1;
	s7 =	sand.u32 $0x7C0, s8;
	(pc) =	sbr.rel .LBB2_1-.Ltmp0, $4  }
0x9: {  	[sflag:s6] =	ssyncpa.u1 $0x0;
	s11 =	smov.u32 s4;
	p0 =	sne.s32 s7, $0x0  }
0xa: {  	s8 =	sshrl.u32 s8, $0xB;
	s7 =	simm.s32 $0x2;
	s9 =	simm.s32 @!p0 $0x0  }
0xb: {  	[sflag:s7] =	ssyncpa.u1 $0x0;
	p0 =	por $0x0, $0x0;
	s8 =	sadd.s32 s9, s8  }
0xc: {  	vm0 =	vmmov $0xffff;
	[sflag:s10] =	ssyncpa.u1 $0x0;
	s10 =	simm.s32 $0x0;
	s9 =	sadd.s32 $0x1, s8  }
.LBB2_4:
0xd: {  	v3 =	vand.u32 $0x7, v0;
	v62 =	vshrl.u32 v0, $0x3  }
0xe: {  	v3 =	vsel vm1, $0xFFFFFFFF, v3;
	v0 =	vand.u32 $0x7FFF, v62  }
0xf: {  	v0 =	vsel vm1, $0xFFFFFFFF, v0;
	v4 =	vshrl.u32 v3, $0x3  }
0x10: {  	v4 =	vmul.u32 $0x27400, v4;
	v5 =	vshll.u32 v0, $0x3  }
0x11: {  	v3 =	vshll.u32 v3, $0x7;
	v5 =	vand.u32 $0xFFFFFC00, v5  }
0x12: {  	v1 =	vor.u32 v1, v2;
	v3 =	vand.u32 $0x380, v3;
	v63 =	vadd.s32 v4, v5  }
0x13: {  	v0 =	vand.u32 $0x7F, v0;
	v2 =	vor.u32 v3, v63  }
0x14: {  	v0 =	vor.u32 v0, v2;
	_ =	sdelay $0x1  }
0x15: {  	(ifvalue) =	ssetifvalue $0x7FFFFFFF;
	s15 =	sadd.s32 $0x10, s15  }
0x16: {  	[tilespmem:s15], [sflag:$0x1] =	stream.indirect_vreg.gather [hbm4b:s5+s10], $0x1, v1, vm0, $0x4038;
	[tilespmem:$0x100] =	vst v63  }
0x17: {  	(ifvalue) =	ssetifvalue $0x7FFFFFFF;
	s15 =	sadd.s32 $0x10, s15  }
0x18: {  	[tilespmem:s15], [sflag:$0x1] =	stream.indirect_vreg.gather [hbm4b:s5+s10], $0x1, v0, vm0, $0x4038;
	[tilespmem:$0x100] =	vst v63  }
0x19: {  	_ =	swait.ge [sflag:s6], $0x40  }
0x1a: {  	s30 =	sshrl.u32 s13, $0x3;
	[sflag:s6] =	ssyncset.done $0x0  }
0x1b: {  	s31 =	sand.u32 $0x7, s13;
	s15 =	sadd.s32 s3, s30;
	[sflag:s6] =	ssyncadd.s32 $0xFFFFFFC0  }
0x1c: {  	[hbm4b:s15+s31] =	stream.linear.scatter [tilespmem:s14], [sflag:$0x3], $0x40, $0x38;
	[tilespmem:$0x100] =	vst v63  }
.LBB2_5:
0x1d: {  	s15 =	sadd.s32 $0x800, s11  }
0x1e: {  	p2 =	sgt.s32 s15, $0xFFF  }
0x1f: {  	s15 =	smov.u32 @p2 s4;
	p2 =	sne.s32 s12, s9  }
.Ltmp1:
0x20: {  	p1 =	slt.u32 s12, $0x2;
	(pc) =	sbr.rel @!p2 .LBB2_6-.Ltmp1, $4  }
0x21: {  	s14 =	simm.s32 @!p1 $0x3  }
0x22: {  	s16 =	sadd.s32 $0x1, s12;
	_ =	swait.ge @!p1 [sflag:s14], $0x40  }
0x23: {  	s13 =	smov.u32 s11;
	p0 =	por !p0, !p0;
	[sflag:s14] =	ssyncset.done @!p1 $0x0  }
0x24: {  	s12 =	smov.u32 s16;
	s11 =	smov.u32 s15;
	[sflag:s14] =	ssyncadd.s32 @!p1 $0xFFFFFFC0  }
.LBB2_1:
0x25: {  	p1 =	sge.u32 s12, s8  }
0x26: {  	s14 =	sxor.u32 @!p1 $0xFFFFFFFF, s12  }
0x27: {  	s31 =	sadd.s32 $0xFFFFFFFF, s12;
	s15 =	sshrl.u32 @!p1 s11, $0x3;
	s14 =	sshll.u32 @!p1 s14, $0x6  }
0x28: {  	s16 =	sand.u32 @!p1 $0x7, s11;
	s15 =	sadd.s32 @!p1 s2, s15;
	s14 =	sand.u32 @!p1 $0x40, s14  }
0x29: {  	[tilespmem:s14], [sflag:$0x2] =	stream.linear.gather @!p1 [hbm4b:s15+s16], $0x40, $0x38;
	[tilespmem:$0x100] =	vst v63  }
0x2a: {  	p1 =	sge.u32 s31, s8  }
.Ltmp2:
0x2b: {  	_ = 	snop;
	(pc) =	sbr.rel @p1 .LBB2_5-.Ltmp2, $1  }
0x2c: {  	_ =	sdelay $0x3  }
0x2d: {  	s14 =	simm.s32 $0x1  }
0x2e: {  	_ =	swait.ge [sflag:s7], $0x40;
	s14 =	simm.s32 @!p0 $0x0  }
0x2f: {  	[sflag:s7] =	ssyncset.done $0x0;
	s14 =	sshll.u32 s14, $0x6  }
0x30: {  	[sflag:s7] =	ssyncadd.s32 $0xFFFFFFC0;
	(ifvalue) =	ssetifvalue $0x7FFFFFFF;
	v0 =	vld.msk [tilespmem:s14+$0x0 ss:$0x1], $0xffff;
	_ =	sdelay $0x2  }
0x31: {  	s15 =	sadd.s32 $0x10, s14  }
0x32: {  	v3 =	vld.msk [tilespmem:s15+$0x0 ss:$0x1], $0xffff  }
0x33: {  	vm1 =	veq.s32 v0, $0x80000000;
	v1 =	vand.u32 $0x7, v0;
	v0 =	vshrl.u32 v0, $0x3  }
0x34: {  	v1 =	vsel vm1, $0xFFFFFFFF, v1;
	v0 =	vand.u32 $0x7FFF, v0  }
0x35: {  	v0 =	vsel vm1, $0xFFFFFFFF, v0;
	v2 =	vshrl.u32 v1, $0x3  }
0x36: {  	v2 =	vmul.u32 $0x27400, v2;
	v4 =	vshll.u32 v0, $0x3  }
0x37: {  	v1 =	vshll.u32 v1, $0x7;
	vm1 =	veq.s32 v3, $0x80000000;
	v4 =	vand.u32 $0xFFFFFC00, v4  }
0x38: {  	v1 =	vand.u32 $0x380, v1;
	v0 =	vand.u32 $0x7F, v0;
	v2 =	vadd.s32 v2, v4  }
0x39: {  	s17 =	sadd.s32 $0x10, s15;
	v1 =	vor.u32 v1, v2;
	v2 =	vand.u32 $0x7, v3;
	v3 =	vshrl.u32 v3, $0x3  }
0x3a: {  	v1 =	vor.u32 v0, v1;
	v0 =	vld.msk [tilespmem:s17+$0x0 ss:$0x1], $0xffff;
	v2 =	vsel vm1, $0xFFFFFFFF, v2;
	v3 =	vand.u32 $0x7FFF, v3  }
0x3b: {  	v3 =	vsel vm1, $0xFFFFFFFF, v3;
	v63 =	vshrl.u32 v2, $0x3  }
0x3c: {  	s31 =	sshll.u32 s12, $0x6;
	v4 =	vmul.u32 $0x27400, v63;
	v5 =	vshll.u32 v3, $0x3  }
0x3d: {  	s16 =	simm.s32 $0x20;
	s15 =	sor.u32 $0x80, s14;
	s14 =	sand.u32 $0x40, s31;
	v2 =	vshll.u32 v2, $0x7;
	v5 =	vand.u32 $0xFFFFFC00, v5  }
0x3e: {  	s14 =	sor.u32 $0x80, s14;
	(ifvalue) =	ssetifvalue $0x7FFFFFFF;
	s17 =	sadd.s32 $0x10, s17;
	v2 =	vand.u32 $0x380, v2;
	v4 =	vadd.s32 v4, v5  }
0x3f: {  	[tilespmem:s15], [sflag:$0x1] =	stream.indirect_vreg.gather [hbm4b:s5+s10], $0x1, v1, vm0, $0x4038;
	vm1 =	veq.s32 v0, $0x80000000;
	v1 =	vand.u32 $0x7F, v3;
	v2 =	vor.u32 v2, v4;
	[tilespmem:$0x100] =	vst v63  }
.LBB2_3:
0x40: {  	v3 =	vand.u32 $0x7, v0;
	v4 =	vshrl.u32 v0, $0x3;
	v0 =	vld.msk [tilespmem:s17+$0x0 ss:$0x1], $0xffff;
	v1 =	vor.u32 v1, v2;
	s16 =	sadd.s32 $0x10, s16  }
0x41: {  	v2 =	vsel vm1, $0xFFFFFFFF, v3;
	v3 =	vand.u32 $0x7FFF, v4;
	p1 =	slt.u32 s16, $0x30  }
.Ltmp3:
0x42: {  	v3 =	vsel vm1, $0xFFFFFFFF, v3;
	v4 =	vshrl.u32 v2, $0x3;
	(pc) =	sbr.rel @p1 .LBB2_3-.Ltmp3, $4  }
0x43: {  	v4 =	vmul.u32 $0x27400, v4;
	v5 =	vshll.u32 v3, $0x3  }
0x44: {  	s15 =	sadd.s32 $0x10, s15;
	v2 =	vshll.u32 v2, $0x7;
	v5 =	vand.u32 $0xFFFFFC00, v5;
	(ifvalue) =	ssetifvalue $0x7FFFFFFF  }
0x45: {  	v2 =	vand.u32 $0x380, v2;
	v4 =	vadd.s32 v4, v5;
	[tilespmem:s15], [sflag:$0x1] =	stream.indirect_vreg.gather [hbm4b:s5+s10], $0x1, v1, vm0, $0x4038;
	[tilespmem:$0x100] =	vst v63  }
0x46: {  	s17 =	sadd.s32 $0x10, s17;
	vm1 =	veq.s32 v0, $0x80000000;
	v1 =	vand.u32 $0x7F, v3;
	v2 =	vor.u32 v2, v4  }
.Ltmp4:
0x47: {  	_ = 	snop;
	(pc) =	sbr.rel .LBB2_4-.Ltmp4, $1  }
0x48: {  	_ =	sdelay $0x3  }
.LBB2_6:
0x49: {  	_ =	sfence.sel $0x180000  }
0x4a: {  	s2 =	simm.s32 $0x2;
	[bflag:$0x0] =	sbarrier.arrive $0xFFFF  }
0x4b: {  	s30 =	simm.s32 $0x3;
	[sflag:s2] =	ssyncpa.u1 $0x1  }
0x4c: {  	s31 =	simm.s32 $0x1;
	[sflag:s30] =	ssyncpa.u1 $0x1  }
0x4d: {  	[sflag:s31] =	ssyncpa.u1 $0x1  }
0x4e: {  	p0 =	sne.s32 s0, $0x0;
	_ =	strace $0x9000004D  }
0x4f: {  	s0 =	sadd.s32 @!p0 $0x100000, s1;
	[bflag:$0x2] =	sbarrier.arrive $0xFFFF  }
0x50: {  	[sflag:s0] =	ssyncadd.tile.s32 @!p0 $0x1;
	_ =	shalt  }
.Lfunc_end2:
_tile_overlayer_lowered:
.L_overlay_start_2:
0x51: {  	(tag) =	ssettag $0x2  }
0x52: {  	s0 =	rddreg [dreg:$0x0];
	s2 =	stileid.u32  }
0x53: {  	s1 =	rddreg [dreg:$0x1];
	p0 =	sne.s32 s2, $0x0  }
0x54: {  	s3 =	rddreg [dreg:$0x2];
	[bflag:$0x3] =	sbarrier.arrive $0xFFFF;
	s2 =	simm.s32 @!p0 $0x1C01  }
0x55: {  	[timem:s3], [sflag:s2] =	dma.local @!p0 [hbm:s0], s1  }
0x56: {  	s0 =	simm.s32 @!p0 $0x1  }
0x57: {  	_ =	swait.ge @!p0 [sflag:s0], s1  }
0x58: {  	s1 =	ssub.s32 @!p0 $0x0, s1;
	[sflag:s0] =	ssyncset.done @!p0 $0x0  }
0x59: {  	[sflag:s0] =	ssyncadd.s32 @!p0 s1  }
0x5a: {  	[bflag:$0x3] =	sbarrier.arrive $0xFFFF  }
0x5b: {  	_ =	shalt  }

// kernel: kernel.4.cloned.1.call-start
scs
__scs_entry_jumppad:
0x0: {  	(pc) =	sbr.rel $0x88, $3  }
0x1: {  	(tag) =	ssettag $0x0;
	lr =	simm.s32 $0x1  }
0x2: {  	[smem:$0x3F9F] =	sst lr;
	_ =	strace $0xD0000000  }
0x3: {  	_ = 	snop  }
0x4: {  	_ = 	snop  }
0x5: {  	_ = 	snop  }
0x6: {  	_ = 	snop  }
0x7: {  	_ = 	snop  }
__scs_overlays_trampoline_lowered:
0x8: {  	[smem:$0x3FAE] =	sst s0  }
0x9: {  	[smem:$0x3FAF] =	sst s1  }
0xa: {  	[smem:$0x3FB0] =	sst s2  }
0xb: {  	[smem:$0x3FB1] =	sst s3  }
0xc: {  	[smem:$0x3FB2] =	sst s4  }
0xd: {  	[smem:$0x3FB3] =	sst s5  }
0xe: {  	[smem:$0x3FB4] =	sst s6  }
0xf: {  	[smem:$0x3FB5] =	sst s7  }
0x10: {  	[smem:$0x3FB6] =	sst s8  }
0x11: {  	[smem:$0x3FB7] =	sst s9;
	s0 =	simm.s32 @!p0 $0x0  }
0x12: {  	s1 =	sld [smem:$0x3F9D];
	s0 =	simm.s32 @p0 $0x1  }
0x13: {  	[smem:$0x3FB8] =	sst s0;
	s0 =	simm.s32 @!p1 $0x0  }
0x14: {  	s2 =	sld [smem:$0x3F9C];
	s0 =	simm.s32 @p1 $0x1  }
0x15: {  	[smem:$0x3FB9] =	sst s0;
	s0 =	simm.s32 @!p2 $0x0  }
0x16: {  	s3 =	sld [smem:$0x3FDB];
	s0 =	simm.s32 @p2 $0x1  }
0x17: {  	s4 =	simm.s32 $0x1BF5;
	[smem:$0x3FBB] =	sst s0  }
0x18: {  	s0 =	sld [smem:$0x3F9E];
	_ =	swait.ge [sflag:s4], $0x0  }
0x19: {  	s7 =	sld [smem:$0x3F9F]  }
0x1a: {  	s8 =	sadd.s32 $0xFFFFE003, lr  }
0x1b: {  	s9 =	sadd.s32 $0xFFFFFEF7, lr;
	s5 =	simm.s32 $0xFFFFFFFF;
	p2 =	slt.u32 s8, $0xFFFFF086  }
0x1c: {  	p1 =	slt.u32 s9, $0xF7A;
	s5 =	simm.s32 @!p2 $0x0  }
0x1d: {  	s5 =	simm.s32 @p1 $0x1;
	p0 =	seq.s32 s7, s2  }
0x1e: {  	s7 =	smul.u32 @!p0 $0xF7A, s2;
	p2 =	seq.s32 @!p0 s5, $0x0  }
0x1f: {  	s9 =	smul.u32 $0xF7A, s1;
	s8 =	simm.s32 @!p0 $0x1BF5;
	p2 =	por !p2, p0  }
0x20: {  	[sflag:s8] =	ssyncset.s32 @!p0 $0xFFFFF086;
	s6 =	sadd.s32 @!p0 s3, s7;
	s7 =	simm.s32 @!p0 $0x108  }
0x21: {  	s3 =	sadd.s32 s3, s9;
	s6 =	sadd.s32 @!p0 $0x88, s6;
	s7 =	simm.s32 @p2 $0x1082  }
0x22: {  	[simem:s7], [sflag:s8] =	dma.local @!p0 [hbm:s6], $0xF7A  }
0x23: {  	s9 =	sor.u32 $0xD0000000, s2;
	s6 =	simm.s32 $0x108;
	_ =	swait.ge @!p0 [sflag:s8], $0x0  }
0x24: {  	s3 =	sadd.s32 $0x88, s3;
	s6 =	simm.s32 @!p1 $0x1082;
	[sflag:s4] =	ssyncset.s32 $0xFFFFF086  }
0x25: {  	[simem:s6], [sflag:s4] =	dma.local [hbm:s3], $0xF7A  }
0x26: {  	[smem:$0x3F9F] =	sst s1;
	(tag) =	ssettag s2;
	_ =	strace s9  }
0x27: {  	s1 =	sld [smem:$0x3FAF]  }
0x28: {  	s2 =	sld [smem:$0x3FB0]  }
0x29: {  	s4 =	sld [smem:$0x3FB2]  }
0x2a: {  	p0 =	seq.s32 s5, $0x0;
	s5 =	sld [smem:$0x3FB3]  }
0x2b: {  	s6 =	sld [smem:$0x3FB4]  }
0x2c: {  	s7 =	sld [smem:$0x3FB5]  }
0x2d: {  	s3 =	simm.s32 $0x108;
	s8 =	sld [smem:$0x3FB6]  }
0x2e: {  	s3 =	simm.s32 @!p0 $0x1082;
	s9 =	sld [smem:$0x3FB7]  }
0x2f: {  	lr =	sadd.s32 s0, s3;
	s0 =	sld [smem:$0x3FAE]  }
0x30: {  	s3 =	sld [smem:$0x3FB1]  }
0x31: {  	[smem:$0x3FBA] =	sst s10  }
0x32: {  	s10 =	sld [smem:$0x3FB8];
	_ =	sdelay $0x3  }
0x33: {  	p0 =	seq.s32 s10, $0x1;
	s10 =	sld [smem:$0x3FBA];
	_ =	sdelay $0x3  }
0x34: {  	[smem:$0x3FBA] =	sst s10  }
0x35: {  	s10 =	sld [smem:$0x3FB9];
	_ =	sdelay $0x3  }
0x36: {  	p1 =	seq.s32 s10, $0x1;
	s10 =	sld [smem:$0x3FBA];
	_ =	sdelay $0x3  }
0x37: {  	[smem:$0x3FBA] =	sst s10  }
0x38: {  	s10 =	sld [smem:$0x3FBB]  }
0x39: {  	_ = 	snop;
	(pc) =	sbr.ind lr, $3  }
0x3a: {  	_ = 	snop  }
0x3b: {  	_ = 	snop  }
0x3c: {  	p2 =	seq.s32 s10, $0x1;
	s10 =	sld [smem:$0x3FBA]  }
0x3d: {  	_ =	shalt  }
0x3e: {  	_ =	shalt  }
0x3f: {  	_ =	shalt  }
0x40: {  	_ =	shalt  }
0x41: {  	_ =	shalt  }
0x42: {  	_ =	shalt  }
0x43: {  	_ =	shalt  }
0x44: {  	_ =	shalt  }
0x45: {  	_ =	shalt  }
0x46: {  	_ =	shalt  }
0x47: {  	_ =	shalt  }
0x48: {  	_ =	shalt  }
0x49: {  	_ =	shalt  }
0x4a: {  	_ =	shalt  }
0x4b: {  	_ =	shalt  }
0x4c: {  	_ =	shalt  }
0x4d: {  	_ =	shalt  }
0x4e: {  	_ =	shalt  }
0x4f: {  	_ =	shalt  }
0x50: {  	_ =	shalt  }
0x51: {  	_ =	shalt  }
0x52: {  	_ =	shalt  }
0x53: {  	_ =	shalt  }
0x54: {  	_ =	shalt  }
0x55: {  	_ =	shalt  }
0x56: {  	_ =	shalt  }
0x57: {  	_ =	shalt  }
0x58: {  	_ =	shalt  }
0x59: {  	_ =	shalt  }
0x5a: {  	_ =	shalt  }
0x5b: {  	_ =	shalt  }
0x5c: {  	_ =	shalt  }
0x5d: {  	_ =	shalt  }
0x5e: {  	_ =	shalt  }
0x5f: {  	_ =	shalt  }
0x60: {  	_ =	shalt  }
0x61: {  	_ =	shalt  }
0x62: {  	_ =	shalt  }
0x63: {  	_ =	shalt  }
0x64: {  	_ =	shalt  }
0x65: {  	_ =	shalt  }
0x66: {  	_ =	shalt  }
0x67: {  	_ =	shalt  }
0x68: {  	_ =	shalt  }
0x69: {  	_ =	shalt  }
0x6a: {  	_ =	shalt  }
0x6b: {  	_ =	shalt  }
0x6c: {  	_ =	shalt  }
0x6d: {  	_ =	shalt  }
0x6e: {  	_ =	shalt  }
0x6f: {  	_ =	shalt  }
0x70: {  	_ =	shalt  }
0x71: {  	_ =	shalt  }
0x72: {  	_ =	shalt  }
0x73: {  	_ =	shalt  }
0x74: {  	_ =	shalt  }
0x75: {  	_ =	shalt  }
0x76: {  	_ =	shalt  }
0x77: {  	_ =	shalt  }
0x78: {  	_ =	shalt  }
0x79: {  	_ =	shalt  }
0x7a: {  	_ =	shalt  }
0x7b: {  	_ =	shalt  }
0x7c: {  	_ =	shalt  }
0x7d: {  	_ =	shalt  }
0x7e: {  	_ =	shalt  }
0x7f: {  	_ =	shalt  }
0x80: {  	_ =	shalt  }
0x81: {  	_ =	shalt  }
0x82: {  	_ =	shalt  }
0x83: {  	_ =	shalt  }
0x84: {  	_ =	shalt  }
0x85: {  	_ =	shalt  }
0x86: {  	_ =	shalt  }
0x87: {  	_ =	shalt  }
.Lfunc_end0:
.L_simem_size_0:
called_computation.4_lowered:
.L_overlay_start_0:
0x88: {  	s2 =	sld [smem:$0x3FD9]  }
0x89: {  	s3 =	sld [smem:$0x3FFE];
	_ =	sdelay $0x1  }
0x8a: {  	s1 =	srdreg.scid  }
0x8b: {  	s0 =	sand.u32 $0x1, s1  }
0x8c: {  	s15 =	sshll.u32 s0, $0xA;
	s2 =	sadd.s32 s3, s2  }
0x8d: {  	s2 =	sadd.s32 s2, s15  }
0x8e: {  	[smem:$0x3FC6] =	sst s2  }
0x8f: {  	_ = 	snop  }
0x90: {  	s2 =	sld [smem:$0x3FD0];
	_ =	sdelay $0x2  }
0x91: {  	s16 =	simm.s32 $0xC;
	s4 =	simm.s32 $0x10  }
0x92: {  	[smem:s4], [sflag:s16] =	dma.local [hbm:s2], $0x1  }
0x93: {  	_ =	swait.eq [sflag:s16], $0x1  }
0x94: {  	[sflag:s16] =	ssyncset.done $0x0  }
0x95: {  	[sflag:s16] =	ssyncadd.s32 $0xFFFFFFFF  }
0x96: {  	s17 =	sld [smem:$0x14];
	(tm) =	ssettm $0x1  }
0x97: {  	s18 =	sld [smem:$0x3FFB];
	_ =	sdelay $0x3  }
0x98: {  	_ =	strace s18  }
0x99: {  	s2 =	sld [smem:$0x3FFC];
	_ =	sdelay $0x3  }
0x9a: {  	_ =	strace s2  }
0x9b: {  	s2 =	sld [smem:$0x3FFD];
	_ =	sdelay $0x3  }
0x9c: {  	_ =	strace s2  }
0x9d: {  	_ =	strace $0x8FFFFFFF  }
0x9e: {  	s19 =	sld [smem:$0x3FDB];
	_ =	sdelay $0x1  }
0x9f: {  	s20 =	simm.s32 $_scs_section_size  }
0xa0: {  	s5 =	simm.s32 $_size__tile_overlayer_lowered;
	s6 =	simm.s32 $_tile_overlayer_lowered  }
0xa1: {  	s7 =	simm.s32 $0x1BFF;
	s21 =	sshll.u32 s6, $0x1;
	s4 =	sadd.s32 s20, s19  }
0xa2: {  	s22 =	simm.s32 $0x0;
	s5 =	sshll.u32 s5, $0x1;
	s6 =	sadd.s32 s21, s4  }
0xa3: {  	[timem:s22], [sflag:s7] =	dma.local [hbm:s6], s5  }
0xa4: {  	_ =	swait.ge [sflag:s7], s5  }
0xa5: {  	s5 =	ssub.s32 $0x0, s5;
	[sflag:s7] =	ssyncset.done $0x0  }
0xa6: {  	[sflag:s7] =	ssyncadd.s32 s5;
	_ =	sdelay $0x1  }
0xa7: {  	s23 =	simm.s32 $0x1B8B  }
0xa8: {  	_ =	swait.ge [sflag:s23], $0x1  }
0xa9: {  	[sflag:s23] =	ssyncset.done $0x0  }
0xaa: {  	[sflag:s23] =	ssyncadd.s32 $0xFFFFFFFF  }
0xab: {  	s5 =	sld [smem:$0x0]  }
0xac: {  	s6 =	sand.u32 $0xFFFFFFFE, s1  }
0xad: {  	p0 =	sne.s32 s1, s6  }
0xae: {  	s6 =	sshll.u32 @p0 s6, $0xE  }
0xaf: {  	s6 =	sadd.s32 @p0 $0x11B8D, s6;
	s7 =	sshll.u32 @p0 s5, $0x11  }
0xb0: {  	s6 =	sor.u32 @p0 s7, s6  }
0xb1: {  	[sflag:s6] =	ssyncadd.remote.s32 @p0 $0x1;
	_ =	sdelay $0x1  }
0xb2: {  	s6 =	simm.s32 @p0 $0x1B8D  }
0xb3: {  	_ =	swait.eq @p0 [sflag:s6], $0x1  }
0xb4: {  	[sflag:s6] =	ssyncadd.s32 @p0 $0xFFFFFFFF  }
0xb5: {  	s7 =	sshll.u32 @!p0 s1, $0xE  }
0xb6: {  	s7 =	sor.u32 @!p0 $0x4000, s7;
	s6 =	simm.s32 @!p0 $0x1B8D  }
0xb7: {  	s5 =	sshll.u32 @!p0 s5, $0x11;
	s7 =	sadd.s32 @!p0 $0x11B8D, s7;
	_ =	swait.eq @!p0 [sflag:s6], $0x1  }
0xb8: {  	s5 =	sor.u32 @!p0 s5, s7;
	[sflag:s6] =	ssyncadd.s32 @!p0 $0xFFFFFFFF  }
0xb9: {  	s25 =	simm.s32 $0x1B8E;
	s24 =	sld [smem:$0x3FFE];
	[sflag:s5] =	ssyncadd.remote.s32 @!p0 $0x1  }
0xba: {  	s26 =	simm.s32 $execute0_lowered;
	[smem:$0x3FD2] =	sst s25  }
0xbb: {  	s6 =	sshll.u32 s26, $0x1;
	_ =	strace $0x80000052;
	[dreg:$0x1] =	wrdreg $0xFFFFFFFF  }
0xbc: {  	s28 =	simm.s32 $_size_execute0_lowered;
	s4 =	sadd.s32 s4, s6;
	[dreg:$0x0] =	wrdreg $0x0  }
0xbd: {  	s6 =	sshll.u32 s28, $0x1;
	[dreg:$0x2] =	wrdreg s4  }
0xbe: {  	[dreg:$0x3] =	wrdreg s6  }
0xbf: {  	[dreg:$0x4] =	wrdreg $0xC0  }
0xc0: {  	_ =	task [dreg:s22], $0x5FFFF  }
0xc1: {  	[dreg:$0x1] =	wrdreg $0xFFFFFFFF  }
0xc2: {  	[dreg:$0x0] =	wrdreg $0x60  }
0xc3: {  	[dreg:$0x2] =	wrdreg s24  }
0xc4: {  	[dreg:$0x3] =	wrdreg s17  }
0xc5: {  	[dreg:$0x4] =	wrdreg $0xB  }
0xc6: {  	_ =	task.clear_ibuf [dreg:s22], $0x5FFFF;
	_ =	strace $0x90000052  }
0xc7: {  	s29 =	simm.s32 $0xB;
	_ =	strace $0x80000054  }
0xc8: {  	_ =	swait.ge [sflag:s29], $0x1  }
0xc9: {  	[sflag:s29] =	ssyncadd.s32 $0xFFFFFFFF  }
0xca: {  	_ =	strace $0x90000054  }
0xcb: {  	_ =	sfence  }
0xcc: {  	s30 =	sld [smem:$0x0];
	_ =	sdelay $0x2  }
0xcd: {  	s31 =	sshll.u32 s1, $0xD;
	s1 =	sshrl.u32 s1, $0x2  }
0xce: {  	s4 =	sand.u32 $0x4000, s31;
	s1 =	sadd.s32 s1, s30  }
0xcf: {  	s0 =	sor.u32 s4, s0;
	s1 =	sshll.u32 s1, $0x11  }
0xd0: {  	s0 =	sor.u32 s1, s0  }
0xd1: {  	s0 =	sadd.s32 $0x8F2B, s0  }
0xd2: {  	[sflag:s0] =	ssyncadd.remote.s32 $0x1  }
0xd3: {  	_ =	sfence.sel $0xFFFF  }
0xd4: {  	[dreg:$0x0] =	wrdreg $0xFFFFFFFF;
	(pc) =	sbr.abs _section_cstart, $3  }
0xd5: {  	[dreg:$0x1] =	wrdreg $0xFFFFFFFF  }
0xd6: {  	_ =	task.clear_ibuf [dreg:s22], $0x2FFFF;
	_ =	strace $0x9FFFFFFF  }
0xd7: {  	(tm) =	ssettm $0x7FFFFFFF  }
tec
execute0_lowered:
.L_overlay_start_1:
0x0: {  	(tag) =	ssettag $0x1  }
0x1: {  	s1 =	stileid.u32  }
0x2: {  	p0 =	sgt.u32 s1, $0x3  }
.Ltmp0:
0x3: {  	_ = 	snop;
	(pc) =	sbr.rel @p0 .LBB2_42-.Ltmp0, $4  }
0x4: {  	_ = 	snop  }
0x5: {  	s3 =	rddreg [dreg:$0x0];
	s2 =	simm.s32 $0x0  }
0x6: {  	[smem:$0x7FF] =	sst s2  }
0x7: {  	s0 =	rddreg [dreg:$0x1];
	_ =	strace $0x80000053  }
0x8: {  	v0 =	vimm.s32 $0xEDCBA987  }
0x9: {  	v1 =	vimm.s32 $0x65432100;
	v3 =	vimm.f32 $1.000000000e+09;
	v4 =	vlaneseq.u32  }
0xa: {  	vm0 =	vcmask $0x300;
	v10 =	vimm.s32 $0xFFFFFFFF;
	v7 =	vimm.s32 $0xDCBA9876  }
0xb: {  	v8 =	vimm.s32 $0x54321000;
	v9 =	vimm.s32 $0xBA987654;
	v11 =	vimm.s32 $0xE40000  }
0xc: {  	v12 =	vimm.s32 $0x32100000;
	vm13 =	vcmask $0x700;
	vm14 =	vcmask $0xF00  }
0xd: {  	v16 =	vimm.s32 $0x7060504;
	v17 =	vimm.s32 $0xFEDCBA9;
	vm15 =	vcmask $0x3F30  }
0xe: {  	v19 =	vimm.s32 $0xA9876543;
	v20 =	vimm.s32 $0x3210FEDC;
	v23 =	vimm.s32 $0x1  }
0xf: {  	v28 =	vimm.s32 $0x43210FED;
	v29 =	vimm.s32 $0xFEDCBA98;
	v30 =	vimm.s32 $0xCBA98765  }
0x10: {  	v31 =	vimm.s32 $0x76543210;
	v32 =	vimm.s32 $0x543210FE;
	v33 =	vimm.s32 $0x6543210F  }
0x11: {  	v2 =	vunpack.c.l.s4.s8 v0;
	v5 =	vunpack.c.l.s4.s8 v1;
	v0 =	vimm.s32 $0x0  }
0x12: {  	v1 =	vimm.f32 $-1.000000000e+00;
	v7 =	vunpack.c.l.s4.s8 v7;
	v8 =	vunpack.c.l.s4.s8 v8  }
0x13: {  	v9 =	vunpack.c.l.s4.s8 v9;
	v11 =	vunpack.c.l.s2.s4 v11;
	v12 =	vunpack.c.l.s4.s8 v12  }
0x14: {  	v16 =	vunpack.c.0.s8.s32 v16;
	v17 =	vunpack.c.l.s4.s8 v17;
	v19 =	vunpack.c.l.s4.s8 v19  }
0x15: {  	v20 =	vunpack.c.l.s4.s8 v20;
	v21 =	vshrl.u32 v4, $0x3;
	v22 =	vmul.u32 $0x200, v4  }
0x16: {  	v29 =	vunpack.c.l.s4.s8 v29;
	v28 =	vunpack.c.l.s4.s8 v28;
	v30 =	vunpack.c.l.s4.s8 v30  }
0x17: {  	v31 =	vunpack.c.l.s4.s8 v31;
	v32 =	vunpack.c.l.s4.s8 v32;
	v33 =	vunpack.c.l.s4.s8 v33  }
0x18: {  	v21 =	vmul.u32 $0xFFFFFFFF, v21;
	v2 =	vunpack.c.0.s8.s32 v2;
	v5 =	vunpack.c.0.s8.s32 v5  }
0x19: {  	v7 =	vunpack.c.0.s8.s32 v7;
	v13 =	vunpack.c.0.s8.s32 v8;
	v8 =	vunpack.c.0.s8.s32 v9  }
0x1a: {  	v11 =	vunpack.c.l.s4.s8 v11;
	v9 =	vsel vm13, $0x0, v10;
	v12 =	vunpack.c.0.s8.s32 v12  }
0x1b: {  	v19 =	vunpack.c.0.s8.s32 v19;
	v20 =	vunpack.c.0.s8.s32 v20;
	v34 =	vunpack.c.0.s8.s32 v29  }
0x1c: {  	v35 =	vunpack.c.0.s8.s32 v31;
	v28 =	vunpack.c.0.s8.s32 v28;
	v29 =	vunpack.c.0.s8.s32 v30  }
0x1d: {  	v30 =	vunpack.c.0.s8.s32 v32;
	v15 =	vand.u32 $0xF, v8;
	v11 =	vunpack.c.0.s8.s32 v11  }
0x1e: {  	v31 =	vunpack.c.0.s8.s32 v33;
	v14 =	vand.u32 $0xF, v7;
	v12 =	vcombine.low v12, v15  }
0x1f: {  	s1 =	srdreg.scid;
	s6 =	sadd.s32 $0x286000, s3;
	s9 =	simm.s32 $0x5000;
	v15 =	vimm.s32 $0x87654321;
	v18 =	vand.u32 $0x3, v11;
	v11 =	vcombine.low v13, v14  }
0x20: {  	s10 =	simm.s32 $0x5800;
	s11 =	simm.s32 $0x6000;
	s12 =	simm.s32 $0x7A80;
	v14 =	vunpack.c.0.s8.s32 v17;
	v15 =	vunpack.c.l.s4.s8 v15;
	v17 =	vimm.s32 $0x98765432  }
0x21: {  	s4 =	stileid.u32;
	s13 =	simm.s32 $0x6280;
	s14 =	simm.s32 $0x6E80;
	v13 =	vsel vm15, v16, v18;
	v16 =	vimm.s32 $0x10FEDCBA;
	v18 =	vimm.s32 $0x210FEDCB  }
0x22: {  	s15 =	simm.s32 $0x9A80;
	s16 =	simm.s32 $0xA180;
	s18 =	simm.s32 $0x9C80;
	v17 =	vunpack.c.l.s4.s8 v17;
	v16 =	vunpack.c.l.s4.s8 v16;
	v18 =	vunpack.c.l.s4.s8 v18  }
0x23: {  	s19 =	simm.s32 $0x0;
	s1 =	sand.u32 $0x1, s1;
	s4 =	sshll.u32 s4, $0x1;
	v6 =	vand.u32 $0xF, v2;
	v27 =	vcombine.low v8, v20;
	v15 =	vunpack.c.0.s8.s32 v15  }
.Ltmp1:
0x24: {  	s4 =	sor.u32 s1, s4;
	s1 =	ssub.s32 $0x2, s1;
	v17 =	vunpack.c.0.s8.s32 v17;
	v16 =	vunpack.c.0.s8.s32 v16;
	v18 =	vunpack.c.0.s8.s32 v18;
	(pc) =	sbr.rel .LBB2_2-.Ltmp1, $4  }
0x25: {  	s5 =	sshll.u32 s4, $0x1;
	s30 =	sshll.u32 s4, $0x6;
	s7 =	sshrl.u32 s1, $0x1;
	v34 =	vand.u32 $0xF, v34;
	v5 =	vcombine.low v5, v6;
	v24 =	vcombine.low v15, v14  }
0x26: {  	s8 =	smul.u32 $0xA00, s4;
	s5 =	sadd.s32 s5, s3;
	s3 =	sadd.s32 s0, s30;
	v6 =	vsel vm0, $0x0, v10;
	v25 =	vcombine.low v17, v16;
	v26 =	vcombine.low v19, v18  }
0x27: {  	s31 =	ssub.s32 s1, s7;
	s7 =	simm.s32 $0xA400;
	s4 =	sadd.s32 $0x28B000, s5;
	v10 =	vsel vm14, $0x0, v10;
	v32 =	vcombine.low v34, v35;
	v27 =	vand.u32 $0xF, v27  }
0x28: {  	s5 =	sadd.s32 s6, s8;
	s6 =	smax.u32 s31, $0x1;
	s8 =	simm.s32 $0x1;
	v24 =	vand.u32 $0xF, v24;
	v25 =	vand.u32 $0xF, v25;
	v26 =	vand.u32 $0xF, v26  }
.LBB2_41:
0x29: {  	[tilespmem:$0xA500] =	vst v33  }
0x2a: {  	[hbm4b:s3+s2] =	stream.linear.scatter [tilespmem:s15], [sflag:$0x1], $0x200, $0x38;
	[tilespmem:$0xA580] =	vst v63  }
0x2b: {  	s19 =	sadd.s32 $0x1, s19;
	_ =	swait.ge [sflag:s8], $0x200  }
0x2c: {  	p0 =	sne.s32 s19, s6;
	[sflag:s8] =	ssyncset.done $0x0  }
.Ltmp2:
0x2d: {  	s0 =	simm.s32 $0xA500;
	[sflag:s8] =	ssyncadd.s32 $0xFFFFFE00;
	(pc) =	sbr.rel @!p0 .LBB2_42-.Ltmp2, $4  }
0x2e: {  	[hbm4b:s4+s2] =	stream.linear.scatter [tilespmem:s0], [sflag:$0x1], $0x10, $0x38;
	[tilespmem:$0xA580] =	vst v63  }
0x2f: {  	_ =	swait.ge [sflag:s8], $0x10  }
0x30: {  	[sflag:s8] =	ssyncset.done $0x0  }
0x31: {  	[sflag:s8] =	ssyncadd.s32 $0xFFFFFFF0  }
.LBB2_2:
0x32: {  	s0 =	simm.s32 $0x0  }
0x33: {  	[tilespmem:s0], [sflag:$0x1] =	stream.linear.gather [hbm4b:s5+s0], $0x5000, $0x38;
	[tilespmem:$0xA580] =	vst v63  }
0x34: {  	_ =	swait.ge [sflag:s8], $0x5000  }
0x35: {  	[sflag:s8] =	ssyncset.done $0x0  }
0x36: {  	s1 =	simm.s32 $0x0;
	s0 =	simm.s32 $0x40;
	[sflag:s8] =	ssyncadd.s32 $0xFFFFB000  }
.LBB2_3:
0x37: {  	p0 =	sne.s32 s0, $0x7FC0;
	[tilespmem:s1+$0x7A80] =	vst v0;
	s1 =	smov.u32 s0;
	s0 =	sadd.s32 $0x40, s0  }
.Ltmp3:
0x38: {  	(pc) =	sbr.rel @p0 .LBB2_3-.Ltmp3, $2  }
0x39: {  	_ =	sdelay $0x2  }
0x3a: {  	s1 =	sshra.s32 s1, $0x2  }
0x3b: {  	[tilespmem:s1+$0x7A80] =	vst v0;
	s0 =	simm.s32 $0x40;
	s1 =	simm.s32 $0x0  }
.LBB2_5:
0x3c: {  	p0 =	sne.s32 s0, $0x13C0;
	[tilespmem:s1+$0x9C80] =	vst v0;
	s1 =	smov.u32 s0;
	s0 =	sadd.s32 $0x40, s0  }
.Ltmp4:
0x3d: {  	(pc) =	sbr.rel @p0 .LBB2_5-.Ltmp4, $2  }
0x3e: {  	_ =	sdelay $0x2  }
0x3f: {  	s1 =	sshra.s32 s1, $0x2  }
0x40: {  	[tilespmem:s1+$0x9C80] =	vst v0;
	s0 =	simm.s32 $0x0;
	s1 =	simm.s32 $0x40;
	s20 =	simm.s32 $0x0  }
.LBB2_7:
0x41: {  	p0 =	sne.s32 s1, $0x1FC0;
	[tilespmem:s20+$0x5000] =	vst v1;
	s20 =	smov.u32 s1;
	s1 =	sadd.s32 $0x40, s1  }
.Ltmp5:
0x42: {  	(pc) =	sbr.rel @p0 .LBB2_7-.Ltmp5, $2  }
0x43: {  	_ =	sdelay $0x2  }
0x44: {  	s20 =	sshra.s32 s20, $0x2  }
0x45: {  	[tilespmem:s20+$0x5000] =	vst v1  }
.LBB2_9:
0x46: {  	p0 =	sne.s32 s0, $0x2FC0  }
.Ltmp6:
0x47: {  	_ = 	snop;
	(pc) =	sbr.rel @p0 .LBB2_9-.Ltmp6, $3  }
0x48: {  	_ =	sdelay $0x1  }
0x49: {  	s1 =	sshra.s32 s0, $0x2  }
0x4a: {  	s0 =	sadd.s32 $0x40, s0;
	[tilespmem:s1+$0x6280] =	vst v3  }
0x4b: {  	s0 =	simm.s32 $0x0  }
0x4c: {  	v33 =	vld [tilespmem:s0+$0x0];
	_ =	sdelay $0x4  }
0x4d: {  	vm0 =	vge.f32 v33, $5.000000000e-01  }
0x4e: {  	v34 =	vsel vm0, $0x1, v0  }
0x4f: {  	[tilespmem:$0xA400] =	vst v34  }
0x50: {  	v35 =	vld.idx.msk [tilespmem:v5+s7+$0x0], $0xffff;
	_ =	sdelay $0x4  }
0x51: {  	v35 =	vand.u32 v6, v35  }
0x52: {  	v34 =	vadd.s32 v34, v35  }
0x53: {  	[tilespmem:$0xA400] =	vst v34  }
0x54: {  	v49 =	vld.idx.msk [tilespmem:v11+s7+$0x0], $0xffff;
	_ =	sdelay $0x4  }
0x55: {  	v35 =	vand.u32 v9, v49  }
0x56: {  	v34 =	vadd.s32 v34, v35  }
0x57: {  	[tilespmem:$0xA400] =	vst v34  }
0x58: {  	v50 =	vld.idx.msk [tilespmem:v12+s7+$0x0], $0xffff;
	_ =	sdelay $0x4  }
0x59: {  	v35 =	vand.u32 v10, v50  }
0x5a: {  	v34 =	vadd.s32 v34, v35  }
0x5b: {  	[tilespmem:$0xA400] =	vst v34  }
0x5c: {  	v51 =	vld.idx.msk [tilespmem:v13+s7+$0x0], $0xffff;
	_ =	sdelay $0x2  }
0x5d: {  	v36 =	vmov s0  }
0x5e: {  	v36 =	vadd.s32 $0xFFFFFFFF, v36  }
0x5f: {  	v36 =	vbroadcast v36, $0x0;
	v35 =	vand.u32 v21, v51  }
0x60: {  	v34 =	vadd.s32 v34, v35  }
0x61: {  	v35 =	vadd.s32 v36, v34  }
0x62: {  	vm1 =	vlt.s32 v35, $0x800  }
0x63: {  	vm1 =	vmand vm0, vm1;
	_ =	sdelay $0x5  }
0x64: {  	v37 =	vor.u32 s0, v4;
	vm0 =	veq.f32 v33, $0.0e+00;
	[tilespmem:v35+s9+$0x0] =	vst.idx.msk vm1, v33  }
0x65: {  	v52 =	vsel vm0, $0x1, v0;
	[tilespmem:v35+s10+$0x0] =	vst.idx.msk vm1, v37  }
0x66: {  	[tilespmem:$0xA400] =	vst v52  }
0x67: {  	v38 =	vld.idx.msk [tilespmem:v5+s7+$0x0], $0xffff;
	_ =	sdelay $0x4  }
0x68: {  	v38 =	vand.u32 v6, v38  }
0x69: {  	v35 =	vadd.s32 v52, v38  }
0x6a: {  	[tilespmem:$0xA400] =	vst v35  }
0x6b: {  	v53 =	vld.idx.msk [tilespmem:v11+s7+$0x0], $0xffff;
	_ =	sdelay $0x4  }
0x6c: {  	v38 =	vand.u32 v9, v53  }
0x6d: {  	v35 =	vadd.s32 v35, v38  }
0x6e: {  	[tilespmem:$0xA400] =	vst v35  }
0x6f: {  	v54 =	vld.idx.msk [tilespmem:v12+s7+$0x0], $0xffff;
	_ =	sdelay $0x4  }
0x70: {  	v38 =	vand.u32 v10, v54  }
0x71: {  	v35 =	vadd.s32 v35, v38  }
0x72: {  	[tilespmem:$0xA400] =	vst v35  }
0x73: {  	v55 =	vld.idx.msk [tilespmem:v13+s7+$0x0], $0xffff;
	_ =	sdelay $0x3  }
0x74: {  	v34 =	vxor.u32 $0x80000000, v34  }
0x75: {  	v39 =	vmul.f32 $5.120000000e+03, v33;
	(xrf0) =	vmax.scan.msk.u32 $0xffff, v34;
	v56 =	vand.u32 v21, v55  }
0x76: {  	v34 =	vadd.s32 v35, v56  }
0x77: {  	v57 =	vtrunc.f32 v39;
	v58 =	vxor.u32 $0x80000000, v34  }
0x78: {  	v35 =	vcvt.f32.s32 v57;
	v34 =	vadd.s32 v36, v34;
	(xrf0) =	vmax.scan.msk.u32 $0xffff, v58  }
0x79: {  	vm1 =	vlt.s32 v34, $0x220  }
0x7a: {  	vm3 =	vlt.f32 v33, $1.000000010e-01;
	vm2 =	vlt.s32 v35, $0x1FF;
	vm1 =	vmand vm0, vm1  }
0x7b: {  	v59, _, _ =	vpop (xrf0);
	v35 =	vnsel vm2, $0x1FF, v35;
	vm0 =	vmxor vm0, vm3  }
0x7c: {  	(v2sf) =	vpush v59, $0xF;
	v60 =	vadd.s32 v22, v35;
	_ =	sdelay $0x1  }
0x7d: {  	v61, _, _ =	vpop (xrf0)  }
0x7e: {  	(v2sf) =	vpush v61, $0xF  }
0x7f: {  	[tilespmem:v34+s11+$0x0] =	vst.idx.msk vm1, v37  }
0x80: {  	s0 =	simm.s32 $0x10;
	[tilespmem:v60+s12+$0x0] =	vst.idx.add.s32.msk vm0, v23  }
0x81: {  	v33 =	vld [tilespmem:s0+$0x0];
	_ =	sdelay $0x4  }
0x82: {  	vm0 =	vge.f32 v33, $5.000000000e-01  }
0x83: {  	v36 =	vsel vm0, $0x1, v0  }
0x84: {  	v62 =	vmul.f32 $5.120000000e+03, v33;
	[tilespmem:$0xA400] =	vst v36  }
0x85: {  	v37 =	vld.idx.msk [tilespmem:v5+s7+$0x0], $0xffff  }
0x86: {  	s1 =	spop (v2sf);
	v34 =	vtrunc.f32 v62  }
0x87: {  	s1 =	sadd.s32 $0x0, s1;
	v34 =	vcvt.f32.s32 v34  }
0x88: {  	s20 =	sadd.s32 $0x80000000, s1  }
0x89: {  	v63 =	vmov s20;
	vm1 =	vlt.s32 v34, $0x1FF;
	s31 =	spop (v2sf)  }
0x8a: {  	s21 =	simm.s32 $0x20;
	s22 =	simm.s32 $0x10;
	v35 =	vadd.s32 $0xFFFFFFFF, v63;
	v34 =	vnsel vm1, $0x1FF, v34;
	v37 =	vand.u32 v6, v37;
	s1 =	sadd.s32 $0x0, s31  }
.LBB2_11:
0x8b: {  	p0 =	sne.s32 s21, $0x4FF0  }
0x8c: {  	v36 =	vadd.s32 v36, v37;
	s23 =	sadd.s32 $0x80000000, s1;
	s1 =	smov.u32 s21;
	s21 =	sadd.s32 $0x10, s21  }
0x8d: {  	[tilespmem:$0xA400] =	vst v36;
	v37 =	vmov s23  }
0x8e: {  	v38 =	vld.idx.msk [tilespmem:v11+s7+$0x0], $0xffff;
	v37 =	vadd.s32 $0xFFFFFFFF, v37;
	_ =	sdelay $0x5  }
0x8f: {  	v38 =	vand.u32 v9, v38  }
0x90: {  	v36 =	vadd.s32 v36, v38  }
0x91: {  	[tilespmem:$0xA400] =	vst v36  }
0x92: {  	v38 =	vld.idx.msk [tilespmem:v12+s7+$0x0], $0xffff;
	_ =	sdelay $0x5  }
0x93: {  	v38 =	vand.u32 v10, v38  }
0x94: {  	v36 =	vadd.s32 v36, v38  }
0x95: {  	[tilespmem:$0xA400] =	vst v36  }
0x96: {  	v38 =	vld.idx.msk [tilespmem:v13+s7+$0x0], $0xffff;
	_ =	sdelay $0x5  }
0x97: {  	v35 =	vbroadcast v35, $0x0;
	v38 =	vand.u32 v21, v38  }
0x98: {  	v36 =	vadd.s32 v36, v38  }
0x99: {  	v35 =	vadd.s32 v35, v36;
	v36 =	vxor.u32 $0x80000000, v36  }
0x9a: {  	vm1 =	vlt.s32 v35, $0x800;
	(xrf0) =	vmax.scan.msk.u32 $0xffff, v36  }
0x9b: {  	vm1 =	vmand vm0, vm1;
	_ =	sdelay $0x4  }
0x9c: {  	v36, _, _ =	vpop (xrf0)  }
0x9d: {  	v38 =	vor.u32 s0, v4;
	s0 =	smov.u32 s1;
	vm0 =	veq.f32 v33, $0.0e+00;
	[tilespmem:v35+s9+$0x0] =	vst.idx.msk vm1, v33;
	(v2sf) =	vpush v36, $0xF  }
0x9e: {  	[tilespmem:v35+s10+$0x0] =	vst.idx.msk vm1, v38;
	v35 =	vsel vm0, $0x1, v0  }
0x9f: {  	[tilespmem:$0xA400] =	vst v35  }
0xa0: {  	v36 =	vld.idx.msk [tilespmem:v5+s7+$0x0], $0xffff;
	_ =	sdelay $0x5  }
0xa1: {  	v36 =	vand.u32 v6, v36  }
0xa2: {  	v36 =	vadd.s32 v35, v36  }
0xa3: {  	[tilespmem:$0xA400] =	vst v36  }
0xa4: {  	v35 =	vld.idx.msk [tilespmem:v11+s7+$0x0], $0xffff;
	_ =	sdelay $0x2  }
0xa5: {  	s1 =	spop (v2sf)  }
0xa6: {  	s1 =	sadd.s32 s1, s20  }
0xa7: {  	s20 =	sadd.s32 $0x80000000, s1  }
0xa8: {  	v40 =	vand.u32 v9, v35;
	v39 =	vmov s20  }
0xa9: {  	v36 =	vadd.s32 v36, v40;
	v35 =	vadd.s32 $0xFFFFFFFF, v39  }
0xaa: {  	[tilespmem:$0xA400] =	vst v36  }
0xab: {  	v39 =	vld.idx.msk [tilespmem:v12+s7+$0x0], $0xffff;
	_ =	sdelay $0x5  }
0xac: {  	v39 =	vand.u32 v10, v39  }
0xad: {  	v36 =	vadd.s32 v36, v39  }
0xae: {  	[tilespmem:$0xA400] =	vst v36  }
0xaf: {  	v39 =	vld.idx.msk [tilespmem:v13+s7+$0x0], $0xffff;
	_ =	sdelay $0x5  }
0xb0: {  	v37 =	vbroadcast v37, $0x0;
	v39 =	vand.u32 v21, v39  }
0xb1: {  	v36 =	vadd.s32 v36, v39  }
0xb2: {  	v37 =	vadd.s32 v37, v36;
	v36 =	vxor.u32 $0x80000000, v36  }
0xb3: {  	vm1 =	vlt.s32 v37, $0x220;
	(xrf0) =	vmax.scan.msk.u32 $0xffff, v36  }
0xb4: {  	vm2 =	vlt.f32 v33, $1.000000010e-01;
	vm1 =	vmand vm0, vm1  }
0xb5: {  	vm0 =	vmxor vm0, vm2  }
0xb6: {  	v33 =	vadd.s32 v22, v34;
	_ =	sdelay $0x2  }
0xb7: {  	v34, _, _ =	vpop (xrf0)  }
0xb8: {  	[tilespmem:v37+s11+$0x0] =	vst.idx.msk vm1, v38;
	(v2sf) =	vpush v34, $0xF  }
0xb9: {  	s22 =	sadd.s32 $0x10, s22;
	[tilespmem:v33+s12+$0x0] =	vst.idx.add.s32.msk vm0, v23  }
0xba: {  	v33 =	vld [tilespmem:s22+$0x0];
	_ =	sdelay $0x4  }
0xbb: {  	vm0 =	vge.f32 v33, $5.000000000e-01;
	v34 =	vmul.f32 $5.120000000e+03, v33  }
0xbc: {  	v36 =	vsel vm0, $0x1, v0  }
0xbd: {  	[tilespmem:$0xA400] =	vst v36;
	v34 =	vtrunc.f32 v34  }
0xbe: {  	v37 =	vld.idx.msk [tilespmem:v5+s7+$0x0], $0xffff;
	v34 =	vcvt.f32.s32 v34;
	_ =	sdelay $0x1  }
.Ltmp7:
0xbf: {  	vm1 =	vlt.s32 v34, $0x1FF;
	(pc) =	sbr.rel @p0 .LBB2_11-.Ltmp7, $3  }
0xc0: {  	v34 =	vnsel vm1, $0x1FF, v34;
	_ =	sdelay $0x1  }
0xc1: {  	s1 =	spop (v2sf)  }
0xc2: {  	v37 =	vand.u32 v6, v37;
	s1 =	sadd.s32 s1, s23  }
0xc3: {  	_ =	sdelay $0x1  }
0xc4: {  	v36 =	vadd.s32 v36, v37  }
0xc5: {  	[tilespmem:$0xA400] =	vst v36  }
0xc6: {  	v51 =	vld.idx.msk [tilespmem:v11+s7+$0x0], $0xffff;
	_ =	sdelay $0x4  }
0xc7: {  	v37 =	vand.u32 v9, v51  }
0xc8: {  	v36 =	vadd.s32 v36, v37  }
0xc9: {  	[tilespmem:$0xA400] =	vst v36  }
0xca: {  	v52 =	vld.idx.msk [tilespmem:v12+s7+$0x0], $0xffff;
	_ =	sdelay $0x4  }
0xcb: {  	v37 =	vand.u32 v10, v52  }
0xcc: {  	v36 =	vadd.s32 v36, v37  }
0xcd: {  	[tilespmem:$0xA400] =	vst v36  }
0xce: {  	v53 =	vld.idx.msk [tilespmem:v13+s7+$0x0], $0xffff;
	_ =	sdelay $0x4  }
0xcf: {  	v35 =	vbroadcast v35, $0x0;
	v37 =	vand.u32 v21, v53  }
0xd0: {  	v36 =	vadd.s32 v36, v37  }
0xd1: {  	v35 =	vadd.s32 v35, v36  }
0xd2: {  	vm1 =	vlt.s32 v35, $0x800  }
0xd3: {  	vm1 =	vmand vm0, vm1;
	_ =	sdelay $0x5  }
0xd4: {  	v54 =	vor.u32 s0, v4;
	vm14 =	veq.f32 v33, $0.0e+00;
	[tilespmem:v35+s9+$0x0] =	vst.idx.msk vm1, v33  }
0xd5: {  	v55 =	vsel vm14, $0x1, v0;
	[tilespmem:v35+s10+$0x0] =	vst.idx.msk vm1, v54  }
0xd6: {  	[tilespmem:$0xA400] =	vst v55  }
0xd7: {  	v38 =	vld.idx.msk [tilespmem:v5+s7+$0x0], $0xffff;
	_ =	sdelay $0x4  }
0xd8: {  	v38 =	vand.u32 v6, v38  }
0xd9: {  	v35 =	vadd.s32 v55, v38  }
0xda: {  	[tilespmem:$0xA400] =	vst v35  }
0xdb: {  	v56 =	vld.idx.msk [tilespmem:v11+s7+$0x0], $0xffff;
	_ =	sdelay $0x4  }
0xdc: {  	v38 =	vand.u32 v9, v56  }
0xdd: {  	v35 =	vadd.s32 v35, v38  }
0xde: {  	[tilespmem:$0xA400] =	vst v35  }
0xdf: {  	v57 =	vld.idx.msk [tilespmem:v12+s7+$0x0], $0xffff;
	_ =	sdelay $0x4  }
0xe0: {  	v38 =	vand.u32 v10, v57  }
0xe1: {  	v35 =	vadd.s32 v35, v38  }
0xe2: {  	[tilespmem:$0xA400] =	vst v35  }
0xe3: {  	v58 =	vld.idx.msk [tilespmem:v13+s7+$0x0], $0xffff;
	_ =	sdelay $0x4  }
0xe4: {  	v38 =	vand.u32 v21, v58  }
0xe5: {  	v36 =	vxor.u32 $0x80000000, v36;
	v35 =	vadd.s32 v35, v38  }
0xe6: {  	(xrf0) =	vmax.scan.msk.u32 $0xffff, v36;
	v59 =	vxor.u32 $0x80000000, v35  }
0xe7: {  	(xrf0) =	vmax.scan.msk.u32 $0xffff, v59;
	_ =	sdelay $0x4  }
0xe8: {  	v60, _, _ =	vpop (xrf0)  }
0xe9: {  	(v2sf) =	vpush v60, $0xF;
	v61, _, _ =	vpop (xrf0)  }
0xea: {  	(v2sf) =	vpush v61, $0xF  }
0xeb: {  	s28 =	sadd.s32 $0x80000000, s1  }
0xec: {  	v62 =	vmov s28  }
0xed: {  	v36 =	vadd.s32 $0xFFFFFFFF, v62  }
0xee: {  	v36 =	vbroadcast v36, $0x0;
	_ =	sdelay $0x1  }
0xef: {  	v35 =	vadd.s32 v36, v35  }
0xf0: {  	vm15 =	vlt.s32 v35, $0x220  }
0xf1: {  	vm2 =	vlt.f32 v33, $1.000000010e-01;
	vm1 =	vmand vm14, vm15  }
0xf2: {  	vm0 =	vmxor vm14, vm2  }
0xf3: {  	v63 =	vadd.s32 v22, v34;
	_ =	sdelay $0x3  }
0xf4: {  	s29 =	spop (v2sf);
	[tilespmem:v35+s11+$0x0] =	vst.idx.msk vm1, v54  }
0xf5: {  	s31 =	simm.s32 $0x0;
	v33 =	vimm.s32 $0x0;
	s1 =	sadd.s32 s29, s20;
	[tilespmem:v63+s12+$0x0] =	vst.idx.add.s32.msk vm0, v23;
	s30 =	spop (v2sf)  }
0xf6: {  	s24 =	sadd.s32 $0x80000000, s1;
	s1 =	simm.s32 $0x7A80;
	[tilespmem:$0xA400] =	vst v33;
	s0 =	sadd.s32 s30, s28  }
0xf7: {  	s20 =	simm.s32 $0x10;
	v34 =	vld [tilespmem:s1+$0x0];
	s22 =	sadd.s32 $0x80000000, s0;
	s0 =	sand.u32 $0x1F0, s31  }
.LBB2_13:
0xf8: {  	p0 =	sne.s32 s20, $0x1F0;
	v35 =	vld [tilespmem:s0+$0x7C80]  }
0xf9: {  	v36 =	vld [tilespmem:s0+$0x7E80]  }
0xfa: {  	v37 =	vld [tilespmem:s0+$0x8080]  }
0xfb: {  	v38 =	vld [tilespmem:s0+$0x8280]  }
0xfc: {  	v33 =	vadd.s32 v33, v34;
	v34 =	vld [tilespmem:s0+$0x8480]  }
0xfd: {  	v33 =	vadd.s32 v35, v33;
	v35 =	vld [tilespmem:s0+$0x8680]  }
0xfe: {  	v33 =	vadd.s32 v36, v33;
	v36 =	vld [tilespmem:s0+$0x8880]  }
0xff: {  	v33 =	vadd.s32 v37, v33;
	v37 =	vld [tilespmem:s0+$0x8A80]  }
0x100: {  	v33 =	vadd.s32 v38, v33;
	v38 =	vld [tilespmem:s0+$0x8C80]  }
0x101: {  	v33 =	vadd.s32 v34, v33;
	v34 =	vld [tilespmem:s0+$0x8E80]  }
0x102: {  	v33 =	vadd.s32 v35, v33;
	v35 =	vld [tilespmem:s0+$0x9080]  }
0x103: {  	v33 =	vadd.s32 v36, v33;
	v36 =	vld [tilespmem:s0+$0x9280]  }
0x104: {  	v33 =	vadd.s32 v37, v33;
	v37 =	vld [tilespmem:s0+$0x9480]  }
0x105: {  	v33 =	vadd.s32 v38, v33;
	v38 =	vld [tilespmem:s0+$0x9680]  }
0x106: {  	v33 =	vadd.s32 v34, v33;
	v34 =	vld [tilespmem:s0+$0x9880]  }
0x107: {  	v33 =	vadd.s32 v35, v33  }
0x108: {  	v33 =	vadd.s32 v36, v33  }
.Ltmp8:
0x109: {  	v33 =	vadd.s32 v37, v33;
	(pc) =	sbr.rel @p0 .LBB2_13-.Ltmp8, $4  }
0x10a: {  	v33 =	vadd.s32 v38, v33  }
0x10b: {  	v33 =	vadd.s32 v34, v33  }
0x10c: {  	s1 =	sadd.s32 $0x10, s1;
	[tilespmem:$0xA400] =	vst v33  }
0x10d: {  	s0 =	sand.u32 $0x1F0, s20;
	s20 =	sadd.s32 $0x10, s20;
	v34 =	vld [tilespmem:s1+$0x0]  }
0x10e: {  	v35 =	vld [tilespmem:s0+$0x7C80]  }
0x10f: {  	v36 =	vld [tilespmem:s0+$0x7E80]  }
0x110: {  	v37 =	vld [tilespmem:s0+$0x8080]  }
0x111: {  	v38 =	vld [tilespmem:s0+$0x8280]  }
0x112: {  	v52 =	vld [tilespmem:s0+$0x8480];
	v33 =	vadd.s32 v33, v34  }
0x113: {  	v53 =	vld [tilespmem:s0+$0x8680];
	v33 =	vadd.s32 v35, v33  }
0x114: {  	v54 =	vld [tilespmem:s0+$0x8880];
	v33 =	vadd.s32 v36, v33  }
0x115: {  	v55 =	vld [tilespmem:s0+$0x8A80];
	v33 =	vadd.s32 v37, v33  }
0x116: {  	v56 =	vld [tilespmem:s0+$0x8C80];
	v33 =	vadd.s32 v38, v33  }
0x117: {  	v57 =	vld [tilespmem:s0+$0x8E80];
	v33 =	vadd.s32 v52, v33  }
0x118: {  	v58 =	vld [tilespmem:s0+$0x9080];
	v33 =	vadd.s32 v53, v33  }
0x119: {  	v59 =	vld [tilespmem:s0+$0x9280];
	v33 =	vadd.s32 v54, v33  }
0x11a: {  	v60 =	vld [tilespmem:s0+$0x9480];
	v33 =	vadd.s32 v55, v33  }
0x11b: {  	v61 =	vld [tilespmem:s0+$0x9680];
	v33 =	vadd.s32 v56, v33  }
0x11c: {  	v62 =	vld [tilespmem:s0+$0x9880];
	v33 =	vadd.s32 v57, v33  }
0x11d: {  	v33 =	vadd.s32 v58, v33  }
0x11e: {  	v33 =	vadd.s32 v59, v33  }
0x11f: {  	v33 =	vadd.s32 v60, v33  }
0x120: {  	v33 =	vadd.s32 v61, v33  }
0x121: {  	v33 =	vadd.s32 v62, v33  }
0x122: {  	(xrf0) =	vadd.scan.msk.s32 $0xffff, v33;
	_ =	sdelay $0x5  }
0x123: {  	v63, _, _ =	vpop (xrf0)  }
0x124: {  	(v2sf) =	vpush v63, $0xF;
	_ =	sdelay $0xd  }
0x125: {  	p0 =	slt.s32 s24, $0x80;
	s20 =	smov.u32 s24  }
0x126: {  	s20 =	simm.s32 @!p0 $0x80;
	s31 =	spop (v2sf)  }
0x127: {  	s23 =	ssub.s32 $0x200, s20;
	s0 =	sadd.s32 s22, s31  }
0x128: {  	s21 =	smov.u32 s23;
	p0 =	slt.s32 s0, s23  }
0x129: {  	s21 =	smov.u32 @p0 s0  }
0x12a: {  	p0 =	slt.s32 s21, s22  }
0x12b: {  	s22 =	smov.u32 @p0 s21  }
0x12c: {  	s0 =	ssub.s32 s21, s22  }
0x12d: {  	p0 =	slt.s32 s0, $0x1  }
.Ltmp9:
0x12e: {  	_ = 	snop;
	(pc) =	sbr.rel @p0 .LBB2_25-.Ltmp9, $2  }
0x12f: {  	_ =	sdelay $0x2  }
0x130: {  	[tilespmem:$0xA400] =	vst v33  }
0x131: {  	s1 =	simm.s32 $0x0;
	s25 =	simm.s32 $0x7A80  }
0x132: {  	v33 =	vld [tilespmem:s25+$0x0];
	s26 =	sand.u32 $0x1F0, s1  }
0x133: {  	v34 =	vld [tilespmem:s26+$0x7C80]  }
0x134: {  	v35 =	vld [tilespmem:s26+$0x7E80]  }
0x135: {  	v36 =	vld [tilespmem:s26+$0x8080]  }
0x136: {  	v37 =	vld [tilespmem:s26+$0x8280]  }
0x137: {  	v38 =	vld [tilespmem:s26+$0x8480]  }
0x138: {  	v39 =	vld [tilespmem:s26+$0x8680];
	v33 =	vadd.s32 v33, v34  }
0x139: {  	v46 =	vld [tilespmem:s26+$0x8880];
	v33 =	vadd.s32 v35, v33  }
0x13a: {  	v47 =	vld [tilespmem:s26+$0x8A80];
	v33 =	vadd.s32 v36, v33  }
0x13b: {  	v48 =	vld [tilespmem:s26+$0x8C80];
	v33 =	vadd.s32 v37, v33  }
0x13c: {  	v49 =	vld [tilespmem:s26+$0x8E80];
	v33 =	vadd.s32 v38, v33  }
0x13d: {  	v50 =	vld [tilespmem:s26+$0x9080];
	v33 =	vadd.s32 v39, v33  }
0x13e: {  	v51 =	vld [tilespmem:s26+$0x9280];
	v33 =	vadd.s32 v46, v33  }
0x13f: {  	v52 =	vld [tilespmem:s26+$0x9480];
	v33 =	vadd.s32 v47, v33  }
0x140: {  	v53 =	vld [tilespmem:s26+$0x9680];
	v33 =	vadd.s32 v48, v33  }
0x141: {  	v54 =	vld [tilespmem:s26+$0x9880];
	v33 =	vadd.s32 v49, v33  }
0x142: {  	v33 =	vadd.s32 v50, v33  }
0x143: {  	v33 =	vadd.s32 v51, v33  }
0x144: {  	v33 =	vadd.s32 v52, v33  }
0x145: {  	v33 =	vadd.s32 v53, v33  }
0x146: {  	v33 =	vadd.s32 v54, v33  }
0x147: {  	[tilespmem:$0xA400] =	vst v33  }
0x148: {  	v55 =	vld.idx.msk [tilespmem:v5+s7+$0x0], $0xffff;
	_ =	sdelay $0x4  }
0x149: {  	v34 =	vand.u32 v6, v55  }
0x14a: {  	v33 =	vadd.s32 v33, v34  }
0x14b: {  	[tilespmem:$0xA400] =	vst v33  }
0x14c: {  	v56 =	vld.idx.msk [tilespmem:v11+s7+$0x0], $0xffff;
	_ =	sdelay $0x4  }
0x14d: {  	v34 =	vand.u32 v9, v56  }
0x14e: {  	v33 =	vadd.s32 v33, v34  }
0x14f: {  	[tilespmem:$0xA400] =	vst v33  }
0x150: {  	v57 =	vld.idx.msk [tilespmem:v12+s7+$0x0], $0xffff;
	_ =	sdelay $0x4  }
0x151: {  	v34 =	vand.u32 v10, v57  }
0x152: {  	v33 =	vadd.s32 v33, v34  }
0x153: {  	s25 =	simm.s32 $0x10;
	s26 =	simm.s32 $0x7A90;
	[tilespmem:$0xA400] =	vst v33  }
0x154: {  	s17 =	sand.u32 $0x1F0, s25;
	v58 =	vld [tilespmem:s26+$0x0]  }
0x155: {  	v59 =	vld [tilespmem:s17+$0x7C80]  }
0x156: {  	v60 =	vld [tilespmem:s17+$0x7E80]  }
0x157: {  	v61 =	vld [tilespmem:s17+$0x8080]  }
0x158: {  	v62 =	vld [tilespmem:s17+$0x8280]  }
0x159: {  	v63 =	vld [tilespmem:s17+$0x8480]  }
0x15a: {  	v40 =	vld [tilespmem:s17+$0x8680]  }
0x15b: {  	v44 =	vld [tilespmem:s17+$0x8880];
	v34 =	vadd.s32 v58, v59  }
0x15c: {  	v45 =	vld [tilespmem:s17+$0x8A80];
	v34 =	vadd.s32 v60, v34  }
0x15d: {  	v46 =	vld [tilespmem:s17+$0x8C80];
	v34 =	vadd.s32 v61, v34  }
0x15e: {  	v47 =	vld [tilespmem:s17+$0x8E80];
	v34 =	vadd.s32 v62, v34  }
0x15f: {  	v48 =	vld [tilespmem:s17+$0x9080];
	v34 =	vadd.s32 v63, v34  }
0x160: {  	v49 =	vld [tilespmem:s17+$0x9280];
	v34 =	vadd.s32 v40, v34  }
0x161: {  	v50 =	vld [tilespmem:s17+$0x9480];
	v34 =	vadd.s32 v44, v34  }
0x162: {  	v51 =	vld.idx.msk [tilespmem:v13+s7+$0x0], $0xffff;
	v34 =	vadd.s32 v45, v34  }
0x163: {  	v41 =	vld [tilespmem:s17+$0x9680];
	v34 =	vadd.s32 v46, v34  }
0x164: {  	v52 =	vld [tilespmem:s17+$0x9880];
	v34 =	vadd.s32 v47, v34  }
0x165: {  	v34 =	vadd.s32 v48, v34  }
0x166: {  	v34 =	vadd.s32 v49, v34  }
0x167: {  	v53 =	vadd.s32 s1, v33;
	v54 =	vand.u32 v21, v51;
	v34 =	vadd.s32 v50, v34  }
0x168: {  	v33 =	vmov s0;
	v35 =	vadd.s32 v54, v53;
	v34 =	vadd.s32 v41, v34  }
0x169: {  	vm0 =	vge.s32 v35, v33;
	v34 =	vadd.s32 v52, v34  }
0x16a: {  	v55 =	vmpcnt.ones.xlane vm0;
	[tilespmem:$0xA400] =	vst v34  }
0x16b: {  	v35 =	vxor.u32 $0x80000000, v35;
	v56 =	vld.idx.msk [tilespmem:v5+s7+$0x0], $0xffff  }
0x16c: {  	(xrf0) =	vmax.scan.msk.u32 $0xffff, v35;
	v57 =	vxor.u32 $0x80000000, v55  }
0x16d: {  	(xrf0) =	vmax.scan.msk.u32 $0xffff, v57;
	_ =	sdelay $0x2  }
0x16e: {  	v58 =	vand.u32 v6, v56  }
0x16f: {  	v34 =	vadd.s32 v34, v58  }
0x170: {  	v59, _, _ =	vpop (xrf0);
	[tilespmem:$0xA400] =	vst v34  }
0x171: {  	(v2sf) =	vpush v59, $0xF;
	v61, _, _ =	vpop (xrf0);
	v60 =	vld.idx.msk [tilespmem:v11+s7+$0x0], $0xffff  }
0x172: {  	(v2sf) =	vpush v61, $0xF;
	_ =	sdelay $0x3  }
0x173: {  	v62 =	vand.u32 v9, v60  }
0x174: {  	v34 =	vadd.s32 v34, v62  }
0x175: {  	[tilespmem:$0xA400] =	vst v34  }
0x176: {  	v63 =	vld.idx.msk [tilespmem:v12+s7+$0x0], $0xffff;
	_ =	sdelay $0x4  }
0x177: {  	v35 =	vand.u32 v10, v63  }
0x178: {  	s28 =	simm.s32 $0x20;
	v34 =	vadd.s32 v34, v35  }
0x179: {  	s29 =	simm.s32 $0x30;
	s0 =	simm.s32 $0x7AA0;
	s17 =	spop (v2sf);
	[tilespmem:$0xA400] =	vst v34  }
0x17a: {  	s31 =	sand.u32 $0x1F0, s28;
	s1 =	sxor.u32 $0x80000000, s17;
	s30 =	spop (v2sf);
	v35 =	vld [tilespmem:s0+$0x0]  }
0x17b: {  	s26 =	simm.s32 $0xFFFFFFFF;
	v34 =	vadd.s32 s1, v34;
	s1 =	sxor.u32 $0x80000000, s30;
	s30 =	ssub.s32 $0x0, s30;
	v36 =	vld [tilespmem:s31+$0x7C80]  }
.LBB2_16:
0x17c: {  	p0 =	sne.s32 s29, $0x1F0  }
0x17d: {  	v37 =	vld [tilespmem:s31+$0x7E80];
	s30 =	sadd.s32 $0x80000010, s30;
	p1 =	sgt.s32 s1, $0x0;
	s1 =	smov.u32 s26  }
0x17e: {  	p2 =	slt.s32 s26, $0x0;
	v38 =	vld [tilespmem:s31+$0x8080];
	s1 =	smov.u32 @p1 s30;
	s30 =	smov.u32 s25  }
0x17f: {  	s25 =	smov.u32 s28;
	s28 =	smov.u32 s29;
	v39 =	vld [tilespmem:s31+$0x8280];
	s26 =	smov.u32 @p2 s1  }
0x180: {  	v40 =	vld [tilespmem:s31+$0x8480]  }
0x181: {  	v41 =	vld [tilespmem:s31+$0x8680]  }
0x182: {  	v35 =	vadd.s32 v35, v36;
	v36 =	vld [tilespmem:s31+$0x8880]  }
0x183: {  	v35 =	vadd.s32 v37, v35;
	v37 =	vld [tilespmem:s31+$0x8A80]  }
0x184: {  	v35 =	vadd.s32 v38, v35;
	v38 =	vld [tilespmem:s31+$0x8C80]  }
0x185: {  	v35 =	vadd.s32 v39, v35;
	v39 =	vld [tilespmem:s31+$0x8E80]  }
0x186: {  	v35 =	vadd.s32 v40, v35;
	v40 =	vld [tilespmem:s31+$0x9080]  }
0x187: {  	v35 =	vadd.s32 v41, v35;
	v41 =	vld [tilespmem:s31+$0x9280]  }
0x188: {  	v35 =	vadd.s32 v36, v35;
	v36 =	vld [tilespmem:s31+$0x9480]  }
0x189: {  	v35 =	vadd.s32 v37, v35;
	v37 =	vld [tilespmem:s31+$0x9680]  }
0x18a: {  	v35 =	vadd.s32 v38, v35;
	v38 =	vld [tilespmem:s31+$0x9880]  }
0x18b: {  	v35 =	vadd.s32 v39, v35;
	v39 =	vld.idx.msk [tilespmem:v13+s7+$0x0], $0xffff  }
0x18c: {  	v35 =	vadd.s32 v40, v35  }
0x18d: {  	v35 =	vadd.s32 v41, v35  }
0x18e: {  	v35 =	vadd.s32 v36, v35  }
0x18f: {  	v35 =	vadd.s32 v37, v35  }
0x190: {  	v35 =	vadd.s32 v38, v35  }
0x191: {  	v36 =	vand.u32 v21, v39;
	[tilespmem:$0xA400] =	vst v35  }
0x192: {  	v34 =	vadd.s32 v36, v34;
	v37 =	vld.idx.msk [tilespmem:v5+s7+$0x0], $0xffff  }
0x193: {  	vm0 =	vge.s32 v34, v33;
	v34 =	vxor.u32 $0x80000000, v34  }
0x194: {  	v36 =	vmpcnt.ones.xlane vm0;
	(xrf0) =	vmax.scan.msk.u32 $0xffff, v34;
	_ =	sdelay $0x1  }
0x195: {  	v34 =	vxor.u32 $0x80000000, v36  }
0x196: {  	(xrf0) =	vmax.scan.msk.u32 $0xffff, v34  }
0x197: {  	v34 =	vand.u32 v6, v37  }
0x198: {  	v34 =	vadd.s32 v35, v34  }
0x199: {  	[tilespmem:$0xA400] =	vst v34;
	v35, _, _ =	vpop (xrf0)  }
0x19a: {  	v36 =	vld.idx.msk [tilespmem:v11+s7+$0x0], $0xffff;
	(v2sf) =	vpush v35, $0xF;
	_ =	sdelay $0x1  }
0x19b: {  	v35, _, _ =	vpop (xrf0)  }
0x19c: {  	(v2sf) =	vpush v35, $0xF;
	_ =	sdelay $0x2  }
0x19d: {  	v35 =	vand.u32 v9, v36  }
0x19e: {  	v34 =	vadd.s32 v34, v35  }
0x19f: {  	[tilespmem:$0xA400] =	vst v34  }
0x1a0: {  	v35 =	vld.idx.msk [tilespmem:v12+s7+$0x0], $0xffff;
	_ =	sdelay $0x5  }
.Ltmp10:
0x1a1: {  	v35 =	vand.u32 v10, v35;
	s1 =	spop (v2sf);
	(pc) =	sbr.rel @p0 .LBB2_16-.Ltmp10, $4  }
0x1a2: {  	v34 =	vadd.s32 v34, v35;
	s1 =	sxor.u32 $0x80000000, s1  }
0x1a3: {  	s0 =	sadd.s32 $0x10, s0;
	[tilespmem:$0xA400] =	vst v34;
	v34 =	vadd.s32 s1, v34  }
0x1a4: {  	s31 =	sand.u32 $0x1F0, s29;
	v35 =	vld [tilespmem:s0+$0x0];
	s17 =	spop (v2sf)  }
0x1a5: {  	s29 =	sadd.s32 $0x10, s29;
	v36 =	vld [tilespmem:s31+$0x7C80];
	s1 =	sxor.u32 $0x80000000, s17;
	s30 =	ssub.s32 s30, s17  }
0x1a6: {  	v37 =	vld [tilespmem:s31+$0x7E80]  }
0x1a7: {  	v38 =	vld [tilespmem:s31+$0x8080]  }
0x1a8: {  	v39 =	vld [tilespmem:s31+$0x8280]  }
0x1a9: {  	v40 =	vld [tilespmem:s31+$0x8480]  }
0x1aa: {  	v41 =	vld [tilespmem:s31+$0x8680];
	v35 =	vadd.s32 v35, v36  }
0x1ab: {  	v55 =	vld [tilespmem:s31+$0x8880];
	v35 =	vadd.s32 v37, v35  }
0x1ac: {  	v56 =	vld [tilespmem:s31+$0x8A80];
	v35 =	vadd.s32 v38, v35  }
0x1ad: {  	v57 =	vld [tilespmem:s31+$0x8C80];
	v35 =	vadd.s32 v39, v35  }
0x1ae: {  	v58 =	vld [tilespmem:s31+$0x8E80];
	v35 =	vadd.s32 v40, v35  }
0x1af: {  	v59 =	vld [tilespmem:s31+$0x9080];
	v35 =	vadd.s32 v41, v35  }
0x1b0: {  	v60 =	vld [tilespmem:s31+$0x9280];
	v35 =	vadd.s32 v55, v35  }
0x1b1: {  	v61 =	vld [tilespmem:s31+$0x9480];
	v35 =	vadd.s32 v56, v35  }
0x1b2: {  	v62 =	vld [tilespmem:s31+$0x9680];
	v35 =	vadd.s32 v57, v35  }
0x1b3: {  	v63 =	vld [tilespmem:s31+$0x9880];
	v35 =	vadd.s32 v58, v35  }
0x1b4: {  	v35 =	vadd.s32 v59, v35  }
0x1b5: {  	v35 =	vadd.s32 v60, v35  }
0x1b6: {  	v35 =	vadd.s32 v61, v35  }
0x1b7: {  	v42 =	vld.idx.msk [tilespmem:v13+s7+$0x0], $0xffff;
	v35 =	vadd.s32 v62, v35  }
0x1b8: {  	v35 =	vadd.s32 v63, v35  }
0x1b9: {  	[tilespmem:$0xA400] =	vst v35  }
0x1ba: {  	v43 =	vld.idx.msk [tilespmem:v5+s7+$0x0], $0xffff;
	_ =	sdelay $0x1  }
0x1bb: {  	v36 =	vand.u32 v21, v42  }
0x1bc: {  	v34 =	vadd.s32 v36, v34  }
0x1bd: {  	v36 =	vxor.u32 $0x80000000, v34  }
0x1be: {  	(xrf0) =	vmax.scan.msk.u32 $0xffff, v36;
	v44 =	vand.u32 v6, v43  }
0x1bf: {  	v35 =	vadd.s32 v35, v44  }
0x1c0: {  	[tilespmem:$0xA400] =	vst v35  }
0x1c1: {  	v45 =	vld.idx.msk [tilespmem:v11+s7+$0x0], $0xffff;
	_ =	sdelay $0x2  }
0x1c2: {  	v46, _, _ =	vpop (xrf0)  }
0x1c3: {  	(v2sf) =	vpush v46, $0xF  }
0x1c4: {  	v36 =	vand.u32 v9, v45  }
0x1c5: {  	v35 =	vadd.s32 v35, v36  }
0x1c6: {  	[tilespmem:$0xA400] =	vst v35  }
0x1c7: {  	v47 =	vld.idx.msk [tilespmem:v12+s7+$0x0], $0xffff;
	_ =	sdelay $0x4  }
0x1c8: {  	v36 =	vand.u32 v10, v47  }
0x1c9: {  	v35 =	vadd.s32 v35, v36  }
0x1ca: {  	[tilespmem:$0xA400] =	vst v35  }
0x1cb: {  	v48 =	vld.idx.msk [tilespmem:v13+s7+$0x0], $0xffff;
	_ =	sdelay $0x2  }
0x1cc: {  	s0 =	spop (v2sf)  }
0x1cd: {  	vm0 =	vge.s32 v34, v33;
	s0 =	sxor.u32 $0x80000000, s0  }
0x1ce: {  	v34 =	vmpcnt.ones.xlane vm0;
	v35 =	vadd.s32 s0, v35;
	v36 =	vand.u32 v21, v48  }
0x1cf: {  	v35 =	vadd.s32 v36, v35  }
0x1d0: {  	v34 =	vxor.u32 $0x80000000, v34;
	vm0 =	vge.s32 v35, v33  }
0x1d1: {  	(xrf0) =	vmax.scan.msk.u32 $0xffff, v34;
	v49 =	vmpcnt.ones.xlane vm0  }
0x1d2: {  	v35 =	vxor.u32 $0x80000000, v35  }
0x1d3: {  	(xrf0) =	vmax.scan.msk.u32 $0xffff, v35;
	v34 =	vxor.u32 $0x80000000, v49  }
0x1d4: {  	(xrf0) =	vmax.scan.msk.u32 $0xffff, v34;
	_ =	sdelay $0x2  }
0x1d5: {  	v50, _, _ =	vpop (xrf0)  }
0x1d6: {  	(v2sf) =	vpush v50, $0xF  }
0x1d7: {  	v51, _, _ =	vpop (xrf0)  }
0x1d8: {  	(v2sf) =	vpush v51, $0xF;
	v52, _, _ =	vpop (xrf0)  }
0x1d9: {  	(v2sf) =	vpush v52, $0xF;
	_ =	sdelay $0x7  }
0x1da: {  	s0 =	simm.s32 $0x0  }
0x1db: {  	v53 =	vld [tilespmem:s0+$0x0]  }
0x1dc: {  	s17 =	sadd.s32 $0x80000010, s30;
	p0 =	sgt.s32 s1, $0x0;
	s1 =	smov.u32 s26  }
0x1dd: {  	s1 =	smov.u32 @p0 s17;
	p0 =	slt.s32 s26, $0x0  }
0x1de: {  	s26 =	smov.u32 @p0 s1;
	s29 =	spop (v2sf)  }
0x1df: {  	s1 =	smov.u32 s26;
	s30 =	sxor.u32 $0x80000000, s29;
	s17 =	ssub.s32 s25, s29  }
0x1e0: {  	s17 =	sadd.s32 $0x80000010, s17;
	p0 =	sgt.s32 s30, $0x0;
	v54 =	vmul.f32 $5.120000000e+03, v53;
	s31 =	spop (v2sf)  }
0x1e1: {  	p1 =	slt.s32 s26, $0x0;
	s1 =	smov.u32 @p0 s17;
	s29 =	spop (v2sf)  }
0x1e2: {  	s26 =	smov.u32 @p1 s1;
	v34 =	vtrunc.f32 v54;
	s30 =	sxor.u32 $0x80000000, s29;
	s17 =	ssub.s32 s28, s29  }
0x1e3: {  	s1 =	smov.u32 s26;
	v55 =	vcvt.f32.s32 v34;
	s17 =	sadd.s32 $0x80000010, s17;
	p0 =	sgt.s32 s30, $0x0  }
0x1e4: {  	p1 =	slt.s32 s26, $0x0;
	s1 =	smov.u32 @p0 s17  }
0x1e5: {  	vm1 =	vlt.f32 v53, $1.000000010e-01;
	vm0 =	vlt.s32 v55, $0x1FF;
	s26 =	smov.u32 @p1 s1  }
0x1e6: {  	v36 =	vnsel vm0, $0x1FF, v55;
	vm0 =	vne.f32 v53, $0.0e+00;
	v34 =	vmov s26  }
0x1e7: {  	vm0 =	vmand vm1, vm0;
	vm1 =	vle.s32 v36, v34  }
0x1e8: {  	vm0 =	vmand vm0, vm1  }
0x1e9: {  	v56 =	vsel vm0, $0x1, v0  }
0x1ea: {  	[tilespmem:$0xA400] =	vst v56  }
0x1eb: {  	v57 =	vld.idx.msk [tilespmem:v5+s7+$0x0], $0xffff;
	_ =	sdelay $0x4  }
0x1ec: {  	v37 =	vand.u32 v6, v57  }
0x1ed: {  	v36 =	vadd.s32 v56, v37  }
0x1ee: {  	[tilespmem:$0xA400] =	vst v36  }
0x1ef: {  	v58 =	vld.idx.msk [tilespmem:v11+s7+$0x0], $0xffff;
	_ =	sdelay $0x4  }
0x1f0: {  	v37 =	vand.u32 v9, v58  }
0x1f1: {  	v36 =	vadd.s32 v37, v36  }
0x1f2: {  	[tilespmem:$0xA400] =	vst v36  }
0x1f3: {  	v59 =	vld.idx.msk [tilespmem:v12+s7+$0x0], $0xffff;
	_ =	sdelay $0x4  }
0x1f4: {  	v37 =	vand.u32 v10, v59  }
0x1f5: {  	v36 =	vadd.s32 v37, v36  }
0x1f6: {  	[tilespmem:$0xA400] =	vst v36  }
0x1f7: {  	v60 =	vld.idx.msk [tilespmem:v13+s7+$0x0], $0xffff;
	_ =	sdelay $0x2  }
0x1f8: {  	v61 =	vmov s0  }
0x1f9: {  	v38 =	vadd.s32 $0xFFFFFFFF, v61  }
0x1fa: {  	v38 =	vbroadcast v38, $0x0;
	v37 =	vand.u32 v21, v60  }
0x1fb: {  	v36 =	vadd.s32 v37, v36  }
0x1fc: {  	v37 =	vadd.s32 v38, v36;
	v36 =	vxor.u32 $0x80000000, v36  }
0x1fd: {  	vm1 =	vlt.s32 v37, $0xC00;
	(xrf0) =	vmax.scan.msk.u32 $0xffff, v36  }
0x1fe: {  	vm0 =	vmand vm0, vm1;
	_ =	sdelay $0x4  }
0x1ff: {  	v36, _, _ =	vpop (xrf0)  }
0x200: {  	v62 =	vor.u32 s0, v4;
	[tilespmem:v37+s13+$0x0] =	vst.idx.msk vm0, v53;
	(v2sf) =	vpush v36, $0xF  }
0x201: {  	s0 =	simm.s32 $0x10;
	[tilespmem:v37+s14+$0x0] =	vst.idx.msk vm0, v62  }
0x202: {  	v35 =	vld [tilespmem:s0+$0x0];
	_ =	sdelay $0x4  }
0x203: {  	v63 =	vmul.f32 $5.120000000e+03, v35;
	_ =	sdelay $0x1  }
0x204: {  	v36 =	vtrunc.f32 v63  }
0x205: {  	v36 =	vcvt.f32.s32 v36;
	_ =	sdelay $0x1  }
0x206: {  	vm0 =	vlt.s32 v36, $0x1FF  }
0x207: {  	vm1 =	vlt.f32 v35, $1.000000010e-01;
	v36 =	vnsel vm0, $0x1FF, v36;
	vm0 =	vne.f32 v35, $0.0e+00  }
0x208: {  	vm0 =	vmand vm1, vm0;
	vm1 =	vle.s32 v36, v34  }
0x209: {  	vm0 =	vmand vm0, vm1;
	s31 =	spop (v2sf)  }
0x20a: {  	s25 =	simm.s32 $0x20;
	s26 =	simm.s32 $0x10;
	v36 =	vsel vm0, $0x1, v0;
	s1 =	sadd.s32 $0x0, s31  }
.LBB2_18:
0x20b: {  	p0 =	sne.s32 s25, $0x4FF0  }
0x20c: {  	[tilespmem:$0xA400] =	vst v36;
	s28 =	sadd.s32 $0x80000000, s1;
	s1 =	smov.u32 s25;
	s25 =	sadd.s32 $0x10, s25  }
0x20d: {  	v37 =	vld.idx.msk [tilespmem:v5+s7+$0x0], $0xffff;
	v38 =	vmov s28  }
0x20e: {  	v38 =	vadd.s32 $0xFFFFFFFF, v38;
	_ =	sdelay $0x4  }
0x20f: {  	v37 =	vand.u32 v6, v37  }
0x210: {  	v36 =	vadd.s32 v36, v37  }
0x211: {  	[tilespmem:$0xA400] =	vst v36  }
0x212: {  	v37 =	vld.idx.msk [tilespmem:v11+s7+$0x0], $0xffff;
	_ =	sdelay $0x5  }
0x213: {  	v37 =	vand.u32 v9, v37  }
0x214: {  	v36 =	vadd.s32 v37, v36  }
0x215: {  	[tilespmem:$0xA400] =	vst v36  }
0x216: {  	v37 =	vld.idx.msk [tilespmem:v12+s7+$0x0], $0xffff;
	_ =	sdelay $0x5  }
0x217: {  	v37 =	vand.u32 v10, v37  }
0x218: {  	v36 =	vadd.s32 v37, v36  }
0x219: {  	[tilespmem:$0xA400] =	vst v36  }
0x21a: {  	v37 =	vld.idx.msk [tilespmem:v13+s7+$0x0], $0xffff;
	_ =	sdelay $0x5  }
0x21b: {  	v38 =	vbroadcast v38, $0x0;
	v37 =	vand.u32 v21, v37  }
0x21c: {  	v36 =	vadd.s32 v37, v36  }
0x21d: {  	v37 =	vadd.s32 v38, v36;
	v36 =	vxor.u32 $0x80000000, v36  }
0x21e: {  	vm1 =	vlt.s32 v37, $0xC00;
	(xrf0) =	vmax.scan.msk.u32 $0xffff, v36  }
0x21f: {  	vm0 =	vmand vm0, vm1;
	_ =	sdelay $0x4  }
0x220: {  	v36, _, _ =	vpop (xrf0)  }
0x221: {  	v38 =	vor.u32 s0, v4;
	s0 =	smov.u32 s1;
	[tilespmem:v37+s13+$0x0] =	vst.idx.msk vm0, v35;
	(v2sf) =	vpush v36, $0xF  }
0x222: {  	s26 =	sadd.s32 $0x10, s26;
	[tilespmem:v37+s14+$0x0] =	vst.idx.msk vm0, v38  }
0x223: {  	v35 =	vld [tilespmem:s26+$0x0];
	_ =	sdelay $0x4  }
0x224: {  	vm0 =	vlt.f32 v35, $1.000000010e-01;
	vm1 =	vne.f32 v35, $0.0e+00;
	v36 =	vmul.f32 $5.120000000e+03, v35  }
0x225: {  	vm0 =	vmand vm0, vm1  }
0x226: {  	v36 =	vtrunc.f32 v36  }
0x227: {  	v36 =	vcvt.f32.s32 v36;
	_ =	sdelay $0x1  }
.Ltmp11:
0x228: {  	vm1 =	vlt.s32 v36, $0x1FF;
	(pc) =	sbr.rel @p0 .LBB2_18-.Ltmp11, $4  }
0x229: {  	v36 =	vnsel vm1, $0x1FF, v36  }
0x22a: {  	vm1 =	vle.s32 v36, v34  }
0x22b: {  	vm0 =	vmand vm0, vm1;
	s1 =	spop (v2sf)  }
0x22c: {  	v36 =	vsel vm0, $0x1, v0;
	s1 =	sadd.s32 s1, s28  }
0x22d: {  	_ =	sdelay $0x2  }
0x22e: {  	[tilespmem:$0xA400] =	vst v36  }
0x22f: {  	v34 =	vld.idx.msk [tilespmem:v5+s7+$0x0], $0xffff;
	_ =	sdelay $0x4  }
0x230: {  	v34 =	vand.u32 v6, v34  }
0x231: {  	v34 =	vadd.s32 v36, v34  }
0x232: {  	[tilespmem:$0xA400] =	vst v34  }
0x233: {  	v59 =	vld.idx.msk [tilespmem:v11+s7+$0x0], $0xffff;
	_ =	sdelay $0x4  }
0x234: {  	v36 =	vand.u32 v9, v59  }
0x235: {  	v34 =	vadd.s32 v36, v34  }
0x236: {  	[tilespmem:$0xA400] =	vst v34  }
0x237: {  	v60 =	vld.idx.msk [tilespmem:v12+s7+$0x0], $0xffff;
	_ =	sdelay $0x4  }
0x238: {  	v36 =	vand.u32 v10, v60  }
0x239: {  	v34 =	vadd.s32 v36, v34  }
0x23a: {  	[tilespmem:$0xA400] =	vst v34  }
0x23b: {  	v61 =	vld.idx.msk [tilespmem:v13+s7+$0x0], $0xffff;
	_ =	sdelay $0x4  }
0x23c: {  	v36 =	vand.u32 v21, v61  }
0x23d: {  	v34 =	vadd.s32 v36, v34  }
0x23e: {  	v36 =	vxor.u32 $0x80000000, v34  }
0x23f: {  	(xrf0) =	vmax.scan.msk.u32 $0xffff, v36;
	_ =	sdelay $0x5  }
0x240: {  	v36, _, _ =	vpop (xrf0)  }
0x241: {  	(v2sf) =	vpush v36, $0xF;
	_ =	sdelay $0xc  }
0x242: {  	s1 =	sadd.s32 $0x80000000, s1  }
0x243: {  	v62 =	vmov s1  }
0x244: {  	v36 =	vadd.s32 $0xFFFFFFFF, v62;
	s17 =	spop (v2sf)  }
0x245: {  	v36 =	vbroadcast v36, $0x0;
	s1 =	sadd.s32 s17, s1  }
0x246: {  	s1 =	sadd.s32 $0x80000000, s1  }
0x247: {  	v34 =	vadd.s32 v36, v34;
	p0 =	slt.s32 s1, $0xC00  }
0x248: {  	vm1 =	vlt.s32 v34, $0xC00;
	s1 =	simm.s32 @!p0 $0xC00  }
0x249: {  	vm0 =	vmand vm0, vm1;
	s31 =	sadd.s32 $0xF, s1  }
0x24a: {  	s25 =	sshrl.u32 s31, $0x4  }
0x24b: {  	p0 =	seq.s32 s25, $0x0  }
.Ltmp12:
0x24c: {  	_ = 	snop;
	(pc) =	sbr.rel @p0 .LBB2_25-.Ltmp12, $3  }
0x24d: {  	_ =	sdelay $0x1  }
0x24e: {  	v63 =	vor.u32 s0, v4;
	[tilespmem:v34+s13+$0x0] =	vst.idx.msk vm0, v35  }
0x24f: {  	[tilespmem:v34+s14+$0x0] =	vst.idx.msk vm0, v63  }
0x250: {  	s0 =	sadd.s32 s20, s22  }
0x251: {  	v34 =	vmov s1;
	s26 =	simm.s32 $0x0;
	s28 =	simm.s32 $0x0;
	v35 =	vmov s0  }
.LBB2_21:
0x252: {  	v39 =	vor.u32 s26, v27;
	_ =	sdelay $0x1  }
0x253: {  	s29 =	sshll.u32 s28, $0x4;
	v42 =	vor.u32 s26, v4  }
0x254: {  	v51 =	vimm.s32 $0x0;
	v43 =	vor.u32 s26, v24;
	v37 =	vld [tilespmem:s29+$0x6280]  }
0x255: {  	v38 =	vcombine.low v31, v2;
	v40 =	vcombine.low v28, v29;
	v36 =	vld [tilespmem:s29+$0x6E80];
	[tilespmem:$0xA480] =	vst v51  }
0x256: {  	v52 =	vor.u32 s26, v32;
	v47 =	vcombine.low v30, v7;
	v41 =	vcombine.low v29, v28;
	v45 =	vld.idx.msk [tilespmem:v39+s13+$0x0], $0xffff  }
0x257: {  	v46 =	vor.u32 s26, v25;
	v44 =	vcombine.low v20, v8;
	v48 =	vcombine.low v18, v19;
	v50 =	vld.idx.msk [tilespmem:v39+s14+$0x0], $0xffff  }
0x258: {  	v53 =	vor.u32 s26, v26;
	v55 =	vcombine.low v16, v17;
	v58 =	vcombine.low v7, v30;
	v54 =	vld.idx.msk [tilespmem:v42+s13+$0x0], $0xffff  }
0x259: {  	v60 =	vcombine.low v2, v31;
	v61 =	vcombine.low v14, v15;
	v38 =	vand.u32 $0xF, v38;
	v56 =	vld.idx.msk [tilespmem:v43+s14+$0x0], $0xffff  }
0x25a: {  	v39 =	vand.u32 $0xF, v40;
	v40 =	vand.u32 $0xF, v41;
	v41 =	vand.u32 $0xF, v44;
	v59 =	vld.idx.msk [tilespmem:v43+s13+$0x0], $0xffff  }
0x25b: {  	v43 =	vand.u32 $0xF, v48;
	v62 =	vld.idx.msk [tilespmem:v42+s14+$0x0], $0xffff;
	v44 =	vand.u32 $0xF, v58;
	v42 =	vand.u32 $0xF, v47  }
0x25c: {  	v47 =	vand.u32 $0xF, v60;
	v49 =	vor.u32 s26, v39;
	v57 =	vor.u32 s26, v40  }
0x25d: {  	v58 =	vld.idx.msk [tilespmem:v46+s14+$0x0], $0xffff;
	v48 =	vor.u32 s26, v43;
	vm0 =	veq.f32 v45, v37;
	vm1 =	vlt.f32 v45, v37  }
0x25e: {  	vm2 =	vlt.s32 v50, v36;
	v45 =	vand.u32 $0xF, v55;
	v55 =	vld.idx.msk [tilespmem:v46+s13+$0x0], $0xffff;
	vm3 =	veq.f32 v54, v37  }
0x25f: {  	v46 =	vand.u32 $0xF, v61;
	v61 =	vld.idx.msk [tilespmem:v53+s13+$0x0], $0xffff;
	vm4 =	vlt.s32 v56, v36;
	vm5 =	vlt.f32 v59, v37  }
0x260: {  	v53 =	vld.idx.msk [tilespmem:v53+s14+$0x0], $0xffff;
	vm6 =	veq.f32 v59, v37;
	vm0 =	vmand vm0, vm2;
	vm2 =	vlt.f32 v54, v37  }
0x261: {  	v54 =	vor.u32 s26, v44;
	v56 =	vld.idx.msk [tilespmem:v57+s13+$0x0], $0xffff;
	vm0 =	vmor vm1, vm0;
	vm1 =	vlt.s32 v62, v36  }
0x262: {  	v59 =	vor.u32 s26, v47;
	v50 =	vsel vm0, $0x1, v0;
	vm0 =	vmand vm3, vm1  }
0x263: {  	v60 =	vld.idx.msk [tilespmem:v52+s14+$0x0], $0xffff;
	vm4 =	vmand vm6, vm4;
	vm3 =	vlt.s32 v58, v36;
	vm0 =	vmor vm2, vm0  }
0x264: {  	v62 =	vld.idx.msk [tilespmem:v52+s13+$0x0], $0xffff;
	vm1 =	veq.f32 v55, v37;
	vm2 =	vlt.f32 v55, v37;
	vm6 =	veq.f32 v61, v37  }
0x265: {  	v57 =	vld.idx.msk [tilespmem:v57+s14+$0x0], $0xffff;
	v58 =	vsel vm0, $0x1, v0;
	vm0 =	vmor vm5, vm4;
	vm1 =	vmand vm1, vm3  }
0x266: {  	v55 =	vld.idx.msk [tilespmem:v54+s14+$0x0], $0xffff;
	v58 =	vadd.s32 v58, v51;
	vm3 =	vlt.s32 v53, v36;
	vm4 =	veq.f32 v56, v37  }
0x267: {  	v53 =	vld.idx.msk [tilespmem:v54+s13+$0x0], $0xffff;
	v54 =	vsel vm0, $0x1, v0;
	v51 =	vor.u32 s26, v45;
	vm0 =	vmor vm2, vm1  }
0x268: {  	vm1 =	vmand vm6, vm3;
	vm2 =	vlt.f32 v56, v37;
	v54 =	vadd.s32 v54, v58  }
0x269: {  	v56 =	vld.idx.msk [tilespmem:v59+s14+$0x0], $0xffff;
	vm5 =	veq.f32 v62, v37;
	v52 =	vsel vm0, $0x1, v0;
	vm0 =	vlt.f32 v61, v37  }
0x26a: {  	v59 =	vld.idx.msk [tilespmem:v59+s13+$0x0], $0xffff;
	vm0 =	vmor vm0, vm1;
	vm1 =	vlt.s32 v57, v36;
	v57 =	vor.u32 s26, v46  }
0x26b: {  	p0 =	sne.s32 s25, $0x1;
	v52 =	vadd.s32 v52, v54;
	v61 =	vsel vm0, $0x1, v0;
	vm0 =	vmand vm4, vm1  }
.Ltmp13:
0x26c: {  	vm4 =	vlt.s32 v60, v36;
	vm0 =	vmor vm2, vm0;
	vm1 =	veq.f32 v53, v37;
	(pc) =	sbr.rel @!p0 .LBB2_22-.Ltmp13, $4  }
0x26d: {  	vm2 =	vlt.s32 v55, v36;
	v55 =	vadd.s32 v61, v52;
	vm4 =	vmand vm5, vm4  }
0x26e: {  	v54 =	vsel vm0, $0x1, v0;
	vm0 =	vlt.f32 v53, v37;
	vm1 =	vmand vm1, vm2  }
0x26f: {  	vm2 =	vlt.s32 v56, v36;
	vm3 =	veq.f32 v59, v37;
	vm1 =	vmor vm0, vm1;
	v52 =	vld.idx.msk [tilespmem:v57+s14+$0x0], $0xffff  }
0x270: {  	s31 =	sadd.s32 $0xFFFFFFFF, s25;
	s30 =	simm.s32 $0x0;
	s0 =	simm.s32 $0x0;
	vm0 =	vlt.f32 v59, v37;
	vm3 =	vmand vm3, vm2;
	vm2 =	vlt.f32 v62, v37;
	v53 =	vld.idx.msk [tilespmem:v57+s13+$0x0], $0xffff  }
.LBB2_23:
0x271: {  	p0 =	sne.s32 s31, $0x1;
	s31 =	sadd.s32 $0xFFFFFFFF, s31;
	v50 =	vadd.s32 v50, v55;
	v55 =	vsel vm1, $0x1, v0;
	v56 =	vor.u32 s30, v41;
	s0 =	sadd.s32 $0x10, s0  }
0x272: {  	vm0 =	vmor vm0, vm3;
	vm1 =	vmor vm2, vm4;
	v50 =	vadd.s32 v54, v50;
	v54 =	vld.idx.msk [tilespmem:v51+s13+$0x0], $0xffff  }
0x273: {  	v57 =	vsel vm1, $0x1, v0;
	v50 =	vadd.s32 v55, v50;
	v55 =	vsel vm0, $0x1, v0;
	v58 =	vld.idx.msk [tilespmem:v49+s14+$0x0], $0xffff  }
0x274: {  	vm0 =	vlt.s32 v52, v36;
	v50 =	vadd.s32 v55, v50;
	v52 =	vld.idx.msk [tilespmem:v48+s14+$0x0], $0xffff;
	v55 =	vor.u32 s30, v42  }
0x275: {  	v50 =	vadd.s32 v57, v50;
	v49 =	vld.idx.msk [tilespmem:v49+s13+$0x0], $0xffff;
	v57 =	vor.u32 s30, v38;
	s30 =	smov.u32 s0  }
0x276: {  	vm1 =	vlt.f32 v53, v37;
	v59 =	vld.idx.msk [tilespmem:v56+s14+$0x0], $0xffff  }
0x277: {  	vm2 =	veq.f32 v53, v37;
	v51 =	vld.idx.msk [tilespmem:v51+s14+$0x0], $0xffff  }
0x278: {  	vm2 =	vmand vm2, vm0  }
0x279: {  	vm3 =	vlt.s32 v58, v36  }
0x27a: {  	vm0 =	vlt.s32 v52, v36;
	v52 =	vld.idx.msk [tilespmem:v57+s13+$0x0], $0xffff  }
0x27b: {  	vm4 =	vlt.f32 v49, v37;
	v53 =	vld.idx.msk [tilespmem:v57+s14+$0x0], $0xffff  }
0x27c: {  	vm5 =	vlt.f32 v54, v37;
	vm6 =	veq.f32 v49, v37;
	v48 =	vld.idx.msk [tilespmem:v48+s13+$0x0], $0xffff  }
0x27d: {  	vm2 =	vmor vm1, vm2;
	vm3 =	vmand vm6, vm3;
	vm7 =	vlt.s32 v51, v36  }
0x27e: {  	vm6 =	veq.f32 v54, v37;
	vm1 =	vlt.s32 v59, v36;
	vm3 =	vmor vm4, vm3;
	v49 =	vld.idx.msk [tilespmem:v56+s13+$0x0], $0xffff  }
0x27f: {  	v51 =	vsel vm2, $0x1, v0;
	vm2 =	vmand vm6, vm7;
	v54 =	vsel vm3, $0x1, v0  }
0x280: {  	vm2 =	vmor vm5, vm2;
	vm3 =	vlt.f32 v52, v37  }
0x281: {  	vm4 =	veq.f32 v52, v37;
	vm5 =	vlt.s32 v53, v36;
	v56 =	vld.idx.msk [tilespmem:v55+s14+$0x0], $0xffff  }
0x282: {  	vm6 =	vlt.f32 v48, v37;
	vm4 =	vmand vm4, vm5;
	v52 =	vld.idx.msk [tilespmem:v55+s13+$0x0], $0xffff  }
0x283: {  	vm5 =	veq.f32 v48, v37;
	vm3 =	vmor vm3, vm4  }
0x284: {  	v48 =	vadd.s32 v51, v50;
	vm0 =	vmand vm5, vm0;
	v50 =	vsel vm3, $0x1, v0  }
0x285: {  	v51 =	vsel vm2, $0x1, v0;
	vm0 =	vmor vm6, vm0;
	vm2 =	vlt.f32 v49, v37  }
0x286: {  	v48 =	vadd.s32 v51, v48;
	v51 =	vsel vm0, $0x1, v0;
	vm0 =	veq.f32 v49, v37  }
0x287: {  	v48 =	vadd.s32 v51, v48;
	vm0 =	vmand vm0, vm1;
	vm1 =	vlt.s32 v56, v36  }
0x288: {  	vm0 =	vmor vm2, vm0;
	vm2 =	vlt.f32 v52, v37;
	vm3 =	veq.f32 v52, v37  }
0x289: {  	v49 =	vor.u32 s0, v27;
	v51 =	vsel vm0, $0x1, v0;
	vm0 =	vmand vm3, vm1  }
0x28a: {  	v48 =	vadd.s32 v51, v48;
	vm0 =	vmor vm2, vm0  }
0x28b: {  	v51 =	vor.u32 s0, v4;
	v48 =	vadd.s32 v54, v48;
	v52 =	vsel vm0, $0x1, v0  }
0x28c: {  	v53 =	vor.u32 s0, v24;
	v48 =	vadd.s32 v52, v48  }
0x28d: {  	v52 =	vadd.s32 v50, v48  }
0x28e: {  	v54 =	vor.u32 s0, v32;
	[tilespmem:$0xA480] =	vst v52  }
0x28f: {  	v50 =	vor.u32 s0, v25;
	v55 =	vld.idx.msk [tilespmem:v49+s13+$0x0], $0xffff  }
0x290: {  	v56 =	vld.idx.msk [tilespmem:v49+s14+$0x0], $0xffff  }
0x291: {  	v58 =	vor.u32 s0, v26;
	v57 =	vld.idx.msk [tilespmem:v51+s13+$0x0], $0xffff  }
0x292: {  	v49 =	vor.u32 s0, v39;
	v59 =	vld.idx.msk [tilespmem:v53+s14+$0x0], $0xffff  }
0x293: {  	v60 =	vor.u32 s0, v40;
	v53 =	vld.idx.msk [tilespmem:v53+s13+$0x0], $0xffff  }
0x294: {  	v51 =	vld.idx.msk [tilespmem:v51+s14+$0x0], $0xffff  }
0x295: {  	v48 =	vor.u32 s0, v43;
	vm0 =	veq.f32 v55, v37;
	v61 =	vld.idx.msk [tilespmem:v50+s14+$0x0], $0xffff  }
0x296: {  	vm1 =	vlt.f32 v55, v37;
	vm2 =	vlt.s32 v56, v36;
	v62 =	vld.idx.msk [tilespmem:v50+s13+$0x0], $0xffff  }
0x297: {  	vm3 =	veq.f32 v57, v37;
	vm0 =	vmand vm0, vm2;
	v55 =	vld.idx.msk [tilespmem:v58+s13+$0x0], $0xffff  }
0x298: {  	vm2 =	vlt.f32 v57, v37;
	v57 =	vor.u32 s0, v44;
	vm4 =	vlt.s32 v59, v36;
	v56 =	vld.idx.msk [tilespmem:v58+s14+$0x0], $0xffff  }
0x299: {  	vm5 =	vlt.f32 v53, v37;
	vm6 =	veq.f32 v53, v37;
	v53 =	vld.idx.msk [tilespmem:v60+s13+$0x0], $0xffff  }
0x29a: {  	vm0 =	vmor vm1, vm0;
	vm4 =	vmand vm6, vm4;
	v58 =	vld.idx.msk [tilespmem:v60+s14+$0x0], $0xffff  }
0x29b: {  	v50 =	vsel vm0, $0x1, v0;
	vm1 =	vlt.s32 v51, v36;
	v51 =	vor.u32 s0, v47  }
0x29c: {  	vm0 =	vmand vm3, vm1;
	vm3 =	vlt.s32 v61, v36;
	vm1 =	veq.f32 v62, v37;
	v59 =	vld.idx.msk [tilespmem:v54+s13+$0x0], $0xffff  }
0x29d: {  	vm0 =	vmor vm2, vm0;
	vm2 =	vlt.f32 v62, v37;
	vm6 =	veq.f32 v55, v37;
	v60 =	vld.idx.msk [tilespmem:v57+s14+$0x0], $0xffff  }
0x29e: {  	v61 =	vsel vm0, $0x1, v0;
	vm0 =	vmor vm5, vm4;
	vm1 =	vmand vm1, vm3;
	v54 =	vld.idx.msk [tilespmem:v54+s14+$0x0], $0xffff  }
0x29f: {  	v52 =	vadd.s32 v61, v52;
	vm3 =	vlt.s32 v56, v36;
	vm4 =	veq.f32 v53, v37;
	v56 =	vld.idx.msk [tilespmem:v57+s13+$0x0], $0xffff  }
0x2a0: {  	v57 =	vsel vm0, $0x1, v0;
	vm0 =	vmor vm2, vm1;
	vm1 =	vmand vm6, vm3;
	v61 =	vld.idx.msk [tilespmem:v51+s13+$0x0], $0xffff  }
0x2a1: {  	vm2 =	vlt.f32 v53, v37;
	v62 =	vsel vm0, $0x1, v0;
	vm0 =	vlt.f32 v55, v37;
	v53 =	vld.idx.msk [tilespmem:v51+s14+$0x0], $0xffff  }
0x2a2: {  	vm0 =	vmor vm0, vm1;
	vm1 =	vlt.s32 v58, v36;
	v58 =	vor.u32 s0, v46  }
0x2a3: {  	v51 =	vor.u32 s0, v45;
	v55 =	vsel vm0, $0x1, v0;
	vm0 =	vmand vm4, vm1  }
0x2a4: {  	v52 =	vadd.s32 v57, v52;
	vm0 =	vmor vm2, vm0;
	vm4 =	vlt.s32 v54, v36  }
.Ltmp14:
0x2a5: {  	v52 =	vadd.s32 v62, v52;
	vm2 =	vlt.s32 v60, v36;
	vm1 =	veq.f32 v56, v37;
	(pc) =	sbr.rel @p0 .LBB2_23-.Ltmp14, $4  }
0x2a6: {  	v54 =	vsel vm0, $0x1, v0;
	vm0 =	vlt.f32 v56, v37;
	vm1 =	vmand vm1, vm2  }
0x2a7: {  	vm5 =	veq.f32 v59, v37;
	v55 =	vadd.s32 v55, v52;
	vm2 =	vlt.s32 v53, v36;
	v52 =	vld.idx.msk [tilespmem:v58+s14+$0x0], $0xffff  }
0x2a8: {  	vm3 =	veq.f32 v61, v37;
	vm1 =	vmor vm0, vm1;
	vm0 =	vlt.f32 v61, v37  }
0x2a9: {  	vm4 =	vmand vm5, vm4;
	vm3 =	vmand vm3, vm2;
	vm2 =	vlt.f32 v59, v37;
	v53 =	vld.idx.msk [tilespmem:v58+s13+$0x0], $0xffff  }
.LBB2_24:
0x2aa: {  	_ =	sdelay $0x3  }
0x2ab: {  	v40 =	vld.idx.msk [tilespmem:v49+s14+$0x0], $0xffff  }
0x2ac: {  	v43 =	vld.idx.msk [tilespmem:v48+s14+$0x0], $0xffff  }
0x2ad: {  	v39 =	vor.u32 s30, v41;
	v60 =	vadd.s32 v50, v55;
	v45 =	vld.idx.msk [tilespmem:v49+s13+$0x0], $0xffff  }
0x2ae: {  	v38 =	vor.u32 s30, v38;
	v44 =	vsel vm1, $0x1, v0;
	vm0 =	vmor vm0, vm3;
	v46 =	vld.idx.msk [tilespmem:v51+s13+$0x0], $0xffff  }
0x2af: {  	vm11 =	vmor vm2, vm4;
	v47 =	vld.idx.msk [tilespmem:v51+s14+$0x0], $0xffff;
	v42 =	vor.u32 s30, v42;
	v41 =	vadd.s32 v54, v60  }
0x2b0: {  	v61 =	vsel vm0, $0x1, v0;
	v62 =	vsel vm11, $0x1, v0;
	v41 =	vadd.s32 v44, v41  }
0x2b1: {  	vm12 =	vlt.s32 v52, v36;
	v41 =	vadd.s32 v61, v41;
	vm13 =	veq.f32 v53, v37  }
0x2b2: {  	v52 =	vld.idx.msk [tilespmem:v48+s13+$0x0], $0xffff;
	v41 =	vadd.s32 v62, v41;
	vm14 =	vlt.f32 v53, v37;
	vm0 =	vmand vm13, vm12  }
0x2b3: {  	v63 =	vld.idx.msk [tilespmem:v39+s14+$0x0], $0xffff;
	vm15 =	vlt.s32 v40, v36;
	vm3 =	vlt.s32 v43, v36;
	vm9 =	vlt.f32 v45, v37  }
0x2b4: {  	v51 =	vld.idx.msk [tilespmem:v38+s13+$0x0], $0xffff;
	vm5 =	vlt.f32 v46, v37;
	vm6 =	veq.f32 v45, v37;
	vm10 =	vlt.s32 v47, v36  }
0x2b5: {  	v38 =	vld.idx.msk [tilespmem:v38+s14+$0x0], $0xffff;
	vm11 =	veq.f32 v46, v37;
	vm0 =	vmor vm14, vm0;
	vm1 =	vmand vm6, vm15  }
0x2b6: {  	v39 =	vld.idx.msk [tilespmem:v39+s13+$0x0], $0xffff;
	vm2 =	vmand vm11, vm10;
	vm1 =	vmor vm9, vm1;
	v53 =	vsel vm0, $0x1, v0  }
0x2b7: {  	v55 =	vld.idx.msk [tilespmem:v42+s14+$0x0], $0xffff;
	vm12 =	vmor vm5, vm2;
	vm13 =	veq.f32 v52, v37;
	vm15 =	vlt.f32 v52, v37  }
0x2b8: {  	v42 =	vld.idx.msk [tilespmem:v42+s13+$0x0], $0xffff;
	v54 =	vsel vm1, $0x1, v0;
	vm3 =	vmand vm13, vm3;
	v56 =	vadd.s32 v53, v41  }
0x2b9: {  	v57 =	vsel vm12, $0x1, v0;
	vm6 =	vmor vm15, vm3;
	vm7 =	vlt.s32 v63, v36  }
0x2ba: {  	vm1 =	vlt.f32 v51, v37;
	vm2 =	veq.f32 v51, v37;
	vm14 =	vlt.s32 v38, v36  }
0x2bb: {  	v38 =	vadd.s32 v57, v56;
	v58 =	vsel vm6, $0x1, v0;
	vm8 =	veq.f32 v39, v37  }
0x2bc: {  	vm9 =	vlt.f32 v39, v37;
	vm10 =	vlt.s32 v55, v36;
	vm0 =	vmand vm8, vm7  }
0x2bd: {  	vm11 =	veq.f32 v42, v37;
	vm12 =	vlt.f32 v42, v37;
	vm0 =	vmor vm9, vm0  }
0x2be: {  	v38 =	vadd.s32 v58, v38;
	vm13 =	vmand vm11, vm10;
	v59 =	vsel vm0, $0x1, v0  }
0x2bf: {  	vm2 =	vmand vm2, vm14;
	vm0 =	vmor vm12, vm13;
	v37 =	vadd.s32 v59, v38  }
0x2c0: {  	vm1 =	vmor vm1, vm2;
	v60 =	vsel vm0, $0x1, v0;
	v37 =	vadd.s32 v54, v37  }
0x2c1: {  	v61 =	vsel vm1, $0x1, v0;
	v37 =	vadd.s32 v60, v37  }
0x2c2: {  	v62 =	vor.u32 s29, v4;
	v37 =	vadd.s32 v61, v37  }
0x2c3: {  	vm14 =	vlt.s32 v62, v34;
	vm15 =	vlt.s32 v37, v33  }
0x2c4: {  	s28 =	sadd.s32 $0x1, s28;
	vm0 =	vmand vm14, vm15  }
0x2c5: {  	p0 =	sne.s32 s28, s25;
	v63 =	vadd.s32 v35, v37  }
.Ltmp15:
0x2c6: {  	_ = 	snop;
	(pc) =	sbr.rel @p0 .LBB2_21-.Ltmp15, $4  }
.Ltmp16:
0x2c7: {  	_ = 	snop;
	(pc) =	sbr.rel @!p0 .LBB2_25-.Ltmp16, $4  }
0x2c8: {  	_ = 	snop  }
0x2c9: {  	[tilespmem:$0xA480] =	vst v37  }
0x2ca: {  	[tilespmem:v63+s15+$0x0] =	vst.idx.msk vm0, v36  }
0x2cb: {  	_ = 	snop  }
.LBB2_22:
.Ltmp17:
0x2cc: {  	(pc) =	sbr.rel .LBB2_24-.Ltmp17, $2  }
0x2cd: {  	_ =	sdelay $0x2  }
0x2ce: {  	s30 =	simm.s32 $0x0  }
.LBB2_25:
0x2cf: {  	p0 =	slt.s32 s24, $0x800  }
0x2d0: {  	s24 =	simm.s32 @!p0 $0x800  }
0x2d1: {  	s0 =	sadd.s32 $0xF, s24  }
0x2d2: {  	s25 =	sshrl.u32 s0, $0x4  }
0x2d3: {  	p0 =	seq.s32 s25, $0x0  }
.Ltmp18:
0x2d4: {  	_ = 	snop;
	(pc) =	sbr.rel @p0 .LBB2_31-.Ltmp18, $2  }
0x2d5: {  	_ =	sdelay $0x2  }
0x2d6: {  	v33 =	vmov s20  }
0x2d7: {  	v34 =	vmov s24;
	s24 =	simm.s32 $0x0;
	s26 =	simm.s32 $0x0  }
.LBB2_27:
0x2d8: {  	v38 =	vor.u32 s24, v27;
	_ =	sdelay $0x1  }
0x2d9: {  	s28 =	sshll.u32 s26, $0x4;
	v41 =	vor.u32 s24, v4  }
0x2da: {  	v50 =	vimm.s32 $0x0;
	v42 =	vor.u32 s24, v24;
	v36 =	vld [tilespmem:s28+$0x5000]  }
0x2db: {  	v37 =	vcombine.low v31, v2;
	v39 =	vcombine.low v28, v29;
	v35 =	vld [tilespmem:s28+$0x5800];
	[tilespmem:$0xA480] =	vst v50  }
0x2dc: {  	v51 =	vor.u32 s24, v32;
	v46 =	vcombine.low v30, v7;
	v40 =	vcombine.low v29, v28;
	v44 =	vld.idx.msk [tilespmem:v38+s9+$0x0], $0xffff  }
0x2dd: {  	v45 =	vor.u32 s24, v25;
	v43 =	vcombine.low v20, v8;
	v47 =	vcombine.low v18, v19;
	v49 =	vld.idx.msk [tilespmem:v38+s10+$0x0], $0xffff  }
0x2de: {  	v52 =	vor.u32 s24, v26;
	v54 =	vcombine.low v16, v17;
	v57 =	vcombine.low v7, v30;
	v53 =	vld.idx.msk [tilespmem:v41+s9+$0x0], $0xffff  }
0x2df: {  	v59 =	vcombine.low v2, v31;
	v60 =	vcombine.low v14, v15;
	v37 =	vand.u32 $0xF, v37;
	v55 =	vld.idx.msk [tilespmem:v42+s10+$0x0], $0xffff  }
0x2e0: {  	v38 =	vand.u32 $0xF, v39;
	v39 =	vand.u32 $0xF, v40;
	v40 =	vand.u32 $0xF, v43;
	v58 =	vld.idx.msk [tilespmem:v42+s9+$0x0], $0xffff  }
0x2e1: {  	v42 =	vand.u32 $0xF, v47;
	v61 =	vld.idx.msk [tilespmem:v41+s10+$0x0], $0xffff;
	v43 =	vand.u32 $0xF, v57;
	v41 =	vand.u32 $0xF, v46  }
0x2e2: {  	v46 =	vand.u32 $0xF, v59;
	v48 =	vor.u32 s24, v38;
	v56 =	vor.u32 s24, v39  }
0x2e3: {  	v57 =	vld.idx.msk [tilespmem:v45+s10+$0x0], $0xffff;
	v47 =	vor.u32 s24, v42;
	v62 =	vor.u32 s24, v43;
	vm0 =	veq.f32 v44, v36  }
0x2e4: {  	vm1 =	vgt.f32 v44, v36;
	vm2 =	vlt.s32 v49, v35;
	v44 =	vand.u32 $0xF, v54;
	v54 =	vld.idx.msk [tilespmem:v45+s9+$0x0], $0xffff  }
0x2e5: {  	vm3 =	veq.f32 v53, v36;
	v45 =	vand.u32 $0xF, v60;
	v60 =	vld.idx.msk [tilespmem:v52+s9+$0x0], $0xffff;
	vm4 =	vlt.s32 v55, v35  }
0x2e6: {  	v52 =	vld.idx.msk [tilespmem:v52+s10+$0x0], $0xffff;
	vm5 =	vgt.f32 v58, v36;
	vm6 =	veq.f32 v58, v36;
	vm0 =	vmand vm0, vm2  }
0x2e7: {  	v58 =	vor.u32 s24, v46;
	v55 =	vld.idx.msk [tilespmem:v56+s9+$0x0], $0xffff;
	vm0 =	vmor vm1, vm0;
	vm1 =	vlt.s32 v61, v35  }
0x2e8: {  	vm2 =	vgt.f32 v53, v36;
	v49 =	vsel vm0, $0x1, v0;
	vm0 =	vmand vm3, vm1  }
0x2e9: {  	vm4 =	vmand vm6, vm4;
	vm3 =	vlt.s32 v57, v35;
	vm0 =	vmor vm2, vm0  }
0x2ea: {  	v61 =	vld.idx.msk [tilespmem:v51+s9+$0x0], $0xffff;
	vm1 =	veq.f32 v54, v36;
	vm2 =	vgt.f32 v54, v36;
	vm6 =	veq.f32 v60, v36  }
0x2eb: {  	v56 =	vld.idx.msk [tilespmem:v56+s10+$0x0], $0xffff;
	v63 =	vsel vm0, $0x1, v0;
	vm0 =	vmor vm5, vm4;
	vm1 =	vmand vm1, vm3  }
0x2ec: {  	v59 =	vld.idx.msk [tilespmem:v51+s10+$0x0], $0xffff;
	v57 =	vadd.s32 v63, v50;
	vm3 =	vlt.s32 v52, v35;
	vm4 =	veq.f32 v55, v36  }
0x2ed: {  	v52 =	vld.idx.msk [tilespmem:v62+s9+$0x0], $0xffff;
	v53 =	vsel vm0, $0x1, v0;
	v50 =	vor.u32 s24, v44;
	vm0 =	vmor vm2, vm1  }
0x2ee: {  	v54 =	vld.idx.msk [tilespmem:v62+s10+$0x0], $0xffff;
	vm1 =	vmand vm6, vm3;
	vm2 =	vgt.f32 v55, v36;
	v53 =	vadd.s32 v53, v57  }
0x2ef: {  	v55 =	vld.idx.msk [tilespmem:v58+s10+$0x0], $0xffff;
	vm5 =	veq.f32 v61, v36;
	v51 =	vsel vm0, $0x1, v0;
	vm0 =	vgt.f32 v60, v36  }
0x2f0: {  	v58 =	vld.idx.msk [tilespmem:v58+s9+$0x0], $0xffff;
	vm0 =	vmor vm0, vm1;
	vm1 =	vlt.s32 v56, v35;
	v56 =	vor.u32 s24, v45  }
0x2f1: {  	p0 =	sne.s32 s25, $0x1;
	v51 =	vadd.s32 v51, v53;
	v60 =	vsel vm0, $0x1, v0;
	vm0 =	vmand vm4, vm1  }
.Ltmp19:
0x2f2: {  	vm4 =	vlt.s32 v59, v35;
	vm0 =	vmor vm2, vm0;
	vm1 =	veq.f32 v52, v36;
	(pc) =	sbr.rel @!p0 .LBB2_28-.Ltmp19, $4  }
0x2f3: {  	vm2 =	vlt.s32 v54, v35;
	v54 =	vadd.s32 v60, v51;
	vm4 =	vmand vm5, vm4  }
0x2f4: {  	v53 =	vsel vm0, $0x1, v0;
	vm0 =	vgt.f32 v52, v36;
	vm1 =	vmand vm1, vm2  }
0x2f5: {  	vm2 =	vlt.s32 v55, v35;
	vm3 =	veq.f32 v58, v36;
	vm1 =	vmor vm0, vm1;
	v51 =	vld.idx.msk [tilespmem:v56+s10+$0x0], $0xffff  }
0x2f6: {  	s30 =	sadd.s32 $0xFFFFFFFF, s25;
	s29 =	simm.s32 $0x0;
	s0 =	simm.s32 $0x0;
	vm0 =	vgt.f32 v58, v36;
	vm3 =	vmand vm3, vm2;
	vm2 =	vgt.f32 v61, v36;
	v52 =	vld.idx.msk [tilespmem:v56+s9+$0x0], $0xffff  }
.LBB2_29:
0x2f7: {  	p0 =	sne.s32 s30, $0x1;
	s30 =	sadd.s32 $0xFFFFFFFF, s30;
	v49 =	vadd.s32 v49, v54;
	v54 =	vsel vm1, $0x1, v0;
	v55 =	vor.u32 s29, v40;
	s0 =	sadd.s32 $0x10, s0  }
0x2f8: {  	vm0 =	vmor vm0, vm3;
	vm1 =	vmor vm2, vm4;
	v49 =	vadd.s32 v53, v49;
	v53 =	vld.idx.msk [tilespmem:v50+s9+$0x0], $0xffff  }
0x2f9: {  	v56 =	vsel vm1, $0x1, v0;
	v49 =	vadd.s32 v54, v49;
	v54 =	vsel vm0, $0x1, v0;
	v57 =	vld.idx.msk [tilespmem:v48+s10+$0x0], $0xffff  }
0x2fa: {  	vm0 =	vlt.s32 v51, v35;
	v49 =	vadd.s32 v54, v49;
	v51 =	vld.idx.msk [tilespmem:v47+s10+$0x0], $0xffff;
	v54 =	vor.u32 s29, v41  }
0x2fb: {  	v49 =	vadd.s32 v56, v49;
	v48 =	vld.idx.msk [tilespmem:v48+s9+$0x0], $0xffff;
	v56 =	vor.u32 s29, v37;
	s29 =	smov.u32 s0  }
0x2fc: {  	vm1 =	vgt.f32 v52, v36;
	v58 =	vld.idx.msk [tilespmem:v55+s10+$0x0], $0xffff  }
0x2fd: {  	vm2 =	veq.f32 v52, v36;
	v50 =	vld.idx.msk [tilespmem:v50+s10+$0x0], $0xffff  }
0x2fe: {  	vm2 =	vmand vm2, vm0  }
0x2ff: {  	vm3 =	vlt.s32 v57, v35  }
0x300: {  	vm0 =	vlt.s32 v51, v35;
	v51 =	vld.idx.msk [tilespmem:v56+s9+$0x0], $0xffff  }
0x301: {  	vm4 =	vgt.f32 v48, v36;
	v52 =	vld.idx.msk [tilespmem:v56+s10+$0x0], $0xffff  }
0x302: {  	vm5 =	vgt.f32 v53, v36;
	vm6 =	veq.f32 v48, v36;
	v47 =	vld.idx.msk [tilespmem:v47+s9+$0x0], $0xffff  }
0x303: {  	vm2 =	vmor vm1, vm2;
	vm3 =	vmand vm6, vm3;
	vm7 =	vlt.s32 v50, v35  }
0x304: {  	vm6 =	veq.f32 v53, v36;
	vm1 =	vlt.s32 v58, v35;
	vm3 =	vmor vm4, vm3;
	v48 =	vld.idx.msk [tilespmem:v55+s9+$0x0], $0xffff  }
0x305: {  	v50 =	vsel vm2, $0x1, v0;
	vm2 =	vmand vm6, vm7;
	v53 =	vsel vm3, $0x1, v0  }
0x306: {  	vm2 =	vmor vm5, vm2;
	vm3 =	vgt.f32 v51, v36  }
0x307: {  	vm4 =	veq.f32 v51, v36;
	vm5 =	vlt.s32 v52, v35;
	v55 =	vld.idx.msk [tilespmem:v54+s10+$0x0], $0xffff  }
0x308: {  	vm6 =	vgt.f32 v47, v36;
	vm4 =	vmand vm4, vm5;
	v51 =	vld.idx.msk [tilespmem:v54+s9+$0x0], $0xffff  }
0x309: {  	vm5 =	veq.f32 v47, v36;
	vm3 =	vmor vm3, vm4  }
0x30a: {  	v47 =	vadd.s32 v50, v49;
	vm0 =	vmand vm5, vm0;
	v49 =	vsel vm3, $0x1, v0  }
0x30b: {  	v50 =	vsel vm2, $0x1, v0;
	vm0 =	vmor vm6, vm0;
	vm2 =	vgt.f32 v48, v36  }
0x30c: {  	v47 =	vadd.s32 v50, v47;
	v50 =	vsel vm0, $0x1, v0;
	vm0 =	veq.f32 v48, v36  }
0x30d: {  	v47 =	vadd.s32 v50, v47;
	vm0 =	vmand vm0, vm1;
	vm1 =	vlt.s32 v55, v35  }
0x30e: {  	vm0 =	vmor vm2, vm0;
	vm2 =	vgt.f32 v51, v36;
	vm3 =	veq.f32 v51, v36  }
0x30f: {  	v48 =	vor.u32 s0, v27;
	v50 =	vsel vm0, $0x1, v0;
	vm0 =	vmand vm3, vm1  }
0x310: {  	v47 =	vadd.s32 v50, v47;
	vm0 =	vmor vm2, vm0  }
0x311: {  	v50 =	vor.u32 s0, v4;
	v47 =	vadd.s32 v53, v47;
	v51 =	vsel vm0, $0x1, v0  }
0x312: {  	v52 =	vor.u32 s0, v24;
	v47 =	vadd.s32 v51, v47  }
0x313: {  	v51 =	vadd.s32 v49, v47  }
0x314: {  	v53 =	vor.u32 s0, v32;
	[tilespmem:$0xA480] =	vst v51  }
0x315: {  	v49 =	vor.u32 s0, v25;
	v54 =	vld.idx.msk [tilespmem:v48+s9+$0x0], $0xffff  }
0x316: {  	v55 =	vld.idx.msk [tilespmem:v48+s10+$0x0], $0xffff  }
0x317: {  	v57 =	vor.u32 s0, v26;
	v56 =	vld.idx.msk [tilespmem:v50+s9+$0x0], $0xffff  }
0x318: {  	v48 =	vor.u32 s0, v38;
	v58 =	vld.idx.msk [tilespmem:v52+s10+$0x0], $0xffff  }
0x319: {  	v59 =	vor.u32 s0, v39;
	v52 =	vld.idx.msk [tilespmem:v52+s9+$0x0], $0xffff  }
0x31a: {  	v50 =	vld.idx.msk [tilespmem:v50+s10+$0x0], $0xffff  }
0x31b: {  	v47 =	vor.u32 s0, v42;
	vm0 =	veq.f32 v54, v36;
	v60 =	vld.idx.msk [tilespmem:v49+s10+$0x0], $0xffff  }
0x31c: {  	vm1 =	vgt.f32 v54, v36;
	vm2 =	vlt.s32 v55, v35;
	v61 =	vld.idx.msk [tilespmem:v49+s9+$0x0], $0xffff  }
0x31d: {  	vm3 =	veq.f32 v56, v36;
	vm0 =	vmand vm0, vm2;
	v54 =	vld.idx.msk [tilespmem:v57+s9+$0x0], $0xffff  }
0x31e: {  	vm2 =	vgt.f32 v56, v36;
	v56 =	vor.u32 s0, v43;
	vm4 =	vlt.s32 v58, v35;
	v55 =	vld.idx.msk [tilespmem:v57+s10+$0x0], $0xffff  }
0x31f: {  	vm5 =	vgt.f32 v52, v36;
	vm6 =	veq.f32 v52, v36;
	v52 =	vld.idx.msk [tilespmem:v59+s9+$0x0], $0xffff  }
0x320: {  	vm0 =	vmor vm1, vm0;
	vm4 =	vmand vm6, vm4;
	v57 =	vld.idx.msk [tilespmem:v59+s10+$0x0], $0xffff  }
0x321: {  	v49 =	vsel vm0, $0x1, v0;
	vm1 =	vlt.s32 v50, v35;
	v50 =	vor.u32 s0, v46  }
0x322: {  	vm0 =	vmand vm3, vm1;
	vm3 =	vlt.s32 v60, v35;
	vm1 =	veq.f32 v61, v36;
	v58 =	vld.idx.msk [tilespmem:v53+s9+$0x0], $0xffff  }
0x323: {  	vm0 =	vmor vm2, vm0;
	vm2 =	vgt.f32 v61, v36;
	vm6 =	veq.f32 v54, v36;
	v59 =	vld.idx.msk [tilespmem:v56+s10+$0x0], $0xffff  }
0x324: {  	v60 =	vsel vm0, $0x1, v0;
	vm0 =	vmor vm5, vm4;
	vm1 =	vmand vm1, vm3;
	v53 =	vld.idx.msk [tilespmem:v53+s10+$0x0], $0xffff  }
0x325: {  	v51 =	vadd.s32 v60, v51;
	vm3 =	vlt.s32 v55, v35;
	vm4 =	veq.f32 v52, v36;
	v55 =	vld.idx.msk [tilespmem:v56+s9+$0x0], $0xffff  }
0x326: {  	v56 =	vsel vm0, $0x1, v0;
	vm0 =	vmor vm2, vm1;
	vm1 =	vmand vm6, vm3;
	v60 =	vld.idx.msk [tilespmem:v50+s9+$0x0], $0xffff  }
0x327: {  	vm2 =	vgt.f32 v52, v36;
	v61 =	vsel vm0, $0x1, v0;
	vm0 =	vgt.f32 v54, v36;
	v52 =	vld.idx.msk [tilespmem:v50+s10+$0x0], $0xffff  }
0x328: {  	vm0 =	vmor vm0, vm1;
	vm1 =	vlt.s32 v57, v35;
	v57 =	vor.u32 s0, v45  }
0x329: {  	v50 =	vor.u32 s0, v44;
	v54 =	vsel vm0, $0x1, v0;
	vm0 =	vmand vm4, vm1  }
0x32a: {  	v51 =	vadd.s32 v56, v51;
	vm0 =	vmor vm2, vm0;
	vm4 =	vlt.s32 v53, v35  }
.Ltmp20:
0x32b: {  	v51 =	vadd.s32 v61, v51;
	vm2 =	vlt.s32 v59, v35;
	vm1 =	veq.f32 v55, v36;
	(pc) =	sbr.rel @p0 .LBB2_29-.Ltmp20, $4  }
0x32c: {  	v53 =	vsel vm0, $0x1, v0;
	vm0 =	vgt.f32 v55, v36;
	vm1 =	vmand vm1, vm2  }
0x32d: {  	vm5 =	veq.f32 v58, v36;
	v54 =	vadd.s32 v54, v51;
	vm2 =	vlt.s32 v52, v35;
	v51 =	vld.idx.msk [tilespmem:v57+s10+$0x0], $0xffff  }
0x32e: {  	vm3 =	veq.f32 v60, v36;
	vm1 =	vmor vm0, vm1;
	vm0 =	vgt.f32 v60, v36  }
0x32f: {  	vm4 =	vmand vm5, vm4;
	vm3 =	vmand vm3, vm2;
	vm2 =	vgt.f32 v58, v36;
	v52 =	vld.idx.msk [tilespmem:v57+s9+$0x0], $0xffff  }
.LBB2_30:
0x330: {  	_ =	sdelay $0x3  }
0x331: {  	v39 =	vld.idx.msk [tilespmem:v48+s10+$0x0], $0xffff  }
0x332: {  	v42 =	vld.idx.msk [tilespmem:v47+s10+$0x0], $0xffff  }
0x333: {  	v38 =	vor.u32 s29, v40;
	v60 =	vadd.s32 v49, v54;
	v37 =	vor.u32 s29, v37;
	v44 =	vld.idx.msk [tilespmem:v48+s9+$0x0], $0xffff  }
0x334: {  	v43 =	vsel vm1, $0x1, v0;
	vm0 =	vmor vm0, vm3;
	vm7 =	vmor vm2, vm4;
	v45 =	vld.idx.msk [tilespmem:v50+s9+$0x0], $0xffff  }
0x335: {  	v46 =	vld.idx.msk [tilespmem:v50+s10+$0x0], $0xffff;
	v41 =	vor.u32 s29, v41;
	v40 =	vadd.s32 v53, v60;
	v61 =	vsel vm0, $0x1, v0  }
0x336: {  	v62 =	vsel vm7, $0x1, v0;
	v40 =	vadd.s32 v43, v40;
	vm8 =	vlt.s32 v51, v35  }
0x337: {  	v40 =	vadd.s32 v61, v40;
	vm9 =	veq.f32 v52, v36;
	vm10 =	vgt.f32 v52, v36;
	v52 =	vld.idx.msk [tilespmem:v47+s9+$0x0], $0xffff  }
0x338: {  	v40 =	vadd.s32 v62, v40;
	v63 =	vld.idx.msk [tilespmem:v38+s10+$0x0], $0xffff;
	vm0 =	vmand vm9, vm8  }
0x339: {  	v51 =	vld.idx.msk [tilespmem:v37+s9+$0x0], $0xffff;
	vm11 =	vlt.s32 v39, v35;
	vm12 =	vlt.s32 v42, v35;
	vm13 =	vgt.f32 v44, v36  }
0x33a: {  	v37 =	vld.idx.msk [tilespmem:v37+s10+$0x0], $0xffff;
	vm5 =	vgt.f32 v45, v36;
	vm6 =	veq.f32 v44, v36;
	vm14 =	vlt.s32 v46, v35  }
0x33b: {  	vm15 =	veq.f32 v45, v36;
	v38 =	vld.idx.msk [tilespmem:v38+s9+$0x0], $0xffff;
	vm0 =	vmor vm10, vm0;
	vm1 =	vmand vm6, vm11  }
0x33c: {  	v55 =	vld.idx.msk [tilespmem:v41+s10+$0x0], $0xffff;
	vm2 =	vmand vm15, vm14;
	vm1 =	vmor vm13, vm1;
	v53 =	vsel vm0, $0x1, v0  }
0x33d: {  	v41 =	vld.idx.msk [tilespmem:v41+s9+$0x0], $0xffff;
	vm9 =	vmor vm5, vm2;
	v54 =	vsel vm1, $0x1, v0;
	v56 =	vadd.s32 v53, v40  }
0x33e: {  	v57 =	vsel vm9, $0x1, v0;
	vm10 =	veq.f32 v52, v36;
	vm11 =	vgt.f32 v52, v36  }
0x33f: {  	vm7 =	vlt.s32 v63, v35;
	vm1 =	vgt.f32 v51, v36;
	vm2 =	veq.f32 v51, v36  }
0x340: {  	vm5 =	vlt.s32 v37, v35;
	vm3 =	vmand vm10, vm12;
	v37 =	vadd.s32 v57, v56  }
0x341: {  	vm13 =	veq.f32 v38, v36;
	vm14 =	vgt.f32 v38, v36;
	vm15 =	vlt.s32 v55, v35  }
0x342: {  	vm9 =	veq.f32 v41, v36;
	vm12 =	vmor vm11, vm3;
	vm0 =	vmand vm13, vm7  }
0x343: {  	vm10 =	vgt.f32 v41, v36;
	v58 =	vsel vm12, $0x1, v0;
	vm0 =	vmor vm14, vm0  }
0x344: {  	vm11 =	vmand vm9, vm15;
	v37 =	vadd.s32 v58, v37;
	v59 =	vsel vm0, $0x1, v0  }
0x345: {  	vm2 =	vmand vm2, vm5;
	vm0 =	vmor vm10, vm11;
	v36 =	vadd.s32 v59, v37  }
0x346: {  	vm1 =	vmor vm1, vm2;
	v60 =	vsel vm0, $0x1, v0;
	v36 =	vadd.s32 v54, v36  }
0x347: {  	v61 =	vsel vm1, $0x1, v0;
	v36 =	vadd.s32 v60, v36  }
0x348: {  	v62 =	vor.u32 s28, v4;
	v36 =	vadd.s32 v61, v36  }
0x349: {  	vm12 =	vlt.s32 v62, v34;
	vm13 =	vlt.s32 v36, v33  }
0x34a: {  	vm14 =	vlt.s32 v35, $0x500;
	vm0 =	vmand vm12, vm13  }
0x34b: {  	s26 =	sadd.s32 $0x1, s26;
	vm15 =	vlt.s32 v35, $0x4FF;
	vm1 =	vmand vm14, vm0  }
0x34c: {  	p0 =	sne.s32 s26, s25;
	v63 =	vnsel vm15, $0x4FF, v35  }
.Ltmp21:
0x34d: {  	_ = 	snop;
	(pc) =	sbr.rel @p0 .LBB2_27-.Ltmp21, $4  }
.Ltmp22:
0x34e: {  	_ = 	snop;
	(pc) =	sbr.rel @!p0 .LBB2_31-.Ltmp22, $4  }
0x34f: {  	[tilespmem:$0xA480] =	vst v36  }
0x350: {  	[tilespmem:v36+s15+$0x0] =	vst.idx.msk vm0, v35  }
0x351: {  	[tilespmem:v63+s18+$0x0] =	vst.idx.msk vm1, v23  }
0x352: {  	_ = 	snop  }
.LBB2_28:
.Ltmp23:
0x353: {  	(pc) =	sbr.rel .LBB2_30-.Ltmp23, $2  }
0x354: {  	_ =	sdelay $0x2  }
0x355: {  	s29 =	simm.s32 $0x0  }
.LBB2_31:
0x356: {  	s0 =	sadd.s32 $0xF, s22  }
0x357: {  	s1 =	sshrl.u32 s0, $0x4  }
0x358: {  	p0 =	seq.s32 s1, $0x0  }
.Ltmp24:
0x359: {  	_ = 	snop;
	(pc) =	sbr.rel @p0 .LBB2_35-.Ltmp24, $1  }
0x35a: {  	_ =	sdelay $0x3  }
0x35b: {  	s17 =	simm.s32 $0x0  }
0x35c: {  	v34 =	vmov s22;
	p0 =	sne.s32 s1, $0x1;
	v36 =	vor.u32 s17, v4  }
.Ltmp25:
0x35d: {  	s0 =	simm.s32 $0x6000;
	vm0 =	vlt.s32 v36, v34;
	(pc) =	sbr.rel @!p0 .LBB2_34-.Ltmp25, $2  }
0x35e: {  	v35 =	vld [tilespmem:s0+$0x0];
	v36 =	vadd.s32 v33, v36;
	_ =	sdelay $0x2  }
0x35f: {  	s1 =	sadd.s32 $0xFFFFFFFF, s1;
	s22 =	simm.s32 $0x10  }
.LBB2_33:
0x360: {  	v37 =	vor.u32 s22, v4;
	p0 =	sne.s32 s1, $0x1;
	s1 =	sadd.s32 $0xFFFFFFFF, s1  }
.Ltmp26:
0x361: {  	s0 =	sadd.s32 $0x10, s0;
	[tilespmem:v36+s15+$0x0] =	vst.idx.msk vm0, v35;
	vm0 =	vlt.s32 v37, v34;
	(pc) =	sbr.rel @p0 .LBB2_33-.Ltmp26, $2  }
0x362: {  	v36 =	vadd.s32 v33, v37;
	v35 =	vld [tilespmem:s0+$0x0];
	_ =	sdelay $0x2  }
0x363: {  	s22 =	sadd.s32 $0x10, s22  }
.LBB2_34:
0x364: {  	_ =	sdelay $0x4  }
0x365: {  	[tilespmem:v36+s15+$0x0] =	vst.idx.msk vm0, v35  }
.LBB2_35:
0x366: {  	s0 =	ssub.s32 s23, s21  }
0x367: {  	p0 =	slt.s32 s0, $0x1  }
.Ltmp27:
0x368: {  	_ = 	snop;
	(pc) =	sbr.rel @p0 .LBB2_41-.Ltmp27, $1  }
0x369: {  	_ =	sdelay $0x3  }
0x36a: {  	s1 =	simm.s32 $0x0  }
0x36b: {  	s17 =	simm.s32 $0x9C80;
	v34 =	vld [tilespmem:s1+$0x0]  }
0x36c: {  	v35 =	vld [tilespmem:s17+$0x0];
	_ =	sdelay $0x3  }
0x36d: {  	vm0 =	vlt.f32 v34, $1.000000010e-01  }
0x36e: {  	vm1 =	veq.s32 v35, $0x0;
	vm0 =	vmneg vm0  }
0x36f: {  	vm0 =	vmand vm0, vm1  }
0x370: {  	v56 =	vsel vm0, $0x1, v0  }
0x371: {  	[tilespmem:$0xA400] =	vst v56  }
0x372: {  	v57 =	vld.idx.msk [tilespmem:v5+s7+$0x0], $0xffff;
	_ =	sdelay $0x4  }
0x373: {  	v35 =	vand.u32 v6, v57  }
0x374: {  	v34 =	vadd.s32 v56, v35  }
0x375: {  	[tilespmem:$0xA400] =	vst v34  }
0x376: {  	v58 =	vld.idx.msk [tilespmem:v11+s7+$0x0], $0xffff;
	_ =	sdelay $0x4  }
0x377: {  	v35 =	vand.u32 v9, v58  }
0x378: {  	v34 =	vadd.s32 v34, v35  }
0x379: {  	[tilespmem:$0xA400] =	vst v34  }
0x37a: {  	v59 =	vld.idx.msk [tilespmem:v12+s7+$0x0], $0xffff;
	_ =	sdelay $0x4  }
0x37b: {  	v35 =	vand.u32 v10, v59  }
0x37c: {  	v34 =	vadd.s32 v34, v35  }
0x37d: {  	[tilespmem:$0xA400] =	vst v34  }
0x37e: {  	v60 =	vld.idx.msk [tilespmem:v13+s7+$0x0], $0xffff;
	_ =	sdelay $0x4  }
0x37f: {  	v35 =	vand.u32 v21, v60  }
0x380: {  	v36 =	vmov s1;
	v34 =	vadd.s32 v34, v35  }
0x381: {  	v61 =	vadd.s32 $0xFFFFFFFF, v36;
	v35 =	vxor.u32 $0x80000000, v34  }
0x382: {  	(xrf0) =	vmax.scan.msk.u32 $0xffff, v35;
	v35 =	vbroadcast v61, $0x0;
	_ =	sdelay $0x1  }
0x383: {  	v34 =	vadd.s32 v35, v34  }
0x384: {  	vm1 =	vlt.s32 v34, $0x220  }
0x385: {  	vm0 =	vmand vm0, vm1;
	_ =	sdelay $0x2  }
0x386: {  	v62, _, _ =	vpop (xrf0)  }
0x387: {  	(v2sf) =	vpush v62, $0xF  }
0x388: {  	v63 =	vor.u32 s1, v4  }
0x389: {  	s22 =	simm.s32 $0x10;
	[tilespmem:v34+s16+$0x0] =	vst.idx.msk vm0, v63  }
0x38a: {  	s23 =	simm.s32 $0x9C90;
	v34 =	vld [tilespmem:s22+$0x0]  }
0x38b: {  	v35 =	vld [tilespmem:s23+$0x0];
	_ =	sdelay $0x3  }
0x38c: {  	vm0 =	vlt.f32 v34, $1.000000010e-01  }
0x38d: {  	vm1 =	veq.s32 v35, $0x0;
	vm0 =	vmneg vm0  }
0x38e: {  	vm0 =	vmand vm0, vm1  }
0x38f: {  	v34 =	vsel vm0, $0x1, v0  }
0x390: {  	[tilespmem:$0xA400] =	vst v34  }
0x391: {  	v35 =	vld.idx.msk [tilespmem:v5+s7+$0x0], $0xffff;
	_ =	sdelay $0x1  }
0x392: {  	s31 =	spop (v2sf)  }
0x393: {  	s24 =	simm.s32 $0x20;
	s25 =	simm.s32 $0x10;
	s1 =	sadd.s32 $0x0, s31  }
.LBB2_37:
0x394: {  	p0 =	sne.s32 s24, $0x4F0  }
0x395: {  	v35 =	vand.u32 v6, v35;
	s26 =	sadd.s32 $0x80000000, s1;
	s1 =	smov.u32 s24;
	s24 =	sadd.s32 $0x10, s24  }
0x396: {  	v34 =	vadd.s32 v34, v35;
	v35 =	vmov s26  }
0x397: {  	[tilespmem:$0xA400] =	vst v34;
	v35 =	vadd.s32 $0xFFFFFFFF, v35  }
0x398: {  	v36 =	vld.idx.msk [tilespmem:v11+s7+$0x0], $0xffff;
	_ =	sdelay $0x5  }
0x399: {  	v36 =	vand.u32 v9, v36  }
0x39a: {  	v34 =	vadd.s32 v34, v36  }
0x39b: {  	[tilespmem:$0xA400] =	vst v34  }
0x39c: {  	v36 =	vld.idx.msk [tilespmem:v12+s7+$0x0], $0xffff;
	_ =	sdelay $0x5  }
0x39d: {  	v36 =	vand.u32 v10, v36  }
0x39e: {  	v34 =	vadd.s32 v34, v36  }
0x39f: {  	[tilespmem:$0xA400] =	vst v34  }
0x3a0: {  	v36 =	vld.idx.msk [tilespmem:v13+s7+$0x0], $0xffff;
	_ =	sdelay $0x5  }
0x3a1: {  	v35 =	vbroadcast v35, $0x0;
	v36 =	vand.u32 v21, v36  }
0x3a2: {  	v34 =	vadd.s32 v34, v36  }
0x3a3: {  	v35 =	vadd.s32 v35, v34;
	v34 =	vxor.u32 $0x80000000, v34  }
0x3a4: {  	vm1 =	vlt.s32 v35, $0x220;
	(xrf0) =	vmax.scan.msk.u32 $0xffff, v34  }
0x3a5: {  	vm0 =	vmand vm0, vm1;
	_ =	sdelay $0x4  }
0x3a6: {  	v34 =	vor.u32 s22, v4;
	s22 =	smov.u32 s1;
	v36, _, _ =	vpop (xrf0)  }
0x3a7: {  	s25 =	sadd.s32 $0x10, s25;
	[tilespmem:v35+s16+$0x0] =	vst.idx.msk vm0, v34;
	(v2sf) =	vpush v36, $0xF  }
0x3a8: {  	s23 =	sadd.s32 $0x10, s23;
	v34 =	vld [tilespmem:s25+$0x0]  }
0x3a9: {  	v35 =	vld [tilespmem:s23+$0x0];
	_ =	sdelay $0x3  }
0x3aa: {  	vm0 =	vlt.f32 v34, $1.000000010e-01  }
0x3ab: {  	vm0 =	vmneg vm0;
	vm1 =	veq.s32 v35, $0x0  }
0x3ac: {  	vm0 =	vmand vm0, vm1  }
0x3ad: {  	v34 =	vsel vm0, $0x1, v0  }
0x3ae: {  	[tilespmem:$0xA400] =	vst v34  }
0x3af: {  	v35 =	vld.idx.msk [tilespmem:v5+s7+$0x0], $0xffff  }
.Ltmp28:
0x3b0: {  	(pc) =	sbr.rel @p0 .LBB2_37-.Ltmp28, $3  }
0x3b1: {  	_ =	sdelay $0x1  }
0x3b2: {  	s1 =	spop (v2sf)  }
0x3b3: {  	s1 =	sadd.s32 s1, s26  }
0x3b4: {  	_ = 	snop  }
0x3b5: {  	v35 =	vand.u32 v6, v35  }
0x3b6: {  	v34 =	vadd.s32 v34, v35  }
0x3b7: {  	[tilespmem:$0xA400] =	vst v34  }
0x3b8: {  	v59 =	vld.idx.msk [tilespmem:v11+s7+$0x0], $0xffff;
	_ =	sdelay $0x4  }
0x3b9: {  	v35 =	vand.u32 v9, v59  }
0x3ba: {  	v34 =	vadd.s32 v34, v35  }
0x3bb: {  	[tilespmem:$0xA400] =	vst v34  }
0x3bc: {  	v60 =	vld.idx.msk [tilespmem:v12+s7+$0x0], $0xffff;
	_ =	sdelay $0x4  }
0x3bd: {  	v35 =	vand.u32 v10, v60  }
0x3be: {  	v34 =	vadd.s32 v34, v35  }
0x3bf: {  	[tilespmem:$0xA400] =	vst v34  }
0x3c0: {  	v61 =	vld.idx.msk [tilespmem:v13+s7+$0x0], $0xffff;
	_ =	sdelay $0x4  }
0x3c1: {  	v35 =	vand.u32 v21, v61  }
0x3c2: {  	v34 =	vadd.s32 v34, v35  }
0x3c3: {  	v35 =	vxor.u32 $0x80000000, v34  }
0x3c4: {  	(xrf0) =	vmax.scan.msk.u32 $0xffff, v35;
	_ =	sdelay $0x5  }
0x3c5: {  	v35, _, _ =	vpop (xrf0)  }
0x3c6: {  	(v2sf) =	vpush v35, $0xF  }
0x3c7: {  	s1 =	sadd.s32 $0x80000000, s1  }
0x3c8: {  	v62 =	vmov s1  }
0x3c9: {  	v35 =	vadd.s32 $0xFFFFFFFF, v62  }
0x3ca: {  	v35 =	vbroadcast v35, $0x0;
	_ =	sdelay $0x1  }
0x3cb: {  	v34 =	vadd.s32 v35, v34  }
0x3cc: {  	vm1 =	vlt.s32 v34, $0x220  }
0x3cd: {  	vm0 =	vmand vm0, vm1;
	_ =	sdelay $0x3  }
0x3ce: {  	s17 =	simm.s32 $0x0  }
0x3cf: {  	v63 =	vor.u32 s22, v4;
	s30 =	sadd.s32 s20, s21;
	v37 =	vor.u32 s17, v4;
	v35 =	vmov s0  }
0x3d0: {  	s0 =	simm.s32 $0xA180;
	[tilespmem:v34+s16+$0x0] =	vst.idx.msk vm0, v63;
	v34 =	vmov s30;
	vm0 =	vlt.s32 v37, v35  }
0x3d1: {  	s1 =	simm.s32 $0x10;
	v36 =	vld [tilespmem:s0+$0x0];
	v37 =	vadd.s32 v34, v37;
	s31 =	spop (v2sf)  }
.LBB2_39:
0x3d2: {  	p0 =	sne.s32 s1, $0x1F0  }
.Ltmp29:
0x3d3: {  	_ = 	snop;
	(pc) =	sbr.rel @p0 .LBB2_39-.Ltmp29, $4  }
0x3d4: {  	_ = 	snop  }
0x3d5: {  	v38 =	vor.u32 s1, v4;
	s1 =	sadd.s32 $0x10, s1  }
0x3d6: {  	s0 =	sadd.s32 $0x10, s0;
	[tilespmem:v37+s15+$0x0] =	vst.idx.msk vm0, v36;
	vm0 =	vlt.s32 v38, v35  }
0x3d7: {  	v37 =	vadd.s32 v34, v38;
	v36 =	vld [tilespmem:s0+$0x0]  }
0x3d8: {  	_ = 	snop  }
.Ltmp30:
0x3d9: {  	_ = 	snop;
	(pc) =	sbr.rel .LBB2_41-.Ltmp30, $2  }
0x3da: {  	_ =	sdelay $0x2  }
0x3db: {  	[tilespmem:v37+s15+$0x0] =	vst.idx.msk vm0, v36  }
.LBB2_42:
0x3dc: {  	_ =	sfence.sel $0x180000  }
0x3dd: {  	[bflag:$0x0] =	sbarrier.arrive $0xFFFF  }
0x3de: {  	_ =	strace $0x90000053  }
0x3df: {  	s0 =	stileid.u32;
	[bflag:$0x2] =	sbarrier.arrive $0xFFFF  }
0x3e0: {  	p0 =	sne.s32 s0, $0x0;
	s0 =	rddreg [dreg:$0x2]  }
0x3e1: {  	s0 =	sadd.s32 @!p0 $0x100000, s0  }
0x3e2: {  	[sflag:s0] =	ssyncadd.tile.s32 @!p0 $0x1;
	_ =	shalt  }
.Lfunc_end2:
_tile_overlayer_lowered:
.L_overlay_start_2:
0x3e3: {  	(tag) =	ssettag $0x2  }
0x3e4: {  	s0 =	rddreg [dreg:$0x0];
	s2 =	stileid.u32  }
0x3e5: {  	s1 =	rddreg [dreg:$0x1];
	p0 =	sne.s32 s2, $0x0  }
0x3e6: {  	s3 =	rddreg [dreg:$0x2];
	[bflag:$0x3] =	sbarrier.arrive $0xFFFF;
	s2 =	simm.s32 @!p0 $0x1C01  }
0x3e7: {  	[timem:s3], [sflag:s2] =	dma.local @!p0 [hbm:s0], s1  }
0x3e8: {  	s0 =	simm.s32 @!p0 $0x1  }
0x3e9: {  	_ =	swait.ge @!p0 [sflag:s0], s1  }
0x3ea: {  	s1 =	ssub.s32 @!p0 $0x0, s1;
	[sflag:s0] =	ssyncset.done @!p0 $0x0  }
0x3eb: {  	[sflag:s0] =	ssyncadd.s32 @!p0 s1  }
0x3ec: {  	[bflag:$0x3] =	sbarrier.arrive $0xFFFF  }
0x3ed: {  	_ =	shalt  }

</sc_bundles>
